<compile_context>
chip_gen: v7x
topology: tpu7x:2x2x1
jax: 0.10.2.dev20260603
libtpu: 0.0.44.dev20260713+nightly
codegen_flags: <defaults>
</compile_context>

<pallas_src>
import functools

import jax
import jax.numpy as jnp
from jax import lax
from jax.experimental import pallas as pl
from jax.experimental.pallas import tpu as pltpu
from jax.experimental.pallas import tpu_sc as plsc

_N = 10000
_E = 320000
_H = 128
_NET = 16
_LAT = 64
_EPS = 1e-5

_NC = 2
_NS = 16
_NW = _NC * _NS
_NP = 10240
_NB = 80
_BE = 128
_EPW = _NB * _BE
_RPW = _NP // _NS
_NSLOT = 8
_NBS = 80
_BES = 125

_HH = _H // 2

_R = 2000
_G = _N // _R


def _sc_hist(dst3, cat3, zeros_net):
    mesh = plsc.VectorSubcoreMesh(core_axis_name="c", subcore_axis_name="s", num_cores=_NC, num_subcores=_NS)

    _FLAT = _NP * _NET
    _FPW = _FLAT // _NS

    @functools.partial(
        pl.kernel,
        out_type=jax.ShapeDtypeStruct((_NC, _FLAT), jnp.float32),
        mesh=mesh,
        scratch_types=[
            pltpu.VMEM((_NB, _BE), jnp.int32),
            pltpu.VMEM((_NB, _BE), jnp.int32),
            pltpu.VMEM((_NB, _BE), jnp.int32),
            pltpu.VMEM((_BE,), jnp.float32),
            pltpu.VMEM_SHARED((_FLAT,), jnp.float32),
        ],
    )
    def k(dst_hbm, cat_hbm, z_hbm, out_hbm, dstv, catv, flatv, onesv, hist):
        cid = lax.axis_index("c")
        sid = lax.axis_index("s")
        wid = cid * _NS + sid
        pltpu.sync_copy(dst_hbm.at[wid], dstv)
        pltpu.sync_copy(cat_hbm.at[wid], catv)
        pltpu.sync_copy(z_hbm.at[pl.ds(sid * _FPW, _FPW)],
                        hist.at[pl.ds(sid * _FPW, _FPW)])
        ones = jnp.ones((16,), jnp.float32)
        for g in range(_BE // 16):
            onesv[pl.ds(g * 16, 16)] = ones

        def fbody(j, _):
            for g in range(_BE // 16):
                d16 = dstv[j, pl.ds(g * 16, 16)]
                c16 = catv[j, pl.ds(g * 16, 16)]
                flatv[j, pl.ds(g * 16, 16)] = d16 * _NET + c16
            return 0

        lax.fori_loop(0, _NB, fbody, 0)
        plsc.subcore_barrier()

        def body(j, _):
            pltpu.sync_copy(onesv, hist.at[flatv.at[j]], add=True)
            return 0

        lax.fori_loop(0, _NB, body, 0)
        plsc.subcore_barrier()
        pltpu.sync_copy(hist.at[pl.ds(sid * _FPW, _FPW)],
                        out_hbm.at[cid, pl.ds(sid * _FPW, _FPW)])

    return k(dst3, cat3, zeros_net)


def _sc_spmm(y_lo, y_hi, src3, dst3, zeros_hh):
    mesh = plsc.VectorSubcoreMesh(core_axis_name="c", subcore_axis_name="s", num_cores=_NC, num_subcores=_NS)

    @functools.partial(
        pl.kernel,
        out_type=[
            jax.ShapeDtypeStruct((_NC, _NP, _HH), jnp.float32),
            jax.ShapeDtypeStruct((_NC, _NP, _HH), jnp.float32),
        ],
        mesh=mesh,
        scratch_types=[
            pltpu.VMEM((_NBS, _BES), jnp.int32),
            pltpu.VMEM((_NBS, _BES), jnp.int32),
            pltpu.VMEM((_NSLOT, _BES, _HH), jnp.float32),
            pltpu.VMEM_SHARED((_NP, _HH), jnp.float32),
            pltpu.SemaphoreType.DMA((_NSLOT,)),
            pltpu.SemaphoreType.DMA((_NSLOT,)),
        ],
        compiler_params=pltpu.CompilerParams(use_tc_tiling_on_sc=False),
    )
    def k(ylo_hbm, yhi_hbm, src_hbm, dst_hbm, z_hbm, out_lo, out_hi, srcv,
          dstv, rows, acc, gsem, ssem):
        cid = lax.axis_index("c")
        sid = lax.axis_index("s")
        wid = cid * _NS + sid
        pltpu.sync_copy(src_hbm.at[wid], srcv)
        pltpu.sync_copy(dst_hbm.at[wid], dstv)
        pltpu.sync_copy(z_hbm.at[pl.ds(sid * _RPW, _RPW)],
                        acc.at[pl.ds(sid * _RPW, _RPW)])
        plsc.subcore_barrier()

        half = _NSLOT // 2
        for h, (y_hbm, out_hbm) in enumerate(((ylo_hbm, out_lo),
                                              (yhi_hbm, out_hi))):
            for s in range(_NSLOT):
                pltpu.async_copy(y_hbm.at[srcv.at[s]], rows.at[s],
                                 gsem.at[s])

            def body(i, _):
                j = i * _NSLOT
                for p in range(2):
                    for s in range(p * half, (p + 1) * half):
                        pltpu.make_async_copy(y_hbm.at[srcv.at[j + s]],
                                              rows.at[s], gsem.at[s]).wait()
                        pltpu.async_copy(rows.at[s], acc.at[dstv.at[j + s]],
                                         ssem.at[s], add=True)
                    for s in range(p * half, (p + 1) * half):
                        pltpu.make_async_copy(rows.at[s],
                                              acc.at[dstv.at[j + s]],
                                              ssem.at[s]).wait()

                        @pl.when(j + s + _NSLOT < _NBS)
                        def _():
                            pltpu.async_copy(
                                y_hbm.at[srcv.at[j + s + _NSLOT]],
                                rows.at[s], gsem.at[s])
                return 0

            lax.fori_loop(0, _NBS // _NSLOT, body, 0)
            plsc.subcore_barrier()
            pltpu.sync_copy(acc.at[pl.ds(sid * _RPW, _RPW)],
                            out_hbm.at[cid, pl.ds(sid * _RPW, _RPW)])
            if h == 0:
                pltpu.sync_copy(z_hbm.at[pl.ds(sid * _RPW, _RPW)],
                                acc.at[pl.ds(sid * _RPW, _RPW)])
                plsc.subcore_barrier()

    return k(y_lo, y_hi, src3, dst3, zeros_hh)


def _row(i):
    return (i, 0)


def _tc_input(x, node_W, node_b, hp, edge_emb, conv0_W):
    def body(x_ref, w_ref, b_ref, hp_ref, ee_ref, cw_ref, ylo_ref, yhi_ref,
             ep_ref, dinv_ref):
        hist = hp_ref[0] + hp_ref[1]
        cnt = jnp.sum(hist, axis=1)
        dinv = lax.rsqrt(cnt + 1.0)[:, None]
        dinv_ref[...] = dinv
        h0 = (jnp.dot(x_ref[...], w_ref[...].T,
                      preferred_element_type=jnp.float32)
              + b_ref[...][None, :])
        y = (jnp.dot(h0, cw_ref[...].T, preferred_element_type=jnp.float32)
             * dinv)
        ylo_ref[...] = y[:, :_HH]
        yhi_ref[...] = y[:, _HH:]
        ep = jnp.dot(hist, ee_ref[...], preferred_element_type=jnp.float32,
                     precision=lax.Precision.HIGHEST)
        ep_ref[...] = ep / jnp.maximum(cnt, 1.0)[:, None]

    return pl.pallas_call(
        body,
        grid=(_G,),
        in_specs=[
            pl.BlockSpec((_R, _H), _row),
            pl.BlockSpec((_H, _H), lambda i: (0, 0)),
            pl.BlockSpec((_H,), lambda i: (0,)),
            pl.BlockSpec((_NC, _R, _NET), lambda i: (0, i, 0)),
            pl.BlockSpec((_NET, _H), lambda i: (0, 0)),
            pl.BlockSpec((_H, _H), lambda i: (0, 0)),
        ],
        out_specs=[
            pl.BlockSpec((_R, _HH), _row),
            pl.BlockSpec((_R, _HH), _row),
            pl.BlockSpec((_R, _H), _row),
            pl.BlockSpec((_R, 1), _row),
        ],
        out_shape=[
            jax.ShapeDtypeStruct((_N, _HH), jnp.float32),
            jax.ShapeDtypeStruct((_N, _HH), jnp.float32),
            jax.ShapeDtypeStruct((_N, _H), jnp.float32),
            jax.ShapeDtypeStruct((_N, 1), jnp.float32),
        ],
    )(x, node_W, node_b, hp, edge_emb, conv0_W)


def _tc_post(S_lo, S_hi, y_lo, y_hi, dinv, conv_b, ep, W1, b1, W2, b2):
    def body(slo_ref, shi_ref, ylo_ref, yhi_ref, dinv_ref, cb_ref, ep_ref,
             w1_ref, b1_ref, w2_ref, b2_ref, hpre_ref, ps_ref, pq_ref):
        s = jnp.concatenate(
            [slo_ref[0] + slo_ref[1] + ylo_ref[...],
             shi_ref[0] + shi_ref[1] + yhi_ref[...]], axis=1)
        g = s * dinv_ref[...] + cb_ref[...][None, :]
        hm = (jnp.dot(g, w1_ref[:, :_H].T, preferred_element_type=jnp.float32)
              + jnp.dot(ep_ref[...], w1_ref[:, _H:].T,
                        preferred_element_type=jnp.float32)
              + b1_ref[...][None, :])
        hm = jnp.maximum(hm, 0.0)
        hpre = (jnp.dot(hm, w2_ref[...].T, preferred_element_type=jnp.float32)
                + b2_ref[...][None, :])
        hpre_ref[...] = hpre
        ps_ref[...] = jnp.sum(hpre, axis=0)[None, None, :]
        pq_ref[...] = jnp.sum(hpre * hpre, axis=0)[None, None, :]

    return pl.pallas_call(
        body,
        grid=(_G,),
        in_specs=[
            pl.BlockSpec((_NC, _R, _HH), lambda i: (0, i, 0)),
            pl.BlockSpec((_NC, _R, _HH), lambda i: (0, i, 0)),
            pl.BlockSpec((_R, _HH), _row),
            pl.BlockSpec((_R, _HH), _row),
            pl.BlockSpec((_R, 1), _row),
            pl.BlockSpec((_H,), lambda i: (0,)),
            pl.BlockSpec((_R, _H), _row),
            pl.BlockSpec((_H, 2 * _H), lambda i: (0, 0)),
            pl.BlockSpec((_H,), lambda i: (0,)),
            pl.BlockSpec((_H, _H), lambda i: (0, 0)),
            pl.BlockSpec((_H,), lambda i: (0,)),
        ],
        out_specs=[
            pl.BlockSpec((_R, _H), _row),
            pl.BlockSpec((1, 1, _H), lambda i: (i, 0, 0)),
            pl.BlockSpec((1, 1, _H), lambda i: (i, 0, 0)),
        ],
        out_shape=[
            jax.ShapeDtypeStruct((_N, _H), jnp.float32),
            jax.ShapeDtypeStruct((_G, 1, _H), jnp.float32),
            jax.ShapeDtypeStruct((_G, 1, _H), jnp.float32),
        ],
    )(S_lo, S_hi, y_lo, y_hi, dinv, conv_b, ep, W1, b1, W2, b2)


def _bn_relu(hpre_ref, ps_ref, pq_ref, g_ref, b_ref):
    mean = jnp.sum(ps_ref[...], axis=(0, 1)) / _N
    var = jnp.sum(pq_ref[...], axis=(0, 1)) / _N - mean * mean
    scale = lax.rsqrt(var + _EPS) * g_ref[...]
    return jnp.maximum(
        (hpre_ref[...] - mean[None, :]) * scale[None, :] + b_ref[...][None, :],
        0.0)


def _tc_bn_next(hpre, ps, pq, bn_g, bn_b, conv_W, dinv):
    def body(hpre_ref, ps_ref, pq_ref, g_ref, b_ref, w_ref, dinv_ref,
             ylo_ref, yhi_ref):
        h = _bn_relu(hpre_ref, ps_ref, pq_ref, g_ref, b_ref)
        y = (jnp.dot(h, w_ref[...].T, preferred_element_type=jnp.float32)
             * dinv_ref[...])
        ylo_ref[...] = y[:, :_HH]
        yhi_ref[...] = y[:, _HH:]

    return pl.pallas_call(
        body,
        grid=(_G,),
        in_specs=[
            pl.BlockSpec((_R, _H), _row),
            pl.BlockSpec((_G, 1, _H), lambda i: (0, 0, 0)),
            pl.BlockSpec((_G, 1, _H), lambda i: (0, 0, 0)),
            pl.BlockSpec((_H,), lambda i: (0,)),
            pl.BlockSpec((_H,), lambda i: (0,)),
            pl.BlockSpec((_H, _H), lambda i: (0, 0)),
            pl.BlockSpec((_R, 1), _row),
        ],
        out_specs=[
            pl.BlockSpec((_R, _HH), _row),
            pl.BlockSpec((_R, _HH), _row),
        ],
        out_shape=[
            jax.ShapeDtypeStruct((_N, _HH), jnp.float32),
            jax.ShapeDtypeStruct((_N, _HH), jnp.float32),
        ],
    )(hpre, ps, pq, bn_g, bn_b, conv_W, dinv)


def _tc_bn_final(hpre, ps, pq, bn_g, bn_b, mu_W, mu_b, lv_W, lv_b):
    def body(hpre_ref, ps_ref, pq_ref, g_ref, b_ref, muw_ref, mub_ref,
             lvw_ref, lvb_ref, mu_ref, lv_ref):
        h = _bn_relu(hpre_ref, ps_ref, pq_ref, g_ref, b_ref)
        mu_ref[...] = (
            jnp.dot(h, muw_ref[...].T, preferred_element_type=jnp.float32)
            + mub_ref[...][None, :])
        lv_ref[...] = (
            jnp.dot(h, lvw_ref[...].T, preferred_element_type=jnp.float32)
            + lvb_ref[...][None, :])

    return pl.pallas_call(
        body,
        grid=(_G,),
        in_specs=[
            pl.BlockSpec((_R, _H), _row),
            pl.BlockSpec((_G, 1, _H), lambda i: (0, 0, 0)),
            pl.BlockSpec((_G, 1, _H), lambda i: (0, 0, 0)),
            pl.BlockSpec((_H,), lambda i: (0,)),
            pl.BlockSpec((_H,), lambda i: (0,)),
            pl.BlockSpec((_LAT, _H), lambda i: (0, 0)),
            pl.BlockSpec((_LAT,), lambda i: (0,)),
            pl.BlockSpec((_LAT, _H), lambda i: (0, 0)),
            pl.BlockSpec((_LAT,), lambda i: (0,)),
        ],
        out_specs=[
            pl.BlockSpec((_R, _LAT), _row),
            pl.BlockSpec((_R, _LAT), _row),
        ],
        out_shape=[
            jax.ShapeDtypeStruct((_N, _LAT), jnp.float32),
            jax.ShapeDtypeStruct((_N, _LAT), jnp.float32),
        ],
    )(hpre, ps, pq, bn_g, bn_b, mu_W, mu_b, lv_W, lv_b)


def kernel(x_cont, x_cat, edge_index, edge_attr_cat, edge_attr_cont, node_W,
           node_b, edge_emb, conv0_W, conv0_b, mlp0_W1, mlp0_b1, mlp0_W2,
           mlp0_b2, bn0_g, bn0_b, conv1_W, conv1_b, mlp1_W1, mlp1_b1, mlp1_W2,
           mlp1_b2, bn1_g, bn1_b, mu_W, mu_b, lv_W, lv_b):
    pad = _EPW - _E // _NW
    def pad_edges(a, fill):
        a2 = a.astype(jnp.int32).reshape(_NW, _E // _NW)
        p = jnp.full((_NW, pad), fill, jnp.int32)
        return jnp.concatenate([a2, p], axis=1).reshape(_NW, _NB, _BE)

    dst3 = pad_edges(edge_index[1], _NP - 1)
    cat3 = pad_edges(edge_attr_cat, 0)
    src3s = edge_index[0].astype(jnp.int32).reshape(_NW, _NBS, _BES)
    dst3s = edge_index[1].astype(jnp.int32).reshape(_NW, _NBS, _BES)
    zeros_net = jnp.zeros((_NP * _NET,), jnp.float32)
    zeros_hh = jnp.zeros((_NP, _HH), jnp.float32)

    hp = _sc_hist(dst3, cat3, zeros_net).reshape(_NC, _NP, _NET)
    y0lo, y0hi, ep, dinv = _tc_input(x_cont, node_W, node_b, hp, edge_emb,
                                     conv0_W)
    S0lo, S0hi = _sc_spmm(y0lo, y0hi, src3s, dst3s, zeros_hh)
    hpre0, ps0, pq0 = _tc_post(S0lo, S0hi, y0lo, y0hi, dinv, conv0_b, ep,
                               mlp0_W1, mlp0_b1, mlp0_W2, mlp0_b2)

    y1lo, y1hi = _tc_bn_next(hpre0, ps0, pq0, bn0_g, bn0_b, conv1_W, dinv)
    S1lo, S1hi = _sc_spmm(y1lo, y1hi, src3s, dst3s, zeros_hh)
    hpre1, ps1, pq1 = _tc_post(S1lo, S1hi, y1lo, y1hi, dinv, conv1_b, ep,
                               mlp1_W1, mlp1_b1, mlp1_W2, mlp1_b2)

    mu, logvar = _tc_bn_final(hpre1, ps1, pq1, bn1_g, bn1_b, mu_W, mu_b,
                              lv_W, lv_b)
    return (mu, logvar)

# --- scband reference (transcript-rebuilt; emitter-appended) ---
"""Pipeline reference for scband-relational-encoder-61546881352252 (READ-ONLY COPY).

The authoritative reference and input builder live on the scoring server;
editing this copy changes nothing except your own understanding.
"""

import jax, jax.numpy as jnp
import numpy as np

N = 10000
E = 320000
DIN = 128
H = 128
LAT = 64
NET = 16
EPS = 1e-5
NUM_LAYERS = 2

def setup_inputs(seed: int = 0):
    key = jax.random.key(seed)
    ks = jax.random.split(key, 32)
    s = 0.05
    inp = {}
    inp['x_cont'] = jax.random.normal(ks[0], (N, DIN), jnp.float32)
    inp['x_cat'] = jax.random.randint(ks[1], (N,), 0, NET)
    inp['edge_index'] = jax.random.randint(ks[2], (2, E), 0, N)
    inp['edge_attr_cat'] = jax.random.randint(ks[3], (E,), 0, NET)
    inp['edge_attr_cont'] = jax.random.normal(ks[4], (E, 4), jnp.float32)
    inp['node_W'] = jax.random.normal(ks[5], (H, DIN), jnp.float32) * s
    inp['node_b'] = jnp.zeros((H,), jnp.float32)
    inp['edge_emb'] = jax.random.normal(ks[6], (NET, H), jnp.float32) * s
    for i in range(NUM_LAYERS):
        inp['conv%d_W' % i] = jax.random.normal(ks[7 + i], (H, H), jnp.float32) * s
        inp['conv%d_b' % i] = jnp.zeros((H,), jnp.float32)
        inp['mlp%d_W1' % i] = jax.random.normal(ks[9 + 2 * i], (H, 2 * H), jnp.float32) * s
        inp['mlp%d_b1' % i] = jnp.zeros((H,), jnp.float32)
        inp['mlp%d_W2' % i] = jax.random.normal(ks[10 + 2 * i], (H, H), jnp.float32) * s
        inp['mlp%d_b2' % i] = jnp.zeros((H,), jnp.float32)
        inp['bn%d_g' % i] = jnp.ones((H,), jnp.float32)
        inp['bn%d_b' % i] = jnp.zeros((H,), jnp.float32)
    inp['mu_W'] = jax.random.normal(ks[14], (LAT, H), jnp.float32) * s
    inp['mu_b'] = jnp.zeros((LAT,), jnp.float32)
    inp['lv_W'] = jax.random.normal(ks[15], (LAT, H), jnp.float32) * s
    inp['lv_b'] = jnp.zeros((LAT,), jnp.float32)
    return inp

def _gcn(h, src, dst, W, b):
    # PyG GCNConv: lin (no bias) -> symmetric-normalized aggregation with self loops -> + bias
    xw = h @ W.T
    deg = jax.ops.segment_sum(jnp.ones((E,), jnp.float32), dst, num_segments=N) + 1.0
    dinv = 1.0 / jnp.sqrt(deg)
    norm = dinv[src] * dinv[dst]
    agg = jax.ops.segment_sum(xw[src] * norm[:, None], dst, num_segments=N)
    return agg + xw * (dinv * dinv)[:, None] + b

def _forward(x_cont, edge_index, edge_attr_cat, p):
    src = edge_index[0]
    dst = edge_index[1]
    h = x_cont @ p['node_W'].T + p['node_b']
    edge_h = p['edge_emb'][edge_attr_cat]
    cnt = jax.ops.segment_sum(jnp.ones((E,), jnp.float32), dst, num_segments=N)
    ep = jax.ops.segment_sum(edge_h, dst, num_segments=N)
    edge_pooled = jnp.where(cnt[:, None] > 0, ep / jnp.maximum(cnt, 1.0)[:, None], 0.0)
    for i in range(NUM_LAYERS):
        h_gnn = _gcn(h, src, dst, p['conv%d_W' % i], p['conv%d_b' % i])
        hc = jnp.concatenate([h_gnn, edge_pooled], axis=-1)
        hm = jax.nn.relu(hc @ p['mlp%d_W1' % i].T + p['mlp%d_b1' % i])
        h = hm @ p['mlp%d_W2' % i].T + p['mlp%d_b2' % i]
        mean = h.mean(axis=0)
        var = h.var(axis=0)
        h = (h - mean) / jnp.sqrt(var + EPS) * p['bn%d_g' % i] + p['bn%d_b' % i]
        h = jax.nn.relu(h)
    mu = h @ p['mu_W'].T + p['mu_b']
    logvar = h @ p['lv_W'].T + p['lv_b']
    return (mu, logvar)

def reference(x_cont, x_cat, edge_index, edge_attr_cat, edge_attr_cont,
              node_W, node_b, edge_emb,
              conv0_W, conv0_b, mlp0_W1, mlp0_b1, mlp0_W2, mlp0_b2, bn0_g, bn0_b,
              conv1_W, conv1_b, mlp1_W1, mlp1_b1, mlp1_W2, mlp1_b2, bn1_g, bn1_b,
              mu_W, mu_b, lv_W, lv_b):
    # x_cat and edge_attr_cont are accepted but unused (node_cat_embed / edge_cont_embed are None)
    inp = dict(locals())
    return _forward(inp['x_cont'], inp['edge_index'], inp['edge_attr_cat'], inp)

if __name__ == "__main__":
    import jax
    _d = setup_inputs()
    print(jax.jit(kernel)(*tuple(_d.values())))

</pallas_src>

<mosaic_0001>
#map = affine_map<(d0, d1) -> (0, 0, 0)>
#map1 = affine_map<(d0, d1) -> (0)>
#map2 = affine_map<(d0, d1) -> (0, 0)>
module attributes {stable_mosaic.version = 14 : i64} {
  func.func @k(%arg0: i32, %arg1: i32, %arg2: memref<32x80x128xi32, #tpu.memory_space<hbm>>, %arg3: memref<32x80x128xi32, #tpu.memory_space<hbm>>, %arg4: memref<163840xf32, #tpu.memory_space<hbm>>, %arg5: memref<2x163840xf32, #tpu.memory_space<hbm>>, %arg6: memref<80x128xi32, #tpu.memory_space<vmem>>, %arg7: memref<80x128xi32, #tpu.memory_space<vmem>>, %arg8: memref<80x128xi32, #tpu.memory_space<vmem>>, %arg9: memref<128xf32, #tpu.memory_space<vmem>>, %arg10: memref<163840xf32, #tpu.memory_space<vmem_shared>>) attributes {dimension_semantics = [#tpu.dimension_semantics<core_parallel>, #tpu.dimension_semantics<subcore_parallel>], iteration_bounds = array<i64: 2, 16>, scalar_prefetch = 0 : i64, scratch_operands = 5 : i64, tpu.core_type = #tpu.core_type<sc_vector_subcore>, window_params = [{transform_indices = #map}, {transform_indices = #map}, {transform_indices = #map1}, {transform_indices = #map2}]} {
    %mul3A = arith.constant 16 : i32
    %mul3A_0 = arith.muli %arg0, %mul3A : i32
    %add3A = arith.addi %mul3A_0, %arg1 : i32
    "tpu.region"() ({
      %run_scoped3A = tpu.sem_alloc : memref<!tpu.dma_semaphore, #tpu.memory_space<semaphore_mem>>
      %dma_start3A = arith.constant 0 : i32
      %dma_start3A_55 = arith.constant 0 : i32
      %dma_start3A_56 = tpu.memref_slice %arg2[%add3A, %dma_start3A, %dma_start3A_55] : memref<32x80x128xi32, #tpu.memory_space<hbm>> -> memref<1x80x128xi32, #tpu.memory_space<hbm>>
      %dma_start3A_57 = tpu.memref_squeeze %dma_start3A_56 : memref<1x80x128xi32, #tpu.memory_space<hbm>> -> memref<80x128xi32, #tpu.memory_space<hbm>>
      %dma_start3A_58 = arith.constant 0 : i32
      %dma_start3A_59 = arith.constant 0 : i32
      %dma_start3A_60 = tpu.memref_slice %arg2[%add3A, %dma_start3A_58, %dma_start3A_59] : memref<32x80x128xi32, #tpu.memory_space<hbm>> -> memref<1x80x128xi32, #tpu.memory_space<hbm>>
      %dma_start3A_61 = tpu.memref_squeeze %dma_start3A_60 : memref<1x80x128xi32, #tpu.memory_space<hbm>> -> memref<80x128xi32, #tpu.memory_space<hbm>>
      tpu.enqueue_dma source(%dma_start3A_61 : memref<80x128xi32, #tpu.memory_space<hbm>>) target(%arg6 : memref<80x128xi32, #tpu.memory_space<vmem>>) target_semaphore(%run_scoped3A : memref<!tpu.dma_semaphore, #tpu.memory_space<semaphore_mem>>)
      %dma_wait3A = arith.constant 0 : i32
      %dma_wait3A_62 = arith.constant 0 : i32
      %dma_wait3A_63 = tpu.memref_slice %arg2[%add3A, %dma_wait3A, %dma_wait3A_62] : memref<32x80x128xi32, #tpu.memory_space<hbm>> -> memref<1x80x128xi32, #tpu.memory_space<hbm>>
      %dma_wait3A_64 = tpu.memref_squeeze %dma_wait3A_63 : memref<1x80x128xi32, #tpu.memory_space<hbm>> -> memref<80x128xi32, #tpu.memory_space<hbm>>
      %dma_wait3A_65 = arith.constant 0 : i32
      %dma_wait3A_66 = arith.constant 0 : i32
      %dma_wait3A_67 = tpu.memref_slice %arg2[%add3A, %dma_wait3A_65, %dma_wait3A_66] : memref<32x80x128xi32, #tpu.memory_space<hbm>> -> memref<1x80x128xi32, #tpu.memory_space<hbm>>
      %dma_wait3A_68 = tpu.memref_squeeze %dma_wait3A_67 : memref<1x80x128xi32, #tpu.memory_space<hbm>> -> memref<80x128xi32, #tpu.memory_space<hbm>>
      tpu.wait_dma2 semaphore(%run_scoped3A : memref<!tpu.dma_semaphore, #tpu.memory_space<semaphore_mem>>) src(%dma_wait3A_68 : memref<80x128xi32, #tpu.memory_space<hbm>>) dst(%arg6 : memref<80x128xi32, #tpu.memory_space<vmem>>)
      tpu.yield
    }) : () -> ()
    "tpu.region"() ({
      %run_scoped3A = tpu.sem_alloc : memref<!tpu.dma_semaphore, #tpu.memory_space<semaphore_mem>>
      %dma_start3A = arith.constant 0 : i32
      %dma_start3A_55 = arith.constant 0 : i32
      %dma_start3A_56 = tpu.memref_slice %arg3[%add3A, %dma_start3A, %dma_start3A_55] : memref<32x80x128xi32, #tpu.memory_space<hbm>> -> memref<1x80x128xi32, #tpu.memory_space<hbm>>
      %dma_start3A_57 = tpu.memref_squeeze %dma_start3A_56 : memref<1x80x128xi32, #tpu.memory_space<hbm>> -> memref<80x128xi32, #tpu.memory_space<hbm>>
      %dma_start3A_58 = arith.constant 0 : i32
      %dma_start3A_59 = arith.constant 0 : i32
      %dma_start3A_60 = tpu.memref_slice %arg3[%add3A, %dma_start3A_58, %dma_start3A_59] : memref<32x80x128xi32, #tpu.memory_space<hbm>> -> memref<1x80x128xi32, #tpu.memory_space<hbm>>
      %dma_start3A_61 = tpu.memref_squeeze %dma_start3A_60 : memref<1x80x128xi32, #tpu.memory_space<hbm>> -> memref<80x128xi32, #tpu.memory_space<hbm>>
      tpu.enqueue_dma source(%dma_start3A_61 : memref<80x128xi32, #tpu.memory_space<hbm>>) target(%arg7 : memref<80x128xi32, #tpu.memory_space<vmem>>) target_semaphore(%run_scoped3A : memref<!tpu.dma_semaphore, #tpu.memory_space<semaphore_mem>>)
      %dma_wait3A = arith.constant 0 : i32
      %dma_wait3A_62 = arith.constant 0 : i32
      %dma_wait3A_63 = tpu.memref_slice %arg3[%add3A, %dma_wait3A, %dma_wait3A_62] : memref<32x80x128xi32, #tpu.memory_space<hbm>> -> memref<1x80x128xi32, #tpu.memory_space<hbm>>
      %dma_wait3A_64 = tpu.memref_squeeze %dma_wait3A_63 : memref<1x80x128xi32, #tpu.memory_space<hbm>> -> memref<80x128xi32, #tpu.memory_space<hbm>>
      %dma_wait3A_65 = arith.constant 0 : i32
      %dma_wait3A_66 = arith.constant 0 : i32
      %dma_wait3A_67 = tpu.memref_slice %arg3[%add3A, %dma_wait3A_65, %dma_wait3A_66] : memref<32x80x128xi32, #tpu.memory_space<hbm>> -> memref<1x80x128xi32, #tpu.memory_space<hbm>>
      %dma_wait3A_68 = tpu.memref_squeeze %dma_wait3A_67 : memref<1x80x128xi32, #tpu.memory_space<hbm>> -> memref<80x128xi32, #tpu.memory_space<hbm>>
      tpu.wait_dma2 semaphore(%run_scoped3A : memref<!tpu.dma_semaphore, #tpu.memory_space<semaphore_mem>>) src(%dma_wait3A_68 : memref<80x128xi32, #tpu.memory_space<hbm>>) dst(%arg7 : memref<80x128xi32, #tpu.memory_space<vmem>>)
      tpu.yield
    }) : () -> ()
    %mul3A_1 = arith.constant 10240 : i32
    %mul3A_2 = arith.muli %arg1, %mul3A_1 : i32
    %mul3A_3 = arith.constant 10240 : i32
    %mul3A_4 = arith.muli %arg1, %mul3A_3 : i32
    "tpu.region"() ({
      %run_scoped3A = tpu.sem_alloc : memref<!tpu.dma_semaphore, #tpu.memory_space<semaphore_mem>>
      %dma_start3A = tpu.memref_slice %arg10[%mul3A_4] : memref<163840xf32, #tpu.memory_space<vmem_shared>> -> memref<10240xf32, #tpu.memory_space<vmem_shared>>
      %dma_start3A_55 = tpu.memref_slice %arg4[%mul3A_2] : memref<163840xf32, #tpu.memory_space<hbm>> -> memref<10240xf32, #tpu.memory_space<hbm>>
      tpu.enqueue_dma source(%dma_start3A_55 : memref<10240xf32, #tpu.memory_space<hbm>>) target(%dma_start3A : memref<10240xf32, #tpu.memory_space<vmem_shared>>) target_semaphore(%run_scoped3A : memref<!tpu.dma_semaphore, #tpu.memory_space<semaphore_mem>>)
      %dma_wait3A = tpu.memref_slice %arg10[%mul3A_4] : memref<163840xf32, #tpu.memory_space<vmem_shared>> -> memref<10240xf32, #tpu.memory_space<vmem_shared>>
      %dma_wait3A_56 = tpu.memref_slice %arg4[%mul3A_2] : memref<163840xf32, #tpu.memory_space<hbm>> -> memref<10240xf32, #tpu.memory_space<hbm>>
      tpu.wait_dma2 semaphore(%run_scoped3A : memref<!tpu.dma_semaphore, #tpu.memory_space<semaphore_mem>>) src(%dma_wait3A_56 : memref<10240xf32, #tpu.memory_space<hbm>>) dst(%dma_wait3A : memref<10240xf32, #tpu.memory_space<vmem_shared>>)
      tpu.yield
    }) : () -> ()
    %broadcast_in_dim3A = arith.constant 1.000000e+00 : f32
    %broadcast_in_dim3A_5 = vector.broadcast %broadcast_in_dim3A : f32 to vector<16xf32>
    %swap3A = arith.constant 0 : index
    %swap3A_6 = tpu.vector_load %arg9[%swap3A] {strides = array<i32>} : memref<128xf32, #tpu.memory_space<vmem>>, vector<16xf32>,
    %swap3A_7 = vector.shape_cast %swap3A_6 : vector<16xf32> to vector<16xf32>
    %swap3A_8 = vector.shape_cast %broadcast_in_dim3A_5 : vector<16xf32> to vector<16xf32>
    tpu.vector_store %arg9[%swap3A], %swap3A_8 {strides = array<i32>} : memref<128xf32, #tpu.memory_space<vmem>>, vector<16xf32>,
    %swap3A_9 = arith.constant 16 : index
    %swap3A_10 = tpu.vector_load %arg9[%swap3A_9] {strides = array<i32>} : memref<128xf32, #tpu.memory_space<vmem>>, vector<16xf32>,
    %swap3A_11 = vector.shape_cast %swap3A_10 : vector<16xf32> to vector<16xf32>
    %swap3A_12 = vector.shape_cast %broadcast_in_dim3A_5 : vector<16xf32> to vector<16xf32>
    tpu.vector_store %arg9[%swap3A_9], %swap3A_12 {strides = array<i32>} : memref<128xf32, #tpu.memory_space<vmem>>, vector<16xf32>,
    %swap3A_13 = arith.constant 32 : index
    %swap3A_14 = tpu.vector_load %arg9[%swap3A_13] {strides = array<i32>} : memref<128xf32, #tpu.memory_space<vmem>>, vector<16xf32>,
    %swap3A_15 = vector.shape_cast %swap3A_14 : vector<16xf32> to vector<16xf32>
    %swap3A_16 = vector.shape_cast %broadcast_in_dim3A_5 : vector<16xf32> to vector<16xf32>
    tpu.vector_store %arg9[%swap3A_13], %swap3A_16 {strides = array<i32>} : memref<128xf32, #tpu.memory_space<vmem>>, vector<16xf32>,
    %swap3A_17 = arith.constant 48 : index
    %swap3A_18 = tpu.vector_load %arg9[%swap3A_17] {strides = array<i32>} : memref<128xf32, #tpu.memory_space<vmem>>, vector<16xf32>,
    %swap3A_19 = vector.shape_cast %swap3A_18 : vector<16xf32> to vector<16xf32>
    %swap3A_20 = vector.shape_cast %broadcast_in_dim3A_5 : vector<16xf32> to vector<16xf32>
    tpu.vector_store %arg9[%swap3A_17], %swap3A_20 {strides = array<i32>} : memref<128xf32, #tpu.memory_space<vmem>>, vector<16xf32>,
    %swap3A_21 = arith.constant 64 : index
    %swap3A_22 = tpu.vector_load %arg9[%swap3A_21] {strides = array<i32>} : memref<128xf32, #tpu.memory_space<vmem>>, vector<16xf32>,
    %swap3A_23 = vector.shape_cast %swap3A_22 : vector<16xf32> to vector<16xf32>
    %swap3A_24 = vector.shape_cast %broadcast_in_dim3A_5 : vector<16xf32> to vector<16xf32>
    tpu.vector_store %arg9[%swap3A_21], %swap3A_24 {strides = array<i32>} : memref<128xf32, #tpu.memory_space<vmem>>, vector<16xf32>,
    %swap3A_25 = arith.constant 80 : index
    %swap3A_26 = tpu.vector_load %arg9[%swap3A_25] {strides = array<i32>} : memref<128xf32, #tpu.memory_space<vmem>>, vector<16xf32>,
    %swap3A_27 = vector.shape_cast %swap3A_26 : vector<16xf32> to vector<16xf32>
    %swap3A_28 = vector.shape_cast %broadcast_in_dim3A_5 : vector<16xf32> to vector<16xf32>
    tpu.vector_store %arg9[%swap3A_25], %swap3A_28 {strides = array<i32>} : memref<128xf32, #tpu.memory_space<vmem>>, vector<16xf32>,
    %swap3A_29 = arith.constant 96 : index
    %swap3A_30 = tpu.vector_load %arg9[%swap3A_29] {strides = array<i32>} : memref<128xf32, #tpu.memory_space<vmem>>, vector<16xf32>,
    %swap3A_31 = vector.shape_cast %swap3A_30 : vector<16xf32> to vector<16xf32>
    %swap3A_32 = vector.shape_cast %broadcast_in_dim3A_5 : vector<16xf32> to vector<16xf32>
    tpu.vector_store %arg9[%swap3A_29], %swap3A_32 {strides = array<i32>} : memref<128xf32, #tpu.memory_space<vmem>>, vector<16xf32>,
    %swap3A_33 = arith.constant 112 : index
    %swap3A_34 = tpu.vector_load %arg9[%swap3A_33] {strides = array<i32>} : memref<128xf32, #tpu.memory_space<vmem>>, vector<16xf32>,
    %swap3A_35 = vector.shape_cast %swap3A_34 : vector<16xf32> to vector<16xf32>
    %swap3A_36 = vector.shape_cast %broadcast_in_dim3A_5 : vector<16xf32> to vector<16xf32>
    tpu.vector_store %arg9[%swap3A_33], %swap3A_36 {strides = array<i32>} : memref<128xf32, #tpu.memory_space<vmem>>, vector<16xf32>,
    %scan3A = arith.constant 0 : i32
    %scan3A_37 = arith.constant 0 : i32
    %scan3A_38 = arith.constant 80 : i32
    %scan3A_39 = arith.addi %scan3A_37, %scan3A_38 : i32
    %scan3A_40 = arith.constant 1 : i32
    %scan3A_41 = scf.for %scan3A_55 = %scan3A_37 to %scan3A_39 step %scan3A_40 iter_args(%scan3A_56 = %scan3A) -> (i32)  : i32 {
      %get3A = arith.index_cast %scan3A_55 : i32 to index
      %get3A_57 = arith.constant 0 : index
      %get3A_58 = tpu.vector_load %arg6[%get3A, %get3A_57] {strides = array<i32>} : memref<80x128xi32, #tpu.memory_space<vmem>>, vector<1x16xi32>,
      %get3A_59 = vector.shape_cast %get3A_58 : vector<1x16xi32> to vector<16xi32>
      %get3A_60 = arith.index_cast %scan3A_55 : i32 to index
      %get3A_61 = arith.constant 0 : index
      %get3A_62 = tpu.vector_load %arg7[%get3A_60, %get3A_61] {strides = array<i32>} : memref<80x128xi32, #tpu.memory_space<vmem>>, vector<1x16xi32>,
      %get3A_63 = vector.shape_cast %get3A_62 : vector<1x16xi32> to vector<16xi32>
      %mul3A_64 = arith.constant 16 : i32
      %mul3A_65 = vector.broadcast %mul3A_64 : i32 to vector<16xi32>
      %mul3A_66 = arith.muli %get3A_59, %mul3A_65 : vector<16xi32>
      %add3A_67 = arith.addi %mul3A_66, %get3A_63 : vector<16xi32>
      %swap3A_68 = arith.index_cast %scan3A_55 : i32 to index
      %swap3A_69 = arith.constant 0 : index
      %swap3A_70 = tpu.vector_load %arg8[%swap3A_68, %swap3A_69] {strides = array<i32>} : memref<80x128xi32, #tpu.memory_space<vmem>>, vector<1x16xi32>,
      %swap3A_71 = vector.shape_cast %swap3A_70 : vector<1x16xi32> to vector<16xi32>
      %swap3A_72 = vector.shape_cast %add3A_67 : vector<16xi32> to vector<1x16xi32>
      tpu.vector_store %arg8[%swap3A_68, %swap3A_69], %swap3A_72 {strides = array<i32>} : memref<80x128xi32, #tpu.memory_space<vmem>>, vector<1x16xi32>,
      %get3A_73 = arith.index_cast %scan3A_55 : i32 to index
      %get3A_74 = arith.constant 16 : index
      %get3A_75 = tpu.vector_load %arg6[%get3A_73, %get3A_74] {strides = array<i32>} : memref<80x128xi32, #tpu.memory_space<vmem>>, vector<1x16xi32>,
      %get3A_76 = vector.shape_cast %get3A_75 : vector<1x16xi32> to vector<16xi32>
      %get3A_77 = arith.index_cast %scan3A_55 : i32 to index
      %get3A_78 = arith.constant 16 : index
      %get3A_79 = tpu.vector_load %arg7[%get3A_77, %get3A_78] {strides = array<i32>} : memref<80x128xi32, #tpu.memory_space<vmem>>, vector<1x16xi32>,
      %get3A_80 = vector.shape_cast %get3A_79 : vector<1x16xi32> to vector<16xi32>
      %mul3A_81 = arith.constant 16 : i32
      %mul3A_82 = vector.broadcast %mul3A_81 : i32 to vector<16xi32>
      %mul3A_83 = arith.muli %get3A_76, %mul3A_82 : vector<16xi32>
      %add3A_84 = arith.addi %mul3A_83, %get3A_80 : vector<16xi32>
      %swap3A_85 = arith.index_cast %scan3A_55 : i32 to index
      %swap3A_86 = arith.constant 16 : index
      %swap3A_87 = tpu.vector_load %arg8[%swap3A_85, %swap3A_86] {strides = array<i32>} : memref<80x128xi32, #tpu.memory_space<vmem>>, vector<1x16xi32>,
      %swap3A_88 = vector.shape_cast %swap3A_87 : vector<1x16xi32> to vector<16xi32>
      %swap3A_89 = vector.shape_cast %add3A_84 : vector<16xi32> to vector<1x16xi32>
      tpu.vector_store %arg8[%swap3A_85, %swap3A_86], %swap3A_89 {strides = array<i32>} : memref<80x128xi32, #tpu.memory_space<vmem>>, vector<1x16xi32>,
      %get3A_90 = arith.index_cast %scan3A_55 : i32 to index
      %get3A_91 = arith.constant 32 : index
      %get3A_92 = tpu.vector_load %arg6[%get3A_90, %get3A_91] {strides = array<i32>} : memref<80x128xi32, #tpu.memory_space<vmem>>, vector<1x16xi32>,
      %get3A_93 = vector.shape_cast %get3A_92 : vector<1x16xi32> to vector<16xi32>
      %get3A_94 = arith.index_cast %scan3A_55 : i32 to index
      %get3A_95 = arith.constant 32 : index
      %get3A_96 = tpu.vector_load %arg7[%get3A_94, %get3A_95] {strides = array<i32>} : memref<80x128xi32, #tpu.memory_space<vmem>>, vector<1x16xi32>,
      %get3A_97 = vector.shape_cast %get3A_96 : vector<1x16xi32> to vector<16xi32>
      %mul3A_98 = arith.constant 16 : i32
      %mul3A_99 = vector.broadcast %mul3A_98 : i32 to vector<16xi32>
      %mul3A_100 = arith.muli %get3A_93, %mul3A_99 : vector<16xi32>
      %add3A_101 = arith.addi %mul3A_100, %get3A_97 : vector<16xi32>
      %swap3A_102 = arith.index_cast %scan3A_55 : i32 to index
      %swap3A_103 = arith.constant 32 : index
      %swap3A_104 = tpu.vector_load %arg8[%swap3A_102, %swap3A_103] {strides = array<i32>} : memref<80x128xi32, #tpu.memory_space<vmem>>, vector<1x16xi32>,
      %swap3A_105 = vector.shape_cast %swap3A_104 : vector<1x16xi32> to vector<16xi32>
      %swap3A_106 = vector.shape_cast %add3A_101 : vector<16xi32> to vector<1x16xi32>
      tpu.vector_store %arg8[%swap3A_102, %swap3A_103], %swap3A_106 {strides = array<i32>} : memref<80x128xi32, #tpu.memory_space<vmem>>, vector<1x16xi32>,
      %get3A_107 = arith.index_cast %scan3A_55 : i32 to index
      %get3A_108 = arith.constant 48 : index
      %get3A_109 = tpu.vector_load %arg6[%get3A_107, %get3A_108] {strides = array<i32>} : memref<80x128xi32, #tpu.memory_space<vmem>>, vector<1x16xi32>,
      %get3A_110 = vector.shape_cast %get3A_109 : vector<1x16xi32> to vector<16xi32>
      %get3A_111 = arith.index_cast %scan3A_55 : i32 to index
      %get3A_112 = arith.constant 48 : index
      %get3A_113 = tpu.vector_load %arg7[%get3A_111, %get3A_112] {strides = array<i32>} : memref<80x128xi32, #tpu.memory_space<vmem>>, vector<1x16xi32>,
      %get3A_114 = vector.shape_cast %get3A_113 : vector<1x16xi32> to vector<16xi32>
      %mul3A_115 = arith.constant 16 : i32
      %mul3A_116 = vector.broadcast %mul3A_115 : i32 to vector<16xi32>
      %mul3A_117 = arith.muli %get3A_110, %mul3A_116 : vector<16xi32>
      %add3A_118 = arith.addi %mul3A_117, %get3A_114 : vector<16xi32>
      %swap3A_119 = arith.index_cast %scan3A_55 : i32 to index
      %swap3A_120 = arith.constant 48 : index
      %swap3A_121 = tpu.vector_load %arg8[%swap3A_119, %swap3A_120] {strides = array<i32>} : memref<80x128xi32, #tpu.memory_space<vmem>>, vector<1x16xi32>,
      %swap3A_122 = vector.shape_cast %swap3A_121 : vector<1x16xi32> to vector<16xi32>
      %swap3A_123 = vector.shape_cast %add3A_118 : vector<16xi32> to vector<1x16xi32>
      tpu.vector_store %arg8[%swap3A_119, %swap3A_120], %swap3A_123 {strides = array<i32>} : memref<80x128xi32, #tpu.memory_space<vmem>>, vector<1x16xi32>,
      %get3A_124 = arith.index_cast %scan3A_55 : i32 to index
      %get3A_125 = arith.constant 64 : index
      %get3A_126 = tpu.vector_load %arg6[%get3A_124, %get3A_125] {strides = array<i32>} : memref<80x128xi32, #tpu.memory_space<vmem>>, vector<1x16xi32>,
      %get3A_127 = vector.shape_cast %get3A_126 : vector<1x16xi32> to vector<16xi32>
      %get3A_128 = arith.index_cast %scan3A_55 : i32 to index
      %get3A_129 = arith.constant 64 : index
      %get3A_130 = tpu.vector_load %arg7[%get3A_128, %get3A_129] {strides = array<i32>} : memref<80x128xi32, #tpu.memory_space<vmem>>, vector<1x16xi32>,
      %get3A_131 = vector.shape_cast %get3A_130 : vector<1x16xi32> to vector<16xi32>
      %mul3A_132 = arith.constant 16 : i32
      %mul3A_133 = vector.broadcast %mul3A_132 : i32 to vector<16xi32>
      %mul3A_134 = arith.muli %get3A_127, %mul3A_133 : vector<16xi32>
      %add3A_135 = arith.addi %mul3A_134, %get3A_131 : vector<16xi32>
      %swap3A_136 = arith.index_cast %scan3A_55 : i32 to index
      %swap3A_137 = arith.constant 64 : index
      %swap3A_138 = tpu.vector_load %arg8[%swap3A_136, %swap3A_137] {strides = array<i32>} : memref<80x128xi32, #tpu.memory_space<vmem>>, vector<1x16xi32>,
      %swap3A_139 = vector.shape_cast %swap3A_138 : vector<1x16xi32> to vector<16xi32>
      %swap3A_140 = vector.shape_cast %add3A_135 : vector<16xi32> to vector<1x16xi32>
      tpu.vector_store %arg8[%swap3A_136, %swap3A_137], %swap3A_140 {strides = array<i32>} : memref<80x128xi32, #tpu.memory_space<vmem>>, vector<1x16xi32>,
      %get3A_141 = arith.index_cast %scan3A_55 : i32 to index
      %get3A_142 = arith.constant 80 : index
      %get3A_143 = tpu.vector_load %arg6[%get3A_141, %get3A_142] {strides = array<i32>} : memref<80x128xi32, #tpu.memory_space<vmem>>, vector<1x16xi32>,
      %get3A_144 = vector.shape_cast %get3A_143 : vector<1x16xi32> to vector<16xi32>
      %get3A_145 = arith.index_cast %scan3A_55 : i32 to index
      %get3A_146 = arith.constant 80 : index
      %get3A_147 = tpu.vector_load %arg7[%get3A_145, %get3A_146] {strides = array<i32>} : memref<80x128xi32, #tpu.memory_space<vmem>>, vector<1x16xi32>,
      %get3A_148 = vector.shape_cast %get3A_147 : vector<1x16xi32> to vector<16xi32>
      %mul3A_149 = arith.constant 16 : i32
      %mul3A_150 = vector.broadcast %mul3A_149 : i32 to vector<16xi32>
      %mul3A_151 = arith.muli %get3A_144, %mul3A_150 : vector<16xi32>
      %add3A_152 = arith.addi %mul3A_151, %get3A_148 : vector<16xi32>
      %swap3A_153 = arith.index_cast %scan3A_55 : i32 to index
      %swap3A_154 = arith.constant 80 : index
      %swap3A_155 = tpu.vector_load %arg8[%swap3A_153, %swap3A_154] {strides = array<i32>} : memref<80x128xi32, #tpu.memory_space<vmem>>, vector<1x16xi32>,
      %swap3A_156 = vector.shape_cast %swap3A_155 : vector<1x16xi32> to vector<16xi32>
      %swap3A_157 = vector.shape_cast %add3A_152 : vector<16xi32> to vector<1x16xi32>
      tpu.vector_store %arg8[%swap3A_153, %swap3A_154], %swap3A_157 {strides = array<i32>} : memref<80x128xi32, #tpu.memory_space<vmem>>, vector<1x16xi32>,
      %get3A_158 = arith.index_cast %scan3A_55 : i32 to index
      %get3A_159 = arith.constant 96 : index
      %get3A_160 = tpu.vector_load %arg6[%get3A_158, %get3A_159] {strides = array<i32>} : memref<80x128xi32, #tpu.memory_space<vmem>>, vector<1x16xi32>,
      %get3A_161 = vector.shape_cast %get3A_160 : vector<1x16xi32> to vector<16xi32>
      %get3A_162 = arith.index_cast %scan3A_55 : i32 to index
      %get3A_163 = arith.constant 96 : index
      %get3A_164 = tpu.vector_load %arg7[%get3A_162, %get3A_163] {strides = array<i32>} : memref<80x128xi32, #tpu.memory_space<vmem>>, vector<1x16xi32>,
      %get3A_165 = vector.shape_cast %get3A_164 : vector<1x16xi32> to vector<16xi32>
      %mul3A_166 = arith.constant 16 : i32
      %mul3A_167 = vector.broadcast %mul3A_166 : i32 to vector<16xi32>
      %mul3A_168 = arith.muli %get3A_161, %mul3A_167 : vector<16xi32>
      %add3A_169 = arith.addi %mul3A_168, %get3A_165 : vector<16xi32>
      %swap3A_170 = arith.index_cast %scan3A_55 : i32 to index
      %swap3A_171 = arith.constant 96 : index
      %swap3A_172 = tpu.vector_load %arg8[%swap3A_170, %swap3A_171] {strides = array<i32>} : memref<80x128xi32, #tpu.memory_space<vmem>>, vector<1x16xi32>,
      %swap3A_173 = vector.shape_cast %swap3A_172 : vector<1x16xi32> to vector<16xi32>
      %swap3A_174 = vector.shape_cast %add3A_169 : vector<16xi32> to vector<1x16xi32>
      tpu.vector_store %arg8[%swap3A_170, %swap3A_171], %swap3A_174 {strides = array<i32>} : memref<80x128xi32, #tpu.memory_space<vmem>>, vector<1x16xi32>,
      %get3A_175 = arith.index_cast %scan3A_55 : i32 to index
      %get3A_176 = arith.constant 112 : index
      %get3A_177 = tpu.vector_load %arg6[%get3A_175, %get3A_176] {strides = array<i32>} : memref<80x128xi32, #tpu.memory_space<vmem>>, vector<1x16xi32>,
      %get3A_178 = vector.shape_cast %get3A_177 : vector<1x16xi32> to vector<16xi32>
      %get3A_179 = arith.index_cast %scan3A_55 : i32 to index
      %get3A_180 = arith.constant 112 : index
      %get3A_181 = tpu.vector_load %arg7[%get3A_179, %get3A_180] {strides = array<i32>} : memref<80x128xi32, #tpu.memory_space<vmem>>, vector<1x16xi32>,
      %get3A_182 = vector.shape_cast %get3A_181 : vector<1x16xi32> to vector<16xi32>
      %mul3A_183 = arith.constant 16 : i32
      %mul3A_184 = vector.broadcast %mul3A_183 : i32 to vector<16xi32>
      %mul3A_185 = arith.muli %get3A_178, %mul3A_184 : vector<16xi32>
      %add3A_186 = arith.addi %mul3A_185, %get3A_182 : vector<16xi32>
      %swap3A_187 = arith.index_cast %scan3A_55 : i32 to index
      %swap3A_188 = arith.constant 112 : index
      %swap3A_189 = tpu.vector_load %arg8[%swap3A_187, %swap3A_188] {strides = array<i32>} : memref<80x128xi32, #tpu.memory_space<vmem>>, vector<1x16xi32>,
      %swap3A_190 = vector.shape_cast %swap3A_189 : vector<1x16xi32> to vector<16xi32>
      %swap3A_191 = vector.shape_cast %add3A_186 : vector<16xi32> to vector<1x16xi32>
      tpu.vector_store %arg8[%swap3A_187, %swap3A_188], %swap3A_191 {strides = array<i32>} : memref<80x128xi32, #tpu.memory_space<vmem>>, vector<1x16xi32>,
      %scan3A_192 = arith.constant 0 : i32
      scf.yield %scan3A_192 : i32
    }
    %scan3A_42 = arith.constant 80 : i32
    %barrier3A = arith.constant 0 : index
    tpu.barrier barrier_id(%barrier3A)
    %scan3A_43 = arith.constant 0 : i32
    %scan3A_44 = arith.constant 0 : i32
    %scan3A_45 = arith.constant 80 : i32
    %scan3A_46 = arith.addi %scan3A_44, %scan3A_45 : i32
    %scan3A_47 = arith.constant 1 : i32
    %scan3A_48 = scf.for %scan3A_55 = %scan3A_44 to %scan3A_46 step %scan3A_47 iter_args(%scan3A_56 = %scan3A_43) -> (i32)  : i32 {
      "tpu.region"() ({
        %run_scoped3A = tpu.sem_alloc : memref<!tpu.dma_semaphore, #tpu.memory_space<semaphore_mem>>
        %dma_start3A = arith.constant 0 : i32
        %dma_start3A_58 = tpu.memref_slice %arg8[%scan3A_55, %dma_start3A] : memref<80x128xi32, #tpu.memory_space<vmem>> -> memref<1x128xi32, #tpu.memory_space<vmem>>
        %dma_start3A_59 = tpu.memref_squeeze %dma_start3A_58 : memref<1x128xi32, #tpu.memory_space<vmem>> -> memref<128xi32, #tpu.memory_space<vmem>>
        %dma_start3A_60 = arith.constant 0 : i32
        %dma_start3A_61 = tpu.memref_slice %arg10[%dma_start3A_60] : memref<163840xf32, #tpu.memory_space<vmem_shared>> -> memref<163840xf32, #tpu.memory_space<vmem_shared>>
        tpu.enqueue_indirect_dma source(%arg9 : memref<128xf32, #tpu.memory_space<vmem>>) target(%dma_start3A_61 : memref<163840xf32, #tpu.memory_space<vmem_shared>>) offsets(%dma_start3A_59 : memref<128xi32, #tpu.memory_space<vmem>>) semaphore(%run_scoped3A : memref<!tpu.dma_semaphore, #tpu.memory_space<semaphore_mem>>) {add = true}
        %dma_wait3A = arith.constant 0 : i32
        %dma_wait3A_62 = tpu.memref_slice %arg8[%scan3A_55, %dma_wait3A] : memref<80x128xi32, #tpu.memory_space<vmem>> -> memref<1x128xi32, #tpu.memory_space<vmem>>
        %dma_wait3A_63 = tpu.memref_squeeze %dma_wait3A_62 : memref<1x128xi32, #tpu.memory_space<vmem>> -> memref<128xi32, #tpu.memory_space<vmem>>
        %dma_wait3A_64 = arith.constant 0 : i32
        %dma_wait3A_65 = tpu.memref_slice %arg10[%dma_wait3A_64] : memref<163840xf32, #tpu.memory_space<vmem_shared>> -> memref<163840xf32, #tpu.memory_space<vmem_shared>>
        tpu.wait_indirect_dma semaphore(%run_scoped3A : memref<!tpu.dma_semaphore, #tpu.memory_space<semaphore_mem>>) src(%arg9 : memref<128xf32, #tpu.memory_space<vmem>>) dst(%dma_wait3A_65 : memref<163840xf32, #tpu.memory_space<vmem_shared>>)
        tpu.yield
      }) : () -> ()
      %scan3A_57 = arith.constant 0 : i32
      scf.yield %scan3A_57 : i32
    }
    %scan3A_49 = arith.constant 80 : i32
    %barrier3A_50 = arith.constant 0 : index
    tpu.barrier barrier_id(%barrier3A_50)
    %mul3A_51 = arith.constant 10240 : i32
    %mul3A_52 = arith.muli %arg1, %mul3A_51 : i32
    %mul3A_53 = arith.constant 10240 : i32
    %mul3A_54 = arith.muli %arg1, %mul3A_53 : i32
    "tpu.region"() ({
      %run_scoped3A = tpu.sem_alloc : memref<!tpu.dma_semaphore, #tpu.memory_space<semaphore_mem>>
      %dma_start3A = tpu.memref_slice %arg5[%arg0, %mul3A_54] : memref<2x163840xf32, #tpu.memory_space<hbm>> -> memref<1x10240xf32, #tpu.memory_space<hbm>>
      %dma_start3A_55 = tpu.memref_squeeze %dma_start3A : memref<1x10240xf32, #tpu.memory_space<hbm>> -> memref<10240xf32, #tpu.memory_space<hbm>>
      %dma_start3A_56 = tpu.memref_slice %arg10[%mul3A_52] : memref<163840xf32, #tpu.memory_space<vmem_shared>> -> memref<10240xf32, #tpu.memory_space<vmem_shared>>
      tpu.enqueue_dma source(%dma_start3A_56 : memref<10240xf32, #tpu.memory_space<vmem_shared>>) target(%dma_start3A_55 : memref<10240xf32, #tpu.memory_space<hbm>>) target_semaphore(%run_scoped3A : memref<!tpu.dma_semaphore, #tpu.memory_space<semaphore_mem>>)
      %dma_wait3A = tpu.memref_slice %arg5[%arg0, %mul3A_54] : memref<2x163840xf32, #tpu.memory_space<hbm>> -> memref<1x10240xf32, #tpu.memory_space<hbm>>
      %dma_wait3A_57 = tpu.memref_squeeze %dma_wait3A : memref<1x10240xf32, #tpu.memory_space<hbm>> -> memref<10240xf32, #tpu.memory_space<hbm>>
      %dma_wait3A_58 = tpu.memref_slice %arg10[%mul3A_52] : memref<163840xf32, #tpu.memory_space<vmem_shared>> -> memref<10240xf32, #tpu.memory_space<vmem_shared>>
      tpu.wait_dma2 semaphore(%run_scoped3A : memref<!tpu.dma_semaphore, #tpu.memory_space<semaphore_mem>>) src(%dma_wait3A_58 : memref<10240xf32, #tpu.memory_space<vmem_shared>>) dst(%dma_wait3A_57 : memref<10240xf32, #tpu.memory_space<hbm>>)
      tpu.yield
    }) : () -> ()
    return
  }
}

#map = affine_map<(d0, d1) -> (0, 0)>
#map1 = affine_map<(d0, d1) -> (0, 0, 0)>
module attributes {stable_mosaic.version = 14 : i64} {
  func.func @k(%arg0: i32, %arg1: i32, %arg2: memref<10000x64xf32, #tpu.memory_space<hbm>>, %arg3: memref<10000x64xf32, #tpu.memory_space<hbm>>, %arg4: memref<32x80x125xi32, #tpu.memory_space<hbm>>, %arg5: memref<32x80x125xi32, #tpu.memory_space<hbm>>, %arg6: memref<10240x64xf32, #tpu.memory_space<hbm>>, %arg7: memref<2x10240x64xf32, #tpu.memory_space<hbm>>, %arg8: memref<2x10240x64xf32, #tpu.memory_space<hbm>>, %arg9: memref<80x125xi32, #tpu.memory_space<vmem>>, %arg10: memref<80x125xi32, #tpu.memory_space<vmem>>, %arg11: memref<8x125x64xf32, #tpu.memory_space<vmem>>, %arg12: memref<10240x64xf32, #tpu.memory_space<vmem_shared>>, %arg13: memref<8x!tpu.dma_semaphore, #tpu.memory_space<semaphore_mem>>, %arg14: memref<8x!tpu.dma_semaphore, #tpu.memory_space<semaphore_mem>>) attributes {dimension_semantics = [#tpu.dimension_semantics<core_parallel>, #tpu.dimension_semantics<subcore_parallel>], iteration_bounds = array<i64: 2, 16>, scalar_prefetch = 0 : i64, scratch_operands = 6 : i64, tpu.core_type = #tpu.core_type<sc_vector_subcore>, window_params = [{transform_indices = #map}, {transform_indices = #map}, {transform_indices = #map1}, {transform_indices = #map1}, {transform_indices = #map}, {transform_indices = #map1}, {transform_indices = #map1}]} {
    %mul3A = arith.constant 16 : i32
    %mul3A_0 = arith.muli %arg0, %mul3A : i32
    %add3A = arith.addi %mul3A_0, %arg1 : i32
    "tpu.region"() ({
      %run_scoped3A = tpu.sem_alloc : memref<!tpu.dma_semaphore, #tpu.memory_space<semaphore_mem>>
      %dma_start3A_272 = arith.constant 0 : i32
      %dma_start3A_273 = arith.constant 0 : i32
      %dma_start3A_274 = tpu.memref_slice %arg4[%add3A, %dma_start3A_272, %dma_start3A_273] : memref<32x80x125xi32, #tpu.memory_space<hbm>> -> memref<1x80x125xi32, #tpu.memory_space<hbm>>
      %dma_start3A_275 = tpu.memref_squeeze %dma_start3A_274 : memref<1x80x125xi32, #tpu.memory_space<hbm>> -> memref<80x125xi32, #tpu.memory_space<hbm>>
      %dma_start3A_276 = arith.constant 0 : i32
      %dma_start3A_277 = arith.constant 0 : i32
      %dma_start3A_278 = tpu.memref_slice %arg4[%add3A, %dma_start3A_276, %dma_start3A_277] : memref<32x80x125xi32, #tpu.memory_space<hbm>> -> memref<1x80x125xi32, #tpu.memory_space<hbm>>
      %dma_start3A_279 = tpu.memref_squeeze %dma_start3A_278 : memref<1x80x125xi32, #tpu.memory_space<hbm>> -> memref<80x125xi32, #tpu.memory_space<hbm>>
      tpu.enqueue_dma source(%dma_start3A_279 : memref<80x125xi32, #tpu.memory_space<hbm>>) target(%arg9 : memref<80x125xi32, #tpu.memory_space<vmem>>) target_semaphore(%run_scoped3A : memref<!tpu.dma_semaphore, #tpu.memory_space<semaphore_mem>>)
      %dma_wait3A = arith.constant 0 : i32
      %dma_wait3A_280 = arith.constant 0 : i32
      %dma_wait3A_281 = tpu.memref_slice %arg4[%add3A, %dma_wait3A, %dma_wait3A_280] : memref<32x80x125xi32, #tpu.memory_space<hbm>> -> memref<1x80x125xi32, #tpu.memory_space<hbm>>
      %dma_wait3A_282 = tpu.memref_squeeze %dma_wait3A_281 : memref<1x80x125xi32, #tpu.memory_space<hbm>> -> memref<80x125xi32, #tpu.memory_space<hbm>>
      %dma_wait3A_283 = arith.constant 0 : i32
      %dma_wait3A_284 = arith.constant 0 : i32
      %dma_wait3A_285 = tpu.memref_slice %arg4[%add3A, %dma_wait3A_283, %dma_wait3A_284] : memref<32x80x125xi32, #tpu.memory_space<hbm>> -> memref<1x80x125xi32, #tpu.memory_space<hbm>>
      %dma_wait3A_286 = tpu.memref_squeeze %dma_wait3A_285 : memref<1x80x125xi32, #tpu.memory_space<hbm>> -> memref<80x125xi32, #tpu.memory_space<hbm>>
      tpu.wait_dma2 semaphore(%run_scoped3A : memref<!tpu.dma_semaphore, #tpu.memory_space<semaphore_mem>>) src(%dma_wait3A_286 : memref<80x125xi32, #tpu.memory_space<hbm>>) dst(%arg9 : memref<80x125xi32, #tpu.memory_space<vmem>>)
      tpu.yield
    }) : () -> ()
    "tpu.region"() ({
      %run_scoped3A = tpu.sem_alloc : memref<!tpu.dma_semaphore, #tpu.memory_space<semaphore_mem>>
      %dma_start3A_272 = arith.constant 0 : i32
      %dma_start3A_273 = arith.constant 0 : i32
      %dma_start3A_274 = tpu.memref_slice %arg5[%add3A, %dma_start3A_272, %dma_start3A_273] : memref<32x80x125xi32, #tpu.memory_space<hbm>> -> memref<1x80x125xi32, #tpu.memory_space<hbm>>
      %dma_start3A_275 = tpu.memref_squeeze %dma_start3A_274 : memref<1x80x125xi32, #tpu.memory_space<hbm>> -> memref<80x125xi32, #tpu.memory_space<hbm>>
      %dma_start3A_276 = arith.constant 0 : i32
      %dma_start3A_277 = arith.constant 0 : i32
      %dma_start3A_278 = tpu.memref_slice %arg5[%add3A, %dma_start3A_276, %dma_start3A_277] : memref<32x80x125xi32, #tpu.memory_space<hbm>> -> memref<1x80x125xi32, #tpu.memory_space<hbm>>
      %dma_start3A_279 = tpu.memref_squeeze %dma_start3A_278 : memref<1x80x125xi32, #tpu.memory_space<hbm>> -> memref<80x125xi32, #tpu.memory_space<hbm>>
      tpu.enqueue_dma source(%dma_start3A_279 : memref<80x125xi32, #tpu.memory_space<hbm>>) target(%arg10 : memref<80x125xi32, #tpu.memory_space<vmem>>) target_semaphore(%run_scoped3A : memref<!tpu.dma_semaphore, #tpu.memory_space<semaphore_mem>>)
      %dma_wait3A = arith.constant 0 : i32
      %dma_wait3A_280 = arith.constant 0 : i32
      %dma_wait3A_281 = tpu.memref_slice %arg5[%add3A, %dma_wait3A, %dma_wait3A_280] : memref<32x80x125xi32, #tpu.memory_space<hbm>> -> memref<1x80x125xi32, #tpu.memory_space<hbm>>
      %dma_wait3A_282 = tpu.memref_squeeze %dma_wait3A_281 : memref<1x80x125xi32, #tpu.memory_space<hbm>> -> memref<80x125xi32, #tpu.memory_space<hbm>>
      %dma_wait3A_283 = arith.constant 0 : i32
      %dma_wait3A_284 = arith.constant 0 : i32
      %dma_wait3A_285 = tpu.memref_slice %arg5[%add3A, %dma_wait3A_283, %dma_wait3A_284] : memref<32x80x125xi32, #tpu.memory_space<hbm>> -> memref<1x80x125xi32, #tpu.memory_space<hbm>>
      %dma_wait3A_286 = tpu.memref_squeeze %dma_wait3A_285 : memref<1x80x125xi32, #tpu.memory_space<hbm>> -> memref<80x125xi32, #tpu.memory_space<hbm>>
      tpu.wait_dma2 semaphore(%run_scoped3A : memref<!tpu.dma_semaphore, #tpu.memory_space<semaphore_mem>>) src(%dma_wait3A_286 : memref<80x125xi32, #tpu.memory_space<hbm>>) dst(%arg10 : memref<80x125xi32, #tpu.memory_space<vmem>>)
      tpu.yield
    }) : () -> ()
    %mul3A_1 = arith.constant 640 : i32
    %mul3A_2 = arith.muli %arg1, %mul3A_1 : i32
    %mul3A_3 = arith.constant 640 : i32
    %mul3A_4 = arith.muli %arg1, %mul3A_3 : i32
    "tpu.region"() ({
      %run_scoped3A = tpu.sem_alloc : memref<!tpu.dma_semaphore, #tpu.memory_space<semaphore_mem>>
      %dma_start3A_272 = arith.constant 0 : i32
      %dma_start3A_273 = tpu.memref_slice %arg12[%mul3A_4, %dma_start3A_272] : memref<10240x64xf32, #tpu.memory_space<vmem_shared>> -> memref<640x64xf32, #tpu.memory_space<vmem_shared>>
      %dma_start3A_274 = arith.constant 0 : i32
      %dma_start3A_275 = tpu.memref_slice %arg6[%mul3A_2, %dma_start3A_274] : memref<10240x64xf32, #tpu.memory_space<hbm>> -> memref<640x64xf32, #tpu.memory_space<hbm>>
      tpu.enqueue_dma source(%dma_start3A_275 : memref<640x64xf32, #tpu.memory_space<hbm>>) target(%dma_start3A_273 : memref<640x64xf32, #tpu.memory_space<vmem_shared>>) target_semaphore(%run_scoped3A : memref<!tpu.dma_semaphore, #tpu.memory_space<semaphore_mem>>)
      %dma_wait3A = arith.constant 0 : i32
      %dma_wait3A_276 = tpu.memref_slice %arg12[%mul3A_4, %dma_wait3A] : memref<10240x64xf32, #tpu.memory_space<vmem_shared>> -> memref<640x64xf32, #tpu.memory_space<vmem_shared>>
      %dma_wait3A_277 = arith.constant 0 : i32
      %dma_wait3A_278 = tpu.memref_slice %arg6[%mul3A_2, %dma_wait3A_277] : memref<10240x64xf32, #tpu.memory_space<hbm>> -> memref<640x64xf32, #tpu.memory_space<hbm>>
      tpu.wait_dma2 semaphore(%run_scoped3A : memref<!tpu.dma_semaphore, #tpu.memory_space<semaphore_mem>>) src(%dma_wait3A_278 : memref<640x64xf32, #tpu.memory_space<hbm>>) dst(%dma_wait3A_276 : memref<640x64xf32, #tpu.memory_space<vmem_shared>>)
      tpu.yield
    }) : () -> ()
    %barrier3A = arith.constant 0 : index
    tpu.barrier barrier_id(%barrier3A)
    %dma_start3A = arith.constant 0 : i32
    %dma_start3A_5 = arith.constant 0 : i32
    %dma_start3A_6 = arith.constant 0 : i32
    %dma_start3A_7 = arith.constant 0 : i32
    %dma_start3A_8 = arith.constant 0 : i32
    %dma_start3A_9 = tpu.memref_slice %arg11[%dma_start3A_5, %dma_start3A_7, %dma_start3A_8] : memref<8x125x64xf32, #tpu.memory_space<vmem>> -> memref<1x125x64xf32, #tpu.memory_space<vmem>>
    %dma_start3A_10 = tpu.memref_squeeze %dma_start3A_9 : memref<1x125x64xf32, #tpu.memory_space<vmem>> -> memref<125x64xf32, #tpu.memory_space<vmem>>
    %dma_start3A_11 = arith.constant 0 : i32
    %dma_start3A_12 = tpu.memref_slice %arg9[%dma_start3A, %dma_start3A_11] : memref<80x125xi32, #tpu.memory_space<vmem>> -> memref<1x125xi32, #tpu.memory_space<vmem>>
    %dma_start3A_13 = tpu.memref_squeeze %dma_start3A_12 : memref<1x125xi32, #tpu.memory_space<vmem>> -> memref<125xi32, #tpu.memory_space<vmem>>
    %dma_start3A_14 = arith.constant 0 : i32
    %dma_start3A_15 = arith.constant 0 : i32
    %dma_start3A_16 = tpu.memref_slice %arg2[%dma_start3A_14, %dma_start3A_15] : memref<10000x64xf32, #tpu.memory_space<hbm>> -> memref<10000x64xf32, #tpu.memory_space<hbm>>
    %dma_start3A_17 = tpu.memref_slice %arg13[%dma_start3A_6] : memref<8x!tpu.dma_semaphore, #tpu.memory_space<semaphore_mem>> -> memref<1x!tpu.dma_semaphore, #tpu.memory_space<semaphore_mem>>
    %dma_start3A_18 = tpu.memref_squeeze %dma_start3A_17 : memref<1x!tpu.dma_semaphore, #tpu.memory_space<semaphore_mem>> -> memref<!tpu.dma_semaphore, #tpu.memory_space<semaphore_mem>>
    tpu.enqueue_indirect_dma source(%dma_start3A_16 : memref<10000x64xf32, #tpu.memory_space<hbm>>) target(%dma_start3A_10 : memref<125x64xf32, #tpu.memory_space<vmem>>) offsets(%dma_start3A_13 : memref<125xi32, #tpu.memory_space<vmem>>) semaphore(%dma_start3A_18 : memref<!tpu.dma_semaphore, #tpu.memory_space<semaphore_mem>>)
    %dma_start3A_19 = arith.constant 1 : i32
    %dma_start3A_20 = arith.constant 1 : i32
    %dma_start3A_21 = arith.constant 1 : i32
    %dma_start3A_22 = arith.constant 0 : i32
    %dma_start3A_23 = arith.constant 0 : i32
    %dma_start3A_24 = tpu.memref_slice %arg11[%dma_start3A_20, %dma_start3A_22, %dma_start3A_23] : memref<8x125x64xf32, #tpu.memory_space<vmem>> -> memref<1x125x64xf32, #tpu.memory_space<vmem>>
    %dma_start3A_25 = tpu.memref_squeeze %dma_start3A_24 : memref<1x125x64xf32, #tpu.memory_space<vmem>> -> memref<125x64xf32, #tpu.memory_space<vmem>>
    %dma_start3A_26 = arith.constant 0 : i32
    %dma_start3A_27 = tpu.memref_slice %arg9[%dma_start3A_19, %dma_start3A_26] : memref<80x125xi32, #tpu.memory_space<vmem>> -> memref<1x125xi32, #tpu.memory_space<vmem>>
    %dma_start3A_28 = tpu.memref_squeeze %dma_start3A_27 : memref<1x125xi32, #tpu.memory_space<vmem>> -> memref<125xi32, #tpu.memory_space<vmem>>
    %dma_start3A_29 = arith.constant 0 : i32
    %dma_start3A_30 = arith.constant 0 : i32
    %dma_start3A_31 = tpu.memref_slice %arg2[%dma_start3A_29, %dma_start3A_30] : memref<10000x64xf32, #tpu.memory_space<hbm>> -> memref<10000x64xf32, #tpu.memory_space<hbm>>
    %dma_start3A_32 = tpu.memref_slice %arg13[%dma_start3A_21] : memref<8x!tpu.dma_semaphore, #tpu.memory_space<semaphore_mem>> -> memref<1x!tpu.dma_semaphore, #tpu.memory_space<semaphore_mem>>
    %dma_start3A_33 = tpu.memref_squeeze %dma_start3A_32 : memref<1x!tpu.dma_semaphore, #tpu.memory_space<semaphore_mem>> -> memref<!tpu.dma_semaphore, #tpu.memory_space<semaphore_mem>>
    tpu.enqueue_indirect_dma source(%dma_start3A_31 : memref<10000x64xf32, #tpu.memory_space<hbm>>) target(%dma_start3A_25 : memref<125x64xf32, #tpu.memory_space<vmem>>) offsets(%dma_start3A_28 : memref<125xi32, #tpu.memory_space<vmem>>) semaphore(%dma_start3A_33 : memref<!tpu.dma_semaphore, #tpu.memory_space<semaphore_mem>>)
    %dma_start3A_34 = arith.constant 2 : i32
    %dma_start3A_35 = arith.constant 2 : i32
    %dma_start3A_36 = arith.constant 2 : i32
    %dma_start3A_37 = arith.constant 0 : i32
    %dma_start3A_38 = arith.constant 0 : i32
    %dma_start3A_39 = tpu.memref_slice %arg11[%dma_start3A_35, %dma_start3A_37, %dma_start3A_38] : memref<8x125x64xf32, #tpu.memory_space<vmem>> -> memref<1x125x64xf32, #tpu.memory_space<vmem>>
    %dma_start3A_40 = tpu.memref_squeeze %dma_start3A_39 : memref<1x125x64xf32, #tpu.memory_space<vmem>> -> memref<125x64xf32, #tpu.memory_space<vmem>>
    %dma_start3A_41 = arith.constant 0 : i32
    %dma_start3A_42 = tpu.memref_slice %arg9[%dma_start3A_34, %dma_start3A_41] : memref<80x125xi32, #tpu.memory_space<vmem>> -> memref<1x125xi32, #tpu.memory_space<vmem>>
    %dma_start3A_43 = tpu.memref_squeeze %dma_start3A_42 : memref<1x125xi32, #tpu.memory_space<vmem>> -> memref<125xi32, #tpu.memory_space<vmem>>
    %dma_start3A_44 = arith.constant 0 : i32
    %dma_start3A_45 = arith.constant 0 : i32
    %dma_start3A_46 = tpu.memref_slice %arg2[%dma_start3A_44, %dma_start3A_45] : memref<10000x64xf32, #tpu.memory_space<hbm>> -> memref<10000x64xf32, #tpu.memory_space<hbm>>
    %dma_start3A_47 = tpu.memref_slice %arg13[%dma_start3A_36] : memref<8x!tpu.dma_semaphore, #tpu.memory_space<semaphore_mem>> -> memref<1x!tpu.dma_semaphore, #tpu.memory_space<semaphore_mem>>
    %dma_start3A_48 = tpu.memref_squeeze %dma_start3A_47 : memref<1x!tpu.dma_semaphore, #tpu.memory_space<semaphore_mem>> -> memref<!tpu.dma_semaphore, #tpu.memory_space<semaphore_mem>>
    tpu.enqueue_indirect_dma source(%dma_start3A_46 : memref<10000x64xf32, #tpu.memory_space<hbm>>) target(%dma_start3A_40 : memref<125x64xf32, #tpu.memory_space<vmem>>) offsets(%dma_start3A_43 : memref<125xi32, #tpu.memory_space<vmem>>) semaphore(%dma_start3A_48 : memref<!tpu.dma_semaphore, #tpu.memory_space<semaphore_mem>>)
    %dma_start3A_49 = arith.constant 3 : i32
    %dma_start3A_50 = arith.constant 3 : i32
    %dma_start3A_51 = arith.constant 3 : i32
    %dma_start3A_52 = arith.constant 0 : i32
    %dma_start3A_53 = arith.constant 0 : i32
    %dma_start3A_54 = tpu.memref_slice %arg11[%dma_start3A_50, %dma_start3A_52, %dma_start3A_53] : memref<8x125x64xf32, #tpu.memory_space<vmem>> -> memref<1x125x64xf32, #tpu.memory_space<vmem>>
    %dma_start3A_55 = tpu.memref_squeeze %dma_start3A_54 : memref<1x125x64xf32, #tpu.memory_space<vmem>> -> memref<125x64xf32, #tpu.memory_space<vmem>>
    %dma_start3A_56 = arith.constant 0 : i32
    %dma_start3A_57 = tpu.memref_slice %arg9[%dma_start3A_49, %dma_start3A_56] : memref<80x125xi32, #tpu.memory_space<vmem>> -> memref<1x125xi32, #tpu.memory_space<vmem>>
    %dma_start3A_58 = tpu.memref_squeeze %dma_start3A_57 : memref<1x125xi32, #tpu.memory_space<vmem>> -> memref<125xi32, #tpu.memory_space<vmem>>
    %dma_start3A_59 = arith.constant 0 : i32
    %dma_start3A_60 = arith.constant 0 : i32
    %dma_start3A_61 = tpu.memref_slice %arg2[%dma_start3A_59, %dma_start3A_60] : memref<10000x64xf32, #tpu.memory_space<hbm>> -> memref<10000x64xf32, #tpu.memory_space<hbm>>
    %dma_start3A_62 = tpu.memref_slice %arg13[%dma_start3A_51] : memref<8x!tpu.dma_semaphore, #tpu.memory_space<semaphore_mem>> -> memref<1x!tpu.dma_semaphore, #tpu.memory_space<semaphore_mem>>
    %dma_start3A_63 = tpu.memref_squeeze %dma_start3A_62 : memref<1x!tpu.dma_semaphore, #tpu.memory_space<semaphore_mem>> -> memref<!tpu.dma_semaphore, #tpu.memory_space<semaphore_mem>>
    tpu.enqueue_indirect_dma source(%dma_start3A_61 : memref<10000x64xf32, #tpu.memory_space<hbm>>) target(%dma_start3A_55 : memref<125x64xf32, #tpu.memory_space<vmem>>) offsets(%dma_start3A_58 : memref<125xi32, #tpu.memory_space<vmem>>) semaphore(%dma_start3A_63 : memref<!tpu.dma_semaphore, #tpu.memory_space<semaphore_mem>>)
    %dma_start3A_64 = arith.constant 4 : i32
    %dma_start3A_65 = arith.constant 4 : i32
    %dma_start3A_66 = arith.constant 4 : i32
    %dma_start3A_67 = arith.constant 0 : i32
    %dma_start3A_68 = arith.constant 0 : i32
    %dma_start3A_69 = tpu.memref_slice %arg11[%dma_start3A_65, %dma_start3A_67, %dma_start3A_68] : memref<8x125x64xf32, #tpu.memory_space<vmem>> -> memref<1x125x64xf32, #tpu.memory_space<vmem>>
    %dma_start3A_70 = tpu.memref_squeeze %dma_start3A_69 : memref<1x125x64xf32, #tpu.memory_space<vmem>> -> memref<125x64xf32, #tpu.memory_space<vmem>>
    %dma_start3A_71 = arith.constant 0 : i32
    %dma_start3A_72 = tpu.memref_slice %arg9[%dma_start3A_64, %dma_start3A_71] : memref<80x125xi32, #tpu.memory_space<vmem>> -> memref<1x125xi32, #tpu.memory_space<vmem>>
    %dma_start3A_73 = tpu.memref_squeeze %dma_start3A_72 : memref<1x125xi32, #tpu.memory_space<vmem>> -> memref<125xi32, #tpu.memory_space<vmem>>
    %dma_start3A_74 = arith.constant 0 : i32
    %dma_start3A_75 = arith.constant 0 : i32
    %dma_start3A_76 = tpu.memref_slice %arg2[%dma_start3A_74, %dma_start3A_75] : memref<10000x64xf32, #tpu.memory_space<hbm>> -> memref<10000x64xf32, #tpu.memory_space<hbm>>
    %dma_start3A_77 = tpu.memref_slice %arg13[%dma_start3A_66] : memref<8x!tpu.dma_semaphore, #tpu.memory_space<semaphore_mem>> -> memref<1x!tpu.dma_semaphore, #tpu.memory_space<semaphore_mem>>
    %dma_start3A_78 = tpu.memref_squeeze %dma_start3A_77 : memref<1x!tpu.dma_semaphore, #tpu.memory_space<semaphore_mem>> -> memref<!tpu.dma_semaphore, #tpu.memory_space<semaphore_mem>>
    tpu.enqueue_indirect_dma source(%dma_start3A_76 : memref<10000x64xf32, #tpu.memory_space<hbm>>) target(%dma_start3A_70 : memref<125x64xf32, #tpu.memory_space<vmem>>) offsets(%dma_start3A_73 : memref<125xi32, #tpu.memory_space<vmem>>) semaphore(%dma_start3A_78 : memref<!tpu.dma_semaphore, #tpu.memory_space<semaphore_mem>>)
    %dma_start3A_79 = arith.constant 5 : i32
    %dma_start3A_80 = arith.constant 5 : i32
    %dma_start3A_81 = arith.constant 5 : i32
    %dma_start3A_82 = arith.constant 0 : i32
    %dma_start3A_83 = arith.constant 0 : i32
    %dma_start3A_84 = tpu.memref_slice %arg11[%dma_start3A_80, %dma_start3A_82, %dma_start3A_83] : memref<8x125x64xf32, #tpu.memory_space<vmem>> -> memref<1x125x64xf32, #tpu.memory_space<vmem>>
    %dma_start3A_85 = tpu.memref_squeeze %dma_start3A_84 : memref<1x125x64xf32, #tpu.memory_space<vmem>> -> memref<125x64xf32, #tpu.memory_space<vmem>>
    %dma_start3A_86 = arith.constant 0 : i32
    %dma_start3A_87 = tpu.memref_slice %arg9[%dma_start3A_79, %dma_start3A_86] : memref<80x125xi32, #tpu.memory_space<vmem>> -> memref<1x125xi32, #tpu.memory_space<vmem>>
    %dma_start3A_88 = tpu.memref_squeeze %dma_start3A_87 : memref<1x125xi32, #tpu.memory_space<vmem>> -> memref<125xi32, #tpu.memory_space<vmem>>
    %dma_start3A_89 = arith.constant 0 : i32
    %dma_start3A_90 = arith.constant 0 : i32
    %dma_start3A_91 = tpu.memref_slice %arg2[%dma_start3A_89, %dma_start3A_90] : memref<10000x64xf32, #tpu.memory_space<hbm>> -> memref<10000x64xf32, #tpu.memory_space<hbm>>
    %dma_start3A_92 = tpu.memref_slice %arg13[%dma_start3A_81] : memref<8x!tpu.dma_semaphore, #tpu.memory_space<semaphore_mem>> -> memref<1x!tpu.dma_semaphore, #tpu.memory_space<semaphore_mem>>
    %dma_start3A_93 = tpu.memref_squeeze %dma_start3A_92 : memref<1x!tpu.dma_semaphore, #tpu.memory_space<semaphore_mem>> -> memref<!tpu.dma_semaphore, #tpu.memory_space<semaphore_mem>>
    tpu.enqueue_indirect_dma source(%dma_start3A_91 : memref<10000x64xf32, #tpu.memory_space<hbm>>) target(%dma_start3A_85 : memref<125x64xf32, #tpu.memory_space<vmem>>) offsets(%dma_start3A_88 : memref<125xi32, #tpu.memory_space<vmem>>) semaphore(%dma_start3A_93 : memref<!tpu.dma_semaphore, #tpu.memory_space<semaphore_mem>>)
    %dma_start3A_94 = arith.constant 6 : i32
    %dma_start3A_95 = arith.constant 6 : i32
    %dma_start3A_96 = arith.constant 6 : i32
    %dma_start3A_97 = arith.constant 0 : i32
    %dma_start3A_98 = arith.constant 0 : i32
    %dma_start3A_99 = tpu.memref_slice %arg11[%dma_start3A_95, %dma_start3A_97, %dma_start3A_98] : memref<8x125x64xf32, #tpu.memory_space<vmem>> -> memref<1x125x64xf32, #tpu.memory_space<vmem>>
    %dma_start3A_100 = tpu.memref_squeeze %dma_start3A_99 : memref<1x125x64xf32, #tpu.memory_space<vmem>> -> memref<125x64xf32, #tpu.memory_space<vmem>>
    %dma_start3A_101 = arith.constant 0 : i32
    %dma_start3A_102 = tpu.memref_slice %arg9[%dma_start3A_94, %dma_start3A_101] : memref<80x125xi32, #tpu.memory_space<vmem>> -> memref<1x125xi32, #tpu.memory_space<vmem>>
    %dma_start3A_103 = tpu.memref_squeeze %dma_start3A_102 : memref<1x125xi32, #tpu.memory_space<vmem>> -> memref<125xi32, #tpu.memory_space<vmem>>
    %dma_start3A_104 = arith.constant 0 : i32
    %dma_start3A_105 = arith.constant 0 : i32
    %dma_start3A_106 = tpu.memref_slice %arg2[%dma_start3A_104, %dma_start3A_105] : memref<10000x64xf32, #tpu.memory_space<hbm>> -> memref<10000x64xf32, #tpu.memory_space<hbm>>
    %dma_start3A_107 = tpu.memref_slice %arg13[%dma_start3A_96] : memref<8x!tpu.dma_semaphore, #tpu.memory_space<semaphore_mem>> -> memref<1x!tpu.dma_semaphore, #tpu.memory_space<semaphore_mem>>
    %dma_start3A_108 = tpu.memref_squeeze %dma_start3A_107 : memref<1x!tpu.dma_semaphore, #tpu.memory_space<semaphore_mem>> -> memref<!tpu.dma_semaphore, #tpu.memory_space<semaphore_mem>>
    tpu.enqueue_indirect_dma source(%dma_start3A_106 : memref<10000x64xf32, #tpu.memory_space<hbm>>) target(%dma_start3A_100 : memref<125x64xf32, #tpu.memory_space<vmem>>) offsets(%dma_start3A_103 : memref<125xi32, #tpu.memory_space<vmem>>) semaphore(%dma_start3A_108 : memref<!tpu.dma_semaphore, #tpu.memory_space<semaphore_mem>>)
    %dma_start3A_109 = arith.constant 7 : i32
    %dma_start3A_110 = arith.constant 7 : i32
    %dma_start3A_111 = arith.constant 7 : i32
    %dma_start3A_112 = arith.constant 0 : i32
    %dma_start3A_113 = arith.constant 0 : i32
    %dma_start3A_114 = tpu.memref_slice %arg11[%dma_start3A_110, %dma_start3A_112, %dma_start3A_113] : memref<8x125x64xf32, #tpu.memory_space<vmem>> -> memref<1x125x64xf32, #tpu.memory_space<vmem>>
    %dma_start3A_115 = tpu.memref_squeeze %dma_start3A_114 : memref<1x125x64xf32, #tpu.memory_space<vmem>> -> memref<125x64xf32, #tpu.memory_space<vmem>>
    %dma_start3A_116 = arith.constant 0 : i32
    %dma_start3A_117 = tpu.memref_slice %arg9[%dma_start3A_109, %dma_start3A_116] : memref<80x125xi32, #tpu.memory_space<vmem>> -> memref<1x125xi32, #tpu.memory_space<vmem>>
    %dma_start3A_118 = tpu.memref_squeeze %dma_start3A_117 : memref<1x125xi32, #tpu.memory_space<vmem>> -> memref<125xi32, #tpu.memory_space<vmem>>
    %dma_start3A_119 = arith.constant 0 : i32
    %dma_start3A_120 = arith.constant 0 : i32
    %dma_start3A_121 = tpu.memref_slice %arg2[%dma_start3A_119, %dma_start3A_120] : memref<10000x64xf32, #tpu.memory_space<hbm>> -> memref<10000x64xf32, #tpu.memory_space<hbm>>
    %dma_start3A_122 = tpu.memref_slice %arg13[%dma_start3A_111] : memref<8x!tpu.dma_semaphore, #tpu.memory_space<semaphore_mem>> -> memref<1x!tpu.dma_semaphore, #tpu.memory_space<semaphore_mem>>
    %dma_start3A_123 = tpu.memref_squeeze %dma_start3A_122 : memref<1x!tpu.dma_semaphore, #tpu.memory_space<semaphore_mem>> -> memref<!tpu.dma_semaphore, #tpu.memory_space<semaphore_mem>>
    tpu.enqueue_indirect_dma source(%dma_start3A_121 : memref<10000x64xf32, #tpu.memory_space<hbm>>) target(%dma_start3A_115 : memref<125x64xf32, #tpu.memory_space<vmem>>) offsets(%dma_start3A_118 : memref<125xi32, #tpu.memory_space<vmem>>) semaphore(%dma_start3A_123 : memref<!tpu.dma_semaphore, #tpu.memory_space<semaphore_mem>>)
    %scan3A = arith.constant 0 : i32
    %scan3A_124 = arith.constant 0 : i32
    %scan3A_125 = arith.constant 10 : i32
    %scan3A_126 = arith.addi %scan3A_124, %scan3A_125 : i32
    %scan3A_127 = arith.constant 1 : i32
    %scan3A_128 = scf.for %scan3A_272 = %scan3A_124 to %scan3A_126 step %scan3A_127 iter_args(%scan3A_273 = %scan3A) -> (i32)  : i32 {
      %mul3A_274 = arith.constant 8 : i32
      %mul3A_275 = arith.muli %scan3A_272, %mul3A_274 : i32
      %add3A_276 = arith.constant 0 : i32
      %add3A_277 = arith.addi %mul3A_275, %add3A_276 : i32
      %dma_wait3A = arith.constant 0 : i32
      %dma_wait3A_278 = arith.constant 0 : i32
      %dma_wait3A_279 = arith.constant 0 : i32
      %dma_wait3A_280 = arith.constant 0 : i32
      %dma_wait3A_281 = tpu.memref_slice %arg11[%dma_wait3A, %dma_wait3A_279, %dma_wait3A_280] : memref<8x125x64xf32, #tpu.memory_space<vmem>> -> memref<1x125x64xf32, #tpu.memory_space<vmem>>
      %dma_wait3A_282 = tpu.memref_squeeze %dma_wait3A_281 : memref<1x125x64xf32, #tpu.memory_space<vmem>> -> memref<125x64xf32, #tpu.memory_space<vmem>>
      %dma_wait3A_283 = arith.constant 0 : i32
      %dma_wait3A_284 = tpu.memref_slice %arg9[%add3A_277, %dma_wait3A_283] : memref<80x125xi32, #tpu.memory_space<vmem>> -> memref<1x125xi32, #tpu.memory_space<vmem>>
      %dma_wait3A_285 = tpu.memref_squeeze %dma_wait3A_284 : memref<1x125xi32, #tpu.memory_space<vmem>> -> memref<125xi32, #tpu.memory_space<vmem>>
      %dma_wait3A_286 = arith.constant 0 : i32
      %dma_wait3A_287 = arith.constant 0 : i32
      %dma_wait3A_288 = tpu.memref_slice %arg2[%dma_wait3A_286, %dma_wait3A_287] : memref<10000x64xf32, #tpu.memory_space<hbm>> -> memref<10000x64xf32, #tpu.memory_space<hbm>>
      %dma_wait3A_289 = tpu.memref_slice %arg13[%dma_wait3A_278] : memref<8x!tpu.dma_semaphore, #tpu.memory_space<semaphore_mem>> -> memref<1x!tpu.dma_semaphore, #tpu.memory_space<semaphore_mem>>
      %dma_wait3A_290 = tpu.memref_squeeze %dma_wait3A_289 : memref<1x!tpu.dma_semaphore, #tpu.memory_space<semaphore_mem>> -> memref<!tpu.dma_semaphore, #tpu.memory_space<semaphore_mem>>
      tpu.wait_indirect_dma semaphore(%dma_wait3A_290 : memref<!tpu.dma_semaphore, #tpu.memory_space<semaphore_mem>>) src(%dma_wait3A_288 : memref<10000x64xf32, #tpu.memory_space<hbm>>) dst(%dma_wait3A_282 : memref<125x64xf32, #tpu.memory_space<vmem>>)
      %add3A_291 = arith.constant 0 : i32
      %add3A_292 = arith.addi %mul3A_275, %add3A_291 : i32
      %dma_start3A_293 = arith.constant 0 : i32
      %dma_start3A_294 = arith.constant 0 : i32
      %dma_start3A_295 = arith.constant 0 : i32
      %dma_start3A_296 = arith.constant 0 : i32
      %dma_start3A_297 = tpu.memref_slice %arg11[%dma_start3A_293, %dma_start3A_295, %dma_start3A_296] : memref<8x125x64xf32, #tpu.memory_space<vmem>> -> memref<1x125x64xf32, #tpu.memory_space<vmem>>
      %dma_start3A_298 = tpu.memref_squeeze %dma_start3A_297 : memref<1x125x64xf32, #tpu.memory_space<vmem>> -> memref<125x64xf32, #tpu.memory_space<vmem>>
      %dma_start3A_299 = arith.constant 0 : i32
      %dma_start3A_300 = tpu.memref_slice %arg10[%add3A_292, %dma_start3A_299] : memref<80x125xi32, #tpu.memory_space<vmem>> -> memref<1x125xi32, #tpu.memory_space<vmem>>
      %dma_start3A_301 = tpu.memref_squeeze %dma_start3A_300 : memref<1x125xi32, #tpu.memory_space<vmem>> -> memref<125xi32, #tpu.memory_space<vmem>>
      %dma_start3A_302 = arith.constant 0 : i32
      %dma_start3A_303 = arith.constant 0 : i32
      %dma_start3A_304 = tpu.memref_slice %arg12[%dma_start3A_302, %dma_start3A_303] : memref<10240x64xf32, #tpu.memory_space<vmem_shared>> -> memref<10240x64xf32, #tpu.memory_space<vmem_shared>>
      %dma_start3A_305 = tpu.memref_slice %arg14[%dma_start3A_294] : memref<8x!tpu.dma_semaphore, #tpu.memory_space<semaphore_mem>> -> memref<1x!tpu.dma_semaphore, #tpu.memory_space<semaphore_mem>>
      %dma_start3A_306 = tpu.memref_squeeze %dma_start3A_305 : memref<1x!tpu.dma_semaphore, #tpu.memory_space<semaphore_mem>> -> memref<!tpu.dma_semaphore, #tpu.memory_space<semaphore_mem>>
      tpu.enqueue_indirect_dma source(%dma_start3A_298 : memref<125x64xf32, #tpu.memory_space<vmem>>) target(%dma_start3A_304 : memref<10240x64xf32, #tpu.memory_space<vmem_shared>>) offsets(%dma_start3A_301 : memref<125xi32, #tpu.memory_space<vmem>>) semaphore(%dma_start3A_306 : memref<!tpu.dma_semaphore, #tpu.memory_space<semaphore_mem>>) {add = true}
      %add3A_307 = arith.constant 1 : i32
      %add3A_308 = arith.addi %mul3A_275, %add3A_307 : i32
      %dma_wait3A_309 = arith.constant 1 : i32
      %dma_wait3A_310 = arith.constant 1 : i32
      %dma_wait3A_311 = arith.constant 0 : i32
      %dma_wait3A_312 = arith.constant 0 : i32
      %dma_wait3A_313 = tpu.memref_slice %arg11[%dma_wait3A_309, %dma_wait3A_311, %dma_wait3A_312] : memref<8x125x64xf32, #tpu.memory_space<vmem>> -> memref<1x125x64xf32, #tpu.memory_space<vmem>>
      %dma_wait3A_314 = tpu.memref_squeeze %dma_wait3A_313 : memref<1x125x64xf32, #tpu.memory_space<vmem>> -> memref<125x64xf32, #tpu.memory_space<vmem>>
      %dma_wait3A_315 = arith.constant 0 : i32
      %dma_wait3A_316 = tpu.memref_slice %arg9[%add3A_308, %dma_wait3A_315] : memref<80x125xi32, #tpu.memory_space<vmem>> -> memref<1x125xi32, #tpu.memory_space<vmem>>
      %dma_wait3A_317 = tpu.memref_squeeze %dma_wait3A_316 : memref<1x125xi32, #tpu.memory_space<vmem>> -> memref<125xi32, #tpu.memory_space<vmem>>
      %dma_wait3A_318 = arith.constant 0 : i32
      %dma_wait3A_319 = arith.constant 0 : i32
      %dma_wait3A_320 = tpu.memref_slice %arg2[%dma_wait3A_318, %dma_wait3A_319] : memref<10000x64xf32, #tpu.memory_space<hbm>> -> memref<10000x64xf32, #tpu.memory_space<hbm>>
      %dma_wait3A_321 = tpu.memref_slice %arg13[%dma_wait3A_310] : memref<8x!tpu.dma_semaphore, #tpu.memory_space<semaphore_mem>> -> memref<1x!tpu.dma_semaphore, #tpu.memory_space<semaphore_mem>>
      %dma_wait3A_322 = tpu.memref_squeeze %dma_wait3A_321 : memref<1x!tpu.dma_semaphore, #tpu.memory_space<semaphore_mem>> -> memref<!tpu.dma_semaphore, #tpu.memory_space<semaphore_mem>>
      tpu.wait_indirect_dma semaphore(%dma_wait3A_322 : memref<!tpu.dma_semaphore, #tpu.memory_space<semaphore_mem>>) src(%dma_wait3A_320 : memref<10000x64xf32, #tpu.memory_space<hbm>>) dst(%dma_wait3A_314 : memref<125x64xf32, #tpu.memory_space<vmem>>)
      %add3A_323 = arith.constant 1 : i32
      %add3A_324 = arith.addi %mul3A_275, %add3A_323 : i32
      %dma_start3A_325 = arith.constant 1 : i32
      %dma_start3A_326 = arith.constant 1 : i32
      %dma_start3A_327 = arith.constant 0 : i32
      %dma_start3A_328 = arith.constant 0 : i32
      %dma_start3A_329 = tpu.memref_slice %arg11[%dma_start3A_325, %dma_start3A_327, %dma_start3A_328] : memref<8x125x64xf32, #tpu.memory_space<vmem>> -> memref<1x125x64xf32, #tpu.memory_space<vmem>>
      %dma_start3A_330 = tpu.memref_squeeze %dma_start3A_329 : memref<1x125x64xf32, #tpu.memory_space<vmem>> -> memref<125x64xf32, #tpu.memory_space<vmem>>
      %dma_start3A_331 = arith.constant 0 : i32
      %dma_start3A_332 = tpu.memref_slice %arg10[%add3A_324, %dma_start3A_331] : memref<80x125xi32, #tpu.memory_space<vmem>> -> memref<1x125xi32, #tpu.memory_space<vmem>>
      %dma_start3A_333 = tpu.memref_squeeze %dma_start3A_332 : memref<1x125xi32, #tpu.memory_space<vmem>> -> memref<125xi32, #tpu.memory_space<vmem>>
      %dma_start3A_334 = arith.constant 0 : i32
      %dma_start3A_335 = arith.constant 0 : i32
      %dma_start3A_336 = tpu.memref_slice %arg12[%dma_start3A_334, %dma_start3A_335] : memref<10240x64xf32, #tpu.memory_space<vmem_shared>> -> memref<10240x64xf32, #tpu.memory_space<vmem_shared>>
      %dma_start3A_337 = tpu.memref_slice %arg14[%dma_start3A_326] : memref<8x!tpu.dma_semaphore, #tpu.memory_space<semaphore_mem>> -> memref<1x!tpu.dma_semaphore, #tpu.memory_space<semaphore_mem>>
      %dma_start3A_338 = tpu.memref_squeeze %dma_start3A_337 : memref<1x!tpu.dma_semaphore, #tpu.memory_space<semaphore_mem>> -> memref<!tpu.dma_semaphore, #tpu.memory_space<semaphore_mem>>
      tpu.enqueue_indirect_dma source(%dma_start3A_330 : memref<125x64xf32, #tpu.memory_space<vmem>>) target(%dma_start3A_336 : memref<10240x64xf32, #tpu.memory_space<vmem_shared>>) offsets(%dma_start3A_333 : memref<125xi32, #tpu.memory_space<vmem>>) semaphore(%dma_start3A_338 : memref<!tpu.dma_semaphore, #tpu.memory_space<semaphore_mem>>) {add = true}
      %add3A_339 = arith.constant 2 : i32
      %add3A_340 = arith.addi %mul3A_275, %add3A_339 : i32
      %dma_wait3A_341 = arith.constant 2 : i32
      %dma_wait3A_342 = arith.constant 2 : i32
      %dma_wait3A_343 = arith.constant 0 : i32
      %dma_wait3A_344 = arith.constant 0 : i32
      %dma_wait3A_345 = tpu.memref_slice %arg11[%dma_wait3A_341, %dma_wait3A_343, %dma_wait3A_344] : memref<8x125x64xf32, #tpu.memory_space<vmem>> -> memref<1x125x64xf32, #tpu.memory_space<vmem>>
      %dma_wait3A_346 = tpu.memref_squeeze %dma_wait3A_345 : memref<1x125x64xf32, #tpu.memory_space<vmem>> -> memref<125x64xf32, #tpu.memory_space<vmem>>
      %dma_wait3A_347 = arith.constant 0 : i32
      %dma_wait3A_348 = tpu.memref_slice %arg9[%add3A_340, %dma_wait3A_347] : memref<80x125xi32, #tpu.memory_space<vmem>> -> memref<1x125xi32, #tpu.memory_space<vmem>>
      %dma_wait3A_349 = tpu.memref_squeeze %dma_wait3A_348 : memref<1x125xi32, #tpu.memory_space<vmem>> -> memref<125xi32, #tpu.memory_space<vmem>>
      %dma_wait3A_350 = arith.constant 0 : i32
      %dma_wait3A_351 = arith.constant 0 : i32
      %dma_wait3A_352 = tpu.memref_slice %arg2[%dma_wait3A_350, %dma_wait3A_351] : memref<10000x64xf32, #tpu.memory_space<hbm>> -> memref<10000x64xf32, #tpu.memory_space<hbm>>
      %dma_wait3A_353 = tpu.memref_slice %arg13[%dma_wait3A_342] : memref<8x!tpu.dma_semaphore, #tpu.memory_space<semaphore_mem>> -> memref<1x!tpu.dma_semaphore, #tpu.memory_space<semaphore_mem>>
      %dma_wait3A_354 = tpu.memref_squeeze %dma_wait3A_353 : memref<1x!tpu.dma_semaphore, #tpu.memory_space<semaphore_mem>> -> memref<!tpu.dma_semaphore, #tpu.memory_space<semaphore_mem>>
      tpu.wait_indirect_dma semaphore(%dma_wait3A_354 : memref<!tpu.dma_semaphore, #tpu.memory_space<semaphore_mem>>) src(%dma_wait3A_352 : memref<10000x64xf32, #tpu.memory_space<hbm>>) dst(%dma_wait3A_346 : memref<125x64xf32, #tpu.memory_space<vmem>>)
      %add3A_355 = arith.constant 2 : i32
      %add3A_356 = arith.addi %mul3A_275, %add3A_355 : i32
      %dma_start3A_357 = arith.constant 2 : i32
      %dma_start3A_358 = arith.constant 2 : i32
      %dma_start3A_359 = arith.constant 0 : i32
      %dma_start3A_360 = arith.constant 0 : i32
      %dma_start3A_361 = tpu.memref_slice %arg11[%dma_start3A_357, %dma_start3A_359, %dma_start3A_360] : memref<8x125x64xf32, #tpu.memory_space<vmem>> -> memref<1x125x64xf32, #tpu.memory_space<vmem>>
      %dma_start3A_362 = tpu.memref_squeeze %dma_start3A_361 : memref<1x125x64xf32, #tpu.memory_space<vmem>> -> memref<125x64xf32, #tpu.memory_space<vmem>>
      %dma_start3A_363 = arith.constant 0 : i32
      %dma_start3A_364 = tpu.memref_slice %arg10[%add3A_356, %dma_start3A_363] : memref<80x125xi32, #tpu.memory_space<vmem>> -> memref<1x125xi32, #tpu.memory_space<vmem>>
      %dma_start3A_365 = tpu.memref_squeeze %dma_start3A_364 : memref<1x125xi32, #tpu.memory_space<vmem>> -> memref<125xi32, #tpu.memory_space<vmem>>
      %dma_start3A_366 = arith.constant 0 : i32
      %dma_start3A_367 = arith.constant 0 : i32
      %dma_start3A_368 = tpu.memref_slice %arg12[%dma_start3A_366, %dma_start3A_367] : memref<10240x64xf32, #tpu.memory_space<vmem_shared>> -> memref<10240x64xf32, #tpu.memory_space<vmem_shared>>
      %dma_start3A_369 = tpu.memref_slice %arg14[%dma_start3A_358] : memref<8x!tpu.dma_semaphore, #tpu.memory_space<semaphore_mem>> -> memref<1x!tpu.dma_semaphore, #tpu.memory_space<semaphore_mem>>
      %dma_start3A_370 = tpu.memref_squeeze %dma_start3A_369 : memref<1x!tpu.dma_semaphore, #tpu.memory_space<semaphore_mem>> -> memref<!tpu.dma_semaphore, #tpu.memory_space<semaphore_mem>>
      tpu.enqueue_indirect_dma source(%dma_start3A_362 : memref<125x64xf32, #tpu.memory_space<vmem>>) target(%dma_start3A_368 : memref<10240x64xf32, #tpu.memory_space<vmem_shared>>) offsets(%dma_start3A_365 : memref<125xi32, #tpu.memory_space<vmem>>) semaphore(%dma_start3A_370 : memref<!tpu.dma_semaphore, #tpu.memory_space<semaphore_mem>>) {add = true}
      %add3A_371 = arith.constant 3 : i32
      %add3A_372 = arith.addi %mul3A_275, %add3A_371 : i32
      %dma_wait3A_373 = arith.constant 3 : i32
      %dma_wait3A_374 = arith.constant 3 : i32
      %dma_wait3A_375 = arith.constant 0 : i32
      %dma_wait3A_376 = arith.constant 0 : i32
      %dma_wait3A_377 = tpu.memref_slice %arg11[%dma_wait3A_373, %dma_wait3A_375, %dma_wait3A_376] : memref<8x125x64xf32, #tpu.memory_space<vmem>> -> memref<1x125x64xf32, #tpu.memory_space<vmem>>
      %dma_wait3A_378 = tpu.memref_squeeze %dma_wait3A_377 : memref<1x125x64xf32, #tpu.memory_space<vmem>> -> memref<125x64xf32, #tpu.memory_space<vmem>>
      %dma_wait3A_379 = arith.constant 0 : i32
      %dma_wait3A_380 = tpu.memref_slice %arg9[%add3A_372, %dma_wait3A_379] : memref<80x125xi32, #tpu.memory_space<vmem>> -> memref<1x125xi32, #tpu.memory_space<vmem>>
      %dma_wait3A_381 = tpu.memref_squeeze %dma_wait3A_380 : memref<1x125xi32, #tpu.memory_space<vmem>> -> memref<125xi32, #tpu.memory_space<vmem>>
      %dma_wait3A_382 = arith.constant 0 : i32
      %dma_wait3A_383 = arith.constant 0 : i32
      %dma_wait3A_384 = tpu.memref_slice %arg2[%dma_wait3A_382, %dma_wait3A_383] : memref<10000x64xf32, #tpu.memory_space<hbm>> -> memref<10000x64xf32, #tpu.memory_space<hbm>>
      %dma_wait3A_385 = tpu.memref_slice %arg13[%dma_wait3A_374] : memref<8x!tpu.dma_semaphore, #tpu.memory_space<semaphore_mem>> -> memref<1x!tpu.dma_semaphore, #tpu.memory_space<semaphore_mem>>
      %dma_wait3A_386 = tpu.memref_squeeze %dma_wait3A_385 : memref<1x!tpu.dma_semaphore, #tpu.memory_space<semaphore_mem>> -> memref<!tpu.dma_semaphore, #tpu.memory_space<semaphore_mem>>
      tpu.wait_indirect_dma semaphore(%dma_wait3A_386 : memref<!tpu.dma_semaphore, #tpu.memory_space<semaphore_mem>>) src(%dma_wait3A_384 : memref<10000x64xf32, #tpu.memory_space<hbm>>) dst(%dma_wait3A_378 : memref<125x64xf32, #tpu.memory_space<vmem>>)
      %add3A_387 = arith.constant 3 : i32
      %add3A_388 = arith.addi %mul3A_275, %add3A_387 : i32
      %dma_start3A_389 = arith.constant 3 : i32
      %dma_start3A_390 = arith.constant 3 : i32
      %dma_start3A_391 = arith.constant 0 : i32
      %dma_start3A_392 = arith.constant 0 : i32
      %dma_start3A_393 = tpu.memref_slice %arg11[%dma_start3A_389, %dma_start3A_391, %dma_start3A_392] : memref<8x125x64xf32, #tpu.memory_space<vmem>> -> memref<1x125x64xf32, #tpu.memory_space<vmem>>
      %dma_start3A_394 = tpu.memref_squeeze %dma_start3A_393 : memref<1x125x64xf32, #tpu.memory_space<vmem>> -> memref<125x64xf32, #tpu.memory_space<vmem>>
      %dma_start3A_395 = arith.constant 0 : i32
      %dma_start3A_396 = tpu.memref_slice %arg10[%add3A_388, %dma_start3A_395] : memref<80x125xi32, #tpu.memory_space<vmem>> -> memref<1x125xi32, #tpu.memory_space<vmem>>
      %dma_start3A_397 = tpu.memref_squeeze %dma_start3A_396 : memref<1x125xi32, #tpu.memory_space<vmem>> -> memref<125xi32, #tpu.memory_space<vmem>>
      %dma_start3A_398 = arith.constant 0 : i32
      %dma_start3A_399 = arith.constant 0 : i32
      %dma_start3A_400 = tpu.memref_slice %arg12[%dma_start3A_398, %dma_start3A_399] : memref<10240x64xf32, #tpu.memory_space<vmem_shared>> -> memref<10240x64xf32, #tpu.memory_space<vmem_shared>>
      %dma_start3A_401 = tpu.memref_slice %arg14[%dma_start3A_390] : memref<8x!tpu.dma_semaphore, #tpu.memory_space<semaphore_mem>> -> memref<1x!tpu.dma_semaphore, #tpu.memory_space<semaphore_mem>>
      %dma_start3A_402 = tpu.memref_squeeze %dma_start3A_401 : memref<1x!tpu.dma_semaphore, #tpu.memory_space<semaphore_mem>> -> memref<!tpu.dma_semaphore, #tpu.memory_space<semaphore_mem>>
      tpu.enqueue_indirect_dma source(%dma_start3A_394 : memref<125x64xf32, #tpu.memory_space<vmem>>) target(%dma_start3A_400 : memref<10240x64xf32, #tpu.memory_space<vmem_shared>>) offsets(%dma_start3A_397 : memref<125xi32, #tpu.memory_space<vmem>>) semaphore(%dma_start3A_402 : memref<!tpu.dma_semaphore, #tpu.memory_space<semaphore_mem>>) {add = true}
      %add3A_403 = arith.constant 0 : i32
      %add3A_404 = arith.addi %mul3A_275, %add3A_403 : i32
      %dma_wait3A_405 = arith.constant 0 : i32
      %dma_wait3A_406 = arith.constant 0 : i32
      %dma_wait3A_407 = arith.constant 0 : i32
      %dma_wait3A_408 = arith.constant 0 : i32
      %dma_wait3A_409 = tpu.memref_slice %arg11[%dma_wait3A_405, %dma_wait3A_407, %dma_wait3A_408] : memref<8x125x64xf32, #tpu.memory_space<vmem>> -> memref<1x125x64xf32, #tpu.memory_space<vmem>>
      %dma_wait3A_410 = tpu.memref_squeeze %dma_wait3A_409 : memref<1x125x64xf32, #tpu.memory_space<vmem>> -> memref<125x64xf32, #tpu.memory_space<vmem>>
      %dma_wait3A_411 = arith.constant 0 : i32
      %dma_wait3A_412 = tpu.memref_slice %arg10[%add3A_404, %dma_wait3A_411] : memref<80x125xi32, #tpu.memory_space<vmem>> -> memref<1x125xi32, #tpu.memory_space<vmem>>
      %dma_wait3A_413 = tpu.memref_squeeze %dma_wait3A_412 : memref<1x125xi32, #tpu.memory_space<vmem>> -> memref<125xi32, #tpu.memory_space<vmem>>
      %dma_wait3A_414 = arith.constant 0 : i32
      %dma_wait3A_415 = arith.constant 0 : i32
      %dma_wait3A_416 = tpu.memref_slice %arg12[%dma_wait3A_414, %dma_wait3A_415] : memref<10240x64xf32, #tpu.memory_space<vmem_shared>> -> memref<10240x64xf32, #tpu.memory_space<vmem_shared>>
      %dma_wait3A_417 = tpu.memref_slice %arg14[%dma_wait3A_406] : memref<8x!tpu.dma_semaphore, #tpu.memory_space<semaphore_mem>> -> memref<1x!tpu.dma_semaphore, #tpu.memory_space<semaphore_mem>>
      %dma_wait3A_418 = tpu.memref_squeeze %dma_wait3A_417 : memref<1x!tpu.dma_semaphore, #tpu.memory_space<semaphore_mem>> -> memref<!tpu.dma_semaphore, #tpu.memory_space<semaphore_mem>>
      tpu.wait_indirect_dma semaphore(%dma_wait3A_418 : memref<!tpu.dma_semaphore, #tpu.memory_space<semaphore_mem>>) src(%dma_wait3A_410 : memref<125x64xf32, #tpu.memory_space<vmem>>) dst(%dma_wait3A_416 : memref<10240x64xf32, #tpu.memory_space<vmem_shared>>)
      %add3A_419 = arith.constant 0 : i32
      %add3A_420 = arith.addi %mul3A_275, %add3A_419 : i32
      %add3A_421 = arith.constant 8 : i32
      %add3A_422 = arith.addi %add3A_420, %add3A_421 : i32
      %lt3A = arith.constant 80 : i32
      %lt3A_423 = arith.cmpi slt, %add3A_422, %lt3A : i32
      %convert_element_type3A = arith.extui %lt3A_423 : i1 to i32
      %cond3A = arith.constant 0 : i32
      %cond3A_424 = arith.cmpi ne, %convert_element_type3A, %cond3A : i32
      scf.if %cond3A_424 {
        %add3A_729 = arith.constant 0 : i32
        %add3A_730 = arith.addi %mul3A_275, %add3A_729 : i32
        %add3A_731 = arith.constant 8 : i32
        %add3A_732 = arith.addi %add3A_730, %add3A_731 : i32
        %dma_start3A_733 = arith.constant 0 : i32
        %dma_start3A_734 = arith.constant 0 : i32
        %dma_start3A_735 = arith.constant 0 : i32
        %dma_start3A_736 = arith.constant 0 : i32
        %dma_start3A_737 = tpu.memref_slice %arg11[%dma_start3A_733, %dma_start3A_735, %dma_start3A_736] : memref<8x125x64xf32, #tpu.memory_space<vmem>> -> memref<1x125x64xf32, #tpu.memory_space<vmem>>
        %dma_start3A_738 = tpu.memref_squeeze %dma_start3A_737 : memref<1x125x64xf32, #tpu.memory_space<vmem>> -> memref<125x64xf32, #tpu.memory_space<vmem>>
        %dma_start3A_739 = arith.constant 0 : i32
        %dma_start3A_740 = tpu.memref_slice %arg9[%add3A_732, %dma_start3A_739] : memref<80x125xi32, #tpu.memory_space<vmem>> -> memref<1x125xi32, #tpu.memory_space<vmem>>
        %dma_start3A_741 = tpu.memref_squeeze %dma_start3A_740 : memref<1x125xi32, #tpu.memory_space<vmem>> -> memref<125xi32, #tpu.memory_space<vmem>>
        %dma_start3A_742 = arith.constant 0 : i32
        %dma_start3A_743 = arith.constant 0 : i32
        %dma_start3A_744 = tpu.memref_slice %arg2[%dma_start3A_742, %dma_start3A_743] : memref<10000x64xf32, #tpu.memory_space<hbm>> -> memref<10000x64xf32, #tpu.memory_space<hbm>>
        %dma_start3A_745 = tpu.memref_slice %arg13[%dma_start3A_734] : memref<8x!tpu.dma_semaphore, #tpu.memory_space<semaphore_mem>> -> memref<1x!tpu.dma_semaphore, #tpu.memory_space<semaphore_mem>>
        %dma_start3A_746 = tpu.memref_squeeze %dma_start3A_745 : memref<1x!tpu.dma_semaphore, #tpu.memory_space<semaphore_mem>> -> memref<!tpu.dma_semaphore, #tpu.memory_space<semaphore_mem>>
        tpu.enqueue_indirect_dma source(%dma_start3A_744 : memref<10000x64xf32, #tpu.memory_space<hbm>>) target(%dma_start3A_738 : memref<125x64xf32, #tpu.memory_space<vmem>>) offsets(%dma_start3A_741 : memref<125xi32, #tpu.memory_space<vmem>>) semaphore(%dma_start3A_746 : memref<!tpu.dma_semaphore, #tpu.memory_space<semaphore_mem>>)
      } else {
      }
      %add3A_425 = arith.constant 1 : i32
      %add3A_426 = arith.addi %mul3A_275, %add3A_425 : i32
      %dma_wait3A_427 = arith.constant 1 : i32
      %dma_wait3A_428 = arith.constant 1 : i32
      %dma_wait3A_429 = arith.constant 0 : i32
      %dma_wait3A_430 = arith.constant 0 : i32
      %dma_wait3A_431 = tpu.memref_slice %arg11[%dma_wait3A_427, %dma_wait3A_429, %dma_wait3A_430] : memref<8x125x64xf32, #tpu.memory_space<vmem>> -> memref<1x125x64xf32, #tpu.memory_space<vmem>>
      %dma_wait3A_432 = tpu.memref_squeeze %dma_wait3A_431 : memref<1x125x64xf32, #tpu.memory_space<vmem>> -> memref<125x64xf32, #tpu.memory_space<vmem>>
      %dma_wait3A_433 = arith.constant 0 : i32
      %dma_wait3A_434 = tpu.memref_slice %arg10[%add3A_426, %dma_wait3A_433] : memref<80x125xi32, #tpu.memory_space<vmem>> -> memref<1x125xi32, #tpu.memory_space<vmem>>
      %dma_wait3A_435 = tpu.memref_squeeze %dma_wait3A_434 : memref<1x125xi32, #tpu.memory_space<vmem>> -> memref<125xi32, #tpu.memory_space<vmem>>
      %dma_wait3A_436 = arith.constant 0 : i32
      %dma_wait3A_437 = arith.constant 0 : i32
      %dma_wait3A_438 = tpu.memref_slice %arg12[%dma_wait3A_436, %dma_wait3A_437] : memref<10240x64xf32, #tpu.memory_space<vmem_shared>> -> memref<10240x64xf32, #tpu.memory_space<vmem_shared>>
      %dma_wait3A_439 = tpu.memref_slice %arg14[%dma_wait3A_428] : memref<8x!tpu.dma_semaphore, #tpu.memory_space<semaphore_mem>> -> memref<1x!tpu.dma_semaphore, #tpu.memory_space<semaphore_mem>>
      %dma_wait3A_440 = tpu.memref_squeeze %dma_wait3A_439 : memref<1x!tpu.dma_semaphore, #tpu.memory_space<semaphore_mem>> -> memref<!tpu.dma_semaphore, #tpu.memory_space<semaphore_mem>>
      tpu.wait_indirect_dma semaphore(%dma_wait3A_440 : memref<!tpu.dma_semaphore, #tpu.memory_space<semaphore_mem>>) src(%dma_wait3A_432 : memref<125x64xf32, #tpu.memory_space<vmem>>) dst(%dma_wait3A_438 : memref<10240x64xf32, #tpu.memory_space<vmem_shared>>)
      %add3A_441 = arith.constant 1 : i32
      %add3A_442 = arith.addi %mul3A_275, %add3A_441 : i32
      %add3A_443 = arith.constant 8 : i32
      %add3A_444 = arith.addi %add3A_442, %add3A_443 : i32
      %lt3A_445 = arith.constant 80 : i32
      %lt3A_446 = arith.cmpi slt, %add3A_444, %lt3A_445 : i32
      %convert_element_type3A_447 = arith.extui %lt3A_446 : i1 to i32
      %cond3A_448 = arith.constant 0 : i32
      %cond3A_449 = arith.cmpi ne, %convert_element_type3A_447, %cond3A_448 : i32
      scf.if %cond3A_449 {
        %add3A_729 = arith.constant 1 : i32
        %add3A_730 = arith.addi %mul3A_275, %add3A_729 : i32
        %add3A_731 = arith.constant 8 : i32
        %add3A_732 = arith.addi %add3A_730, %add3A_731 : i32
        %dma_start3A_733 = arith.constant 1 : i32
        %dma_start3A_734 = arith.constant 1 : i32
        %dma_start3A_735 = arith.constant 0 : i32
        %dma_start3A_736 = arith.constant 0 : i32
        %dma_start3A_737 = tpu.memref_slice %arg11[%dma_start3A_733, %dma_start3A_735, %dma_start3A_736] : memref<8x125x64xf32, #tpu.memory_space<vmem>> -> memref<1x125x64xf32, #tpu.memory_space<vmem>>
        %dma_start3A_738 = tpu.memref_squeeze %dma_start3A_737 : memref<1x125x64xf32, #tpu.memory_space<vmem>> -> memref<125x64xf32, #tpu.memory_space<vmem>>
        %dma_start3A_739 = arith.constant 0 : i32
        %dma_start3A_740 = tpu.memref_slice %arg9[%add3A_732, %dma_start3A_739] : memref<80x125xi32, #tpu.memory_space<vmem>> -> memref<1x125xi32, #tpu.memory_space<vmem>>
        %dma_start3A_741 = tpu.memref_squeeze %dma_start3A_740 : memref<1x125xi32, #tpu.memory_space<vmem>> -> memref<125xi32, #tpu.memory_space<vmem>>
        %dma_start3A_742 = arith.constant 0 : i32
        %dma_start3A_743 = arith.constant 0 : i32
        %dma_start3A_744 = tpu.memref_slice %arg2[%dma_start3A_742, %dma_start3A_743] : memref<10000x64xf32, #tpu.memory_space<hbm>> -> memref<10000x64xf32, #tpu.memory_space<hbm>>
        %dma_start3A_745 = tpu.memref_slice %arg13[%dma_start3A_734] : memref<8x!tpu.dma_semaphore, #tpu.memory_space<semaphore_mem>> -> memref<1x!tpu.dma_semaphore, #tpu.memory_space<semaphore_mem>>
        %dma_start3A_746 = tpu.memref_squeeze %dma_start3A_745 : memref<1x!tpu.dma_semaphore, #tpu.memory_space<semaphore_mem>> -> memref<!tpu.dma_semaphore, #tpu.memory_space<semaphore_mem>>
        tpu.enqueue_indirect_dma source(%dma_start3A_744 : memref<10000x64xf32, #tpu.memory_space<hbm>>) target(%dma_start3A_738 : memref<125x64xf32, #tpu.memory_space<vmem>>) offsets(%dma_start3A_741 : memref<125xi32, #tpu.memory_space<vmem>>) semaphore(%dma_start3A_746 : memref<!tpu.dma_semaphore, #tpu.memory_space<semaphore_mem>>)
      } else {
      }
      %add3A_450 = arith.constant 2 : i32
      %add3A_451 = arith.addi %mul3A_275, %add3A_450 : i32
      %dma_wait3A_452 = arith.constant 2 : i32
      %dma_wait3A_453 = arith.constant 2 : i32
      %dma_wait3A_454 = arith.constant 0 : i32
      %dma_wait3A_455 = arith.constant 0 : i32
      %dma_wait3A_456 = tpu.memref_slice %arg11[%dma_wait3A_452, %dma_wait3A_454, %dma_wait3A_455] : memref<8x125x64xf32, #tpu.memory_space<vmem>> -> memref<1x125x64xf32, #tpu.memory_space<vmem>>
      %dma_wait3A_457 = tpu.memref_squeeze %dma_wait3A_456 : memref<1x125x64xf32, #tpu.memory_space<vmem>> -> memref<125x64xf32, #tpu.memory_space<vmem>>
      %dma_wait3A_458 = arith.constant 0 : i32
      %dma_wait3A_459 = tpu.memref_slice %arg10[%add3A_451, %dma_wait3A_458] : memref<80x125xi32, #tpu.memory_space<vmem>> -> memref<1x125xi32, #tpu.memory_space<vmem>>
      %dma_wait3A_460 = tpu.memref_squeeze %dma_wait3A_459 : memref<1x125xi32, #tpu.memory_space<vmem>> -> memref<125xi32, #tpu.memory_space<vmem>>
      %dma_wait3A_461 = arith.constant 0 : i32
      %dma_wait3A_462 = arith.constant 0 : i32
      %dma_wait3A_463 = tpu.memref_slice %arg12[%dma_wait3A_461, %dma_wait3A_462] : memref<10240x64xf32, #tpu.memory_space<vmem_shared>> -> memref<10240x64xf32, #tpu.memory_space<vmem_shared>>
      %dma_wait3A_464 = tpu.memref_slice %arg14[%dma_wait3A_453] : memref<8x!tpu.dma_semaphore, #tpu.memory_space<semaphore_mem>> -> memref<1x!tpu.dma_semaphore, #tpu.memory_space<semaphore_mem>>
      %dma_wait3A_465 = tpu.memref_squeeze %dma_wait3A_464 : memref<1x!tpu.dma_semaphore, #tpu.memory_space<semaphore_mem>> -> memref<!tpu.dma_semaphore, #tpu.memory_space<semaphore_mem>>
      tpu.wait_indirect_dma semaphore(%dma_wait3A_465 : memref<!tpu.dma_semaphore, #tpu.memory_space<semaphore_mem>>) src(%dma_wait3A_457 : memref<125x64xf32, #tpu.memory_space<vmem>>) dst(%dma_wait3A_463 : memref<10240x64xf32, #tpu.memory_space<vmem_shared>>)
      %add3A_466 = arith.constant 2 : i32
      %add3A_467 = arith.addi %mul3A_275, %add3A_466 : i32
      %add3A_468 = arith.constant 8 : i32
      %add3A_469 = arith.addi %add3A_467, %add3A_468 : i32
      %lt3A_470 = arith.constant 80 : i32
      %lt3A_471 = arith.cmpi slt, %add3A_469, %lt3A_470 : i32
      %convert_element_type3A_472 = arith.extui %lt3A_471 : i1 to i32
      %cond3A_473 = arith.constant 0 : i32
      %cond3A_474 = arith.cmpi ne, %convert_element_type3A_472, %cond3A_473 : i32
      scf.if %cond3A_474 {
        %add3A_729 = arith.constant 2 : i32
        %add3A_730 = arith.addi %mul3A_275, %add3A_729 : i32
        %add3A_731 = arith.constant 8 : i32
        %add3A_732 = arith.addi %add3A_730, %add3A_731 : i32
        %dma_start3A_733 = arith.constant 2 : i32
        %dma_start3A_734 = arith.constant 2 : i32
        %dma_start3A_735 = arith.constant 0 : i32
        %dma_start3A_736 = arith.constant 0 : i32
        %dma_start3A_737 = tpu.memref_slice %arg11[%dma_start3A_733, %dma_start3A_735, %dma_start3A_736] : memref<8x125x64xf32, #tpu.memory_space<vmem>> -> memref<1x125x64xf32, #tpu.memory_space<vmem>>
        %dma_start3A_738 = tpu.memref_squeeze %dma_start3A_737 : memref<1x125x64xf32, #tpu.memory_space<vmem>> -> memref<125x64xf32, #tpu.memory_space<vmem>>
        %dma_start3A_739 = arith.constant 0 : i32
        %dma_start3A_740 = tpu.memref_slice %arg9[%add3A_732, %dma_start3A_739] : memref<80x125xi32, #tpu.memory_space<vmem>> -> memref<1x125xi32, #tpu.memory_space<vmem>>
        %dma_start3A_741 = tpu.memref_squeeze %dma_start3A_740 : memref<1x125xi32, #tpu.memory_space<vmem>> -> memref<125xi32, #tpu.memory_space<vmem>>
        %dma_start3A_742 = arith.constant 0 : i32
        %dma_start3A_743 = arith.constant 0 : i32
        %dma_start3A_744 = tpu.memref_slice %arg2[%dma_start3A_742, %dma_start3A_743] : memref<10000x64xf32, #tpu.memory_space<hbm>> -> memref<10000x64xf32, #tpu.memory_space<hbm>>
        %dma_start3A_745 = tpu.memref_slice %arg13[%dma_start3A_734] : memref<8x!tpu.dma_semaphore, #tpu.memory_space<semaphore_mem>> -> memref<1x!tpu.dma_semaphore, #tpu.memory_space<semaphore_mem>>
        %dma_start3A_746 = tpu.memref_squeeze %dma_start3A_745 : memref<1x!tpu.dma_semaphore, #tpu.memory_space<semaphore_mem>> -> memref<!tpu.dma_semaphore, #tpu.memory_space<semaphore_mem>>
        tpu.enqueue_indirect_dma source(%dma_start3A_744 : memref<10000x64xf32, #tpu.memory_space<hbm>>) target(%dma_start3A_738 : memref<125x64xf32, #tpu.memory_space<vmem>>) offsets(%dma_start3A_741 : memref<125xi32, #tpu.memory_space<vmem>>) semaphore(%dma_start3A_746 : memref<!tpu.dma_semaphore, #tpu.memory_space<semaphore_mem>>)
      } else {
      }
      %add3A_475 = arith.constant 3 : i32
      %add3A_476 = arith.addi %mul3A_275, %add3A_475 : i32
      %dma_wait3A_477 = arith.constant 3 : i32
      %dma_wait3A_478 = arith.constant 3 : i32
      %dma_wait3A_479 = arith.constant 0 : i32
      %dma_wait3A_480 = arith.constant 0 : i32
      %dma_wait3A_481 = tpu.memref_slice %arg11[%dma_wait3A_477, %dma_wait3A_479, %dma_wait3A_480] : memref<8x125x64xf32, #tpu.memory_space<vmem>> -> memref<1x125x64xf32, #tpu.memory_space<vmem>>
      %dma_wait3A_482 = tpu.memref_squeeze %dma_wait3A_481 : memref<1x125x64xf32, #tpu.memory_space<vmem>> -> memref<125x64xf32, #tpu.memory_space<vmem>>
      %dma_wait3A_483 = arith.constant 0 : i32
      %dma_wait3A_484 = tpu.memref_slice %arg10[%add3A_476, %dma_wait3A_483] : memref<80x125xi32, #tpu.memory_space<vmem>> -> memref<1x125xi32, #tpu.memory_space<vmem>>
      %dma_wait3A_485 = tpu.memref_squeeze %dma_wait3A_484 : memref<1x125xi32, #tpu.memory_space<vmem>> -> memref<125xi32, #tpu.memory_space<vmem>>
      %dma_wait3A_486 = arith.constant 0 : i32
      %dma_wait3A_487 = arith.constant 0 : i32
      %dma_wait3A_488 = tpu.memref_slice %arg12[%dma_wait3A_486, %dma_wait3A_487] : memref<10240x64xf32, #tpu.memory_space<vmem_shared>> -> memref<10240x64xf32, #tpu.memory_space<vmem_shared>>
      %dma_wait3A_489 = tpu.memref_slice %arg14[%dma_wait3A_478] : memref<8x!tpu.dma_semaphore, #tpu.memory_space<semaphore_mem>> -> memref<1x!tpu.dma_semaphore, #tpu.memory_space<semaphore_mem>>
      %dma_wait3A_490 = tpu.memref_squeeze %dma_wait3A_489 : memref<1x!tpu.dma_semaphore, #tpu.memory_space<semaphore_mem>> -> memref<!tpu.dma_semaphore, #tpu.memory_space<semaphore_mem>>
      tpu.wait_indirect_dma semaphore(%dma_wait3A_490 : memref<!tpu.dma_semaphore, #tpu.memory_space<semaphore_mem>>) src(%dma_wait3A_482 : memref<125x64xf32, #tpu.memory_space<vmem>>) dst(%dma_wait3A_488 : memref<10240x64xf32, #tpu.memory_space<vmem_shared>>)
      %add3A_491 = arith.constant 3 : i32
      %add3A_492 = arith.addi %mul3A_275, %add3A_491 : i32
      %add3A_493 = arith.constant 8 : i32
      %add3A_494 = arith.addi %add3A_492, %add3A_493 : i32
      %lt3A_495 = arith.constant 80 : i32
      %lt3A_496 = arith.cmpi slt, %add3A_494, %lt3A_495 : i32
      %convert_element_type3A_497 = arith.extui %lt3A_496 : i1 to i32
      %cond3A_498 = arith.constant 0 : i32
      %cond3A_499 = arith.cmpi ne, %convert_element_type3A_497, %cond3A_498 : i32
      scf.if %cond3A_499 {
        %add3A_729 = arith.constant 3 : i32
        %add3A_730 = arith.addi %mul3A_275, %add3A_729 : i32
        %add3A_731 = arith.constant 8 : i32
        %add3A_732 = arith.addi %add3A_730, %add3A_731 : i32
        %dma_start3A_733 = arith.constant 3 : i32
        %dma_start3A_734 = arith.constant 3 : i32
        %dma_start3A_735 = arith.constant 0 : i32
        %dma_start3A_736 = arith.constant 0 : i32
        %dma_start3A_737 = tpu.memref_slice %arg11[%dma_start3A_733, %dma_start3A_735, %dma_start3A_736] : memref<8x125x64xf32, #tpu.memory_space<vmem>> -> memref<1x125x64xf32, #tpu.memory_space<vmem>>
        %dma_start3A_738 = tpu.memref_squeeze %dma_start3A_737 : memref<1x125x64xf32, #tpu.memory_space<vmem>> -> memref<125x64xf32, #tpu.memory_space<vmem>>
        %dma_start3A_739 = arith.constant 0 : i32
        %dma_start3A_740 = tpu.memref_slice %arg9[%add3A_732, %dma_start3A_739] : memref<80x125xi32, #tpu.memory_space<vmem>> -> memref<1x125xi32, #tpu.memory_space<vmem>>
        %dma_start3A_741 = tpu.memref_squeeze %dma_start3A_740 : memref<1x125xi32, #tpu.memory_space<vmem>> -> memref<125xi32, #tpu.memory_space<vmem>>
        %dma_start3A_742 = arith.constant 0 : i32
        %dma_start3A_743 = arith.constant 0 : i32
        %dma_start3A_744 = tpu.memref_slice %arg2[%dma_start3A_742, %dma_start3A_743] : memref<10000x64xf32, #tpu.memory_space<hbm>> -> memref<10000x64xf32, #tpu.memory_space<hbm>>
        %dma_start3A_745 = tpu.memref_slice %arg13[%dma_start3A_734] : memref<8x!tpu.dma_semaphore, #tpu.memory_space<semaphore_mem>> -> memref<1x!tpu.dma_semaphore, #tpu.memory_space<semaphore_mem>>
        %dma_start3A_746 = tpu.memref_squeeze %dma_start3A_745 : memref<1x!tpu.dma_semaphore, #tpu.memory_space<semaphore_mem>> -> memref<!tpu.dma_semaphore, #tpu.memory_space<semaphore_mem>>
        tpu.enqueue_indirect_dma source(%dma_start3A_744 : memref<10000x64xf32, #tpu.memory_space<hbm>>) target(%dma_start3A_738 : memref<125x64xf32, #tpu.memory_space<vmem>>) offsets(%dma_start3A_741 : memref<125xi32, #tpu.memory_space<vmem>>) semaphore(%dma_start3A_746 : memref<!tpu.dma_semaphore, #tpu.memory_space<semaphore_mem>>)
      } else {
      }
      %add3A_500 = arith.constant 4 : i32
      %add3A_501 = arith.addi %mul3A_275, %add3A_500 : i32
      %dma_wait3A_502 = arith.constant 4 : i32
      %dma_wait3A_503 = arith.constant 4 : i32
      %dma_wait3A_504 = arith.constant 0 : i32
      %dma_wait3A_505 = arith.constant 0 : i32
      %dma_wait3A_506 = tpu.memref_slice %arg11[%dma_wait3A_502, %dma_wait3A_504, %dma_wait3A_505] : memref<8x125x64xf32, #tpu.memory_space<vmem>> -> memref<1x125x64xf32, #tpu.memory_space<vmem>>
      %dma_wait3A_507 = tpu.memref_squeeze %dma_wait3A_506 : memref<1x125x64xf32, #tpu.memory_space<vmem>> -> memref<125x64xf32, #tpu.memory_space<vmem>>
      %dma_wait3A_508 = arith.constant 0 : i32
      %dma_wait3A_509 = tpu.memref_slice %arg9[%add3A_501, %dma_wait3A_508] : memref<80x125xi32, #tpu.memory_space<vmem>> -> memref<1x125xi32, #tpu.memory_space<vmem>>
      %dma_wait3A_510 = tpu.memref_squeeze %dma_wait3A_509 : memref<1x125xi32, #tpu.memory_space<vmem>> -> memref<125xi32, #tpu.memory_space<vmem>>
      %dma_wait3A_511 = arith.constant 0 : i32
      %dma_wait3A_512 = arith.constant 0 : i32
      %dma_wait3A_513 = tpu.memref_slice %arg2[%dma_wait3A_511, %dma_wait3A_512] : memref<10000x64xf32, #tpu.memory_space<hbm>> -> memref<10000x64xf32, #tpu.memory_space<hbm>>
      %dma_wait3A_514 = tpu.memref_slice %arg13[%dma_wait3A_503] : memref<8x!tpu.dma_semaphore, #tpu.memory_space<semaphore_mem>> -> memref<1x!tpu.dma_semaphore, #tpu.memory_space<semaphore_mem>>
      %dma_wait3A_515 = tpu.memref_squeeze %dma_wait3A_514 : memref<1x!tpu.dma_semaphore, #tpu.memory_space<semaphore_mem>> -> memref<!tpu.dma_semaphore, #tpu.memory_space<semaphore_mem>>
      tpu.wait_indirect_dma semaphore(%dma_wait3A_515 : memref<!tpu.dma_semaphore, #tpu.memory_space<semaphore_mem>>) src(%dma_wait3A_513 : memref<10000x64xf32, #tpu.memory_space<hbm>>) dst(%dma_wait3A_507 : memref<125x64xf32, #tpu.memory_space<vmem>>)
      %add3A_516 = arith.constant 4 : i32
      %add3A_517 = arith.addi %mul3A_275, %add3A_516 : i32
      %dma_start3A_518 = arith.constant 4 : i32
      %dma_start3A_519 = arith.constant 4 : i32
      %dma_start3A_520 = arith.constant 0 : i32
      %dma_start3A_521 = arith.constant 0 : i32
      %dma_start3A_522 = tpu.memref_slice %arg11[%dma_start3A_518, %dma_start3A_520, %dma_start3A_521] : memref<8x125x64xf32, #tpu.memory_space<vmem>> -> memref<1x125x64xf32, #tpu.memory_space<vmem>>
      %dma_start3A_523 = tpu.memref_squeeze %dma_start3A_522 : memref<1x125x64xf32, #tpu.memory_space<vmem>> -> memref<125x64xf32, #tpu.memory_space<vmem>>
      %dma_start3A_524 = arith.constant 0 : i32
      %dma_start3A_525 = tpu.memref_slice %arg10[%add3A_517, %dma_start3A_524] : memref<80x125xi32, #tpu.memory_space<vmem>> -> memref<1x125xi32, #tpu.memory_space<vmem>>
      %dma_start3A_526 = tpu.memref_squeeze %dma_start3A_525 : memref<1x125xi32, #tpu.memory_space<vmem>> -> memref<125xi32, #tpu.memory_space<vmem>>
      %dma_start3A_527 = arith.constant 0 : i32
      %dma_start3A_528 = arith.constant 0 : i32
      %dma_start3A_529 = tpu.memref_slice %arg12[%dma_start3A_527, %dma_start3A_528] : memref<10240x64xf32, #tpu.memory_space<vmem_shared>> -> memref<10240x64xf32, #tpu.memory_space<vmem_shared>>
      %dma_start3A_530 = tpu.memref_slice %arg14[%dma_start3A_519] : memref<8x!tpu.dma_semaphore, #tpu.memory_space<semaphore_mem>> -> memref<1x!tpu.dma_semaphore, #tpu.memory_space<semaphore_mem>>
      %dma_start3A_531 = tpu.memref_squeeze %dma_start3A_530 : memref<1x!tpu.dma_semaphore, #tpu.memory_space<semaphore_mem>> -> memref<!tpu.dma_semaphore, #tpu.memory_space<semaphore_mem>>
      tpu.enqueue_indirect_dma source(%dma_start3A_523 : memref<125x64xf32, #tpu.memory_space<vmem>>) target(%dma_start3A_529 : memref<10240x64xf32, #tpu.memory_space<vmem_shared>>) offsets(%dma_start3A_526 : memref<125xi32, #tpu.memory_space<vmem>>) semaphore(%dma_start3A_531 : memref<!tpu.dma_semaphore, #tpu.memory_space<semaphore_mem>>) {add = true}
      %add3A_532 = arith.constant 5 : i32
      %add3A_533 = arith.addi %mul3A_275, %add3A_532 : i32
      %dma_wait3A_534 = arith.constant 5 : i32
      %dma_wait3A_535 = arith.constant 5 : i32
      %dma_wait3A_536 = arith.constant 0 : i32
      %dma_wait3A_537 = arith.constant 0 : i32
      %dma_wait3A_538 = tpu.memref_slice %arg11[%dma_wait3A_534, %dma_wait3A_536, %dma_wait3A_537] : memref<8x125x64xf32, #tpu.memory_space<vmem>> -> memref<1x125x64xf32, #tpu.memory_space<vmem>>
      %dma_wait3A_539 = tpu.memref_squeeze %dma_wait3A_538 : memref<1x125x64xf32, #tpu.memory_space<vmem>> -> memref<125x64xf32, #tpu.memory_space<vmem>>
      %dma_wait3A_540 = arith.constant 0 : i32
      %dma_wait3A_541 = tpu.memref_slice %arg9[%add3A_533, %dma_wait3A_540] : memref<80x125xi32, #tpu.memory_space<vmem>> -> memref<1x125xi32, #tpu.memory_space<vmem>>
      %dma_wait3A_542 = tpu.memref_squeeze %dma_wait3A_541 : memref<1x125xi32, #tpu.memory_space<vmem>> -> memref<125xi32, #tpu.memory_space<vmem>>
      %dma_wait3A_543 = arith.constant 0 : i32
      %dma_wait3A_544 = arith.constant 0 : i32
      %dma_wait3A_545 = tpu.memref_slice %arg2[%dma_wait3A_543, %dma_wait3A_544] : memref<10000x64xf32, #tpu.memory_space<hbm>> -> memref<10000x64xf32, #tpu.memory_space<hbm>>
      %dma_wait3A_546 = tpu.memref_slice %arg13[%dma_wait3A_535] : memref<8x!tpu.dma_semaphore, #tpu.memory_space<semaphore_mem>> -> memref<1x!tpu.dma_semaphore, #tpu.memory_space<semaphore_mem>>
      %dma_wait3A_547 = tpu.memref_squeeze %dma_wait3A_546 : memref<1x!tpu.dma_semaphore, #tpu.memory_space<semaphore_mem>> -> memref<!tpu.dma_semaphore, #tpu.memory_space<semaphore_mem>>
      tpu.wait_indirect_dma semaphore(%dma_wait3A_547 : memref<!tpu.dma_semaphore, #tpu.memory_space<semaphore_mem>>) src(%dma_wait3A_545 : memref<10000x64xf32, #tpu.memory_space<hbm>>) dst(%dma_wait3A_539 : memref<125x64xf32, #tpu.memory_space<vmem>>)
      %add3A_548 = arith.constant 5 : i32
      %add3A_549 = arith.addi %mul3A_275, %add3A_548 : i32
      %dma_start3A_550 = arith.constant 5 : i32
      %dma_start3A_551 = arith.constant 5 : i32
      %dma_start3A_552 = arith.constant 0 : i32
      %dma_start3A_553 = arith.constant 0 : i32
      %dma_start3A_554 = tpu.memref_slice %arg11[%dma_start3A_550, %dma_start3A_552, %dma_start3A_553] : memref<8x125x64xf32, #tpu.memory_space<vmem>> -> memref<1x125x64xf32, #tpu.memory_space<vmem>>
      %dma_start3A_555 = tpu.memref_squeeze %dma_start3A_554 : memref<1x125x64xf32, #tpu.memory_space<vmem>> -> memref<125x64xf32, #tpu.memory_space<vmem>>
      %dma_start3A_556 = arith.constant 0 : i32
      %dma_start3A_557 = tpu.memref_slice %arg10[%add3A_549, %dma_start3A_556] : memref<80x125xi32, #tpu.memory_space<vmem>> -> memref<1x125xi32, #tpu.memory_space<vmem>>
      %dma_start3A_558 = tpu.memref_squeeze %dma_start3A_557 : memref<1x125xi32, #tpu.memory_space<vmem>> -> memref<125xi32, #tpu.memory_space<vmem>>
      %dma_start3A_559 = arith.constant 0 : i32
      %dma_start3A_560 = arith.constant 0 : i32
      %dma_start3A_561 = tpu.memref_slice %arg12[%dma_start3A_559, %dma_start3A_560] : memref<10240x64xf32, #tpu.memory_space<vmem_shared>> -> memref<10240x64xf32, #tpu.memory_space<vmem_shared>>
      %dma_start3A_562 = tpu.memref_slice %arg14[%dma_start3A_551] : memref<8x!tpu.dma_semaphore, #tpu.memory_space<semaphore_mem>> -> memref<1x!tpu.dma_semaphore, #tpu.memory_space<semaphore_mem>>
      %dma_start3A_563 = tpu.memref_squeeze %dma_start3A_562 : memref<1x!tpu.dma_semaphore, #tpu.memory_space<semaphore_mem>> -> memref<!tpu.dma_semaphore, #tpu.memory_space<semaphore_mem>>
      tpu.enqueue_indirect_dma source(%dma_start3A_555 : memref<125x64xf32, #tpu.memory_space<vmem>>) target(%dma_start3A_561 : memref<10240x64xf32, #tpu.memory_space<vmem_shared>>) offsets(%dma_start3A_558 : memref<125xi32, #tpu.memory_space<vmem>>) semaphore(%dma_start3A_563 : memref<!tpu.dma_semaphore, #tpu.memory_space<semaphore_mem>>) {add = true}
      %add3A_564 = arith.constant 6 : i32
      %add3A_565 = arith.addi %mul3A_275, %add3A_564 : i32
      %dma_wait3A_566 = arith.constant 6 : i32
      %dma_wait3A_567 = arith.constant 6 : i32
      %dma_wait3A_568 = arith.constant 0 : i32
      %dma_wait3A_569 = arith.constant 0 : i32
      %dma_wait3A_570 = tpu.memref_slice %arg11[%dma_wait3A_566, %dma_wait3A_568, %dma_wait3A_569] : memref<8x125x64xf32, #tpu.memory_space<vmem>> -> memref<1x125x64xf32, #tpu.memory_space<vmem>>
      %dma_wait3A_571 = tpu.memref_squeeze %dma_wait3A_570 : memref<1x125x64xf32, #tpu.memory_space<vmem>> -> memref<125x64xf32, #tpu.memory_space<vmem>>
      %dma_wait3A_572 = arith.constant 0 : i32
      %dma_wait3A_573 = tpu.memref_slice %arg9[%add3A_565, %dma_wait3A_572] : memref<80x125xi32, #tpu.memory_space<vmem>> -> memref<1x125xi32, #tpu.memory_space<vmem>>
      %dma_wait3A_574 = tpu.memref_squeeze %dma_wait3A_573 : memref<1x125xi32, #tpu.memory_space<vmem>> -> memref<125xi32, #tpu.memory_space<vmem>>
      %dma_wait3A_575 = arith.constant 0 : i32
      %dma_wait3A_576 = arith.constant 0 : i32
      %dma_wait3A_577 = tpu.memref_slice %arg2[%dma_wait3A_575, %dma_wait3A_576] : memref<10000x64xf32, #tpu.memory_space<hbm>> -> memref<10000x64xf32, #tpu.memory_space<hbm>>
      %dma_wait3A_578 = tpu.memref_slice %arg13[%dma_wait3A_567] : memref<8x!tpu.dma_semaphore, #tpu.memory_space<semaphore_mem>> -> memref<1x!tpu.dma_semaphore, #tpu.memory_space<semaphore_mem>>
      %dma_wait3A_579 = tpu.memref_squeeze %dma_wait3A_578 : memref<1x!tpu.dma_semaphore, #tpu.memory_space<semaphore_mem>> -> memref<!tpu.dma_semaphore, #tpu.memory_space<semaphore_mem>>
      tpu.wait_indirect_dma semaphore(%dma_wait3A_579 : memref<!tpu.dma_semaphore, #tpu.memory_space<semaphore_mem>>) src(%dma_wait3A_577 : memref<10000x64xf32, #tpu.memory_space<hbm>>) dst(%dma_wait3A_571 : memref<125x64xf32, #tpu.memory_space<vmem>>)
      %add3A_580 = arith.constant 6 : i32
      %add3A_581 = arith.addi %mul3A_275, %add3A_580 : i32
      %dma_start3A_582 = arith.constant 6 : i32
      %dma_start3A_583 = arith.constant 6 : i32
      %dma_start3A_584 = arith.constant 0 : i32
      %dma_start3A_585 = arith.constant 0 : i32
      %dma_start3A_586 = tpu.memref_slice %arg11[%dma_start3A_582, %dma_start3A_584, %dma_start3A_585] : memref<8x125x64xf32, #tpu.memory_space<vmem>> -> memref<1x125x64xf32, #tpu.memory_space<vmem>>
      %dma_start3A_587 = tpu.memref_squeeze %dma_start3A_586 : memref<1x125x64xf32, #tpu.memory_space<vmem>> -> memref<125x64xf32, #tpu.memory_space<vmem>>
      %dma_start3A_588 = arith.constant 0 : i32
      %dma_start3A_589 = tpu.memref_slice %arg10[%add3A_581, %dma_start3A_588] : memref<80x125xi32, #tpu.memory_space<vmem>> -> memref<1x125xi32, #tpu.memory_space<vmem>>
      %dma_start3A_590 = tpu.memref_squeeze %dma_start3A_589 : memref<1x125xi32, #tpu.memory_space<vmem>> -> memref<125xi32, #tpu.memory_space<vmem>>
      %dma_start3A_591 = arith.constant 0 : i32
      %dma_start3A_592 = arith.constant 0 : i32
      %dma_start3A_593 = tpu.memref_slice %arg12[%dma_start3A_591, %dma_start3A_592] : memref<10240x64xf32, #tpu.memory_space<vmem_shared>> -> memref<10240x64xf32, #tpu.memory_space<vmem_shared>>
      %dma_start3A_594 = tpu.memref_slice %arg14[%dma_start3A_583] : memref<8x!tpu.dma_semaphore, #tpu.memory_space<semaphore_mem>> -> memref<1x!tpu.dma_semaphore, #tpu.memory_space<semaphore_mem>>
      %dma_start3A_595 = tpu.memref_squeeze %dma_start3A_594 : memref<1x!tpu.dma_semaphore, #tpu.memory_space<semaphore_mem>> -> memref<!tpu.dma_semaphore, #tpu.memory_space<semaphore_mem>>
      tpu.enqueue_indirect_dma source(%dma_start3A_587 : memref<125x64xf32, #tpu.memory_space<vmem>>) target(%dma_start3A_593 : memref<10240x64xf32, #tpu.memory_space<vmem_shared>>) offsets(%dma_start3A_590 : memref<125xi32, #tpu.memory_space<vmem>>) semaphore(%dma_start3A_595 : memref<!tpu.dma_semaphore, #tpu.memory_space<semaphore_mem>>) {add = true}
      %add3A_596 = arith.constant 7 : i32
      %add3A_597 = arith.addi %mul3A_275, %add3A_596 : i32
      %dma_wait3A_598 = arith.constant 7 : i32
      %dma_wait3A_599 = arith.constant 7 : i32
      %dma_wait3A_600 = arith.constant 0 : i32
      %dma_wait3A_601 = arith.constant 0 : i32
      %dma_wait3A_602 = tpu.memref_slice %arg11[%dma_wait3A_598, %dma_wait3A_600, %dma_wait3A_601] : memref<8x125x64xf32, #tpu.memory_space<vmem>> -> memref<1x125x64xf32, #tpu.memory_space<vmem>>
      %dma_wait3A_603 = tpu.memref_squeeze %dma_wait3A_602 : memref<1x125x64xf32, #tpu.memory_space<vmem>> -> memref<125x64xf32, #tpu.memory_space<vmem>>
      %dma_wait3A_604 = arith.constant 0 : i32
      %dma_wait3A_605 = tpu.memref_slice %arg9[%add3A_597, %dma_wait3A_604] : memref<80x125xi32, #tpu.memory_space<vmem>> -> memref<1x125xi32, #tpu.memory_space<vmem>>
      %dma_wait3A_606 = tpu.memref_squeeze %dma_wait3A_605 : memref<1x125xi32, #tpu.memory_space<vmem>> -> memref<125xi32, #tpu.memory_space<vmem>>
      %dma_wait3A_607 = arith.constant 0 : i32
      %dma_wait3A_608 = arith.constant 0 : i32
      %dma_wait3A_609 = tpu.memref_slice %arg2[%dma_wait3A_607, %dma_wait3A_608] : memref<10000x64xf32, #tpu.memory_space<hbm>> -> memref<10000x64xf32, #tpu.memory_space<hbm>>
      %dma_wait3A_610 = tpu.memref_slice %arg13[%dma_wait3A_599] : memref<8x!tpu.dma_semaphore, #tpu.memory_space<semaphore_mem>> -> memref<1x!tpu.dma_semaphore, #tpu.memory_space<semaphore_mem>>
      %dma_wait3A_611 = tpu.memref_squeeze %dma_wait3A_610 : memref<1x!tpu.dma_semaphore, #tpu.memory_space<semaphore_mem>> -> memref<!tpu.dma_semaphore, #tpu.memory_space<semaphore_mem>>
      tpu.wait_indirect_dma semaphore(%dma_wait3A_611 : memref<!tpu.dma_semaphore, #tpu.memory_space<semaphore_mem>>) src(%dma_wait3A_609 : memref<10000x64xf32, #tpu.memory_space<hbm>>) dst(%dma_wait3A_603 : memref<125x64xf32, #tpu.memory_space<vmem>>)
      %add3A_612 = arith.constant 7 : i32
      %add3A_613 = arith.addi %mul3A_275, %add3A_612 : i32
      %dma_start3A_614 = arith.constant 7 : i32
      %dma_start3A_615 = arith.constant 7 : i32
      %dma_start3A_616 = arith.constant 0 : i32
      %dma_start3A_617 = arith.constant 0 : i32
      %dma_start3A_618 = tpu.memref_slice %arg11[%dma_start3A_614, %dma_start3A_616, %dma_start3A_617] : memref<8x125x64xf32, #tpu.memory_space<vmem>> -> memref<1x125x64xf32, #tpu.memory_space<vmem>>
      %dma_start3A_619 = tpu.memref_squeeze %dma_start3A_618 : memref<1x125x64xf32, #tpu.memory_space<vmem>> -> memref<125x64xf32, #tpu.memory_space<vmem>>
      %dma_start3A_620 = arith.constant 0 : i32
      %dma_start3A_621 = tpu.memref_slice %arg10[%add3A_613, %dma_start3A_620] : memref<80x125xi32, #tpu.memory_space<vmem>> -> memref<1x125xi32, #tpu.memory_space<vmem>>
      %dma_start3A_622 = tpu.memref_squeeze %dma_start3A_621 : memref<1x125xi32, #tpu.memory_space<vmem>> -> memref<125xi32, #tpu.memory_space<vmem>>
      %dma_start3A_623 = arith.constant 0 : i32
      %dma_start3A_624 = arith.constant 0 : i32
      %dma_start3A_625 = tpu.memref_slice %arg12[%dma_start3A_623, %dma_start3A_624] : memref<10240x64xf32, #tpu.memory_space<vmem_shared>> -> memref<10240x64xf32, #tpu.memory_space<vmem_shared>>
      %dma_start3A_626 = tpu.memref_slice %arg14[%dma_start3A_615] : memref<8x!tpu.dma_semaphore, #tpu.memory_space<semaphore_mem>> -> memref<1x!tpu.dma_semaphore, #tpu.memory_space<semaphore_mem>>
      %dma_start3A_627 = tpu.memref_squeeze %dma_start3A_626 : memref<1x!tpu.dma_semaphore, #tpu.memory_space<semaphore_mem>> -> memref<!tpu.dma_semaphore, #tpu.memory_space<semaphore_mem>>
      tpu.enqueue_indirect_dma source(%dma_start3A_619 : memref<125x64xf32, #tpu.memory_space<vmem>>) target(%dma_start3A_625 : memref<10240x64xf32, #tpu.memory_space<vmem_shared>>) offsets(%dma_start3A_622 : memref<125xi32, #tpu.memory_space<vmem>>) semaphore(%dma_start3A_627 : memref<!tpu.dma_semaphore, #tpu.memory_space<semaphore_mem>>) {add = true}
      %add3A_628 = arith.constant 4 : i32
      %add3A_629 = arith.addi %mul3A_275, %add3A_628 : i32
      %dma_wait3A_630 = arith.constant 4 : i32
      %dma_wait3A_631 = arith.constant 4 : i32
      %dma_wait3A_632 = arith.constant 0 : i32
      %dma_wait3A_633 = arith.constant 0 : i32
      %dma_wait3A_634 = tpu.memref_slice %arg11[%dma_wait3A_630, %dma_wait3A_632, %dma_wait3A_633] : memref<8x125x64xf32, #tpu.memory_space<vmem>> -> memref<1x125x64xf32, #tpu.memory_space<vmem>>
      %dma_wait3A_635 = tpu.memref_squeeze %dma_wait3A_634 : memref<1x125x64xf32, #tpu.memory_space<vmem>> -> memref<125x64xf32, #tpu.memory_space<vmem>>
      %dma_wait3A_636 = arith.constant 0 : i32
      %dma_wait3A_637 = tpu.memref_slice %arg10[%add3A_629, %dma_wait3A_636] : memref<80x125xi32, #tpu.memory_space<vmem>> -> memref<1x125xi32, #tpu.memory_space<vmem>>
      %dma_wait3A_638 = tpu.memref_squeeze %dma_wait3A_637 : memref<1x125xi32, #tpu.memory_space<vmem>> -> memref<125xi32, #tpu.memory_space<vmem>>
      %dma_wait3A_639 = arith.constant 0 : i32
      %dma_wait3A_640 = arith.constant 0 : i32
      %dma_wait3A_641 = tpu.memref_slice %arg12[%dma_wait3A_639, %dma_wait3A_640] : memref<10240x64xf32, #tpu.memory_space<vmem_shared>> -> memref<10240x64xf32, #tpu.memory_space<vmem_shared>>
      %dma_wait3A_642 = tpu.memref_slice %arg14[%dma_wait3A_631] : memref<8x!tpu.dma_semaphore, #tpu.memory_space<semaphore_mem>> -> memref<1x!tpu.dma_semaphore, #tpu.memory_space<semaphore_mem>>
      %dma_wait3A_643 = tpu.memref_squeeze %dma_wait3A_642 : memref<1x!tpu.dma_semaphore, #tpu.memory_space<semaphore_mem>> -> memref<!tpu.dma_semaphore, #tpu.memory_space<semaphore_mem>>
      tpu.wait_indirect_dma semaphore(%dma_wait3A_643 : memref<!tpu.dma_semaphore, #tpu.memory_space<semaphore_mem>>) src(%dma_wait3A_635 : memref<125x64xf32, #tpu.memory_space<vmem>>) dst(%dma_wait3A_641 : memref<10240x64xf32, #tpu.memory_space<vmem_shared>>)
      %add3A_644 = arith.constant 4 : i32
      %add3A_645 = arith.addi %mul3A_275, %add3A_644 : i32
      %add3A_646 = arith.constant 8 : i32
      %add3A_647 = arith.addi %add3A_645, %add3A_646 : i32
      %lt3A_648 = arith.constant 80 : i32
      %lt3A_649 = arith.cmpi slt, %add3A_647, %lt3A_648 : i32
      %convert_element_type3A_650 = arith.extui %lt3A_649 : i1 to i32
      %cond3A_651 = arith.constant 0 : i32
      %cond3A_652 = arith.cmpi ne, %convert_element_type3A_650, %cond3A_651 : i32
      scf.if %cond3A_652 {
        %add3A_729 = arith.constant 4 : i32
        %add3A_730 = arith.addi %mul3A_275, %add3A_729 : i32
        %add3A_731 = arith.constant 8 : i32
        %add3A_732 = arith.addi %add3A_730, %add3A_731 : i32
        %dma_start3A_733 = arith.constant 4 : i32
        %dma_start3A_734 = arith.constant 4 : i32
        %dma_start3A_735 = arith.constant 0 : i32
        %dma_start3A_736 = arith.constant 0 : i32
        %dma_start3A_737 = tpu.memref_slice %arg11[%dma_start3A_733, %dma_start3A_735, %dma_start3A_736] : memref<8x125x64xf32, #tpu.memory_space<vmem>> -> memref<1x125x64xf32, #tpu.memory_space<vmem>>
        %dma_start3A_738 = tpu.memref_squeeze %dma_start3A_737 : memref<1x125x64xf32, #tpu.memory_space<vmem>> -> memref<125x64xf32, #tpu.memory_space<vmem>>
        %dma_start3A_739 = arith.constant 0 : i32
        %dma_start3A_740 = tpu.memref_slice %arg9[%add3A_732, %dma_start3A_739] : memref<80x125xi32, #tpu.memory_space<vmem>> -> memref<1x125xi32, #tpu.memory_space<vmem>>
        %dma_start3A_741 = tpu.memref_squeeze %dma_start3A_740 : memref<1x125xi32, #tpu.memory_space<vmem>> -> memref<125xi32, #tpu.memory_space<vmem>>
        %dma_start3A_742 = arith.constant 0 : i32
        %dma_start3A_743 = arith.constant 0 : i32
        %dma_start3A_744 = tpu.memref_slice %arg2[%dma_start3A_742, %dma_start3A_743] : memref<10000x64xf32, #tpu.memory_space<hbm>> -> memref<10000x64xf32, #tpu.memory_space<hbm>>
        %dma_start3A_745 = tpu.memref_slice %arg13[%dma_start3A_734] : memref<8x!tpu.dma_semaphore, #tpu.memory_space<semaphore_mem>> -> memref<1x!tpu.dma_semaphore, #tpu.memory_space<semaphore_mem>>
        %dma_start3A_746 = tpu.memref_squeeze %dma_start3A_745 : memref<1x!tpu.dma_semaphore, #tpu.memory_space<semaphore_mem>> -> memref<!tpu.dma_semaphore, #tpu.memory_space<semaphore_mem>>
        tpu.enqueue_indirect_dma source(%dma_start3A_744 : memref<10000x64xf32, #tpu.memory_space<hbm>>) target(%dma_start3A_738 : memref<125x64xf32, #tpu.memory_space<vmem>>) offsets(%dma_start3A_741 : memref<125xi32, #tpu.memory_space<vmem>>) semaphore(%dma_start3A_746 : memref<!tpu.dma_semaphore, #tpu.memory_space<semaphore_mem>>)
      } else {
      }
      %add3A_653 = arith.constant 5 : i32
      %add3A_654 = arith.addi %mul3A_275, %add3A_653 : i32
      %dma_wait3A_655 = arith.constant 5 : i32
      %dma_wait3A_656 = arith.constant 5 : i32
      %dma_wait3A_657 = arith.constant 0 : i32
      %dma_wait3A_658 = arith.constant 0 : i32
      %dma_wait3A_659 = tpu.memref_slice %arg11[%dma_wait3A_655, %dma_wait3A_657, %dma_wait3A_658] : memref<8x125x64xf32, #tpu.memory_space<vmem>> -> memref<1x125x64xf32, #tpu.memory_space<vmem>>
      %dma_wait3A_660 = tpu.memref_squeeze %dma_wait3A_659 : memref<1x125x64xf32, #tpu.memory_space<vmem>> -> memref<125x64xf32, #tpu.memory_space<vmem>>
      %dma_wait3A_661 = arith.constant 0 : i32
      %dma_wait3A_662 = tpu.memref_slice %arg10[%add3A_654, %dma_wait3A_661] : memref<80x125xi32, #tpu.memory_space<vmem>> -> memref<1x125xi32, #tpu.memory_space<vmem>>
      %dma_wait3A_663 = tpu.memref_squeeze %dma_wait3A_662 : memref<1x125xi32, #tpu.memory_space<vmem>> -> memref<125xi32, #tpu.memory_space<vmem>>
      %dma_wait3A_664 = arith.constant 0 : i32
      %dma_wait3A_665 = arith.constant 0 : i32
      %dma_wait3A_666 = tpu.memref_slice %arg12[%dma_wait3A_664, %dma_wait3A_665] : memref<10240x64xf32, #tpu.memory_space<vmem_shared>> -> memref<10240x64xf32, #tpu.memory_space<vmem_shared>>
      %dma_wait3A_667 = tpu.memref_slice %arg14[%dma_wait3A_656] : memref<8x!tpu.dma_semaphore, #tpu.memory_space<semaphore_mem>> -> memref<1x!tpu.dma_semaphore, #tpu.memory_space<semaphore_mem>>
      %dma_wait3A_668 = tpu.memref_squeeze %dma_wait3A_667 : memref<1x!tpu.dma_semaphore, #tpu.memory_space<semaphore_mem>> -> memref<!tpu.dma_semaphore, #tpu.memory_space<semaphore_mem>>
      tpu.wait_indirect_dma semaphore(%dma_wait3A_668 : memref<!tpu.dma_semaphore, #tpu.memory_space<semaphore_mem>>) src(%dma_wait3A_660 : memref<125x64xf32, #tpu.memory_space<vmem>>) dst(%dma_wait3A_666 : memref<10240x64xf32, #tpu.memory_space<vmem_shared>>)
      %add3A_669 = arith.constant 5 : i32
      %add3A_670 = arith.addi %mul3A_275, %add3A_669 : i32
      %add3A_671 = arith.constant 8 : i32
      %add3A_672 = arith.addi %add3A_670, %add3A_671 : i32
      %lt3A_673 = arith.constant 80 : i32
      %lt3A_674 = arith.cmpi slt, %add3A_672, %lt3A_673 : i32
      %convert_element_type3A_675 = arith.extui %lt3A_674 : i1 to i32
      %cond3A_676 = arith.constant 0 : i32
      %cond3A_677 = arith.cmpi ne, %convert_element_type3A_675, %cond3A_676 : i32
      scf.if %cond3A_677 {
        %add3A_729 = arith.constant 5 : i32
        %add3A_730 = arith.addi %mul3A_275, %add3A_729 : i32
        %add3A_731 = arith.constant 8 : i32
        %add3A_732 = arith.addi %add3A_730, %add3A_731 : i32
        %dma_start3A_733 = arith.constant 5 : i32
        %dma_start3A_734 = arith.constant 5 : i32
        %dma_start3A_735 = arith.constant 0 : i32
        %dma_start3A_736 = arith.constant 0 : i32
        %dma_start3A_737 = tpu.memref_slice %arg11[%dma_start3A_733, %dma_start3A_735, %dma_start3A_736] : memref<8x125x64xf32, #tpu.memory_space<vmem>> -> memref<1x125x64xf32, #tpu.memory_space<vmem>>
        %dma_start3A_738 = tpu.memref_squeeze %dma_start3A_737 : memref<1x125x64xf32, #tpu.memory_space<vmem>> -> memref<125x64xf32, #tpu.memory_space<vmem>>
        %dma_start3A_739 = arith.constant 0 : i32
        %dma_start3A_740 = tpu.memref_slice %arg9[%add3A_732, %dma_start3A_739] : memref<80x125xi32, #tpu.memory_space<vmem>> -> memref<1x125xi32, #tpu.memory_space<vmem>>
        %dma_start3A_741 = tpu.memref_squeeze %dma_start3A_740 : memref<1x125xi32, #tpu.memory_space<vmem>> -> memref<125xi32, #tpu.memory_space<vmem>>
        %dma_start3A_742 = arith.constant 0 : i32
        %dma_start3A_743 = arith.constant 0 : i32
        %dma_start3A_744 = tpu.memref_slice %arg2[%dma_start3A_742, %dma_start3A_743] : memref<10000x64xf32, #tpu.memory_space<hbm>> -> memref<10000x64xf32, #tpu.memory_space<hbm>>
        %dma_start3A_745 = tpu.memref_slice %arg13[%dma_start3A_734] : memref<8x!tpu.dma_semaphore, #tpu.memory_space<semaphore_mem>> -> memref<1x!tpu.dma_semaphore, #tpu.memory_space<semaphore_mem>>
        %dma_start3A_746 = tpu.memref_squeeze %dma_start3A_745 : memref<1x!tpu.dma_semaphore, #tpu.memory_space<semaphore_mem>> -> memref<!tpu.dma_semaphore, #tpu.memory_space<semaphore_mem>>
        tpu.enqueue_indirect_dma source(%dma_start3A_744 : memref<10000x64xf32, #tpu.memory_space<hbm>>) target(%dma_start3A_738 : memref<125x64xf32, #tpu.memory_space<vmem>>) offsets(%dma_start3A_741 : memref<125xi32, #tpu.memory_space<vmem>>) semaphore(%dma_start3A_746 : memref<!tpu.dma_semaphore, #tpu.memory_space<semaphore_mem>>)
      } else {
      }
      %add3A_678 = arith.constant 6 : i32
      %add3A_679 = arith.addi %mul3A_275, %add3A_678 : i32
      %dma_wait3A_680 = arith.constant 6 : i32
      %dma_wait3A_681 = arith.constant 6 : i32
      %dma_wait3A_682 = arith.constant 0 : i32
      %dma_wait3A_683 = arith.constant 0 : i32
      %dma_wait3A_684 = tpu.memref_slice %arg11[%dma_wait3A_680, %dma_wait3A_682, %dma_wait3A_683] : memref<8x125x64xf32, #tpu.memory_space<vmem>> -> memref<1x125x64xf32, #tpu.memory_space<vmem>>
      %dma_wait3A_685 = tpu.memref_squeeze %dma_wait3A_684 : memref<1x125x64xf32, #tpu.memory_space<vmem>> -> memref<125x64xf32, #tpu.memory_space<vmem>>
      %dma_wait3A_686 = arith.constant 0 : i32
      %dma_wait3A_687 = tpu.memref_slice %arg10[%add3A_679, %dma_wait3A_686] : memref<80x125xi32, #tpu.memory_space<vmem>> -> memref<1x125xi32, #tpu.memory_space<vmem>>
      %dma_wait3A_688 = tpu.memref_squeeze %dma_wait3A_687 : memref<1x125xi32, #tpu.memory_space<vmem>> -> memref<125xi32, #tpu.memory_space<vmem>>
      %dma_wait3A_689 = arith.constant 0 : i32
      %dma_wait3A_690 = arith.constant 0 : i32
      %dma_wait3A_691 = tpu.memref_slice %arg12[%dma_wait3A_689, %dma_wait3A_690] : memref<10240x64xf32, #tpu.memory_space<vmem_shared>> -> memref<10240x64xf32, #tpu.memory_space<vmem_shared>>
      %dma_wait3A_692 = tpu.memref_slice %arg14[%dma_wait3A_681] : memref<8x!tpu.dma_semaphore, #tpu.memory_space<semaphore_mem>> -> memref<1x!tpu.dma_semaphore, #tpu.memory_space<semaphore_mem>>
      %dma_wait3A_693 = tpu.memref_squeeze %dma_wait3A_692 : memref<1x!tpu.dma_semaphore, #tpu.memory_space<semaphore_mem>> -> memref<!tpu.dma_semaphore, #tpu.memory_space<semaphore_mem>>
      tpu.wait_indirect_dma semaphore(%dma_wait3A_693 : memref<!tpu.dma_semaphore, #tpu.memory_space<semaphore_mem>>) src(%dma_wait3A_685 : memref<125x64xf32, #tpu.memory_space<vmem>>) dst(%dma_wait3A_691 : memref<10240x64xf32, #tpu.memory_space<vmem_shared>>)
      %add3A_694 = arith.constant 6 : i32
      %add3A_695 = arith.addi %mul3A_275, %add3A_694 : i32
      %add3A_696 = arith.constant 8 : i32
      %add3A_697 = arith.addi %add3A_695, %add3A_696 : i32
      %lt3A_698 = arith.constant 80 : i32
      %lt3A_699 = arith.cmpi slt, %add3A_697, %lt3A_698 : i32
      %convert_element_type3A_700 = arith.extui %lt3A_699 : i1 to i32
      %cond3A_701 = arith.constant 0 : i32
      %cond3A_702 = arith.cmpi ne, %convert_element_type3A_700, %cond3A_701 : i32
      scf.if %cond3A_702 {
        %add3A_729 = arith.constant 6 : i32
        %add3A_730 = arith.addi %mul3A_275, %add3A_729 : i32
        %add3A_731 = arith.constant 8 : i32
        %add3A_732 = arith.addi %add3A_730, %add3A_731 : i32
        %dma_start3A_733 = arith.constant 6 : i32
        %dma_start3A_734 = arith.constant 6 : i32
        %dma_start3A_735 = arith.constant 0 : i32
        %dma_start3A_736 = arith.constant 0 : i32
        %dma_start3A_737 = tpu.memref_slice %arg11[%dma_start3A_733, %dma_start3A_735, %dma_start3A_736] : memref<8x125x64xf32, #tpu.memory_space<vmem>> -> memref<1x125x64xf32, #tpu.memory_space<vmem>>
        %dma_start3A_738 = tpu.memref_squeeze %dma_start3A_737 : memref<1x125x64xf32, #tpu.memory_space<vmem>> -> memref<125x64xf32, #tpu.memory_space<vmem>>
        %dma_start3A_739 = arith.constant 0 : i32
        %dma_start3A_740 = tpu.memref_slice %arg9[%add3A_732, %dma_start3A_739] : memref<80x125xi32, #tpu.memory_space<vmem>> -> memref<1x125xi32, #tpu.memory_space<vmem>>
        %dma_start3A_741 = tpu.memref_squeeze %dma_start3A_740 : memref<1x125xi32, #tpu.memory_space<vmem>> -> memref<125xi32, #tpu.memory_space<vmem>>
        %dma_start3A_742 = arith.constant 0 : i32
        %dma_start3A_743 = arith.constant 0 : i32
        %dma_start3A_744 = tpu.memref_slice %arg2[%dma_start3A_742, %dma_start3A_743] : memref<10000x64xf32, #tpu.memory_space<hbm>> -> memref<10000x64xf32, #tpu.memory_space<hbm>>
        %dma_start3A_745 = tpu.memref_slice %arg13[%dma_start3A_734] : memref<8x!tpu.dma_semaphore, #tpu.memory_space<semaphore_mem>> -> memref<1x!tpu.dma_semaphore, #tpu.memory_space<semaphore_mem>>
        %dma_start3A_746 = tpu.memref_squeeze %dma_start3A_745 : memref<1x!tpu.dma_semaphore, #tpu.memory_space<semaphore_mem>> -> memref<!tpu.dma_semaphore, #tpu.memory_space<semaphore_mem>>
        tpu.enqueue_indirect_dma source(%dma_start3A_744 : memref<10000x64xf32, #tpu.memory_space<hbm>>) target(%dma_start3A_738 : memref<125x64xf32, #tpu.memory_space<vmem>>) offsets(%dma_start3A_741 : memref<125xi32, #tpu.memory_space<vmem>>) semaphore(%dma_start3A_746 : memref<!tpu.dma_semaphore, #tpu.memory_space<semaphore_mem>>)
      } else {
      }
      %add3A_703 = arith.constant 7 : i32
      %add3A_704 = arith.addi %mul3A_275, %add3A_703 : i32
      %dma_wait3A_705 = arith.constant 7 : i32
      %dma_wait3A_706 = arith.constant 7 : i32
      %dma_wait3A_707 = arith.constant 0 : i32
      %dma_wait3A_708 = arith.constant 0 : i32
      %dma_wait3A_709 = tpu.memref_slice %arg11[%dma_wait3A_705, %dma_wait3A_707, %dma_wait3A_708] : memref<8x125x64xf32, #tpu.memory_space<vmem>> -> memref<1x125x64xf32, #tpu.memory_space<vmem>>
      %dma_wait3A_710 = tpu.memref_squeeze %dma_wait3A_709 : memref<1x125x64xf32, #tpu.memory_space<vmem>> -> memref<125x64xf32, #tpu.memory_space<vmem>>
      %dma_wait3A_711 = arith.constant 0 : i32
      %dma_wait3A_712 = tpu.memref_slice %arg10[%add3A_704, %dma_wait3A_711] : memref<80x125xi32, #tpu.memory_space<vmem>> -> memref<1x125xi32, #tpu.memory_space<vmem>>
      %dma_wait3A_713 = tpu.memref_squeeze %dma_wait3A_712 : memref<1x125xi32, #tpu.memory_space<vmem>> -> memref<125xi32, #tpu.memory_space<vmem>>
      %dma_wait3A_714 = arith.constant 0 : i32
      %dma_wait3A_715 = arith.constant 0 : i32
      %dma_wait3A_716 = tpu.memref_slice %arg12[%dma_wait3A_714, %dma_wait3A_715] : memref<10240x64xf32, #tpu.memory_space<vmem_shared>> -> memref<10240x64xf32, #tpu.memory_space<vmem_shared>>
      %dma_wait3A_717 = tpu.memref_slice %arg14[%dma_wait3A_706] : memref<8x!tpu.dma_semaphore, #tpu.memory_space<semaphore_mem>> -> memref<1x!tpu.dma_semaphore, #tpu.memory_space<semaphore_mem>>
      %dma_wait3A_718 = tpu.memref_squeeze %dma_wait3A_717 : memref<1x!tpu.dma_semaphore, #tpu.memory_space<semaphore_mem>> -> memref<!tpu.dma_semaphore, #tpu.memory_space<semaphore_mem>>
      tpu.wait_indirect_dma semaphore(%dma_wait3A_718 : memref<!tpu.dma_semaphore, #tpu.memory_space<semaphore_mem>>) src(%dma_wait3A_710 : memref<125x64xf32, #tpu.memory_space<vmem>>) dst(%dma_wait3A_716 : memref<10240x64xf32, #tpu.memory_space<vmem_shared>>)
      %add3A_719 = arith.constant 7 : i32
      %add3A_720 = arith.addi %mul3A_275, %add3A_719 : i32
      %add3A_721 = arith.constant 8 : i32
      %add3A_722 = arith.addi %add3A_720, %add3A_721 : i32
      %lt3A_723 = arith.constant 80 : i32
      %lt3A_724 = arith.cmpi slt, %add3A_722, %lt3A_723 : i32
      %convert_element_type3A_725 = arith.extui %lt3A_724 : i1 to i32
      %cond3A_726 = arith.constant 0 : i32
      %cond3A_727 = arith.cmpi ne, %convert_element_type3A_725, %cond3A_726 : i32
      scf.if %cond3A_727 {
        %add3A_729 = arith.constant 7 : i32
        %add3A_730 = arith.addi %mul3A_275, %add3A_729 : i32
        %add3A_731 = arith.constant 8 : i32
        %add3A_732 = arith.addi %add3A_730, %add3A_731 : i32
        %dma_start3A_733 = arith.constant 7 : i32
        %dma_start3A_734 = arith.constant 7 : i32
        %dma_start3A_735 = arith.constant 0 : i32
        %dma_start3A_736 = arith.constant 0 : i32
        %dma_start3A_737 = tpu.memref_slice %arg11[%dma_start3A_733, %dma_start3A_735, %dma_start3A_736] : memref<8x125x64xf32, #tpu.memory_space<vmem>> -> memref<1x125x64xf32, #tpu.memory_space<vmem>>
        %dma_start3A_738 = tpu.memref_squeeze %dma_start3A_737 : memref<1x125x64xf32, #tpu.memory_space<vmem>> -> memref<125x64xf32, #tpu.memory_space<vmem>>
        %dma_start3A_739 = arith.constant 0 : i32
        %dma_start3A_740 = tpu.memref_slice %arg9[%add3A_732, %dma_start3A_739] : memref<80x125xi32, #tpu.memory_space<vmem>> -> memref<1x125xi32, #tpu.memory_space<vmem>>
        %dma_start3A_741 = tpu.memref_squeeze %dma_start3A_740 : memref<1x125xi32, #tpu.memory_space<vmem>> -> memref<125xi32, #tpu.memory_space<vmem>>
        %dma_start3A_742 = arith.constant 0 : i32
        %dma_start3A_743 = arith.constant 0 : i32
        %dma_start3A_744 = tpu.memref_slice %arg2[%dma_start3A_742, %dma_start3A_743] : memref<10000x64xf32, #tpu.memory_space<hbm>> -> memref<10000x64xf32, #tpu.memory_space<hbm>>
        %dma_start3A_745 = tpu.memref_slice %arg13[%dma_start3A_734] : memref<8x!tpu.dma_semaphore, #tpu.memory_space<semaphore_mem>> -> memref<1x!tpu.dma_semaphore, #tpu.memory_space<semaphore_mem>>
        %dma_start3A_746 = tpu.memref_squeeze %dma_start3A_745 : memref<1x!tpu.dma_semaphore, #tpu.memory_space<semaphore_mem>> -> memref<!tpu.dma_semaphore, #tpu.memory_space<semaphore_mem>>
        tpu.enqueue_indirect_dma source(%dma_start3A_744 : memref<10000x64xf32, #tpu.memory_space<hbm>>) target(%dma_start3A_738 : memref<125x64xf32, #tpu.memory_space<vmem>>) offsets(%dma_start3A_741 : memref<125xi32, #tpu.memory_space<vmem>>) semaphore(%dma_start3A_746 : memref<!tpu.dma_semaphore, #tpu.memory_space<semaphore_mem>>)
      } else {
      }
      %scan3A_728 = arith.constant 0 : i32
      scf.yield %scan3A_728 : i32
    }
    %scan3A_129 = arith.constant 10 : i32
    %barrier3A_130 = arith.constant 0 : index
    tpu.barrier barrier_id(%barrier3A_130)
    %mul3A_131 = arith.constant 640 : i32
    %mul3A_132 = arith.muli %arg1, %mul3A_131 : i32
    %mul3A_133 = arith.constant 640 : i32
    %mul3A_134 = arith.muli %arg1, %mul3A_133 : i32
    "tpu.region"() ({
      %run_scoped3A = tpu.sem_alloc : memref<!tpu.dma_semaphore, #tpu.memory_space<semaphore_mem>>
      %dma_start3A_272 = arith.constant 0 : i32
      %dma_start3A_273 = tpu.memref_slice %arg7[%arg0, %mul3A_134, %dma_start3A_272] : memref<2x10240x64xf32, #tpu.memory_space<hbm>> -> memref<1x640x64xf32, #tpu.memory_space<hbm>>
      %dma_start3A_274 = tpu.memref_squeeze %dma_start3A_273 : memref<1x640x64xf32, #tpu.memory_space<hbm>> -> memref<640x64xf32, #tpu.memory_space<hbm>>
      %dma_start3A_275 = arith.constant 0 : i32
      %dma_start3A_276 = tpu.memref_slice %arg12[%mul3A_132, %dma_start3A_275] : memref<10240x64xf32, #tpu.memory_space<vmem_shared>> -> memref<640x64xf32, #tpu.memory_space<vmem_shared>>
      tpu.enqueue_dma source(%dma_start3A_276 : memref<640x64xf32, #tpu.memory_space<vmem_shared>>) target(%dma_start3A_274 : memref<640x64xf32, #tpu.memory_space<hbm>>) target_semaphore(%run_scoped3A : memref<!tpu.dma_semaphore, #tpu.memory_space<semaphore_mem>>)
      %dma_wait3A = arith.constant 0 : i32
      %dma_wait3A_277 = tpu.memref_slice %arg7[%arg0, %mul3A_134, %dma_wait3A] : memref<2x10240x64xf32, #tpu.memory_space<hbm>> -> memref<1x640x64xf32, #tpu.memory_space<hbm>>
      %dma_wait3A_278 = tpu.memref_squeeze %dma_wait3A_277 : memref<1x640x64xf32, #tpu.memory_space<hbm>> -> memref<640x64xf32, #tpu.memory_space<hbm>>
      %dma_wait3A_279 = arith.constant 0 : i32
      %dma_wait3A_280 = tpu.memref_slice %arg12[%mul3A_132, %dma_wait3A_279] : memref<10240x64xf32, #tpu.memory_space<vmem_shared>> -> memref<640x64xf32, #tpu.memory_space<vmem_shared>>
      tpu.wait_dma2 semaphore(%run_scoped3A : memref<!tpu.dma_semaphore, #tpu.memory_space<semaphore_mem>>) src(%dma_wait3A_280 : memref<640x64xf32, #tpu.memory_space<vmem_shared>>) dst(%dma_wait3A_278 : memref<640x64xf32, #tpu.memory_space<hbm>>)
      tpu.yield
    }) : () -> ()
    %mul3A_135 = arith.constant 640 : i32
    %mul3A_136 = arith.muli %arg1, %mul3A_135 : i32
    %mul3A_137 = arith.constant 640 : i32
    %mul3A_138 = arith.muli %arg1, %mul3A_137 : i32
    "tpu.region"() ({
      %run_scoped3A = tpu.sem_alloc : memref<!tpu.dma_semaphore, #tpu.memory_space<semaphore_mem>>
      %dma_start3A_272 = arith.constant 0 : i32
      %dma_start3A_273 = tpu.memref_slice %arg12[%mul3A_138, %dma_start3A_272] : memref<10240x64xf32, #tpu.memory_space<vmem_shared>> -> memref<640x64xf32, #tpu.memory_space<vmem_shared>>
      %dma_start3A_274 = arith.constant 0 : i32
      %dma_start3A_275 = tpu.memref_slice %arg6[%mul3A_136, %dma_start3A_274] : memref<10240x64xf32, #tpu.memory_space<hbm>> -> memref<640x64xf32, #tpu.memory_space<hbm>>
      tpu.enqueue_dma source(%dma_start3A_275 : memref<640x64xf32, #tpu.memory_space<hbm>>) target(%dma_start3A_273 : memref<640x64xf32, #tpu.memory_space<vmem_shared>>) target_semaphore(%run_scoped3A : memref<!tpu.dma_semaphore, #tpu.memory_space<semaphore_mem>>)
      %dma_wait3A = arith.constant 0 : i32
      %dma_wait3A_276 = tpu.memref_slice %arg12[%mul3A_138, %dma_wait3A] : memref<10240x64xf32, #tpu.memory_space<vmem_shared>> -> memref<640x64xf32, #tpu.memory_space<vmem_shared>>
      %dma_wait3A_277 = arith.constant 0 : i32
      %dma_wait3A_278 = tpu.memref_slice %arg6[%mul3A_136, %dma_wait3A_277] : memref<10240x64xf32, #tpu.memory_space<hbm>> -> memref<640x64xf32, #tpu.memory_space<hbm>>
      tpu.wait_dma2 semaphore(%run_scoped3A : memref<!tpu.dma_semaphore, #tpu.memory_space<semaphore_mem>>) src(%dma_wait3A_278 : memref<640x64xf32, #tpu.memory_space<hbm>>) dst(%dma_wait3A_276 : memref<640x64xf32, #tpu.memory_space<vmem_shared>>)
      tpu.yield
    }) : () -> ()
    %barrier3A_139 = arith.constant 0 : index
    tpu.barrier barrier_id(%barrier3A_139)
    %dma_start3A_140 = arith.constant 0 : i32
    %dma_start3A_141 = arith.constant 0 : i32
    %dma_start3A_142 = arith.constant 0 : i32
    %dma_start3A_143 = arith.constant 0 : i32
    %dma_start3A_144 = arith.constant 0 : i32
    %dma_start3A_145 = tpu.memref_slice %arg11[%dma_start3A_141, %dma_start3A_143, %dma_start3A_144] : memref<8x125x64xf32, #tpu.memory_space<vmem>> -> memref<1x125x64xf32, #tpu.memory_space<vmem>>
    %dma_start3A_146 = tpu.memref_squeeze %dma_start3A_145 : memref<1x125x64xf32, #tpu.memory_space<vmem>> -> memref<125x64xf32, #tpu.memory_space<vmem>>
    %dma_start3A_147 = arith.constant 0 : i32
    %dma_start3A_148 = tpu.memref_slice %arg9[%dma_start3A_140, %dma_start3A_147] : memref<80x125xi32, #tpu.memory_space<vmem>> -> memref<1x125xi32, #tpu.memory_space<vmem>>
    %dma_start3A_149 = tpu.memref_squeeze %dma_start3A_148 : memref<1x125xi32, #tpu.memory_space<vmem>> -> memref<125xi32, #tpu.memory_space<vmem>>
    %dma_start3A_150 = arith.constant 0 : i32
    %dma_start3A_151 = arith.constant 0 : i32
    %dma_start3A_152 = tpu.memref_slice %arg3[%dma_start3A_150, %dma_start3A_151] : memref<10000x64xf32, #tpu.memory_space<hbm>> -> memref<10000x64xf32, #tpu.memory_space<hbm>>
    %dma_start3A_153 = tpu.memref_slice %arg13[%dma_start3A_142] : memref<8x!tpu.dma_semaphore, #tpu.memory_space<semaphore_mem>> -> memref<1x!tpu.dma_semaphore, #tpu.memory_space<semaphore_mem>>
    %dma_start3A_154 = tpu.memref_squeeze %dma_start3A_153 : memref<1x!tpu.dma_semaphore, #tpu.memory_space<semaphore_mem>> -> memref<!tpu.dma_semaphore, #tpu.memory_space<semaphore_mem>>
    tpu.enqueue_indirect_dma source(%dma_start3A_152 : memref<10000x64xf32, #tpu.memory_space<hbm>>) target(%dma_start3A_146 : memref<125x64xf32, #tpu.memory_space<vmem>>) offsets(%dma_start3A_149 : memref<125xi32, #tpu.memory_space<vmem>>) semaphore(%dma_start3A_154 : memref<!tpu.dma_semaphore, #tpu.memory_space<semaphore_mem>>)
    %dma_start3A_155 = arith.constant 1 : i32
    %dma_start3A_156 = arith.constant 1 : i32
    %dma_start3A_157 = arith.constant 1 : i32
    %dma_start3A_158 = arith.constant 0 : i32
    %dma_start3A_159 = arith.constant 0 : i32
    %dma_start3A_160 = tpu.memref_slice %arg11[%dma_start3A_156, %dma_start3A_158, %dma_start3A_159] : memref<8x125x64xf32, #tpu.memory_space<vmem>> -> memref<1x125x64xf32, #tpu.memory_space<vmem>>
    %dma_start3A_161 = tpu.memref_squeeze %dma_start3A_160 : memref<1x125x64xf32, #tpu.memory_space<vmem>> -> memref<125x64xf32, #tpu.memory_space<vmem>>
    %dma_start3A_162 = arith.constant 0 : i32
    %dma_start3A_163 = tpu.memref_slice %arg9[%dma_start3A_155, %dma_start3A_162] : memref<80x125xi32, #tpu.memory_space<vmem>> -> memref<1x125xi32, #tpu.memory_space<vmem>>
    %dma_start3A_164 = tpu.memref_squeeze %dma_start3A_163 : memref<1x125xi32, #tpu.memory_space<vmem>> -> memref<125xi32, #tpu.memory_space<vmem>>
    %dma_start3A_165 = arith.constant 0 : i32
    %dma_start3A_166 = arith.constant 0 : i32
    %dma_start3A_167 = tpu.memref_slice %arg3[%dma_start3A_165, %dma_start3A_166] : memref<10000x64xf32, #tpu.memory_space<hbm>> -> memref<10000x64xf32, #tpu.memory_space<hbm>>
    %dma_start3A_168 = tpu.memref_slice %arg13[%dma_start3A_157] : memref<8x!tpu.dma_semaphore, #tpu.memory_space<semaphore_mem>> -> memref<1x!tpu.dma_semaphore, #tpu.memory_space<semaphore_mem>>
    %dma_start3A_169 = tpu.memref_squeeze %dma_start3A_168 : memref<1x!tpu.dma_semaphore, #tpu.memory_space<semaphore_mem>> -> memref<!tpu.dma_semaphore, #tpu.memory_space<semaphore_mem>>
    tpu.enqueue_indirect_dma source(%dma_start3A_167 : memref<10000x64xf32, #tpu.memory_space<hbm>>) target(%dma_start3A_161 : memref<125x64xf32, #tpu.memory_space<vmem>>) offsets(%dma_start3A_164 : memref<125xi32, #tpu.memory_space<vmem>>) semaphore(%dma_start3A_169 : memref<!tpu.dma_semaphore, #tpu.memory_space<semaphore_mem>>)
    %dma_start3A_170 = arith.constant 2 : i32
    %dma_start3A_171 = arith.constant 2 : i32
    %dma_start3A_172 = arith.constant 2 : i32
    %dma_start3A_173 = arith.constant 0 : i32
    %dma_start3A_174 = arith.constant 0 : i32
    %dma_start3A_175 = tpu.memref_slice %arg11[%dma_start3A_171, %dma_start3A_173, %dma_start3A_174] : memref<8x125x64xf32, #tpu.memory_space<vmem>> -> memref<1x125x64xf32, #tpu.memory_space<vmem>>
    %dma_start3A_176 = tpu.memref_squeeze %dma_start3A_175 : memref<1x125x64xf32, #tpu.memory_space<vmem>> -> memref<125x64xf32, #tpu.memory_space<vmem>>
    %dma_start3A_177 = arith.constant 0 : i32
    %dma_start3A_178 = tpu.memref_slice %arg9[%dma_start3A_170, %dma_start3A_177] : memref<80x125xi32, #tpu.memory_space<vmem>> -> memref<1x125xi32, #tpu.memory_space<vmem>>
    %dma_start3A_179 = tpu.memref_squeeze %dma_start3A_178 : memref<1x125xi32, #tpu.memory_space<vmem>> -> memref<125xi32, #tpu.memory_space<vmem>>
    %dma_start3A_180 = arith.constant 0 : i32
    %dma_start3A_181 = arith.constant 0 : i32
    %dma_start3A_182 = tpu.memref_slice %arg3[%dma_start3A_180, %dma_start3A_181] : memref<10000x64xf32, #tpu.memory_space<hbm>> -> memref<10000x64xf32, #tpu.memory_space<hbm>>
    %dma_start3A_183 = tpu.memref_slice %arg13[%dma_start3A_172] : memref<8x!tpu.dma_semaphore, #tpu.memory_space<semaphore_mem>> -> memref<1x!tpu.dma_semaphore, #tpu.memory_space<semaphore_mem>>
    %dma_start3A_184 = tpu.memref_squeeze %dma_start3A_183 : memref<1x!tpu.dma_semaphore, #tpu.memory_space<semaphore_mem>> -> memref<!tpu.dma_semaphore, #tpu.memory_space<semaphore_mem>>
    tpu.enqueue_indirect_dma source(%dma_start3A_182 : memref<10000x64xf32, #tpu.memory_space<hbm>>) target(%dma_start3A_176 : memref<125x64xf32, #tpu.memory_space<vmem>>) offsets(%dma_start3A_179 : memref<125xi32, #tpu.memory_space<vmem>>) semaphore(%dma_start3A_184 : memref<!tpu.dma_semaphore, #tpu.memory_space<semaphore_mem>>)
    %dma_start3A_185 = arith.constant 3 : i32
    %dma_start3A_186 = arith.constant 3 : i32
    %dma_start3A_187 = arith.constant 3 : i32
    %dma_start3A_188 = arith.constant 0 : i32
    %dma_start3A_189 = arith.constant 0 : i32
    %dma_start3A_190 = tpu.memref_slice %arg11[%dma_start3A_186, %dma_start3A_188, %dma_start3A_189] : memref<8x125x64xf32, #tpu.memory_space<vmem>> -> memref<1x125x64xf32, #tpu.memory_space<vmem>>
    %dma_start3A_191 = tpu.memref_squeeze %dma_start3A_190 : memref<1x125x64xf32, #tpu.memory_space<vmem>> -> memref<125x64xf32, #tpu.memory_space<vmem>>
    %dma_start3A_192 = arith.constant 0 : i32
    %dma_start3A_193 = tpu.memref_slice %arg9[%dma_start3A_185, %dma_start3A_192] : memref<80x125xi32, #tpu.memory_space<vmem>> -> memref<1x125xi32, #tpu.memory_space<vmem>>
    %dma_start3A_194 = tpu.memref_squeeze %dma_start3A_193 : memref<1x125xi32, #tpu.memory_space<vmem>> -> memref<125xi32, #tpu.memory_space<vmem>>
    %dma_start3A_195 = arith.constant 0 : i32
    %dma_start3A_196 = arith.constant 0 : i32
    %dma_start3A_197 = tpu.memref_slice %arg3[%dma_start3A_195, %dma_start3A_196] : memref<10000x64xf32, #tpu.memory_space<hbm>> -> memref<10000x64xf32, #tpu.memory_space<hbm>>
    %dma_start3A_198 = tpu.memref_slice %arg13[%dma_start3A_187] : memref<8x!tpu.dma_semaphore, #tpu.memory_space<semaphore_mem>> -> memref<1x!tpu.dma_semaphore, #tpu.memory_space<semaphore_mem>>
    %dma_start3A_199 = tpu.memref_squeeze %dma_start3A_198 : memref<1x!tpu.dma_semaphore, #tpu.memory_space<semaphore_mem>> -> memref<!tpu.dma_semaphore, #tpu.memory_space<semaphore_mem>>
    tpu.enqueue_indirect_dma source(%dma_start3A_197 : memref<10000x64xf32, #tpu.memory_space<hbm>>) target(%dma_start3A_191 : memref<125x64xf32, #tpu.memory_space<vmem>>) offsets(%dma_start3A_194 : memref<125xi32, #tpu.memory_space<vmem>>) semaphore(%dma_start3A_199 : memref<!tpu.dma_semaphore, #tpu.memory_space<semaphore_mem>>)
    %dma_start3A_200 = arith.constant 4 : i32
    %dma_start3A_201 = arith.constant 4 : i32
    %dma_start3A_202 = arith.constant 4 : i32
    %dma_start3A_203 = arith.constant 0 : i32
    %dma_start3A_204 = arith.constant 0 : i32
    %dma_start3A_205 = tpu.memref_slice %arg11[%dma_start3A_201, %dma_start3A_203, %dma_start3A_204] : memref<8x125x64xf32, #tpu.memory_space<vmem>> -> memref<1x125x64xf32, #tpu.memory_space<vmem>>
    %dma_start3A_206 = tpu.memref_squeeze %dma_start3A_205 : memref<1x125x64xf32, #tpu.memory_space<vmem>> -> memref<125x64xf32, #tpu.memory_space<vmem>>
    %dma_start3A_207 = arith.constant 0 : i32
    %dma_start3A_208 = tpu.memref_slice %arg9[%dma_start3A_200, %dma_start3A_207] : memref<80x125xi32, #tpu.memory_space<vmem>> -> memref<1x125xi32, #tpu.memory_space<vmem>>
    %dma_start3A_209 = tpu.memref_squeeze %dma_start3A_208 : memref<1x125xi32, #tpu.memory_space<vmem>> -> memref<125xi32, #tpu.memory_space<vmem>>
    %dma_start3A_210 = arith.constant 0 : i32
    %dma_start3A_211 = arith.constant 0 : i32
    %dma_start3A_212 = tpu.memref_slice %arg3[%dma_start3A_210, %dma_start3A_211] : memref<10000x64xf32, #tpu.memory_space<hbm>> -> memref<10000x64xf32, #tpu.memory_space<hbm>>
    %dma_start3A_213 = tpu.memref_slice %arg13[%dma_start3A_202] : memref<8x!tpu.dma_semaphore, #tpu.memory_space<semaphore_mem>> -> memref<1x!tpu.dma_semaphore, #tpu.memory_space<semaphore_mem>>
    %dma_start3A_214 = tpu.memref_squeeze %dma_start3A_213 : memref<1x!tpu.dma_semaphore, #tpu.memory_space<semaphore_mem>> -> memref<!tpu.dma_semaphore, #tpu.memory_space<semaphore_mem>>
    tpu.enqueue_indirect_dma source(%dma_start3A_212 : memref<10000x64xf32, #tpu.memory_space<hbm>>) target(%dma_start3A_206 : memref<125x64xf32, #tpu.memory_space<vmem>>) offsets(%dma_start3A_209 : memref<125xi32, #tpu.memory_space<vmem>>) semaphore(%dma_start3A_214 : memref<!tpu.dma_semaphore, #tpu.memory_space<semaphore_mem>>)
    %dma_start3A_215 = arith.constant 5 : i32
    %dma_start3A_216 = arith.constant 5 : i32
    %dma_start3A_217 = arith.constant 5 : i32
    %dma_start3A_218 = arith.constant 0 : i32
    %dma_start3A_219 = arith.constant 0 : i32
    %dma_start3A_220 = tpu.memref_slice %arg11[%dma_start3A_216, %dma_start3A_218, %dma_start3A_219] : memref<8x125x64xf32, #tpu.memory_space<vmem>> -> memref<1x125x64xf32, #tpu.memory_space<vmem>>
    %dma_start3A_221 = tpu.memref_squeeze %dma_start3A_220 : memref<1x125x64xf32, #tpu.memory_space<vmem>> -> memref<125x64xf32, #tpu.memory_space<vmem>>
    %dma_start3A_222 = arith.constant 0 : i32
    %dma_start3A_223 = tpu.memref_slice %arg9[%dma_start3A_215, %dma_start3A_222] : memref<80x125xi32, #tpu.memory_space<vmem>> -> memref<1x125xi32, #tpu.memory_space<vmem>>
    %dma_start3A_224 = tpu.memref_squeeze %dma_start3A_223 : memref<1x125xi32, #tpu.memory_space<vmem>> -> memref<125xi32, #tpu.memory_space<vmem>>
    %dma_start3A_225 = arith.constant 0 : i32
    %dma_start3A_226 = arith.constant 0 : i32
    %dma_start3A_227 = tpu.memref_slice %arg3[%dma_start3A_225, %dma_start3A_226] : memref<10000x64xf32, #tpu.memory_space<hbm>> -> memref<10000x64xf32, #tpu.memory_space<hbm>>
    %dma_start3A_228 = tpu.memref_slice %arg13[%dma_start3A_217] : memref<8x!tpu.dma_semaphore, #tpu.memory_space<semaphore_mem>> -> memref<1x!tpu.dma_semaphore, #tpu.memory_space<semaphore_mem>>
    %dma_start3A_229 = tpu.memref_squeeze %dma_start3A_228 : memref<1x!tpu.dma_semaphore, #tpu.memory_space<semaphore_mem>> -> memref<!tpu.dma_semaphore, #tpu.memory_space<semaphore_mem>>
    tpu.enqueue_indirect_dma source(%dma_start3A_227 : memref<10000x64xf32, #tpu.memory_space<hbm>>) target(%dma_start3A_221 : memref<125x64xf32, #tpu.memory_space<vmem>>) offsets(%dma_start3A_224 : memref<125xi32, #tpu.memory_space<vmem>>) semaphore(%dma_start3A_229 : memref<!tpu.dma_semaphore, #tpu.memory_space<semaphore_mem>>)
    %dma_start3A_230 = arith.constant 6 : i32
    %dma_start3A_231 = arith.constant 6 : i32
    %dma_start3A_232 = arith.constant 6 : i32
    %dma_start3A_233 = arith.constant 0 : i32
    %dma_start3A_234 = arith.constant 0 : i32
    %dma_start3A_235 = tpu.memref_slice %arg11[%dma_start3A_231, %dma_start3A_233, %dma_start3A_234] : memref<8x125x64xf32, #tpu.memory_space<vmem>> -> memref<1x125x64xf32, #tpu.memory_space<vmem>>
    %dma_start3A_236 = tpu.memref_squeeze %dma_start3A_235 : memref<1x125x64xf32, #tpu.memory_space<vmem>> -> memref<125x64xf32, #tpu.memory_space<vmem>>
    %dma_start3A_237 = arith.constant 0 : i32
    %dma_start3A_238 = tpu.memref_slice %arg9[%dma_start3A_230, %dma_start3A_237] : memref<80x125xi32, #tpu.memory_space<vmem>> -> memref<1x125xi32, #tpu.memory_space<vmem>>
    %dma_start3A_239 = tpu.memref_squeeze %dma_start3A_238 : memref<1x125xi32, #tpu.memory_space<vmem>> -> memref<125xi32, #tpu.memory_space<vmem>>
    %dma_start3A_240 = arith.constant 0 : i32
    %dma_start3A_241 = arith.constant 0 : i32
    %dma_start3A_242 = tpu.memref_slice %arg3[%dma_start3A_240, %dma_start3A_241] : memref<10000x64xf32, #tpu.memory_space<hbm>> -> memref<10000x64xf32, #tpu.memory_space<hbm>>
    %dma_start3A_243 = tpu.memref_slice %arg13[%dma_start3A_232] : memref<8x!tpu.dma_semaphore, #tpu.memory_space<semaphore_mem>> -> memref<1x!tpu.dma_semaphore, #tpu.memory_space<semaphore_mem>>
    %dma_start3A_244 = tpu.memref_squeeze %dma_start3A_243 : memref<1x!tpu.dma_semaphore, #tpu.memory_space<semaphore_mem>> -> memref<!tpu.dma_semaphore, #tpu.memory_space<semaphore_mem>>
    tpu.enqueue_indirect_dma source(%dma_start3A_242 : memref<10000x64xf32, #tpu.memory_space<hbm>>) target(%dma_start3A_236 : memref<125x64xf32, #tpu.memory_space<vmem>>) offsets(%dma_start3A_239 : memref<125xi32, #tpu.memory_space<vmem>>) semaphore(%dma_start3A_244 : memref<!tpu.dma_semaphore, #tpu.memory_space<semaphore_mem>>)
    %dma_start3A_245 = arith.constant 7 : i32
    %dma_start3A_246 = arith.constant 7 : i32
    %dma_start3A_247 = arith.constant 7 : i32
    %dma_start3A_248 = arith.constant 0 : i32
    %dma_start3A_249 = arith.constant 0 : i32
    %dma_start3A_250 = tpu.memref_slice %arg11[%dma_start3A_246, %dma_start3A_248, %dma_start3A_249] : memref<8x125x64xf32, #tpu.memory_space<vmem>> -> memref<1x125x64xf32, #tpu.memory_space<vmem>>
    %dma_start3A_251 = tpu.memref_squeeze %dma_start3A_250 : memref<1x125x64xf32, #tpu.memory_space<vmem>> -> memref<125x64xf32, #tpu.memory_space<vmem>>
    %dma_start3A_252 = arith.constant 0 : i32
    %dma_start3A_253 = tpu.memref_slice %arg9[%dma_start3A_245, %dma_start3A_252] : memref<80x125xi32, #tpu.memory_space<vmem>> -> memref<1x125xi32, #tpu.memory_space<vmem>>
    %dma_start3A_254 = tpu.memref_squeeze %dma_start3A_253 : memref<1x125xi32, #tpu.memory_space<vmem>> -> memref<125xi32, #tpu.memory_space<vmem>>
    %dma_start3A_255 = arith.constant 0 : i32
    %dma_start3A_256 = arith.constant 0 : i32
    %dma_start3A_257 = tpu.memref_slice %arg3[%dma_start3A_255, %dma_start3A_256] : memref<10000x64xf32, #tpu.memory_space<hbm>> -> memref<10000x64xf32, #tpu.memory_space<hbm>>
    %dma_start3A_258 = tpu.memref_slice %arg13[%dma_start3A_247] : memref<8x!tpu.dma_semaphore, #tpu.memory_space<semaphore_mem>> -> memref<1x!tpu.dma_semaphore, #tpu.memory_space<semaphore_mem>>
    %dma_start3A_259 = tpu.memref_squeeze %dma_start3A_258 : memref<1x!tpu.dma_semaphore, #tpu.memory_space<semaphore_mem>> -> memref<!tpu.dma_semaphore, #tpu.memory_space<semaphore_mem>>
    tpu.enqueue_indirect_dma source(%dma_start3A_257 : memref<10000x64xf32, #tpu.memory_space<hbm>>) target(%dma_start3A_251 : memref<125x64xf32, #tpu.memory_space<vmem>>) offsets(%dma_start3A_254 : memref<125xi32, #tpu.memory_space<vmem>>) semaphore(%dma_start3A_259 : memref<!tpu.dma_semaphore, #tpu.memory_space<semaphore_mem>>)
    %scan3A_260 = arith.constant 0 : i32
    %scan3A_261 = arith.constant 0 : i32
    %scan3A_262 = arith.constant 10 : i32
    %scan3A_263 = arith.addi %scan3A_261, %scan3A_262 : i32
    %scan3A_264 = arith.constant 1 : i32
    %scan3A_265 = scf.for %scan3A_272 = %scan3A_261 to %scan3A_263 step %scan3A_264 iter_args(%scan3A_273 = %scan3A_260) -> (i32)  : i32 {
      %mul3A_274 = arith.constant 8 : i32
      %mul3A_275 = arith.muli %scan3A_272, %mul3A_274 : i32
      %add3A_276 = arith.constant 0 : i32
      %add3A_277 = arith.addi %mul3A_275, %add3A_276 : i32
      %dma_wait3A = arith.constant 0 : i32
      %dma_wait3A_278 = arith.constant 0 : i32
      %dma_wait3A_279 = arith.constant 0 : i32
      %dma_wait3A_280 = arith.constant 0 : i32
      %dma_wait3A_281 = tpu.memref_slice %arg11[%dma_wait3A, %dma_wait3A_279, %dma_wait3A_280] : memref<8x125x64xf32, #tpu.memory_space<vmem>> -> memref<1x125x64xf32, #tpu.memory_space<vmem>>
      %dma_wait3A_282 = tpu.memref_squeeze %dma_wait3A_281 : memref<1x125x64xf32, #tpu.memory_space<vmem>> -> memref<125x64xf32, #tpu.memory_space<vmem>>
      %dma_wait3A_283 = arith.constant 0 : i32
      %dma_wait3A_284 = tpu.memref_slice %arg9[%add3A_277, %dma_wait3A_283] : memref<80x125xi32, #tpu.memory_space<vmem>> -> memref<1x125xi32, #tpu.memory_space<vmem>>
      %dma_wait3A_285 = tpu.memref_squeeze %dma_wait3A_284 : memref<1x125xi32, #tpu.memory_space<vmem>> -> memref<125xi32, #tpu.memory_space<vmem>>
      %dma_wait3A_286 = arith.constant 0 : i32
      %dma_wait3A_287 = arith.constant 0 : i32
      %dma_wait3A_288 = tpu.memref_slice %arg3[%dma_wait3A_286, %dma_wait3A_287] : memref<10000x64xf32, #tpu.memory_space<hbm>> -> memref<10000x64xf32, #tpu.memory_space<hbm>>
      %dma_wait3A_289 = tpu.memref_slice %arg13[%dma_wait3A_278] : memref<8x!tpu.dma_semaphore, #tpu.memory_space<semaphore_mem>> -> memref<1x!tpu.dma_semaphore, #tpu.memory_space<semaphore_mem>>
      %dma_wait3A_290 = tpu.memref_squeeze %dma_wait3A_289 : memref<1x!tpu.dma_semaphore, #tpu.memory_space<semaphore_mem>> -> memref<!tpu.dma_semaphore, #tpu.memory_space<semaphore_mem>>
      tpu.wait_indirect_dma semaphore(%dma_wait3A_290 : memref<!tpu.dma_semaphore, #tpu.memory_space<semaphore_mem>>) src(%dma_wait3A_288 : memref<10000x64xf32, #tpu.memory_space<hbm>>) dst(%dma_wait3A_282 : memref<125x64xf32, #tpu.memory_space<vmem>>)
      %add3A_291 = arith.constant 0 : i32
      %add3A_292 = arith.addi %mul3A_275, %add3A_291 : i32
      %dma_start3A_293 = arith.constant 0 : i32
      %dma_start3A_294 = arith.constant 0 : i32
      %dma_start3A_295 = arith.constant 0 : i32
      %dma_start3A_296 = arith.constant 0 : i32
      %dma_start3A_297 = tpu.memref_slice %arg11[%dma_start3A_293, %dma_start3A_295, %dma_start3A_296] : memref<8x125x64xf32, #tpu.memory_space<vmem>> -> memref<1x125x64xf32, #tpu.memory_space<vmem>>
      %dma_start3A_298 = tpu.memref_squeeze %dma_start3A_297 : memref<1x125x64xf32, #tpu.memory_space<vmem>> -> memref<125x64xf32, #tpu.memory_space<vmem>>
      %dma_start3A_299 = arith.constant 0 : i32
      %dma_start3A_300 = tpu.memref_slice %arg10[%add3A_292, %dma_start3A_299] : memref<80x125xi32, #tpu.memory_space<vmem>> -> memref<1x125xi32, #tpu.memory_space<vmem>>
      %dma_start3A_301 = tpu.memref_squeeze %dma_start3A_300 : memref<1x125xi32, #tpu.memory_space<vmem>> -> memref<125xi32, #tpu.memory_space<vmem>>
      %dma_start3A_302 = arith.constant 0 : i32
      %dma_start3A_303 = arith.constant 0 : i32
      %dma_start3A_304 = tpu.memref_slice %arg12[%dma_start3A_302, %dma_start3A_303] : memref<10240x64xf32, #tpu.memory_space<vmem_shared>> -> memref<10240x64xf32, #tpu.memory_space<vmem_shared>>
      %dma_start3A_305 = tpu.memref_slice %arg14[%dma_start3A_294] : memref<8x!tpu.dma_semaphore, #tpu.memory_space<semaphore_mem>> -> memref<1x!tpu.dma_semaphore, #tpu.memory_space<semaphore_mem>>
      %dma_start3A_306 = tpu.memref_squeeze %dma_start3A_305 : memref<1x!tpu.dma_semaphore, #tpu.memory_space<semaphore_mem>> -> memref<!tpu.dma_semaphore, #tpu.memory_space<semaphore_mem>>
      tpu.enqueue_indirect_dma source(%dma_start3A_298 : memref<125x64xf32, #tpu.memory_space<vmem>>) target(%dma_start3A_304 : memref<10240x64xf32, #tpu.memory_space<vmem_shared>>) offsets(%dma_start3A_301 : memref<125xi32, #tpu.memory_space<vmem>>) semaphore(%dma_start3A_306 : memref<!tpu.dma_semaphore, #tpu.memory_space<semaphore_mem>>) {add = true}
      %add3A_307 = arith.constant 1 : i32
      %add3A_308 = arith.addi %mul3A_275, %add3A_307 : i32
      %dma_wait3A_309 = arith.constant 1 : i32
      %dma_wait3A_310 = arith.constant 1 : i32
      %dma_wait3A_311 = arith.constant 0 : i32
      %dma_wait3A_312 = arith.constant 0 : i32
      %dma_wait3A_313 = tpu.memref_slice %arg11[%dma_wait3A_309, %dma_wait3A_311, %dma_wait3A_312] : memref<8x125x64xf32, #tpu.memory_space<vmem>> -> memref<1x125x64xf32, #tpu.memory_space<vmem>>
      %dma_wait3A_314 = tpu.memref_squeeze %dma_wait3A_313 : memref<1x125x64xf32, #tpu.memory_space<vmem>> -> memref<125x64xf32, #tpu.memory_space<vmem>>
      %dma_wait3A_315 = arith.constant 0 : i32
      %dma_wait3A_316 = tpu.memref_slice %arg9[%add3A_308, %dma_wait3A_315] : memref<80x125xi32, #tpu.memory_space<vmem>> -> memref<1x125xi32, #tpu.memory_space<vmem>>
      %dma_wait3A_317 = tpu.memref_squeeze %dma_wait3A_316 : memref<1x125xi32, #tpu.memory_space<vmem>> -> memref<125xi32, #tpu.memory_space<vmem>>
      %dma_wait3A_318 = arith.constant 0 : i32
      %dma_wait3A_319 = arith.constant 0 : i32
      %dma_wait3A_320 = tpu.memref_slice %arg3[%dma_wait3A_318, %dma_wait3A_319] : memref<10000x64xf32, #tpu.memory_space<hbm>> -> memref<10000x64xf32, #tpu.memory_space<hbm>>
      %dma_wait3A_321 = tpu.memref_slice %arg13[%dma_wait3A_310] : memref<8x!tpu.dma_semaphore, #tpu.memory_space<semaphore_mem>> -> memref<1x!tpu.dma_semaphore, #tpu.memory_space<semaphore_mem>>
      %dma_wait3A_322 = tpu.memref_squeeze %dma_wait3A_321 : memref<1x!tpu.dma_semaphore, #tpu.memory_space<semaphore_mem>> -> memref<!tpu.dma_semaphore, #tpu.memory_space<semaphore_mem>>
      tpu.wait_indirect_dma semaphore(%dma_wait3A_322 : memref<!tpu.dma_semaphore, #tpu.memory_space<semaphore_mem>>) src(%dma_wait3A_320 : memref<10000x64xf32, #tpu.memory_space<hbm>>) dst(%dma_wait3A_314 : memref<125x64xf32, #tpu.memory_space<vmem>>)
      %add3A_323 = arith.constant 1 : i32
      %add3A_324 = arith.addi %mul3A_275, %add3A_323 : i32
      %dma_start3A_325 = arith.constant 1 : i32
      %dma_start3A_326 = arith.constant 1 : i32
      %dma_start3A_327 = arith.constant 0 : i32
      %dma_start3A_328 = arith.constant 0 : i32
      %dma_start3A_329 = tpu.memref_slice %arg11[%dma_start3A_325, %dma_start3A_327, %dma_start3A_328] : memref<8x125x64xf32, #tpu.memory_space<vmem>> -> memref<1x125x64xf32, #tpu.memory_space<vmem>>
      %dma_start3A_330 = tpu.memref_squeeze %dma_start3A_329 : memref<1x125x64xf32, #tpu.memory_space<vmem>> -> memref<125x64xf32, #tpu.memory_space<vmem>>
      %dma_start3A_331 = arith.constant 0 : i32
      %dma_start3A_332 = tpu.memref_slice %arg10[%add3A_324, %dma_start3A_331] : memref<80x125xi32, #tpu.memory_space<vmem>> -> memref<1x125xi32, #tpu.memory_space<vmem>>
      %dma_start3A_333 = tpu.memref_squeeze %dma_start3A_332 : memref<1x125xi32, #tpu.memory_space<vmem>> -> memref<125xi32, #tpu.memory_space<vmem>>
      %dma_start3A_334 = arith.constant 0 : i32
      %dma_start3A_335 = arith.constant 0 : i32
      %dma_start3A_336 = tpu.memref_slice %arg12[%dma_start3A_334, %dma_start3A_335] : memref<10240x64xf32, #tpu.memory_space<vmem_shared>> -> memref<10240x64xf32, #tpu.memory_space<vmem_shared>>
      %dma_start3A_337 = tpu.memref_slice %arg14[%dma_start3A_326] : memref<8x!tpu.dma_semaphore, #tpu.memory_space<semaphore_mem>> -> memref<1x!tpu.dma_semaphore, #tpu.memory_space<semaphore_mem>>
      %dma_start3A_338 = tpu.memref_squeeze %dma_start3A_337 : memref<1x!tpu.dma_semaphore, #tpu.memory_space<semaphore_mem>> -> memref<!tpu.dma_semaphore, #tpu.memory_space<semaphore_mem>>
      tpu.enqueue_indirect_dma source(%dma_start3A_330 : memref<125x64xf32, #tpu.memory_space<vmem>>) target(%dma_start3A_336 : memref<10240x64xf32, #tpu.memory_space<vmem_shared>>) offsets(%dma_start3A_333 : memref<125xi32, #tpu.memory_space<vmem>>) semaphore(%dma_start3A_338 : memref<!tpu.dma_semaphore, #tpu.memory_space<semaphore_mem>>) {add = true}
      %add3A_339 = arith.constant 2 : i32
      %add3A_340 = arith.addi %mul3A_275, %add3A_339 : i32
      %dma_wait3A_341 = arith.constant 2 : i32
      %dma_wait3A_342 = arith.constant 2 : i32
      %dma_wait3A_343 = arith.constant 0 : i32
      %dma_wait3A_344 = arith.constant 0 : i32
      %dma_wait3A_345 = tpu.memref_slice %arg11[%dma_wait3A_341, %dma_wait3A_343, %dma_wait3A_344] : memref<8x125x64xf32, #tpu.memory_space<vmem>> -> memref<1x125x64xf32, #tpu.memory_space<vmem>>
      %dma_wait3A_346 = tpu.memref_squeeze %dma_wait3A_345 : memref<1x125x64xf32, #tpu.memory_space<vmem>> -> memref<125x64xf32, #tpu.memory_space<vmem>>
      %dma_wait3A_347 = arith.constant 0 : i32
      %dma_wait3A_348 = tpu.memref_slice %arg9[%add3A_340, %dma_wait3A_347] : memref<80x125xi32, #tpu.memory_space<vmem>> -> memref<1x125xi32, #tpu.memory_space<vmem>>
      %dma_wait3A_349 = tpu.memref_squeeze %dma_wait3A_348 : memref<1x125xi32, #tpu.memory_space<vmem>> -> memref<125xi32, #tpu.memory_space<vmem>>
      %dma_wait3A_350 = arith.constant 0 : i32
      %dma_wait3A_351 = arith.constant 0 : i32
      %dma_wait3A_352 = tpu.memref_slice %arg3[%dma_wait3A_350, %dma_wait3A_351] : memref<10000x64xf32, #tpu.memory_space<hbm>> -> memref<10000x64xf32, #tpu.memory_space<hbm>>
      %dma_wait3A_353 = tpu.memref_slice %arg13[%dma_wait3A_342] : memref<8x!tpu.dma_semaphore, #tpu.memory_space<semaphore_mem>> -> memref<1x!tpu.dma_semaphore, #tpu.memory_space<semaphore_mem>>
      %dma_wait3A_354 = tpu.memref_squeeze %dma_wait3A_353 : memref<1x!tpu.dma_semaphore, #tpu.memory_space<semaphore_mem>> -> memref<!tpu.dma_semaphore, #tpu.memory_space<semaphore_mem>>
      tpu.wait_indirect_dma semaphore(%dma_wait3A_354 : memref<!tpu.dma_semaphore, #tpu.memory_space<semaphore_mem>>) src(%dma_wait3A_352 : memref<10000x64xf32, #tpu.memory_space<hbm>>) dst(%dma_wait3A_346 : memref<125x64xf32, #tpu.memory_space<vmem>>)
      %add3A_355 = arith.constant 2 : i32
      %add3A_356 = arith.addi %mul3A_275, %add3A_355 : i32
      %dma_start3A_357 = arith.constant 2 : i32
      %dma_start3A_358 = arith.constant 2 : i32
      %dma_start3A_359 = arith.constant 0 : i32
      %dma_start3A_360 = arith.constant 0 : i32
      %dma_start3A_361 = tpu.memref_slice %arg11[%dma_start3A_357, %dma_start3A_359, %dma_start3A_360] : memref<8x125x64xf32, #tpu.memory_space<vmem>> -> memref<1x125x64xf32, #tpu.memory_space<vmem>>
      %dma_start3A_362 = tpu.memref_squeeze %dma_start3A_361 : memref<1x125x64xf32, #tpu.memory_space<vmem>> -> memref<125x64xf32, #tpu.memory_space<vmem>>
      %dma_start3A_363 = arith.constant 0 : i32
      %dma_start3A_364 = tpu.memref_slice %arg10[%add3A_356, %dma_start3A_363] : memref<80x125xi32, #tpu.memory_space<vmem>> -> memref<1x125xi32, #tpu.memory_space<vmem>>
      %dma_start3A_365 = tpu.memref_squeeze %dma_start3A_364 : memref<1x125xi32, #tpu.memory_space<vmem>> -> memref<125xi32, #tpu.memory_space<vmem>>
      %dma_start3A_366 = arith.constant 0 : i32
      %dma_start3A_367 = arith.constant 0 : i32
      %dma_start3A_368 = tpu.memref_slice %arg12[%dma_start3A_366, %dma_start3A_367] : memref<10240x64xf32, #tpu.memory_space<vmem_shared>> -> memref<10240x64xf32, #tpu.memory_space<vmem_shared>>
      %dma_start3A_369 = tpu.memref_slice %arg14[%dma_start3A_358] : memref<8x!tpu.dma_semaphore, #tpu.memory_space<semaphore_mem>> -> memref<1x!tpu.dma_semaphore, #tpu.memory_space<semaphore_mem>>
      %dma_start3A_370 = tpu.memref_squeeze %dma_start3A_369 : memref<1x!tpu.dma_semaphore, #tpu.memory_space<semaphore_mem>> -> memref<!tpu.dma_semaphore, #tpu.memory_space<semaphore_mem>>
      tpu.enqueue_indirect_dma source(%dma_start3A_362 : memref<125x64xf32, #tpu.memory_space<vmem>>) target(%dma_start3A_368 : memref<10240x64xf32, #tpu.memory_space<vmem_shared>>) offsets(%dma_start3A_365 : memref<125xi32, #tpu.memory_space<vmem>>) semaphore(%dma_start3A_370 : memref<!tpu.dma_semaphore, #tpu.memory_space<semaphore_mem>>) {add = true}
      %add3A_371 = arith.constant 3 : i32
      %add3A_372 = arith.addi %mul3A_275, %add3A_371 : i32
      %dma_wait3A_373 = arith.constant 3 : i32
      %dma_wait3A_374 = arith.constant 3 : i32
      %dma_wait3A_375 = arith.constant 0 : i32
      %dma_wait3A_376 = arith.constant 0 : i32
      %dma_wait3A_377 = tpu.memref_slice %arg11[%dma_wait3A_373, %dma_wait3A_375, %dma_wait3A_376] : memref<8x125x64xf32, #tpu.memory_space<vmem>> -> memref<1x125x64xf32, #tpu.memory_space<vmem>>
      %dma_wait3A_378 = tpu.memref_squeeze %dma_wait3A_377 : memref<1x125x64xf32, #tpu.memory_space<vmem>> -> memref<125x64xf32, #tpu.memory_space<vmem>>
      %dma_wait3A_379 = arith.constant 0 : i32
      %dma_wait3A_380 = tpu.memref_slice %arg9[%add3A_372, %dma_wait3A_379] : memref<80x125xi32, #tpu.memory_space<vmem>> -> memref<1x125xi32, #tpu.memory_space<vmem>>
      %dma_wait3A_381 = tpu.memref_squeeze %dma_wait3A_380 : memref<1x125xi32, #tpu.memory_space<vmem>> -> memref<125xi32, #tpu.memory_space<vmem>>
      %dma_wait3A_382 = arith.constant 0 : i32
      %dma_wait3A_383 = arith.constant 0 : i32
      %dma_wait3A_384 = tpu.memref_slice %arg3[%dma_wait3A_382, %dma_wait3A_383] : memref<10000x64xf32, #tpu.memory_space<hbm>> -> memref<10000x64xf32, #tpu.memory_space<hbm>>
      %dma_wait3A_385 = tpu.memref_slice %arg13[%dma_wait3A_374] : memref<8x!tpu.dma_semaphore, #tpu.memory_space<semaphore_mem>> -> memref<1x!tpu.dma_semaphore, #tpu.memory_space<semaphore_mem>>
      %dma_wait3A_386 = tpu.memref_squeeze %dma_wait3A_385 : memref<1x!tpu.dma_semaphore, #tpu.memory_space<semaphore_mem>> -> memref<!tpu.dma_semaphore, #tpu.memory_space<semaphore_mem>>
      tpu.wait_indirect_dma semaphore(%dma_wait3A_386 : memref<!tpu.dma_semaphore, #tpu.memory_space<semaphore_mem>>) src(%dma_wait3A_384 : memref<10000x64xf32, #tpu.memory_space<hbm>>) dst(%dma_wait3A_378 : memref<125x64xf32, #tpu.memory_space<vmem>>)
      %add3A_387 = arith.constant 3 : i32
      %add3A_388 = arith.addi %mul3A_275, %add3A_387 : i32
      %dma_start3A_389 = arith.constant 3 : i32
      %dma_start3A_390 = arith.constant 3 : i32
      %dma_start3A_391 = arith.constant 0 : i32
      %dma_start3A_392 = arith.constant 0 : i32
      %dma_start3A_393 = tpu.memref_slice %arg11[%dma_start3A_389, %dma_start3A_391, %dma_start3A_392] : memref<8x125x64xf32, #tpu.memory_space<vmem>> -> memref<1x125x64xf32, #tpu.memory_space<vmem>>
      %dma_start3A_394 = tpu.memref_squeeze %dma_start3A_393 : memref<1x125x64xf32, #tpu.memory_space<vmem>> -> memref<125x64xf32, #tpu.memory_space<vmem>>
      %dma_start3A_395 = arith.constant 0 : i32
      %dma_start3A_396 = tpu.memref_slice %arg10[%add3A_388, %dma_start3A_395] : memref<80x125xi32, #tpu.memory_space<vmem>> -> memref<1x125xi32, #tpu.memory_space<vmem>>
      %dma_start3A_397 = tpu.memref_squeeze %dma_start3A_396 : memref<1x125xi32, #tpu.memory_space<vmem>> -> memref<125xi32, #tpu.memory_space<vmem>>
      %dma_start3A_398 = arith.constant 0 : i32
      %dma_start3A_399 = arith.constant 0 : i32
      %dma_start3A_400 = tpu.memref_slice %arg12[%dma_start3A_398, %dma_start3A_399] : memref<10240x64xf32, #tpu.memory_space<vmem_shared>> -> memref<10240x64xf32, #tpu.memory_space<vmem_shared>>
      %dma_start3A_401 = tpu.memref_slice %arg14[%dma_start3A_390] : memref<8x!tpu.dma_semaphore, #tpu.memory_space<semaphore_mem>> -> memref<1x!tpu.dma_semaphore, #tpu.memory_space<semaphore_mem>>
      %dma_start3A_402 = tpu.memref_squeeze %dma_start3A_401 : memref<1x!tpu.dma_semaphore, #tpu.memory_space<semaphore_mem>> -> memref<!tpu.dma_semaphore, #tpu.memory_space<semaphore_mem>>
      tpu.enqueue_indirect_dma source(%dma_start3A_394 : memref<125x64xf32, #tpu.memory_space<vmem>>) target(%dma_start3A_400 : memref<10240x64xf32, #tpu.memory_space<vmem_shared>>) offsets(%dma_start3A_397 : memref<125xi32, #tpu.memory_space<vmem>>) semaphore(%dma_start3A_402 : memref<!tpu.dma_semaphore, #tpu.memory_space<semaphore_mem>>) {add = true}
      %add3A_403 = arith.constant 0 : i32
      %add3A_404 = arith.addi %mul3A_275, %add3A_403 : i32
      %dma_wait3A_405 = arith.constant 0 : i32
      %dma_wait3A_406 = arith.constant 0 : i32
      %dma_wait3A_407 = arith.constant 0 : i32
      %dma_wait3A_408 = arith.constant 0 : i32
      %dma_wait3A_409 = tpu.memref_slice %arg11[%dma_wait3A_405, %dma_wait3A_407, %dma_wait3A_408] : memref<8x125x64xf32, #tpu.memory_space<vmem>> -> memref<1x125x64xf32, #tpu.memory_space<vmem>>
      %dma_wait3A_410 = tpu.memref_squeeze %dma_wait3A_409 : memref<1x125x64xf32, #tpu.memory_space<vmem>> -> memref<125x64xf32, #tpu.memory_space<vmem>>
      %dma_wait3A_411 = arith.constant 0 : i32
      %dma_wait3A_412 = tpu.memref_slice %arg10[%add3A_404, %dma_wait3A_411] : memref<80x125xi32, #tpu.memory_space<vmem>> -> memref<1x125xi32, #tpu.memory_space<vmem>>
      %dma_wait3A_413 = tpu.memref_squeeze %dma_wait3A_412 : memref<1x125xi32, #tpu.memory_space<vmem>> -> memref<125xi32, #tpu.memory_space<vmem>>
      %dma_wait3A_414 = arith.constant 0 : i32
      %dma_wait3A_415 = arith.constant 0 : i32
      %dma_wait3A_416 = tpu.memref_slice %arg12[%dma_wait3A_414, %dma_wait3A_415] : memref<10240x64xf32, #tpu.memory_space<vmem_shared>> -> memref<10240x64xf32, #tpu.memory_space<vmem_shared>>
      %dma_wait3A_417 = tpu.memref_slice %arg14[%dma_wait3A_406] : memref<8x!tpu.dma_semaphore, #tpu.memory_space<semaphore_mem>> -> memref<1x!tpu.dma_semaphore, #tpu.memory_space<semaphore_mem>>
      %dma_wait3A_418 = tpu.memref_squeeze %dma_wait3A_417 : memref<1x!tpu.dma_semaphore, #tpu.memory_space<semaphore_mem>> -> memref<!tpu.dma_semaphore, #tpu.memory_space<semaphore_mem>>
      tpu.wait_indirect_dma semaphore(%dma_wait3A_418 : memref<!tpu.dma_semaphore, #tpu.memory_space<semaphore_mem>>) src(%dma_wait3A_410 : memref<125x64xf32, #tpu.memory_space<vmem>>) dst(%dma_wait3A_416 : memref<10240x64xf32, #tpu.memory_space<vmem_shared>>)
      %add3A_419 = arith.constant 0 : i32
      %add3A_420 = arith.addi %mul3A_275, %add3A_419 : i32
      %add3A_421 = arith.constant 8 : i32
      %add3A_422 = arith.addi %add3A_420, %add3A_421 : i32
      %lt3A = arith.constant 80 : i32
      %lt3A_423 = arith.cmpi slt, %add3A_422, %lt3A : i32
      %convert_element_type3A = arith.extui %lt3A_423 : i1 to i32
      %cond3A = arith.constant 0 : i32
      %cond3A_424 = arith.cmpi ne, %convert_element_type3A, %cond3A : i32
      scf.if %cond3A_424 {
        %add3A_729 = arith.constant 0 : i32
        %add3A_730 = arith.addi %mul3A_275, %add3A_729 : i32
        %add3A_731 = arith.constant 8 : i32
        %add3A_732 = arith.addi %add3A_730, %add3A_731 : i32
        %dma_start3A_733 = arith.constant 0 : i32
        %dma_start3A_734 = arith.constant 0 : i32
        %dma_start3A_735 = arith.constant 0 : i32
        %dma_start3A_736 = arith.constant 0 : i32
        %dma_start3A_737 = tpu.memref_slice %arg11[%dma_start3A_733, %dma_start3A_735, %dma_start3A_736] : memref<8x125x64xf32, #tpu.memory_space<vmem>> -> memref<1x125x64xf32, #tpu.memory_space<vmem>>
        %dma_start3A_738 = tpu.memref_squeeze %dma_start3A_737 : memref<1x125x64xf32, #tpu.memory_space<vmem>> -> memref<125x64xf32, #tpu.memory_space<vmem>>
        %dma_start3A_739 = arith.constant 0 : i32
        %dma_start3A_740 = tpu.memref_slice %arg9[%add3A_732, %dma_start3A_739] : memref<80x125xi32, #tpu.memory_space<vmem>> -> memref<1x125xi32, #tpu.memory_space<vmem>>
        %dma_start3A_741 = tpu.memref_squeeze %dma_start3A_740 : memref<1x125xi32, #tpu.memory_space<vmem>> -> memref<125xi32, #tpu.memory_space<vmem>>
        %dma_start3A_742 = arith.constant 0 : i32
        %dma_start3A_743 = arith.constant 0 : i32
        %dma_start3A_744 = tpu.memref_slice %arg3[%dma_start3A_742, %dma_start3A_743] : memref<10000x64xf32, #tpu.memory_space<hbm>> -> memref<10000x64xf32, #tpu.memory_space<hbm>>
        %dma_start3A_745 = tpu.memref_slice %arg13[%dma_start3A_734] : memref<8x!tpu.dma_semaphore, #tpu.memory_space<semaphore_mem>> -> memref<1x!tpu.dma_semaphore, #tpu.memory_space<semaphore_mem>>
        %dma_start3A_746 = tpu.memref_squeeze %dma_start3A_745 : memref<1x!tpu.dma_semaphore, #tpu.memory_space<semaphore_mem>> -> memref<!tpu.dma_semaphore, #tpu.memory_space<semaphore_mem>>
        tpu.enqueue_indirect_dma source(%dma_start3A_744 : memref<10000x64xf32, #tpu.memory_space<hbm>>) target(%dma_start3A_738 : memref<125x64xf32, #tpu.memory_space<vmem>>) offsets(%dma_start3A_741 : memref<125xi32, #tpu.memory_space<vmem>>) semaphore(%dma_start3A_746 : memref<!tpu.dma_semaphore, #tpu.memory_space<semaphore_mem>>)
      } else {
      }
      %add3A_425 = arith.constant 1 : i32
      %add3A_426 = arith.addi %mul3A_275, %add3A_425 : i32
      %dma_wait3A_427 = arith.constant 1 : i32
      %dma_wait3A_428 = arith.constant 1 : i32
      %dma_wait3A_429 = arith.constant 0 : i32
      %dma_wait3A_430 = arith.constant 0 : i32
      %dma_wait3A_431 = tpu.memref_slice %arg11[%dma_wait3A_427, %dma_wait3A_429, %dma_wait3A_430] : memref<8x125x64xf32, #tpu.memory_space<vmem>> -> memref<1x125x64xf32, #tpu.memory_space<vmem>>
      %dma_wait3A_432 = tpu.memref_squeeze %dma_wait3A_431 : memref<1x125x64xf32, #tpu.memory_space<vmem>> -> memref<125x64xf32, #tpu.memory_space<vmem>>
      %dma_wait3A_433 = arith.constant 0 : i32
      %dma_wait3A_434 = tpu.memref_slice %arg10[%add3A_426, %dma_wait3A_433] : memref<80x125xi32, #tpu.memory_space<vmem>> -> memref<1x125xi32, #tpu.memory_space<vmem>>
      %dma_wait3A_435 = tpu.memref_squeeze %dma_wait3A_434 : memref<1x125xi32, #tpu.memory_space<vmem>> -> memref<125xi32, #tpu.memory_space<vmem>>
      %dma_wait3A_436 = arith.constant 0 : i32
      %dma_wait3A_437 = arith.constant 0 : i32
      %dma_wait3A_438 = tpu.memref_slice %arg12[%dma_wait3A_436, %dma_wait3A_437] : memref<10240x64xf32, #tpu.memory_space<vmem_shared>> -> memref<10240x64xf32, #tpu.memory_space<vmem_shared>>
      %dma_wait3A_439 = tpu.memref_slice %arg14[%dma_wait3A_428] : memref<8x!tpu.dma_semaphore, #tpu.memory_space<semaphore_mem>> -> memref<1x!tpu.dma_semaphore, #tpu.memory_space<semaphore_mem>>
      %dma_wait3A_440 = tpu.memref_squeeze %dma_wait3A_439 : memref<1x!tpu.dma_semaphore, #tpu.memory_space<semaphore_mem>> -> memref<!tpu.dma_semaphore, #tpu.memory_space<semaphore_mem>>
      tpu.wait_indirect_dma semaphore(%dma_wait3A_440 : memref<!tpu.dma_semaphore, #tpu.memory_space<semaphore_mem>>) src(%dma_wait3A_432 : memref<125x64xf32, #tpu.memory_space<vmem>>) dst(%dma_wait3A_438 : memref<10240x64xf32, #tpu.memory_space<vmem_shared>>)
      %add3A_441 = arith.constant 1 : i32
      %add3A_442 = arith.addi %mul3A_275, %add3A_441 : i32
      %add3A_443 = arith.constant 8 : i32
      %add3A_444 = arith.addi %add3A_442, %add3A_443 : i32
      %lt3A_445 = arith.constant 80 : i32
      %lt3A_446 = arith.cmpi slt, %add3A_444, %lt3A_445 : i32
      %convert_element_type3A_447 = arith.extui %lt3A_446 : i1 to i32
      %cond3A_448 = arith.constant 0 : i32
      %cond3A_449 = arith.cmpi ne, %convert_element_type3A_447, %cond3A_448 : i32
      scf.if %cond3A_449 {
        %add3A_729 = arith.constant 1 : i32
        %add3A_730 = arith.addi %mul3A_275, %add3A_729 : i32
        %add3A_731 = arith.constant 8 : i32
        %add3A_732 = arith.addi %add3A_730, %add3A_731 : i32
        %dma_start3A_733 = arith.constant 1 : i32
        %dma_start3A_734 = arith.constant 1 : i32
        %dma_start3A_735 = arith.constant 0 : i32
        %dma_start3A_736 = arith.constant 0 : i32
        %dma_start3A_737 = tpu.memref_slice %arg11[%dma_start3A_733, %dma_start3A_735, %dma_start3A_736] : memref<8x125x64xf32, #tpu.memory_space<vmem>> -> memref<1x125x64xf32, #tpu.memory_space<vmem>>
        %dma_start3A_738 = tpu.memref_squeeze %dma_start3A_737 : memref<1x125x64xf32, #tpu.memory_space<vmem>> -> memref<125x64xf32, #tpu.memory_space<vmem>>
        %dma_start3A_739 = arith.constant 0 : i32
        %dma_start3A_740 = tpu.memref_slice %arg9[%add3A_732, %dma_start3A_739] : memref<80x125xi32, #tpu.memory_space<vmem>> -> memref<1x125xi32, #tpu.memory_space<vmem>>
        %dma_start3A_741 = tpu.memref_squeeze %dma_start3A_740 : memref<1x125xi32, #tpu.memory_space<vmem>> -> memref<125xi32, #tpu.memory_space<vmem>>
        %dma_start3A_742 = arith.constant 0 : i32
        %dma_start3A_743 = arith.constant 0 : i32
        %dma_start3A_744 = tpu.memref_slice %arg3[%dma_start3A_742, %dma_start3A_743] : memref<10000x64xf32, #tpu.memory_space<hbm>> -> memref<10000x64xf32, #tpu.memory_space<hbm>>
        %dma_start3A_745 = tpu.memref_slice %arg13[%dma_start3A_734] : memref<8x!tpu.dma_semaphore, #tpu.memory_space<semaphore_mem>> -> memref<1x!tpu.dma_semaphore, #tpu.memory_space<semaphore_mem>>
        %dma_start3A_746 = tpu.memref_squeeze %dma_start3A_745 : memref<1x!tpu.dma_semaphore, #tpu.memory_space<semaphore_mem>> -> memref<!tpu.dma_semaphore, #tpu.memory_space<semaphore_mem>>
        tpu.enqueue_indirect_dma source(%dma_start3A_744 : memref<10000x64xf32, #tpu.memory_space<hbm>>) target(%dma_start3A_738 : memref<125x64xf32, #tpu.memory_space<vmem>>) offsets(%dma_start3A_741 : memref<125xi32, #tpu.memory_space<vmem>>) semaphore(%dma_start3A_746 : memref<!tpu.dma_semaphore, #tpu.memory_space<semaphore_mem>>)
      } else {
      }
      %add3A_450 = arith.constant 2 : i32
      %add3A_451 = arith.addi %mul3A_275, %add3A_450 : i32
      %dma_wait3A_452 = arith.constant 2 : i32
      %dma_wait3A_453 = arith.constant 2 : i32
      %dma_wait3A_454 = arith.constant 0 : i32
      %dma_wait3A_455 = arith.constant 0 : i32
      %dma_wait3A_456 = tpu.memref_slice %arg11[%dma_wait3A_452, %dma_wait3A_454, %dma_wait3A_455] : memref<8x125x64xf32, #tpu.memory_space<vmem>> -> memref<1x125x64xf32, #tpu.memory_space<vmem>>
      %dma_wait3A_457 = tpu.memref_squeeze %dma_wait3A_456 : memref<1x125x64xf32, #tpu.memory_space<vmem>> -> memref<125x64xf32, #tpu.memory_space<vmem>>
      %dma_wait3A_458 = arith.constant 0 : i32
      %dma_wait3A_459 = tpu.memref_slice %arg10[%add3A_451, %dma_wait3A_458] : memref<80x125xi32, #tpu.memory_space<vmem>> -> memref<1x125xi32, #tpu.memory_space<vmem>>
      %dma_wait3A_460 = tpu.memref_squeeze %dma_wait3A_459 : memref<1x125xi32, #tpu.memory_space<vmem>> -> memref<125xi32, #tpu.memory_space<vmem>>
      %dma_wait3A_461 = arith.constant 0 : i32
      %dma_wait3A_462 = arith.constant 0 : i32
      %dma_wait3A_463 = tpu.memref_slice %arg12[%dma_wait3A_461, %dma_wait3A_462] : memref<10240x64xf32, #tpu.memory_space<vmem_shared>> -> memref<10240x64xf32, #tpu.memory_space<vmem_shared>>
      %dma_wait3A_464 = tpu.memref_slice %arg14[%dma_wait3A_453] : memref<8x!tpu.dma_semaphore, #tpu.memory_space<semaphore_mem>> -> memref<1x!tpu.dma_semaphore, #tpu.memory_space<semaphore_mem>>
      %dma_wait3A_465 = tpu.memref_squeeze %dma_wait3A_464 : memref<1x!tpu.dma_semaphore, #tpu.memory_space<semaphore_mem>> -> memref<!tpu.dma_semaphore, #tpu.memory_space<semaphore_mem>>
      tpu.wait_indirect_dma semaphore(%dma_wait3A_465 : memref<!tpu.dma_semaphore, #tpu.memory_space<semaphore_mem>>) src(%dma_wait3A_457 : memref<125x64xf32, #tpu.memory_space<vmem>>) dst(%dma_wait3A_463 : memref<10240x64xf32, #tpu.memory_space<vmem_shared>>)
      %add3A_466 = arith.constant 2 : i32
      %add3A_467 = arith.addi %mul3A_275, %add3A_466 : i32
      %add3A_468 = arith.constant 8 : i32
      %add3A_469 = arith.addi %add3A_467, %add3A_468 : i32
      %lt3A_470 = arith.constant 80 : i32
      %lt3A_471 = arith.cmpi slt, %add3A_469, %lt3A_470 : i32
      %convert_element_type3A_472 = arith.extui %lt3A_471 : i1 to i32
      %cond3A_473 = arith.constant 0 : i32
      %cond3A_474 = arith.cmpi ne, %convert_element_type3A_472, %cond3A_473 : i32
      scf.if %cond3A_474 {
        %add3A_729 = arith.constant 2 : i32
        %add3A_730 = arith.addi %mul3A_275, %add3A_729 : i32
        %add3A_731 = arith.constant 8 : i32
        %add3A_732 = arith.addi %add3A_730, %add3A_731 : i32
        %dma_start3A_733 = arith.constant 2 : i32
        %dma_start3A_734 = arith.constant 2 : i32
        %dma_start3A_735 = arith.constant 0 : i32
        %dma_start3A_736 = arith.constant 0 : i32
        %dma_start3A_737 = tpu.memref_slice %arg11[%dma_start3A_733, %dma_start3A_735, %dma_start3A_736] : memref<8x125x64xf32, #tpu.memory_space<vmem>> -> memref<1x125x64xf32, #tpu.memory_space<vmem>>
        %dma_start3A_738 = tpu.memref_squeeze %dma_start3A_737 : memref<1x125x64xf32, #tpu.memory_space<vmem>> -> memref<125x64xf32, #tpu.memory_space<vmem>>
        %dma_start3A_739 = arith.constant 0 : i32
        %dma_start3A_740 = tpu.memref_slice %arg9[%add3A_732, %dma_start3A_739] : memref<80x125xi32, #tpu.memory_space<vmem>> -> memref<1x125xi32, #tpu.memory_space<vmem>>
        %dma_start3A_741 = tpu.memref_squeeze %dma_start3A_740 : memref<1x125xi32, #tpu.memory_space<vmem>> -> memref<125xi32, #tpu.memory_space<vmem>>
        %dma_start3A_742 = arith.constant 0 : i32
        %dma_start3A_743 = arith.constant 0 : i32
        %dma_start3A_744 = tpu.memref_slice %arg3[%dma_start3A_742, %dma_start3A_743] : memref<10000x64xf32, #tpu.memory_space<hbm>> -> memref<10000x64xf32, #tpu.memory_space<hbm>>
        %dma_start3A_745 = tpu.memref_slice %arg13[%dma_start3A_734] : memref<8x!tpu.dma_semaphore, #tpu.memory_space<semaphore_mem>> -> memref<1x!tpu.dma_semaphore, #tpu.memory_space<semaphore_mem>>
        %dma_start3A_746 = tpu.memref_squeeze %dma_start3A_745 : memref<1x!tpu.dma_semaphore, #tpu.memory_space<semaphore_mem>> -> memref<!tpu.dma_semaphore, #tpu.memory_space<semaphore_mem>>
        tpu.enqueue_indirect_dma source(%dma_start3A_744 : memref<10000x64xf32, #tpu.memory_space<hbm>>) target(%dma_start3A_738 : memref<125x64xf32, #tpu.memory_space<vmem>>) offsets(%dma_start3A_741 : memref<125xi32, #tpu.memory_space<vmem>>) semaphore(%dma_start3A_746 : memref<!tpu.dma_semaphore, #tpu.memory_space<semaphore_mem>>)
      } else {
      }
      %add3A_475 = arith.constant 3 : i32
      %add3A_476 = arith.addi %mul3A_275, %add3A_475 : i32
      %dma_wait3A_477 = arith.constant 3 : i32
      %dma_wait3A_478 = arith.constant 3 : i32
      %dma_wait3A_479 = arith.constant 0 : i32
      %dma_wait3A_480 = arith.constant 0 : i32
      %dma_wait3A_481 = tpu.memref_slice %arg11[%dma_wait3A_477, %dma_wait3A_479, %dma_wait3A_480] : memref<8x125x64xf32, #tpu.memory_space<vmem>> -> memref<1x125x64xf32, #tpu.memory_space<vmem>>
      %dma_wait3A_482 = tpu.memref_squeeze %dma_wait3A_481 : memref<1x125x64xf32, #tpu.memory_space<vmem>> -> memref<125x64xf32, #tpu.memory_space<vmem>>
      %dma_wait3A_483 = arith.constant 0 : i32
      %dma_wait3A_484 = tpu.memref_slice %arg10[%add3A_476, %dma_wait3A_483] : memref<80x125xi32, #tpu.memory_space<vmem>> -> memref<1x125xi32, #tpu.memory_space<vmem>>
      %dma_wait3A_485 = tpu.memref_squeeze %dma_wait3A_484 : memref<1x125xi32, #tpu.memory_space<vmem>> -> memref<125xi32, #tpu.memory_space<vmem>>
      %dma_wait3A_486 = arith.constant 0 : i32
      %dma_wait3A_487 = arith.constant 0 : i32
      %dma_wait3A_488 = tpu.memref_slice %arg12[%dma_wait3A_486, %dma_wait3A_487] : memref<10240x64xf32, #tpu.memory_space<vmem_shared>> -> memref<10240x64xf32, #tpu.memory_space<vmem_shared>>
      %dma_wait3A_489 = tpu.memref_slice %arg14[%dma_wait3A_478] : memref<8x!tpu.dma_semaphore, #tpu.memory_space<semaphore_mem>> -> memref<1x!tpu.dma_semaphore, #tpu.memory_space<semaphore_mem>>
      %dma_wait3A_490 = tpu.memref_squeeze %dma_wait3A_489 : memref<1x!tpu.dma_semaphore, #tpu.memory_space<semaphore_mem>> -> memref<!tpu.dma_semaphore, #tpu.memory_space<semaphore_mem>>
      tpu.wait_indirect_dma semaphore(%dma_wait3A_490 : memref<!tpu.dma_semaphore, #tpu.memory_space<semaphore_mem>>) src(%dma_wait3A_482 : memref<125x64xf32, #tpu.memory_space<vmem>>) dst(%dma_wait3A_488 : memref<10240x64xf32, #tpu.memory_space<vmem_shared>>)
      %add3A_491 = arith.constant 3 : i32
      %add3A_492 = arith.addi %mul3A_275, %add3A_491 : i32
      %add3A_493 = arith.constant 8 : i32
      %add3A_494 = arith.addi %add3A_492, %add3A_493 : i32
      %lt3A_495 = arith.constant 80 : i32
      %lt3A_496 = arith.cmpi slt, %add3A_494, %lt3A_495 : i32
      %convert_element_type3A_497 = arith.extui %lt3A_496 : i1 to i32
      %cond3A_498 = arith.constant 0 : i32
      %cond3A_499 = arith.cmpi ne, %convert_element_type3A_497, %cond3A_498 : i32
      scf.if %cond3A_499 {
        %add3A_729 = arith.constant 3 : i32
        %add3A_730 = arith.addi %mul3A_275, %add3A_729 : i32
        %add3A_731 = arith.constant 8 : i32
        %add3A_732 = arith.addi %add3A_730, %add3A_731 : i32
        %dma_start3A_733 = arith.constant 3 : i32
        %dma_start3A_734 = arith.constant 3 : i32
        %dma_start3A_735 = arith.constant 0 : i32
        %dma_start3A_736 = arith.constant 0 : i32
        %dma_start3A_737 = tpu.memref_slice %arg11[%dma_start3A_733, %dma_start3A_735, %dma_start3A_736] : memref<8x125x64xf32, #tpu.memory_space<vmem>> -> memref<1x125x64xf32, #tpu.memory_space<vmem>>
        %dma_start3A_738 = tpu.memref_squeeze %dma_start3A_737 : memref<1x125x64xf32, #tpu.memory_space<vmem>> -> memref<125x64xf32, #tpu.memory_space<vmem>>
        %dma_start3A_739 = arith.constant 0 : i32
        %dma_start3A_740 = tpu.memref_slice %arg9[%add3A_732, %dma_start3A_739] : memref<80x125xi32, #tpu.memory_space<vmem>> -> memref<1x125xi32, #tpu.memory_space<vmem>>
        %dma_start3A_741 = tpu.memref_squeeze %dma_start3A_740 : memref<1x125xi32, #tpu.memory_space<vmem>> -> memref<125xi32, #tpu.memory_space<vmem>>
        %dma_start3A_742 = arith.constant 0 : i32
        %dma_start3A_743 = arith.constant 0 : i32
        %dma_start3A_744 = tpu.memref_slice %arg3[%dma_start3A_742, %dma_start3A_743] : memref<10000x64xf32, #tpu.memory_space<hbm>> -> memref<10000x64xf32, #tpu.memory_space<hbm>>
        %dma_start3A_745 = tpu.memref_slice %arg13[%dma_start3A_734] : memref<8x!tpu.dma_semaphore, #tpu.memory_space<semaphore_mem>> -> memref<1x!tpu.dma_semaphore, #tpu.memory_space<semaphore_mem>>
        %dma_start3A_746 = tpu.memref_squeeze %dma_start3A_745 : memref<1x!tpu.dma_semaphore, #tpu.memory_space<semaphore_mem>> -> memref<!tpu.dma_semaphore, #tpu.memory_space<semaphore_mem>>
        tpu.enqueue_indirect_dma source(%dma_start3A_744 : memref<10000x64xf32, #tpu.memory_space<hbm>>) target(%dma_start3A_738 : memref<125x64xf32, #tpu.memory_space<vmem>>) offsets(%dma_start3A_741 : memref<125xi32, #tpu.memory_space<vmem>>) semaphore(%dma_start3A_746 : memref<!tpu.dma_semaphore, #tpu.memory_space<semaphore_mem>>)
      } else {
      }
      %add3A_500 = arith.constant 4 : i32
      %add3A_501 = arith.addi %mul3A_275, %add3A_500 : i32
      %dma_wait3A_502 = arith.constant 4 : i32
      %dma_wait3A_503 = arith.constant 4 : i32
      %dma_wait3A_504 = arith.constant 0 : i32
      %dma_wait3A_505 = arith.constant 0 : i32
      %dma_wait3A_506 = tpu.memref_slice %arg11[%dma_wait3A_502, %dma_wait3A_504, %dma_wait3A_505] : memref<8x125x64xf32, #tpu.memory_space<vmem>> -> memref<1x125x64xf32, #tpu.memory_space<vmem>>
      %dma_wait3A_507 = tpu.memref_squeeze %dma_wait3A_506 : memref<1x125x64xf32, #tpu.memory_space<vmem>> -> memref<125x64xf32, #tpu.memory_space<vmem>>
      %dma_wait3A_508 = arith.constant 0 : i32
      %dma_wait3A_509 = tpu.memref_slice %arg9[%add3A_501, %dma_wait3A_508] : memref<80x125xi32, #tpu.memory_space<vmem>> -> memref<1x125xi32, #tpu.memory_space<vmem>>
      %dma_wait3A_510 = tpu.memref_squeeze %dma_wait3A_509 : memref<1x125xi32, #tpu.memory_space<vmem>> -> memref<125xi32, #tpu.memory_space<vmem>>
      %dma_wait3A_511 = arith.constant 0 : i32
      %dma_wait3A_512 = arith.constant 0 : i32
      %dma_wait3A_513 = tpu.memref_slice %arg3[%dma_wait3A_511, %dma_wait3A_512] : memref<10000x64xf32, #tpu.memory_space<hbm>> -> memref<10000x64xf32, #tpu.memory_space<hbm>>
      %dma_wait3A_514 = tpu.memref_slice %arg13[%dma_wait3A_503] : memref<8x!tpu.dma_semaphore, #tpu.memory_space<semaphore_mem>> -> memref<1x!tpu.dma_semaphore, #tpu.memory_space<semaphore_mem>>
      %dma_wait3A_515 = tpu.memref_squeeze %dma_wait3A_514 : memref<1x!tpu.dma_semaphore, #tpu.memory_space<semaphore_mem>> -> memref<!tpu.dma_semaphore, #tpu.memory_space<semaphore_mem>>
      tpu.wait_indirect_dma semaphore(%dma_wait3A_515 : memref<!tpu.dma_semaphore, #tpu.memory_space<semaphore_mem>>) src(%dma_wait3A_513 : memref<10000x64xf32, #tpu.memory_space<hbm>>) dst(%dma_wait3A_507 : memref<125x64xf32, #tpu.memory_space<vmem>>)
      %add3A_516 = arith.constant 4 : i32
      %add3A_517 = arith.addi %mul3A_275, %add3A_516 : i32
      %dma_start3A_518 = arith.constant 4 : i32
      %dma_start3A_519 = arith.constant 4 : i32
      %dma_start3A_520 = arith.constant 0 : i32
      %dma_start3A_521 = arith.constant 0 : i32
      %dma_start3A_522 = tpu.memref_slice %arg11[%dma_start3A_518, %dma_start3A_520, %dma_start3A_521] : memref<8x125x64xf32, #tpu.memory_space<vmem>> -> memref<1x125x64xf32, #tpu.memory_space<vmem>>
      %dma_start3A_523 = tpu.memref_squeeze %dma_start3A_522 : memref<1x125x64xf32, #tpu.memory_space<vmem>> -> memref<125x64xf32, #tpu.memory_space<vmem>>
      %dma_start3A_524 = arith.constant 0 : i32
      %dma_start3A_525 = tpu.memref_slice %arg10[%add3A_517, %dma_start3A_524] : memref<80x125xi32, #tpu.memory_space<vmem>> -> memref<1x125xi32, #tpu.memory_space<vmem>>
      %dma_start3A_526 = tpu.memref_squeeze %dma_start3A_525 : memref<1x125xi32, #tpu.memory_space<vmem>> -> memref<125xi32, #tpu.memory_space<vmem>>
      %dma_start3A_527 = arith.constant 0 : i32
      %dma_start3A_528 = arith.constant 0 : i32
      %dma_start3A_529 = tpu.memref_slice %arg12[%dma_start3A_527, %dma_start3A_528] : memref<10240x64xf32, #tpu.memory_space<vmem_shared>> -> memref<10240x64xf32, #tpu.memory_space<vmem_shared>>
      %dma_start3A_530 = tpu.memref_slice %arg14[%dma_start3A_519] : memref<8x!tpu.dma_semaphore, #tpu.memory_space<semaphore_mem>> -> memref<1x!tpu.dma_semaphore, #tpu.memory_space<semaphore_mem>>
      %dma_start3A_531 = tpu.memref_squeeze %dma_start3A_530 : memref<1x!tpu.dma_semaphore, #tpu.memory_space<semaphore_mem>> -> memref<!tpu.dma_semaphore, #tpu.memory_space<semaphore_mem>>
      tpu.enqueue_indirect_dma source(%dma_start3A_523 : memref<125x64xf32, #tpu.memory_space<vmem>>) target(%dma_start3A_529 : memref<10240x64xf32, #tpu.memory_space<vmem_shared>>) offsets(%dma_start3A_526 : memref<125xi32, #tpu.memory_space<vmem>>) semaphore(%dma_start3A_531 : memref<!tpu.dma_semaphore, #tpu.memory_space<semaphore_mem>>) {add = true}
      %add3A_532 = arith.constant 5 : i32
      %add3A_533 = arith.addi %mul3A_275, %add3A_532 : i32
      %dma_wait3A_534 = arith.constant 5 : i32
      %dma_wait3A_535 = arith.constant 5 : i32
      %dma_wait3A_536 = arith.constant 0 : i32
      %dma_wait3A_537 = arith.constant 0 : i32
      %dma_wait3A_538 = tpu.memref_slice %arg11[%dma_wait3A_534, %dma_wait3A_536, %dma_wait3A_537] : memref<8x125x64xf32, #tpu.memory_space<vmem>> -> memref<1x125x64xf32, #tpu.memory_space<vmem>>
      %dma_wait3A_539 = tpu.memref_squeeze %dma_wait3A_538 : memref<1x125x64xf32, #tpu.memory_space<vmem>> -> memref<125x64xf32, #tpu.memory_space<vmem>>
      %dma_wait3A_540 = arith.constant 0 : i32
      %dma_wait3A_541 = tpu.memref_slice %arg9[%add3A_533, %dma_wait3A_540] : memref<80x125xi32, #tpu.memory_space<vmem>> -> memref<1x125xi32, #tpu.memory_space<vmem>>
      %dma_wait3A_542 = tpu.memref_squeeze %dma_wait3A_541 : memref<1x125xi32, #tpu.memory_space<vmem>> -> memref<125xi32, #tpu.memory_space<vmem>>
      %dma_wait3A_543 = arith.constant 0 : i32
      %dma_wait3A_544 = arith.constant 0 : i32
      %dma_wait3A_545 = tpu.memref_slice %arg3[%dma_wait3A_543, %dma_wait3A_544] : memref<10000x64xf32, #tpu.memory_space<hbm>> -> memref<10000x64xf32, #tpu.memory_space<hbm>>
      %dma_wait3A_546 = tpu.memref_slice %arg13[%dma_wait3A_535] : memref<8x!tpu.dma_semaphore, #tpu.memory_space<semaphore_mem>> -> memref<1x!tpu.dma_semaphore, #tpu.memory_space<semaphore_mem>>
      %dma_wait3A_547 = tpu.memref_squeeze %dma_wait3A_546 : memref<1x!tpu.dma_semaphore, #tpu.memory_space<semaphore_mem>> -> memref<!tpu.dma_semaphore, #tpu.memory_space<semaphore_mem>>
      tpu.wait_indirect_dma semaphore(%dma_wait3A_547 : memref<!tpu.dma_semaphore, #tpu.memory_space<semaphore_mem>>) src(%dma_wait3A_545 : memref<10000x64xf32, #tpu.memory_space<hbm>>) dst(%dma_wait3A_539 : memref<125x64xf32, #tpu.memory_space<vmem>>)
      %add3A_548 = arith.constant 5 : i32
      %add3A_549 = arith.addi %mul3A_275, %add3A_548 : i32
      %dma_start3A_550 = arith.constant 5 : i32
      %dma_start3A_551 = arith.constant 5 : i32
      %dma_start3A_552 = arith.constant 0 : i32
      %dma_start3A_553 = arith.constant 0 : i32
      %dma_start3A_554 = tpu.memref_slice %arg11[%dma_start3A_550, %dma_start3A_552, %dma_start3A_553] : memref<8x125x64xf32, #tpu.memory_space<vmem>> -> memref<1x125x64xf32, #tpu.memory_space<vmem>>
      %dma_start3A_555 = tpu.memref_squeeze %dma_start3A_554 : memref<1x125x64xf32, #tpu.memory_space<vmem>> -> memref<125x64xf32, #tpu.memory_space<vmem>>
      %dma_start3A_556 = arith.constant 0 : i32
      %dma_start3A_557 = tpu.memref_slice %arg10[%add3A_549, %dma_start3A_556] : memref<80x125xi32, #tpu.memory_space<vmem>> -> memref<1x125xi32, #tpu.memory_space<vmem>>
      %dma_start3A_558 = tpu.memref_squeeze %dma_start3A_557 : memref<1x125xi32, #tpu.memory_space<vmem>> -> memref<125xi32, #tpu.memory_space<vmem>>
      %dma_start3A_559 = arith.constant 0 : i32
      %dma_start3A_560 = arith.constant 0 : i32
      %dma_start3A_561 = tpu.memref_slice %arg12[%dma_start3A_559, %dma_start3A_560] : memref<10240x64xf32, #tpu.memory_space<vmem_shared>> -> memref<10240x64xf32, #tpu.memory_space<vmem_shared>>
      %dma_start3A_562 = tpu.memref_slice %arg14[%dma_start3A_551] : memref<8x!tpu.dma_semaphore, #tpu.memory_space<semaphore_mem>> -> memref<1x!tpu.dma_semaphore, #tpu.memory_space<semaphore_mem>>
      %dma_start3A_563 = tpu.memref_squeeze %dma_start3A_562 : memref<1x!tpu.dma_semaphore, #tpu.memory_space<semaphore_mem>> -> memref<!tpu.dma_semaphore, #tpu.memory_space<semaphore_mem>>
      tpu.enqueue_indirect_dma source(%dma_start3A_555 : memref<125x64xf32, #tpu.memory_space<vmem>>) target(%dma_start3A_561 : memref<10240x64xf32, #tpu.memory_space<vmem_shared>>) offsets(%dma_start3A_558 : memref<125xi32, #tpu.memory_space<vmem>>) semaphore(%dma_start3A_563 : memref<!tpu.dma_semaphore, #tpu.memory_space<semaphore_mem>>) {add = true}
      %add3A_564 = arith.constant 6 : i32
      %add3A_565 = arith.addi %mul3A_275, %add3A_564 : i32
      %dma_wait3A_566 = arith.constant 6 : i32
      %dma_wait3A_567 = arith.constant 6 : i32
      %dma_wait3A_568 = arith.constant 0 : i32
      %dma_wait3A_569 = arith.constant 0 : i32
      %dma_wait3A_570 = tpu.memref_slice %arg11[%dma_wait3A_566, %dma_wait3A_568, %dma_wait3A_569] : memref<8x125x64xf32, #tpu.memory_space<vmem>> -> memref<1x125x64xf32, #tpu.memory_space<vmem>>
      %dma_wait3A_571 = tpu.memref_squeeze %dma_wait3A_570 : memref<1x125x64xf32, #tpu.memory_space<vmem>> -> memref<125x64xf32, #tpu.memory_space<vmem>>
      %dma_wait3A_572 = arith.constant 0 : i32
      %dma_wait3A_573 = tpu.memref_slice %arg9[%add3A_565, %dma_wait3A_572] : memref<80x125xi32, #tpu.memory_space<vmem>> -> memref<1x125xi32, #tpu.memory_space<vmem>>
      %dma_wait3A_574 = tpu.memref_squeeze %dma_wait3A_573 : memref<1x125xi32, #tpu.memory_space<vmem>> -> memref<125xi32, #tpu.memory_space<vmem>>
      %dma_wait3A_575 = arith.constant 0 : i32
      %dma_wait3A_576 = arith.constant 0 : i32
      %dma_wait3A_577 = tpu.memref_slice %arg3[%dma_wait3A_575, %dma_wait3A_576] : memref<10000x64xf32, #tpu.memory_space<hbm>> -> memref<10000x64xf32, #tpu.memory_space<hbm>>
      %dma_wait3A_578 = tpu.memref_slice %arg13[%dma_wait3A_567] : memref<8x!tpu.dma_semaphore, #tpu.memory_space<semaphore_mem>> -> memref<1x!tpu.dma_semaphore, #tpu.memory_space<semaphore_mem>>
      %dma_wait3A_579 = tpu.memref_squeeze %dma_wait3A_578 : memref<1x!tpu.dma_semaphore, #tpu.memory_space<semaphore_mem>> -> memref<!tpu.dma_semaphore, #tpu.memory_space<semaphore_mem>>
      tpu.wait_indirect_dma semaphore(%dma_wait3A_579 : memref<!tpu.dma_semaphore, #tpu.memory_space<semaphore_mem>>) src(%dma_wait3A_577 : memref<10000x64xf32, #tpu.memory_space<hbm>>) dst(%dma_wait3A_571 : memref<125x64xf32, #tpu.memory_space<vmem>>)
      %add3A_580 = arith.constant 6 : i32
      %add3A_581 = arith.addi %mul3A_275, %add3A_580 : i32
      %dma_start3A_582 = arith.constant 6 : i32
      %dma_start3A_583 = arith.constant 6 : i32
      %dma_start3A_584 = arith.constant 0 : i32
      %dma_start3A_585 = arith.constant 0 : i32
      %dma_start3A_586 = tpu.memref_slice %arg11[%dma_start3A_582, %dma_start3A_584, %dma_start3A_585] : memref<8x125x64xf32, #tpu.memory_space<vmem>> -> memref<1x125x64xf32, #tpu.memory_space<vmem>>
      %dma_start3A_587 = tpu.memref_squeeze %dma_start3A_586 : memref<1x125x64xf32, #tpu.memory_space<vmem>> -> memref<125x64xf32, #tpu.memory_space<vmem>>
      %dma_start3A_588 = arith.constant 0 : i32
      %dma_start3A_589 = tpu.memref_slice %arg10[%add3A_581, %dma_start3A_588] : memref<80x125xi32, #tpu.memory_space<vmem>> -> memref<1x125xi32, #tpu.memory_space<vmem>>
      %dma_start3A_590 = tpu.memref_squeeze %dma_start3A_589 : memref<1x125xi32, #tpu.memory_space<vmem>> -> memref<125xi32, #tpu.memory_space<vmem>>
      %dma_start3A_591 = arith.constant 0 : i32
      %dma_start3A_592 = arith.constant 0 : i32
      %dma_start3A_593 = tpu.memref_slice %arg12[%dma_start3A_591, %dma_start3A_592] : memref<10240x64xf32, #tpu.memory_space<vmem_shared>> -> memref<10240x64xf32, #tpu.memory_space<vmem_shared>>
      %dma_start3A_594 = tpu.memref_slice %arg14[%dma_start3A_583] : memref<8x!tpu.dma_semaphore, #tpu.memory_space<semaphore_mem>> -> memref<1x!tpu.dma_semaphore, #tpu.memory_space<semaphore_mem>>
      %dma_start3A_595 = tpu.memref_squeeze %dma_start3A_594 : memref<1x!tpu.dma_semaphore, #tpu.memory_space<semaphore_mem>> -> memref<!tpu.dma_semaphore, #tpu.memory_space<semaphore_mem>>
      tpu.enqueue_indirect_dma source(%dma_start3A_587 : memref<125x64xf32, #tpu.memory_space<vmem>>) target(%dma_start3A_593 : memref<10240x64xf32, #tpu.memory_space<vmem_shared>>) offsets(%dma_start3A_590 : memref<125xi32, #tpu.memory_space<vmem>>) semaphore(%dma_start3A_595 : memref<!tpu.dma_semaphore, #tpu.memory_space<semaphore_mem>>) {add = true}
      %add3A_596 = arith.constant 7 : i32
      %add3A_597 = arith.addi %mul3A_275, %add3A_596 : i32
      %dma_wait3A_598 = arith.constant 7 : i32
      %dma_wait3A_599 = arith.constant 7 : i32
      %dma_wait3A_600 = arith.constant 0 : i32
      %dma_wait3A_601 = arith.constant 0 : i32
      %dma_wait3A_602 = tpu.memref_slice %arg11[%dma_wait3A_598, %dma_wait3A_600, %dma_wait3A_601] : memref<8x125x64xf32, #tpu.memory_space<vmem>> -> memref<1x125x64xf32, #tpu.memory_space<vmem>>
      %dma_wait3A_603 = tpu.memref_squeeze %dma_wait3A_602 : memref<1x125x64xf32, #tpu.memory_space<vmem>> -> memref<125x64xf32, #tpu.memory_space<vmem>>
      %dma_wait3A_604 = arith.constant 0 : i32
      %dma_wait3A_605 = tpu.memref_slice %arg9[%add3A_597, %dma_wait3A_604] : memref<80x125xi32, #tpu.memory_space<vmem>> -> memref<1x125xi32, #tpu.memory_space<vmem>>
      %dma_wait3A_606 = tpu.memref_squeeze %dma_wait3A_605 : memref<1x125xi32, #tpu.memory_space<vmem>> -> memref<125xi32, #tpu.memory_space<vmem>>
      %dma_wait3A_607 = arith.constant 0 : i32
      %dma_wait3A_608 = arith.constant 0 : i32
      %dma_wait3A_609 = tpu.memref_slice %arg3[%dma_wait3A_607, %dma_wait3A_608] : memref<10000x64xf32, #tpu.memory_space<hbm>> -> memref<10000x64xf32, #tpu.memory_space<hbm>>
      %dma_wait3A_610 = tpu.memref_slice %arg13[%dma_wait3A_599] : memref<8x!tpu.dma_semaphore, #tpu.memory_space<semaphore_mem>> -> memref<1x!tpu.dma_semaphore, #tpu.memory_space<semaphore_mem>>
      %dma_wait3A_611 = tpu.memref_squeeze %dma_wait3A_610 : memref<1x!tpu.dma_semaphore, #tpu.memory_space<semaphore_mem>> -> memref<!tpu.dma_semaphore, #tpu.memory_space<semaphore_mem>>
      tpu.wait_indirect_dma semaphore(%dma_wait3A_611 : memref<!tpu.dma_semaphore, #tpu.memory_space<semaphore_mem>>) src(%dma_wait3A_609 : memref<10000x64xf32, #tpu.memory_space<hbm>>) dst(%dma_wait3A_603 : memref<125x64xf32, #tpu.memory_space<vmem>>)
      %add3A_612 = arith.constant 7 : i32
      %add3A_613 = arith.addi %mul3A_275, %add3A_612 : i32
      %dma_start3A_614 = arith.constant 7 : i32
      %dma_start3A_615 = arith.constant 7 : i32
      %dma_start3A_616 = arith.constant 0 : i32
      %dma_start3A_617 = arith.constant 0 : i32
      %dma_start3A_618 = tpu.memref_slice %arg11[%dma_start3A_614, %dma_start3A_616, %dma_start3A_617] : memref<8x125x64xf32, #tpu.memory_space<vmem>> -> memref<1x125x64xf32, #tpu.memory_space<vmem>>
      %dma_start3A_619 = tpu.memref_squeeze %dma_start3A_618 : memref<1x125x64xf32, #tpu.memory_space<vmem>> -> memref<125x64xf32, #tpu.memory_space<vmem>>
      %dma_start3A_620 = arith.constant 0 : i32
      %dma_start3A_621 = tpu.memref_slice %arg10[%add3A_613, %dma_start3A_620] : memref<80x125xi32, #tpu.memory_space<vmem>> -> memref<1x125xi32, #tpu.memory_space<vmem>>
      %dma_start3A_622 = tpu.memref_squeeze %dma_start3A_621 : memref<1x125xi32, #tpu.memory_space<vmem>> -> memref<125xi32, #tpu.memory_space<vmem>>
      %dma_start3A_623 = arith.constant 0 : i32
      %dma_start3A_624 = arith.constant 0 : i32
      %dma_start3A_625 = tpu.memref_slice %arg12[%dma_start3A_623, %dma_start3A_624] : memref<10240x64xf32, #tpu.memory_space<vmem_shared>> -> memref<10240x64xf32, #tpu.memory_space<vmem_shared>>
      %dma_start3A_626 = tpu.memref_slice %arg14[%dma_start3A_615] : memref<8x!tpu.dma_semaphore, #tpu.memory_space<semaphore_mem>> -> memref<1x!tpu.dma_semaphore, #tpu.memory_space<semaphore_mem>>
      %dma_start3A_627 = tpu.memref_squeeze %dma_start3A_626 : memref<1x!tpu.dma_semaphore, #tpu.memory_space<semaphore_mem>> -> memref<!tpu.dma_semaphore, #tpu.memory_space<semaphore_mem>>
      tpu.enqueue_indirect_dma source(%dma_start3A_619 : memref<125x64xf32, #tpu.memory_space<vmem>>) target(%dma_start3A_625 : memref<10240x64xf32, #tpu.memory_space<vmem_shared>>) offsets(%dma_start3A_622 : memref<125xi32, #tpu.memory_space<vmem>>) semaphore(%dma_start3A_627 : memref<!tpu.dma_semaphore, #tpu.memory_space<semaphore_mem>>) {add = true}
      %add3A_628 = arith.constant 4 : i32
      %add3A_629 = arith.addi %mul3A_275, %add3A_628 : i32
      %dma_wait3A_630 = arith.constant 4 : i32
      %dma_wait3A_631 = arith.constant 4 : i32
      %dma_wait3A_632 = arith.constant 0 : i32
      %dma_wait3A_633 = arith.constant 0 : i32
      %dma_wait3A_634 = tpu.memref_slice %arg11[%dma_wait3A_630, %dma_wait3A_632, %dma_wait3A_633] : memref<8x125x64xf32, #tpu.memory_space<vmem>> -> memref<1x125x64xf32, #tpu.memory_space<vmem>>
      %dma_wait3A_635 = tpu.memref_squeeze %dma_wait3A_634 : memref<1x125x64xf32, #tpu.memory_space<vmem>> -> memref<125x64xf32, #tpu.memory_space<vmem>>
      %dma_wait3A_636 = arith.constant 0 : i32
      %dma_wait3A_637 = tpu.memref_slice %arg10[%add3A_629, %dma_wait3A_636] : memref<80x125xi32, #tpu.memory_space<vmem>> -> memref<1x125xi32, #tpu.memory_space<vmem>>
      %dma_wait3A_638 = tpu.memref_squeeze %dma_wait3A_637 : memref<1x125xi32, #tpu.memory_space<vmem>> -> memref<125xi32, #tpu.memory_space<vmem>>
      %dma_wait3A_639 = arith.constant 0 : i32
      %dma_wait3A_640 = arith.constant 0 : i32
      %dma_wait3A_641 = tpu.memref_slice %arg12[%dma_wait3A_639, %dma_wait3A_640] : memref<10240x64xf32, #tpu.memory_space<vmem_shared>> -> memref<10240x64xf32, #tpu.memory_space<vmem_shared>>
      %dma_wait3A_642 = tpu.memref_slice %arg14[%dma_wait3A_631] : memref<8x!tpu.dma_semaphore, #tpu.memory_space<semaphore_mem>> -> memref<1x!tpu.dma_semaphore, #tpu.memory_space<semaphore_mem>>
      %dma_wait3A_643 = tpu.memref_squeeze %dma_wait3A_642 : memref<1x!tpu.dma_semaphore, #tpu.memory_space<semaphore_mem>> -> memref<!tpu.dma_semaphore, #tpu.memory_space<semaphore_mem>>
      tpu.wait_indirect_dma semaphore(%dma_wait3A_643 : memref<!tpu.dma_semaphore, #tpu.memory_space<semaphore_mem>>) src(%dma_wait3A_635 : memref<125x64xf32, #tpu.memory_space<vmem>>) dst(%dma_wait3A_641 : memref<10240x64xf32, #tpu.memory_space<vmem_shared>>)
      %add3A_644 = arith.constant 4 : i32
      %add3A_645 = arith.addi %mul3A_275, %add3A_644 : i32
      %add3A_646 = arith.constant 8 : i32
      %add3A_647 = arith.addi %add3A_645, %add3A_646 : i32
      %lt3A_648 = arith.constant 80 : i32
      %lt3A_649 = arith.cmpi slt, %add3A_647, %lt3A_648 : i32
      %convert_element_type3A_650 = arith.extui %lt3A_649 : i1 to i32
      %cond3A_651 = arith.constant 0 : i32
      %cond3A_652 = arith.cmpi ne, %convert_element_type3A_650, %cond3A_651 : i32
      scf.if %cond3A_652 {
        %add3A_729 = arith.constant 4 : i32
        %add3A_730 = arith.addi %mul3A_275, %add3A_729 : i32
        %add3A_731 = arith.constant 8 : i32
        %add3A_732 = arith.addi %add3A_730, %add3A_731 : i32
        %dma_start3A_733 = arith.constant 4 : i32
        %dma_start3A_734 = arith.constant 4 : i32
        %dma_start3A_735 = arith.constant 0 : i32
        %dma_start3A_736 = arith.constant 0 : i32
        %dma_start3A_737 = tpu.memref_slice %arg11[%dma_start3A_733, %dma_start3A_735, %dma_start3A_736] : memref<8x125x64xf32, #tpu.memory_space<vmem>> -> memref<1x125x64xf32, #tpu.memory_space<vmem>>
        %dma_start3A_738 = tpu.memref_squeeze %dma_start3A_737 : memref<1x125x64xf32, #tpu.memory_space<vmem>> -> memref<125x64xf32, #tpu.memory_space<vmem>>
        %dma_start3A_739 = arith.constant 0 : i32
        %dma_start3A_740 = tpu.memref_slice %arg9[%add3A_732, %dma_start3A_739] : memref<80x125xi32, #tpu.memory_space<vmem>> -> memref<1x125xi32, #tpu.memory_space<vmem>>
        %dma_start3A_741 = tpu.memref_squeeze %dma_start3A_740 : memref<1x125xi32, #tpu.memory_space<vmem>> -> memref<125xi32, #tpu.memory_space<vmem>>
        %dma_start3A_742 = arith.constant 0 : i32
        %dma_start3A_743 = arith.constant 0 : i32
        %dma_start3A_744 = tpu.memref_slice %arg3[%dma_start3A_742, %dma_start3A_743] : memref<10000x64xf32, #tpu.memory_space<hbm>> -> memref<10000x64xf32, #tpu.memory_space<hbm>>
        %dma_start3A_745 = tpu.memref_slice %arg13[%dma_start3A_734] : memref<8x!tpu.dma_semaphore, #tpu.memory_space<semaphore_mem>> -> memref<1x!tpu.dma_semaphore, #tpu.memory_space<semaphore_mem>>
        %dma_start3A_746 = tpu.memref_squeeze %dma_start3A_745 : memref<1x!tpu.dma_semaphore, #tpu.memory_space<semaphore_mem>> -> memref<!tpu.dma_semaphore, #tpu.memory_space<semaphore_mem>>
        tpu.enqueue_indirect_dma source(%dma_start3A_744 : memref<10000x64xf32, #tpu.memory_space<hbm>>) target(%dma_start3A_738 : memref<125x64xf32, #tpu.memory_space<vmem>>) offsets(%dma_start3A_741 : memref<125xi32, #tpu.memory_space<vmem>>) semaphore(%dma_start3A_746 : memref<!tpu.dma_semaphore, #tpu.memory_space<semaphore_mem>>)
      } else {
      }
      %add3A_653 = arith.constant 5 : i32
      %add3A_654 = arith.addi %mul3A_275, %add3A_653 : i32
      %dma_wait3A_655 = arith.constant 5 : i32
      %dma_wait3A_656 = arith.constant 5 : i32
      %dma_wait3A_657 = arith.constant 0 : i32
      %dma_wait3A_658 = arith.constant 0 : i32
      %dma_wait3A_659 = tpu.memref_slice %arg11[%dma_wait3A_655, %dma_wait3A_657, %dma_wait3A_658] : memref<8x125x64xf32, #tpu.memory_space<vmem>> -> memref<1x125x64xf32, #tpu.memory_space<vmem>>
      %dma_wait3A_660 = tpu.memref_squeeze %dma_wait3A_659 : memref<1x125x64xf32, #tpu.memory_space<vmem>> -> memref<125x64xf32, #tpu.memory_space<vmem>>
      %dma_wait3A_661 = arith.constant 0 : i32
      %dma_wait3A_662 = tpu.memref_slice %arg10[%add3A_654, %dma_wait3A_661] : memref<80x125xi32, #tpu.memory_space<vmem>> -> memref<1x125xi32, #tpu.memory_space<vmem>>
      %dma_wait3A_663 = tpu.memref_squeeze %dma_wait3A_662 : memref<1x125xi32, #tpu.memory_space<vmem>> -> memref<125xi32, #tpu.memory_space<vmem>>
      %dma_wait3A_664 = arith.constant 0 : i32
      %dma_wait3A_665 = arith.constant 0 : i32
      %dma_wait3A_666 = tpu.memref_slice %arg12[%dma_wait3A_664, %dma_wait3A_665] : memref<10240x64xf32, #tpu.memory_space<vmem_shared>> -> memref<10240x64xf32, #tpu.memory_space<vmem_shared>>
      %dma_wait3A_667 = tpu.memref_slice %arg14[%dma_wait3A_656] : memref<8x!tpu.dma_semaphore, #tpu.memory_space<semaphore_mem>> -> memref<1x!tpu.dma_semaphore, #tpu.memory_space<semaphore_mem>>
      %dma_wait3A_668 = tpu.memref_squeeze %dma_wait3A_667 : memref<1x!tpu.dma_semaphore, #tpu.memory_space<semaphore_mem>> -> memref<!tpu.dma_semaphore, #tpu.memory_space<semaphore_mem>>
      tpu.wait_indirect_dma semaphore(%dma_wait3A_668 : memref<!tpu.dma_semaphore, #tpu.memory_space<semaphore_mem>>) src(%dma_wait3A_660 : memref<125x64xf32, #tpu.memory_space<vmem>>) dst(%dma_wait3A_666 : memref<10240x64xf32, #tpu.memory_space<vmem_shared>>)
      %add3A_669 = arith.constant 5 : i32
      %add3A_670 = arith.addi %mul3A_275, %add3A_669 : i32
      %add3A_671 = arith.constant 8 : i32
      %add3A_672 = arith.addi %add3A_670, %add3A_671 : i32
      %lt3A_673 = arith.constant 80 : i32
      %lt3A_674 = arith.cmpi slt, %add3A_672, %lt3A_673 : i32
      %convert_element_type3A_675 = arith.extui %lt3A_674 : i1 to i32
      %cond3A_676 = arith.constant 0 : i32
      %cond3A_677 = arith.cmpi ne, %convert_element_type3A_675, %cond3A_676 : i32
      scf.if %cond3A_677 {
        %add3A_729 = arith.constant 5 : i32
        %add3A_730 = arith.addi %mul3A_275, %add3A_729 : i32
        %add3A_731 = arith.constant 8 : i32
        %add3A_732 = arith.addi %add3A_730, %add3A_731 : i32
        %dma_start3A_733 = arith.constant 5 : i32
        %dma_start3A_734 = arith.constant 5 : i32
        %dma_start3A_735 = arith.constant 0 : i32
        %dma_start3A_736 = arith.constant 0 : i32
        %dma_start3A_737 = tpu.memref_slice %arg11[%dma_start3A_733, %dma_start3A_735, %dma_start3A_736] : memref<8x125x64xf32, #tpu.memory_space<vmem>> -> memref<1x125x64xf32, #tpu.memory_space<vmem>>
        %dma_start3A_738 = tpu.memref_squeeze %dma_start3A_737 : memref<1x125x64xf32, #tpu.memory_space<vmem>> -> memref<125x64xf32, #tpu.memory_space<vmem>>
        %dma_start3A_739 = arith.constant 0 : i32
        %dma_start3A_740 = tpu.memref_slice %arg9[%add3A_732, %dma_start3A_739] : memref<80x125xi32, #tpu.memory_space<vmem>> -> memref<1x125xi32, #tpu.memory_space<vmem>>
        %dma_start3A_741 = tpu.memref_squeeze %dma_start3A_740 : memref<1x125xi32, #tpu.memory_space<vmem>> -> memref<125xi32, #tpu.memory_space<vmem>>
        %dma_start3A_742 = arith.constant 0 : i32
        %dma_start3A_743 = arith.constant 0 : i32
        %dma_start3A_744 = tpu.memref_slice %arg3[%dma_start3A_742, %dma_start3A_743] : memref<10000x64xf32, #tpu.memory_space<hbm>> -> memref<10000x64xf32, #tpu.memory_space<hbm>>
        %dma_start3A_745 = tpu.memref_slice %arg13[%dma_start3A_734] : memref<8x!tpu.dma_semaphore, #tpu.memory_space<semaphore_mem>> -> memref<1x!tpu.dma_semaphore, #tpu.memory_space<semaphore_mem>>
        %dma_start3A_746 = tpu.memref_squeeze %dma_start3A_745 : memref<1x!tpu.dma_semaphore, #tpu.memory_space<semaphore_mem>> -> memref<!tpu.dma_semaphore, #tpu.memory_space<semaphore_mem>>
        tpu.enqueue_indirect_dma source(%dma_start3A_744 : memref<10000x64xf32, #tpu.memory_space<hbm>>) target(%dma_start3A_738 : memref<125x64xf32, #tpu.memory_space<vmem>>) offsets(%dma_start3A_741 : memref<125xi32, #tpu.memory_space<vmem>>) semaphore(%dma_start3A_746 : memref<!tpu.dma_semaphore, #tpu.memory_space<semaphore_mem>>)
      } else {
      }
      %add3A_678 = arith.constant 6 : i32
      %add3A_679 = arith.addi %mul3A_275, %add3A_678 : i32
      %dma_wait3A_680 = arith.constant 6 : i32
      %dma_wait3A_681 = arith.constant 6 : i32
      %dma_wait3A_682 = arith.constant 0 : i32
      %dma_wait3A_683 = arith.constant 0 : i32
      %dma_wait3A_684 = tpu.memref_slice %arg11[%dma_wait3A_680, %dma_wait3A_682, %dma_wait3A_683] : memref<8x125x64xf32, #tpu.memory_space<vmem>> -> memref<1x125x64xf32, #tpu.memory_space<vmem>>
      %dma_wait3A_685 = tpu.memref_squeeze %dma_wait3A_684 : memref<1x125x64xf32, #tpu.memory_space<vmem>> -> memref<125x64xf32, #tpu.memory_space<vmem>>
      %dma_wait3A_686 = arith.constant 0 : i32
      %dma_wait3A_687 = tpu.memref_slice %arg10[%add3A_679, %dma_wait3A_686] : memref<80x125xi32, #tpu.memory_space<vmem>> -> memref<1x125xi32, #tpu.memory_space<vmem>>
      %dma_wait3A_688 = tpu.memref_squeeze %dma_wait3A_687 : memref<1x125xi32, #tpu.memory_space<vmem>> -> memref<125xi32, #tpu.memory_space<vmem>>
      %dma_wait3A_689 = arith.constant 0 : i32
      %dma_wait3A_690 = arith.constant 0 : i32
      %dma_wait3A_691 = tpu.memref_slice %arg12[%dma_wait3A_689, %dma_wait3A_690] : memref<10240x64xf32, #tpu.memory_space<vmem_shared>> -> memref<10240x64xf32, #tpu.memory_space<vmem_shared>>
      %dma_wait3A_692 = tpu.memref_slice %arg14[%dma_wait3A_681] : memref<8x!tpu.dma_semaphore, #tpu.memory_space<semaphore_mem>> -> memref<1x!tpu.dma_semaphore, #tpu.memory_space<semaphore_mem>>
      %dma_wait3A_693 = tpu.memref_squeeze %dma_wait3A_692 : memref<1x!tpu.dma_semaphore, #tpu.memory_space<semaphore_mem>> -> memref<!tpu.dma_semaphore, #tpu.memory_space<semaphore_mem>>
      tpu.wait_indirect_dma semaphore(%dma_wait3A_693 : memref<!tpu.dma_semaphore, #tpu.memory_space<semaphore_mem>>) src(%dma_wait3A_685 : memref<125x64xf32, #tpu.memory_space<vmem>>) dst(%dma_wait3A_691 : memref<10240x64xf32, #tpu.memory_space<vmem_shared>>)
      %add3A_694 = arith.constant 6 : i32
      %add3A_695 = arith.addi %mul3A_275, %add3A_694 : i32
      %add3A_696 = arith.constant 8 : i32
      %add3A_697 = arith.addi %add3A_695, %add3A_696 : i32
      %lt3A_698 = arith.constant 80 : i32
      %lt3A_699 = arith.cmpi slt, %add3A_697, %lt3A_698 : i32
      %convert_element_type3A_700 = arith.extui %lt3A_699 : i1 to i32
      %cond3A_701 = arith.constant 0 : i32
      %cond3A_702 = arith.cmpi ne, %convert_element_type3A_700, %cond3A_701 : i32
      scf.if %cond3A_702 {
        %add3A_729 = arith.constant 6 : i32
        %add3A_730 = arith.addi %mul3A_275, %add3A_729 : i32
        %add3A_731 = arith.constant 8 : i32
        %add3A_732 = arith.addi %add3A_730, %add3A_731 : i32
        %dma_start3A_733 = arith.constant 6 : i32
        %dma_start3A_734 = arith.constant 6 : i32
        %dma_start3A_735 = arith.constant 0 : i32
        %dma_start3A_736 = arith.constant 0 : i32
        %dma_start3A_737 = tpu.memref_slice %arg11[%dma_start3A_733, %dma_start3A_735, %dma_start3A_736] : memref<8x125x64xf32, #tpu.memory_space<vmem>> -> memref<1x125x64xf32, #tpu.memory_space<vmem>>
        %dma_start3A_738 = tpu.memref_squeeze %dma_start3A_737 : memref<1x125x64xf32, #tpu.memory_space<vmem>> -> memref<125x64xf32, #tpu.memory_space<vmem>>
        %dma_start3A_739 = arith.constant 0 : i32
        %dma_start3A_740 = tpu.memref_slice %arg9[%add3A_732, %dma_start3A_739] : memref<80x125xi32, #tpu.memory_space<vmem>> -> memref<1x125xi32, #tpu.memory_space<vmem>>
        %dma_start3A_741 = tpu.memref_squeeze %dma_start3A_740 : memref<1x125xi32, #tpu.memory_space<vmem>> -> memref<125xi32, #tpu.memory_space<vmem>>
        %dma_start3A_742 = arith.constant 0 : i32
        %dma_start3A_743 = arith.constant 0 : i32
        %dma_start3A_744 = tpu.memref_slice %arg3[%dma_start3A_742, %dma_start3A_743] : memref<10000x64xf32, #tpu.memory_space<hbm>> -> memref<10000x64xf32, #tpu.memory_space<hbm>>
        %dma_start3A_745 = tpu.memref_slice %arg13[%dma_start3A_734] : memref<8x!tpu.dma_semaphore, #tpu.memory_space<semaphore_mem>> -> memref<1x!tpu.dma_semaphore, #tpu.memory_space<semaphore_mem>>
        %dma_start3A_746 = tpu.memref_squeeze %dma_start3A_745 : memref<1x!tpu.dma_semaphore, #tpu.memory_space<semaphore_mem>> -> memref<!tpu.dma_semaphore, #tpu.memory_space<semaphore_mem>>
        tpu.enqueue_indirect_dma source(%dma_start3A_744 : memref<10000x64xf32, #tpu.memory_space<hbm>>) target(%dma_start3A_738 : memref<125x64xf32, #tpu.memory_space<vmem>>) offsets(%dma_start3A_741 : memref<125xi32, #tpu.memory_space<vmem>>) semaphore(%dma_start3A_746 : memref<!tpu.dma_semaphore, #tpu.memory_space<semaphore_mem>>)
      } else {
      }
      %add3A_703 = arith.constant 7 : i32
      %add3A_704 = arith.addi %mul3A_275, %add3A_703 : i32
      %dma_wait3A_705 = arith.constant 7 : i32
      %dma_wait3A_706 = arith.constant 7 : i32
      %dma_wait3A_707 = arith.constant 0 : i32
      %dma_wait3A_708 = arith.constant 0 : i32
      %dma_wait3A_709 = tpu.memref_slice %arg11[%dma_wait3A_705, %dma_wait3A_707, %dma_wait3A_708] : memref<8x125x64xf32, #tpu.memory_space<vmem>> -> memref<1x125x64xf32, #tpu.memory_space<vmem>>
      %dma_wait3A_710 = tpu.memref_squeeze %dma_wait3A_709 : memref<1x125x64xf32, #tpu.memory_space<vmem>> -> memref<125x64xf32, #tpu.memory_space<vmem>>
      %dma_wait3A_711 = arith.constant 0 : i32
      %dma_wait3A_712 = tpu.memref_slice %arg10[%add3A_704, %dma_wait3A_711] : memref<80x125xi32, #tpu.memory_space<vmem>> -> memref<1x125xi32, #tpu.memory_space<vmem>>
      %dma_wait3A_713 = tpu.memref_squeeze %dma_wait3A_712 : memref<1x125xi32, #tpu.memory_space<vmem>> -> memref<125xi32, #tpu.memory_space<vmem>>
      %dma_wait3A_714 = arith.constant 0 : i32
      %dma_wait3A_715 = arith.constant 0 : i32
      %dma_wait3A_716 = tpu.memref_slice %arg12[%dma_wait3A_714, %dma_wait3A_715] : memref<10240x64xf32, #tpu.memory_space<vmem_shared>> -> memref<10240x64xf32, #tpu.memory_space<vmem_shared>>
      %dma_wait3A_717 = tpu.memref_slice %arg14[%dma_wait3A_706] : memref<8x!tpu.dma_semaphore, #tpu.memory_space<semaphore_mem>> -> memref<1x!tpu.dma_semaphore, #tpu.memory_space<semaphore_mem>>
      %dma_wait3A_718 = tpu.memref_squeeze %dma_wait3A_717 : memref<1x!tpu.dma_semaphore, #tpu.memory_space<semaphore_mem>> -> memref<!tpu.dma_semaphore, #tpu.memory_space<semaphore_mem>>
      tpu.wait_indirect_dma semaphore(%dma_wait3A_718 : memref<!tpu.dma_semaphore, #tpu.memory_space<semaphore_mem>>) src(%dma_wait3A_710 : memref<125x64xf32, #tpu.memory_space<vmem>>) dst(%dma_wait3A_716 : memref<10240x64xf32, #tpu.memory_space<vmem_shared>>)
      %add3A_719 = arith.constant 7 : i32
      %add3A_720 = arith.addi %mul3A_275, %add3A_719 : i32
      %add3A_721 = arith.constant 8 : i32
      %add3A_722 = arith.addi %add3A_720, %add3A_721 : i32
      %lt3A_723 = arith.constant 80 : i32
      %lt3A_724 = arith.cmpi slt, %add3A_722, %lt3A_723 : i32
      %convert_element_type3A_725 = arith.extui %lt3A_724 : i1 to i32
      %cond3A_726 = arith.constant 0 : i32
      %cond3A_727 = arith.cmpi ne, %convert_element_type3A_725, %cond3A_726 : i32
      scf.if %cond3A_727 {
        %add3A_729 = arith.constant 7 : i32
        %add3A_730 = arith.addi %mul3A_275, %add3A_729 : i32
        %add3A_731 = arith.constant 8 : i32
        %add3A_732 = arith.addi %add3A_730, %add3A_731 : i32
        %dma_start3A_733 = arith.constant 7 : i32
        %dma_start3A_734 = arith.constant 7 : i32
        %dma_start3A_735 = arith.constant 0 : i32
        %dma_start3A_736 = arith.constant 0 : i32
        %dma_start3A_737 = tpu.memref_slice %arg11[%dma_start3A_733, %dma_start3A_735, %dma_start3A_736] : memref<8x125x64xf32, #tpu.memory_space<vmem>> -> memref<1x125x64xf32, #tpu.memory_space<vmem>>
        %dma_start3A_738 = tpu.memref_squeeze %dma_start3A_737 : memref<1x125x64xf32, #tpu.memory_space<vmem>> -> memref<125x64xf32, #tpu.memory_space<vmem>>
        %dma_start3A_739 = arith.constant 0 : i32
        %dma_start3A_740 = tpu.memref_slice %arg9[%add3A_732, %dma_start3A_739] : memref<80x125xi32, #tpu.memory_space<vmem>> -> memref<1x125xi32, #tpu.memory_space<vmem>>
        %dma_start3A_741 = tpu.memref_squeeze %dma_start3A_740 : memref<1x125xi32, #tpu.memory_space<vmem>> -> memref<125xi32, #tpu.memory_space<vmem>>
        %dma_start3A_742 = arith.constant 0 : i32
        %dma_start3A_743 = arith.constant 0 : i32
        %dma_start3A_744 = tpu.memref_slice %arg3[%dma_start3A_742, %dma_start3A_743] : memref<10000x64xf32, #tpu.memory_space<hbm>> -> memref<10000x64xf32, #tpu.memory_space<hbm>>
        %dma_start3A_745 = tpu.memref_slice %arg13[%dma_start3A_734] : memref<8x!tpu.dma_semaphore, #tpu.memory_space<semaphore_mem>> -> memref<1x!tpu.dma_semaphore, #tpu.memory_space<semaphore_mem>>
        %dma_start3A_746 = tpu.memref_squeeze %dma_start3A_745 : memref<1x!tpu.dma_semaphore, #tpu.memory_space<semaphore_mem>> -> memref<!tpu.dma_semaphore, #tpu.memory_space<semaphore_mem>>
        tpu.enqueue_indirect_dma source(%dma_start3A_744 : memref<10000x64xf32, #tpu.memory_space<hbm>>) target(%dma_start3A_738 : memref<125x64xf32, #tpu.memory_space<vmem>>) offsets(%dma_start3A_741 : memref<125xi32, #tpu.memory_space<vmem>>) semaphore(%dma_start3A_746 : memref<!tpu.dma_semaphore, #tpu.memory_space<semaphore_mem>>)
      } else {
      }
      %scan3A_728 = arith.constant 0 : i32
      scf.yield %scan3A_728 : i32
    }
    %scan3A_266 = arith.constant 10 : i32
    %barrier3A_267 = arith.constant 0 : index
    tpu.barrier barrier_id(%barrier3A_267)
    %mul3A_268 = arith.constant 640 : i32
    %mul3A_269 = arith.muli %arg1, %mul3A_268 : i32
    %mul3A_270 = arith.constant 640 : i32
    %mul3A_271 = arith.muli %arg1, %mul3A_270 : i32
    "tpu.region"() ({
      %run_scoped3A = tpu.sem_alloc : memref<!tpu.dma_semaphore, #tpu.memory_space<semaphore_mem>>
      %dma_start3A_272 = arith.constant 0 : i32
      %dma_start3A_273 = tpu.memref_slice %arg8[%arg0, %mul3A_271, %dma_start3A_272] : memref<2x10240x64xf32, #tpu.memory_space<hbm>> -> memref<1x640x64xf32, #tpu.memory_space<hbm>>
      %dma_start3A_274 = tpu.memref_squeeze %dma_start3A_273 : memref<1x640x64xf32, #tpu.memory_space<hbm>> -> memref<640x64xf32, #tpu.memory_space<hbm>>
      %dma_start3A_275 = arith.constant 0 : i32
      %dma_start3A_276 = tpu.memref_slice %arg12[%mul3A_269, %dma_start3A_275] : memref<10240x64xf32, #tpu.memory_space<vmem_shared>> -> memref<640x64xf32, #tpu.memory_space<vmem_shared>>
      tpu.enqueue_dma source(%dma_start3A_276 : memref<640x64xf32, #tpu.memory_space<vmem_shared>>) target(%dma_start3A_274 : memref<640x64xf32, #tpu.memory_space<hbm>>) target_semaphore(%run_scoped3A : memref<!tpu.dma_semaphore, #tpu.memory_space<semaphore_mem>>)
      %dma_wait3A = arith.constant 0 : i32
      %dma_wait3A_277 = tpu.memref_slice %arg8[%arg0, %mul3A_271, %dma_wait3A] : memref<2x10240x64xf32, #tpu.memory_space<hbm>> -> memref<1x640x64xf32, #tpu.memory_space<hbm>>
      %dma_wait3A_278 = tpu.memref_squeeze %dma_wait3A_277 : memref<1x640x64xf32, #tpu.memory_space<hbm>> -> memref<640x64xf32, #tpu.memory_space<hbm>>
      %dma_wait3A_279 = arith.constant 0 : i32
      %dma_wait3A_280 = tpu.memref_slice %arg12[%mul3A_269, %dma_wait3A_279] : memref<10240x64xf32, #tpu.memory_space<vmem_shared>> -> memref<640x64xf32, #tpu.memory_space<vmem_shared>>
      tpu.wait_dma2 semaphore(%run_scoped3A : memref<!tpu.dma_semaphore, #tpu.memory_space<semaphore_mem>>) src(%dma_wait3A_280 : memref<640x64xf32, #tpu.memory_space<vmem_shared>>) dst(%dma_wait3A_278 : memref<640x64xf32, #tpu.memory_space<hbm>>)
      tpu.yield
    }) : () -> ()
    return
  }
}

#map = affine_map<(d0, d1) -> (0, 0)>
#map1 = affine_map<(d0, d1) -> (0, 0, 0)>
module attributes {stable_mosaic.version = 14 : i64} {
  func.func @k(%arg0: i32, %arg1: i32, %arg2: memref<10000x64xf32, #tpu.memory_space<hbm>>, %arg3: memref<10000x64xf32, #tpu.memory_space<hbm>>, %arg4: memref<32x80x125xi32, #tpu.memory_space<hbm>>, %arg5: memref<32x80x125xi32, #tpu.memory_space<hbm>>, %arg6: memref<10240x64xf32, #tpu.memory_space<hbm>>, %arg7: memref<2x10240x64xf32, #tpu.memory_space<hbm>>, %arg8: memref<2x10240x64xf32, #tpu.memory_space<hbm>>, %arg9: memref<80x125xi32, #tpu.memory_space<vmem>>, %arg10: memref<80x125xi32, #tpu.memory_space<vmem>>, %arg11: memref<8x125x64xf32, #tpu.memory_space<vmem>>, %arg12: memref<10240x64xf32, #tpu.memory_space<vmem_shared>>, %arg13: memref<8x!tpu.dma_semaphore, #tpu.memory_space<semaphore_mem>>, %arg14: memref<8x!tpu.dma_semaphore, #tpu.memory_space<semaphore_mem>>) attributes {dimension_semantics = [#tpu.dimension_semantics<core_parallel>, #tpu.dimension_semantics<subcore_parallel>], iteration_bounds = array<i64: 2, 16>, scalar_prefetch = 0 : i64, scratch_operands = 6 : i64, tpu.core_type = #tpu.core_type<sc_vector_subcore>, window_params = [{transform_indices = #map}, {transform_indices = #map}, {transform_indices = #map1}, {transform_indices = #map1}, {transform_indices = #map}, {transform_indices = #map1}, {transform_indices = #map1}]} {
    %mul3A = arith.constant 16 : i32
    %mul3A_0 = arith.muli %arg0, %mul3A : i32
    %add3A = arith.addi %mul3A_0, %arg1 : i32
    "tpu.region"() ({
      %run_scoped3A = tpu.sem_alloc : memref<!tpu.dma_semaphore, #tpu.memory_space<semaphore_mem>>
      %dma_start3A_272 = arith.constant 0 : i32
      %dma_start3A_273 = arith.constant 0 : i32
      %dma_start3A_274 = tpu.memref_slice %arg4[%add3A, %dma_start3A_272, %dma_start3A_273] : memref<32x80x125xi32, #tpu.memory_space<hbm>> -> memref<1x80x125xi32, #tpu.memory_space<hbm>>
      %dma_start3A_275 = tpu.memref_squeeze %dma_start3A_274 : memref<1x80x125xi32, #tpu.memory_space<hbm>> -> memref<80x125xi32, #tpu.memory_space<hbm>>
      %dma_start3A_276 = arith.constant 0 : i32
      %dma_start3A_277 = arith.constant 0 : i32
      %dma_start3A_278 = tpu.memref_slice %arg4[%add3A, %dma_start3A_276, %dma_start3A_277] : memref<32x80x125xi32, #tpu.memory_space<hbm>> -> memref<1x80x125xi32, #tpu.memory_space<hbm>>
      %dma_start3A_279 = tpu.memref_squeeze %dma_start3A_278 : memref<1x80x125xi32, #tpu.memory_space<hbm>> -> memref<80x125xi32, #tpu.memory_space<hbm>>
      tpu.enqueue_dma source(%dma_start3A_279 : memref<80x125xi32, #tpu.memory_space<hbm>>) target(%arg9 : memref<80x125xi32, #tpu.memory_space<vmem>>) target_semaphore(%run_scoped3A : memref<!tpu.dma_semaphore, #tpu.memory_space<semaphore_mem>>)
      %dma_wait3A = arith.constant 0 : i32
      %dma_wait3A_280 = arith.constant 0 : i32
      %dma_wait3A_281 = tpu.memref_slice %arg4[%add3A, %dma_wait3A, %dma_wait3A_280] : memref<32x80x125xi32, #tpu.memory_space<hbm>> -> memref<1x80x125xi32, #tpu.memory_space<hbm>>
      %dma_wait3A_282 = tpu.memref_squeeze %dma_wait3A_281 : memref<1x80x125xi32, #tpu.memory_space<hbm>> -> memref<80x125xi32, #tpu.memory_space<hbm>>
      %dma_wait3A_283 = arith.constant 0 : i32
      %dma_wait3A_284 = arith.constant 0 : i32
      %dma_wait3A_285 = tpu.memref_slice %arg4[%add3A, %dma_wait3A_283, %dma_wait3A_284] : memref<32x80x125xi32, #tpu.memory_space<hbm>> -> memref<1x80x125xi32, #tpu.memory_space<hbm>>
      %dma_wait3A_286 = tpu.memref_squeeze %dma_wait3A_285 : memref<1x80x125xi32, #tpu.memory_space<hbm>> -> memref<80x125xi32, #tpu.memory_space<hbm>>
      tpu.wait_dma2 semaphore(%run_scoped3A : memref<!tpu.dma_semaphore, #tpu.memory_space<semaphore_mem>>) src(%dma_wait3A_286 : memref<80x125xi32, #tpu.memory_space<hbm>>) dst(%arg9 : memref<80x125xi32, #tpu.memory_space<vmem>>)
      tpu.yield
    }) : () -> ()
    "tpu.region"() ({
      %run_scoped3A = tpu.sem_alloc : memref<!tpu.dma_semaphore, #tpu.memory_space<semaphore_mem>>
      %dma_start3A_272 = arith.constant 0 : i32
      %dma_start3A_273 = arith.constant 0 : i32
      %dma_start3A_274 = tpu.memref_slice %arg5[%add3A, %dma_start3A_272, %dma_start3A_273] : memref<32x80x125xi32, #tpu.memory_space<hbm>> -> memref<1x80x125xi32, #tpu.memory_space<hbm>>
      %dma_start3A_275 = tpu.memref_squeeze %dma_start3A_274 : memref<1x80x125xi32, #tpu.memory_space<hbm>> -> memref<80x125xi32, #tpu.memory_space<hbm>>
      %dma_start3A_276 = arith.constant 0 : i32
      %dma_start3A_277 = arith.constant 0 : i32
      %dma_start3A_278 = tpu.memref_slice %arg5[%add3A, %dma_start3A_276, %dma_start3A_277] : memref<32x80x125xi32, #tpu.memory_space<hbm>> -> memref<1x80x125xi32, #tpu.memory_space<hbm>>
      %dma_start3A_279 = tpu.memref_squeeze %dma_start3A_278 : memref<1x80x125xi32, #tpu.memory_space<hbm>> -> memref<80x125xi32, #tpu.memory_space<hbm>>
      tpu.enqueue_dma source(%dma_start3A_279 : memref<80x125xi32, #tpu.memory_space<hbm>>) target(%arg10 : memref<80x125xi32, #tpu.memory_space<vmem>>) target_semaphore(%run_scoped3A : memref<!tpu.dma_semaphore, #tpu.memory_space<semaphore_mem>>)
      %dma_wait3A = arith.constant 0 : i32
      %dma_wait3A_280 = arith.constant 0 : i32
      %dma_wait3A_281 = tpu.memref_slice %arg5[%add3A, %dma_wait3A, %dma_wait3A_280] : memref<32x80x125xi32, #tpu.memory_space<hbm>> -> memref<1x80x125xi32, #tpu.memory_space<hbm>>
      %dma_wait3A_282 = tpu.memref_squeeze %dma_wait3A_281 : memref<1x80x125xi32, #tpu.memory_space<hbm>> -> memref<80x125xi32, #tpu.memory_space<hbm>>
      %dma_wait3A_283 = arith.constant 0 : i32
      %dma_wait3A_284 = arith.constant 0 : i32
      %dma_wait3A_285 = tpu.memref_slice %arg5[%add3A, %dma_wait3A_283, %dma_wait3A_284] : memref<32x80x125xi32, #tpu.memory_space<hbm>> -> memref<1x80x125xi32, #tpu.memory_space<hbm>>
      %dma_wait3A_286 = tpu.memref_squeeze %dma_wait3A_285 : memref<1x80x125xi32, #tpu.memory_space<hbm>> -> memref<80x125xi32, #tpu.memory_space<hbm>>
      tpu.wait_dma2 semaphore(%run_scoped3A : memref<!tpu.dma_semaphore, #tpu.memory_space<semaphore_mem>>) src(%dma_wait3A_286 : memref<80x125xi32, #tpu.memory_space<hbm>>) dst(%arg10 : memref<80x125xi32, #tpu.memory_space<vmem>>)
      tpu.yield
    }) : () -> ()
    %mul3A_1 = arith.constant 640 : i32
    %mul3A_2 = arith.muli %arg1, %mul3A_1 : i32
    %mul3A_3 = arith.constant 640 : i32
    %mul3A_4 = arith.muli %arg1, %mul3A_3 : i32
    "tpu.region"() ({
      %run_scoped3A = tpu.sem_alloc : memref<!tpu.dma_semaphore, #tpu.memory_space<semaphore_mem>>
      %dma_start3A_272 = arith.constant 0 : i32
      %dma_start3A_273 = tpu.memref_slice %arg12[%mul3A_4, %dma_start3A_272] : memref<10240x64xf32, #tpu.memory_space<vmem_shared>> -> memref<640x64xf32, #tpu.memory_space<vmem_shared>>
      %dma_start3A_274 = arith.constant 0 : i32
      %dma_start3A_275 = tpu.memref_slice %arg6[%mul3A_2, %dma_start3A_274] : memref<10240x64xf32, #tpu.memory_space<hbm>> -> memref<640x64xf32, #tpu.memory_space<hbm>>
      tpu.enqueue_dma source(%dma_start3A_275 : memref<640x64xf32, #tpu.memory_space<hbm>>) target(%dma_start3A_273 : memref<640x64xf32, #tpu.memory_space<vmem_shared>>) target_semaphore(%run_scoped3A : memref<!tpu.dma_semaphore, #tpu.memory_space<semaphore_mem>>)
      %dma_wait3A = arith.constant 0 : i32
      %dma_wait3A_276 = tpu.memref_slice %arg12[%mul3A_4, %dma_wait3A] : memref<10240x64xf32, #tpu.memory_space<vmem_shared>> -> memref<640x64xf32, #tpu.memory_space<vmem_shared>>
      %dma_wait3A_277 = arith.constant 0 : i32
      %dma_wait3A_278 = tpu.memref_slice %arg6[%mul3A_2, %dma_wait3A_277] : memref<10240x64xf32, #tpu.memory_space<hbm>> -> memref<640x64xf32, #tpu.memory_space<hbm>>
      tpu.wait_dma2 semaphore(%run_scoped3A : memref<!tpu.dma_semaphore, #tpu.memory_space<semaphore_mem>>) src(%dma_wait3A_278 : memref<640x64xf32, #tpu.memory_space<hbm>>) dst(%dma_wait3A_276 : memref<640x64xf32, #tpu.memory_space<vmem_shared>>)
      tpu.yield
    }) : () -> ()
    %barrier3A = arith.constant 0 : index
    tpu.barrier barrier_id(%barrier3A)
    %dma_start3A = arith.constant 0 : i32
    %dma_start3A_5 = arith.constant 0 : i32
    %dma_start3A_6 = arith.constant 0 : i32
    %dma_start3A_7 = arith.constant 0 : i32
    %dma_start3A_8 = arith.constant 0 : i32
    %dma_start3A_9 = tpu.memref_slice %arg11[%dma_start3A_5, %dma_start3A_7, %dma_start3A_8] : memref<8x125x64xf32, #tpu.memory_space<vmem>> -> memref<1x125x64xf32, #tpu.memory_space<vmem>>
    %dma_start3A_10 = tpu.memref_squeeze %dma_start3A_9 : memref<1x125x64xf32, #tpu.memory_space<vmem>> -> memref<125x64xf32, #tpu.memory_space<vmem>>
    %dma_start3A_11 = arith.constant 0 : i32
    %dma_start3A_12 = tpu.memref_slice %arg9[%dma_start3A, %dma_start3A_11] : memref<80x125xi32, #tpu.memory_space<vmem>> -> memref<1x125xi32, #tpu.memory_space<vmem>>
    %dma_start3A_13 = tpu.memref_squeeze %dma_start3A_12 : memref<1x125xi32, #tpu.memory_space<vmem>> -> memref<125xi32, #tpu.memory_space<vmem>>
    %dma_start3A_14 = arith.constant 0 : i32
    %dma_start3A_15 = arith.constant 0 : i32
    %dma_start3A_16 = tpu.memref_slice %arg2[%dma_start3A_14, %dma_start3A_15] : memref<10000x64xf32, #tpu.memory_space<hbm>> -> memref<10000x64xf32, #tpu.memory_space<hbm>>
    %dma_start3A_17 = tpu.memref_slice %arg13[%dma_start3A_6] : memref<8x!tpu.dma_semaphore, #tpu.memory_space<semaphore_mem>> -> memref<1x!tpu.dma_semaphore, #tpu.memory_space<semaphore_mem>>
    %dma_start3A_18 = tpu.memref_squeeze %dma_start3A_17 : memref<1x!tpu.dma_semaphore, #tpu.memory_space<semaphore_mem>> -> memref<!tpu.dma_semaphore, #tpu.memory_space<semaphore_mem>>
    tpu.enqueue_indirect_dma source(%dma_start3A_16 : memref<10000x64xf32, #tpu.memory_space<hbm>>) target(%dma_start3A_10 : memref<125x64xf32, #tpu.memory_space<vmem>>) offsets(%dma_start3A_13 : memref<125xi32, #tpu.memory_space<vmem>>) semaphore(%dma_start3A_18 : memref<!tpu.dma_semaphore, #tpu.memory_space<semaphore_mem>>)
    %dma_start3A_19 = arith.constant 1 : i32
    %dma_start3A_20 = arith.constant 1 : i32
    %dma_start3A_21 = arith.constant 1 : i32
    %dma_start3A_22 = arith.constant 0 : i32
    %dma_start3A_23 = arith.constant 0 : i32
    %dma_start3A_24 = tpu.memref_slice %arg11[%dma_start3A_20, %dma_start3A_22, %dma_start3A_23] : memref<8x125x64xf32, #tpu.memory_space<vmem>> -> memref<1x125x64xf32, #tpu.memory_space<vmem>>
    %dma_start3A_25 = tpu.memref_squeeze %dma_start3A_24 : memref<1x125x64xf32, #tpu.memory_space<vmem>> -> memref<125x64xf32, #tpu.memory_space<vmem>>
    %dma_start3A_26 = arith.constant 0 : i32
    %dma_start3A_27 = tpu.memref_slice %arg9[%dma_start3A_19, %dma_start3A_26] : memref<80x125xi32, #tpu.memory_space<vmem>> -> memref<1x125xi32, #tpu.memory_space<vmem>>
    %dma_start3A_28 = tpu.memref_squeeze %dma_start3A_27 : memref<1x125xi32, #tpu.memory_space<vmem>> -> memref<125xi32, #tpu.memory_space<vmem>>
    %dma_start3A_29 = arith.constant 0 : i32
    %dma_start3A_30 = arith.constant 0 : i32
    %dma_start3A_31 = tpu.memref_slice %arg2[%dma_start3A_29, %dma_start3A_30] : memref<10000x64xf32, #tpu.memory_space<hbm>> -> memref<10000x64xf32, #tpu.memory_space<hbm>>
    %dma_start3A_32 = tpu.memref_slice %arg13[%dma_start3A_21] : memref<8x!tpu.dma_semaphore, #tpu.memory_space<semaphore_mem>> -> memref<1x!tpu.dma_semaphore, #tpu.memory_space<semaphore_mem>>
    %dma_start3A_33 = tpu.memref_squeeze %dma_start3A_32 : memref<1x!tpu.dma_semaphore, #tpu.memory_space<semaphore_mem>> -> memref<!tpu.dma_semaphore, #tpu.memory_space<semaphore_mem>>
    tpu.enqueue_indirect_dma source(%dma_start3A_31 : memref<10000x64xf32, #tpu.memory_space<hbm>>) target(%dma_start3A_25 : memref<125x64xf32, #tpu.memory_space<vmem>>) offsets(%dma_start3A_28 : memref<125xi32, #tpu.memory_space<vmem>>) semaphore(%dma_start3A_33 : memref<!tpu.dma_semaphore, #tpu.memory_space<semaphore_mem>>)
    %dma_start3A_34 = arith.constant 2 : i32
    %dma_start3A_35 = arith.constant 2 : i32
    %dma_start3A_36 = arith.constant 2 : i32
    %dma_start3A_37 = arith.constant 0 : i32
    %dma_start3A_38 = arith.constant 0 : i32
    %dma_start3A_39 = tpu.memref_slice %arg11[%dma_start3A_35, %dma_start3A_37, %dma_start3A_38] : memref<8x125x64xf32, #tpu.memory_space<vmem>> -> memref<1x125x64xf32, #tpu.memory_space<vmem>>
    %dma_start3A_40 = tpu.memref_squeeze %dma_start3A_39 : memref<1x125x64xf32, #tpu.memory_space<vmem>> -> memref<125x64xf32, #tpu.memory_space<vmem>>
    %dma_start3A_41 = arith.constant 0 : i32
    %dma_start3A_42 = tpu.memref_slice %arg9[%dma_start3A_34, %dma_start3A_41] : memref<80x125xi32, #tpu.memory_space<vmem>> -> memref<1x125xi32, #tpu.memory_space<vmem>>
    %dma_start3A_43 = tpu.memref_squeeze %dma_start3A_42 : memref<1x125xi32, #tpu.memory_space<vmem>> -> memref<125xi32, #tpu.memory_space<vmem>>
    %dma_start3A_44 = arith.constant 0 : i32
    %dma_start3A_45 = arith.constant 0 : i32
    %dma_start3A_46 = tpu.memref_slice %arg2[%dma_start3A_44, %dma_start3A_45] : memref<10000x64xf32, #tpu.memory_space<hbm>> -> memref<10000x64xf32, #tpu.memory_space<hbm>>
    %dma_start3A_47 = tpu.memref_slice %arg13[%dma_start3A_36] : memref<8x!tpu.dma_semaphore, #tpu.memory_space<semaphore_mem>> -> memref<1x!tpu.dma_semaphore, #tpu.memory_space<semaphore_mem>>
    %dma_start3A_48 = tpu.memref_squeeze %dma_start3A_47 : memref<1x!tpu.dma_semaphore, #tpu.memory_space<semaphore_mem>> -> memref<!tpu.dma_semaphore, #tpu.memory_space<semaphore_mem>>
    tpu.enqueue_indirect_dma source(%dma_start3A_46 : memref<10000x64xf32, #tpu.memory_space<hbm>>) target(%dma_start3A_40 : memref<125x64xf32, #tpu.memory_space<vmem>>) offsets(%dma_start3A_43 : memref<125xi32, #tpu.memory_space<vmem>>) semaphore(%dma_start3A_48 : memref<!tpu.dma_semaphore, #tpu.memory_space<semaphore_mem>>)
    %dma_start3A_49 = arith.constant 3 : i32
    %dma_start3A_50 = arith.constant 3 : i32
    %dma_start3A_51 = arith.constant 3 : i32
    %dma_start3A_52 = arith.constant 0 : i32
    %dma_start3A_53 = arith.constant 0 : i32
    %dma_start3A_54 = tpu.memref_slice %arg11[%dma_start3A_50, %dma_start3A_52, %dma_start3A_53] : memref<8x125x64xf32, #tpu.memory_space<vmem>> -> memref<1x125x64xf32, #tpu.memory_space<vmem>>
    %dma_start3A_55 = tpu.memref_squeeze %dma_start3A_54 : memref<1x125x64xf32, #tpu.memory_space<vmem>> -> memref<125x64xf32, #tpu.memory_space<vmem>>
    %dma_start3A_56 = arith.constant 0 : i32
    %dma_start3A_57 = tpu.memref_slice %arg9[%dma_start3A_49, %dma_start3A_56] : memref<80x125xi32, #tpu.memory_space<vmem>> -> memref<1x125xi32, #tpu.memory_space<vmem>>
    %dma_start3A_58 = tpu.memref_squeeze %dma_start3A_57 : memref<1x125xi32, #tpu.memory_space<vmem>> -> memref<125xi32, #tpu.memory_space<vmem>>
    %dma_start3A_59 = arith.constant 0 : i32
    %dma_start3A_60 = arith.constant 0 : i32
    %dma_start3A_61 = tpu.memref_slice %arg2[%dma_start3A_59, %dma_start3A_60] : memref<10000x64xf32, #tpu.memory_space<hbm>> -> memref<10000x64xf32, #tpu.memory_space<hbm>>
    %dma_start3A_62 = tpu.memref_slice %arg13[%dma_start3A_51] : memref<8x!tpu.dma_semaphore, #tpu.memory_space<semaphore_mem>> -> memref<1x!tpu.dma_semaphore, #tpu.memory_space<semaphore_mem>>
    %dma_start3A_63 = tpu.memref_squeeze %dma_start3A_62 : memref<1x!tpu.dma_semaphore, #tpu.memory_space<semaphore_mem>> -> memref<!tpu.dma_semaphore, #tpu.memory_space<semaphore_mem>>
    tpu.enqueue_indirect_dma source(%dma_start3A_61 : memref<10000x64xf32, #tpu.memory_space<hbm>>) target(%dma_start3A_55 : memref<125x64xf32, #tpu.memory_space<vmem>>) offsets(%dma_start3A_58 : memref<125xi32, #tpu.memory_space<vmem>>) semaphore(%dma_start3A_63 : memref<!tpu.dma_semaphore, #tpu.memory_space<semaphore_mem>>)
    %dma_start3A_64 = arith.constant 4 : i32
    %dma_start3A_65 = arith.constant 4 : i32
    %dma_start3A_66 = arith.constant 4 : i32
    %dma_start3A_67 = arith.constant 0 : i32
    %dma_start3A_68 = arith.constant 0 : i32
    %dma_start3A_69 = tpu.memref_slice %arg11[%dma_start3A_65, %dma_start3A_67, %dma_start3A_68] : memref<8x125x64xf32, #tpu.memory_space<vmem>> -> memref<1x125x64xf32, #tpu.memory_space<vmem>>
    %dma_start3A_70 = tpu.memref_squeeze %dma_start3A_69 : memref<1x125x64xf32, #tpu.memory_space<vmem>> -> memref<125x64xf32, #tpu.memory_space<vmem>>
    %dma_start3A_71 = arith.constant 0 : i32
    %dma_start3A_72 = tpu.memref_slice %arg9[%dma_start3A_64, %dma_start3A_71] : memref<80x125xi32, #tpu.memory_space<vmem>> -> memref<1x125xi32, #tpu.memory_space<vmem>>
    %dma_start3A_73 = tpu.memref_squeeze %dma_start3A_72 : memref<1x125xi32, #tpu.memory_space<vmem>> -> memref<125xi32, #tpu.memory_space<vmem>>
    %dma_start3A_74 = arith.constant 0 : i32
    %dma_start3A_75 = arith.constant 0 : i32
    %dma_start3A_76 = tpu.memref_slice %arg2[%dma_start3A_74, %dma_start3A_75] : memref<10000x64xf32, #tpu.memory_space<hbm>> -> memref<10000x64xf32, #tpu.memory_space<hbm>>
    %dma_start3A_77 = tpu.memref_slice %arg13[%dma_start3A_66] : memref<8x!tpu.dma_semaphore, #tpu.memory_space<semaphore_mem>> -> memref<1x!tpu.dma_semaphore, #tpu.memory_space<semaphore_mem>>
    %dma_start3A_78 = tpu.memref_squeeze %dma_start3A_77 : memref<1x!tpu.dma_semaphore, #tpu.memory_space<semaphore_mem>> -> memref<!tpu.dma_semaphore, #tpu.memory_space<semaphore_mem>>
    tpu.enqueue_indirect_dma source(%dma_start3A_76 : memref<10000x64xf32, #tpu.memory_space<hbm>>) target(%dma_start3A_70 : memref<125x64xf32, #tpu.memory_space<vmem>>) offsets(%dma_start3A_73 : memref<125xi32, #tpu.memory_space<vmem>>) semaphore(%dma_start3A_78 : memref<!tpu.dma_semaphore, #tpu.memory_space<semaphore_mem>>)
    %dma_start3A_79 = arith.constant 5 : i32
    %dma_start3A_80 = arith.constant 5 : i32
    %dma_start3A_81 = arith.constant 5 : i32
    %dma_start3A_82 = arith.constant 0 : i32
    %dma_start3A_83 = arith.constant 0 : i32
    %dma_start3A_84 = tpu.memref_slice %arg11[%dma_start3A_80, %dma_start3A_82, %dma_start3A_83] : memref<8x125x64xf32, #tpu.memory_space<vmem>> -> memref<1x125x64xf32, #tpu.memory_space<vmem>>
    %dma_start3A_85 = tpu.memref_squeeze %dma_start3A_84 : memref<1x125x64xf32, #tpu.memory_space<vmem>> -> memref<125x64xf32, #tpu.memory_space<vmem>>
    %dma_start3A_86 = arith.constant 0 : i32
    %dma_start3A_87 = tpu.memref_slice %arg9[%dma_start3A_79, %dma_start3A_86] : memref<80x125xi32, #tpu.memory_space<vmem>> -> memref<1x125xi32, #tpu.memory_space<vmem>>
    %dma_start3A_88 = tpu.memref_squeeze %dma_start3A_87 : memref<1x125xi32, #tpu.memory_space<vmem>> -> memref<125xi32, #tpu.memory_space<vmem>>
    %dma_start3A_89 = arith.constant 0 : i32
    %dma_start3A_90 = arith.constant 0 : i32
    %dma_start3A_91 = tpu.memref_slice %arg2[%dma_start3A_89, %dma_start3A_90] : memref<10000x64xf32, #tpu.memory_space<hbm>> -> memref<10000x64xf32, #tpu.memory_space<hbm>>
    %dma_start3A_92 = tpu.memref_slice %arg13[%dma_start3A_81] : memref<8x!tpu.dma_semaphore, #tpu.memory_space<semaphore_mem>> -> memref<1x!tpu.dma_semaphore, #tpu.memory_space<semaphore_mem>>
    %dma_start3A_93 = tpu.memref_squeeze %dma_start3A_92 : memref<1x!tpu.dma_semaphore, #tpu.memory_space<semaphore_mem>> -> memref<!tpu.dma_semaphore, #tpu.memory_space<semaphore_mem>>
    tpu.enqueue_indirect_dma source(%dma_start3A_91 : memref<10000x64xf32, #tpu.memory_space<hbm>>) target(%dma_start3A_85 : memref<125x64xf32, #tpu.memory_space<vmem>>) offsets(%dma_start3A_88 : memref<125xi32, #tpu.memory_space<vmem>>) semaphore(%dma_start3A_93 : memref<!tpu.dma_semaphore, #tpu.memory_space<semaphore_mem>>)
    %dma_start3A_94 = arith.constant 6 : i32
    %dma_start3A_95 = arith.constant 6 : i32
    %dma_start3A_96 = arith.constant 6 : i32
    %dma_start3A_97 = arith.constant 0 : i32
    %dma_start3A_98 = arith.constant 0 : i32
    %dma_start3A_99 = tpu.memref_slice %arg11[%dma_start3A_95, %dma_start3A_97, %dma_start3A_98] : memref<8x125x64xf32, #tpu.memory_space<vmem>> -> memref<1x125x64xf32, #tpu.memory_space<vmem>>
    %dma_start3A_100 = tpu.memref_squeeze %dma_start3A_99 : memref<1x125x64xf32, #tpu.memory_space<vmem>> -> memref<125x64xf32, #tpu.memory_space<vmem>>
    %dma_start3A_101 = arith.constant 0 : i32
    %dma_start3A_102 = tpu.memref_slice %arg9[%dma_start3A_94, %dma_start3A_101] : memref<80x125xi32, #tpu.memory_space<vmem>> -> memref<1x125xi32, #tpu.memory_space<vmem>>
    %dma_start3A_103 = tpu.memref_squeeze %dma_start3A_102 : memref<1x125xi32, #tpu.memory_space<vmem>> -> memref<125xi32, #tpu.memory_space<vmem>>
    %dma_start3A_104 = arith.constant 0 : i32
    %dma_start3A_105 = arith.constant 0 : i32
    %dma_start3A_106 = tpu.memref_slice %arg2[%dma_start3A_104, %dma_start3A_105] : memref<10000x64xf32, #tpu.memory_space<hbm>> -> memref<10000x64xf32, #tpu.memory_space<hbm>>
    %dma_start3A_107 = tpu.memref_slice %arg13[%dma_start3A_96] : memref<8x!tpu.dma_semaphore, #tpu.memory_space<semaphore_mem>> -> memref<1x!tpu.dma_semaphore, #tpu.memory_space<semaphore_mem>>
    %dma_start3A_108 = tpu.memref_squeeze %dma_start3A_107 : memref<1x!tpu.dma_semaphore, #tpu.memory_space<semaphore_mem>> -> memref<!tpu.dma_semaphore, #tpu.memory_space<semaphore_mem>>
    tpu.enqueue_indirect_dma source(%dma_start3A_106 : memref<10000x64xf32, #tpu.memory_space<hbm>>) target(%dma_start3A_100 : memref<125x64xf32, #tpu.memory_space<vmem>>) offsets(%dma_start3A_103 : memref<125xi32, #tpu.memory_space<vmem>>) semaphore(%dma_start3A_108 : memref<!tpu.dma_semaphore, #tpu.memory_space<semaphore_mem>>)
    %dma_start3A_109 = arith.constant 7 : i32
    %dma_start3A_110 = arith.constant 7 : i32
    %dma_start3A_111 = arith.constant 7 : i32
    %dma_start3A_112 = arith.constant 0 : i32
    %dma_start3A_113 = arith.constant 0 : i32
    %dma_start3A_114 = tpu.memref_slice %arg11[%dma_start3A_110, %dma_start3A_112, %dma_start3A_113] : memref<8x125x64xf32, #tpu.memory_space<vmem>> -> memref<1x125x64xf32, #tpu.memory_space<vmem>>
    %dma_start3A_115 = tpu.memref_squeeze %dma_start3A_114 : memref<1x125x64xf32, #tpu.memory_space<vmem>> -> memref<125x64xf32, #tpu.memory_space<vmem>>
    %dma_start3A_116 = arith.constant 0 : i32
    %dma_start3A_117 = tpu.memref_slice %arg9[%dma_start3A_109, %dma_start3A_116] : memref<80x125xi32, #tpu.memory_space<vmem>> -> memref<1x125xi32, #tpu.memory_space<vmem>>
    %dma_start3A_118 = tpu.memref_squeeze %dma_start3A_117 : memref<1x125xi32, #tpu.memory_space<vmem>> -> memref<125xi32, #tpu.memory_space<vmem>>
    %dma_start3A_119 = arith.constant 0 : i32
    %dma_start3A_120 = arith.constant 0 : i32
    %dma_start3A_121 = tpu.memref_slice %arg2[%dma_start3A_119, %dma_start3A_120] : memref<10000x64xf32, #tpu.memory_space<hbm>> -> memref<10000x64xf32, #tpu.memory_space<hbm>>
    %dma_start3A_122 = tpu.memref_slice %arg13[%dma_start3A_111] : memref<8x!tpu.dma_semaphore, #tpu.memory_space<semaphore_mem>> -> memref<1x!tpu.dma_semaphore, #tpu.memory_space<semaphore_mem>>
    %dma_start3A_123 = tpu.memref_squeeze %dma_start3A_122 : memref<1x!tpu.dma_semaphore, #tpu.memory_space<semaphore_mem>> -> memref<!tpu.dma_semaphore, #tpu.memory_space<semaphore_mem>>
    tpu.enqueue_indirect_dma source(%dma_start3A_121 : memref<10000x64xf32, #tpu.memory_space<hbm>>) target(%dma_start3A_115 : memref<125x64xf32, #tpu.memory_space<vmem>>) offsets(%dma_start3A_118 : memref<125xi32, #tpu.memory_space<vmem>>) semaphore(%dma_start3A_123 : memref<!tpu.dma_semaphore, #tpu.memory_space<semaphore_mem>>)
    %scan3A = arith.constant 0 : i32
    %scan3A_124 = arith.constant 0 : i32
    %scan3A_125 = arith.constant 10 : i32
    %scan3A_126 = arith.addi %scan3A_124, %scan3A_125 : i32
    %scan3A_127 = arith.constant 1 : i32
    %scan3A_128 = scf.for %scan3A_272 = %scan3A_124 to %scan3A_126 step %scan3A_127 iter_args(%scan3A_273 = %scan3A) -> (i32)  : i32 {
      %mul3A_274 = arith.constant 8 : i32
      %mul3A_275 = arith.muli %scan3A_272, %mul3A_274 : i32
      %add3A_276 = arith.constant 0 : i32
      %add3A_277 = arith.addi %mul3A_275, %add3A_276 : i32
      %dma_wait3A = arith.constant 0 : i32
      %dma_wait3A_278 = arith.constant 0 : i32
      %dma_wait3A_279 = arith.constant 0 : i32
      %dma_wait3A_280 = arith.constant 0 : i32
      %dma_wait3A_281 = tpu.memref_slice %arg11[%dma_wait3A, %dma_wait3A_279, %dma_wait3A_280] : memref<8x125x64xf32, #tpu.memory_space<vmem>> -> memref<1x125x64xf32, #tpu.memory_space<vmem>>
      %dma_wait3A_282 = tpu.memref_squeeze %dma_wait3A_281 : memref<1x125x64xf32, #tpu.memory_space<vmem>> -> memref<125x64xf32, #tpu.memory_space<vmem>>
      %dma_wait3A_283 = arith.constant 0 : i32
      %dma_wait3A_284 = tpu.memref_slice %arg9[%add3A_277, %dma_wait3A_283] : memref<80x125xi32, #tpu.memory_space<vmem>> -> memref<1x125xi32, #tpu.memory_space<vmem>>
      %dma_wait3A_285 = tpu.memref_squeeze %dma_wait3A_284 : memref<1x125xi32, #tpu.memory_space<vmem>> -> memref<125xi32, #tpu.memory_space<vmem>>
      %dma_wait3A_286 = arith.constant 0 : i32
      %dma_wait3A_287 = arith.constant 0 : i32
      %dma_wait3A_288 = tpu.memref_slice %arg2[%dma_wait3A_286, %dma_wait3A_287] : memref<10000x64xf32, #tpu.memory_space<hbm>> -> memref<10000x64xf32, #tpu.memory_space<hbm>>
      %dma_wait3A_289 = tpu.memref_slice %arg13[%dma_wait3A_278] : memref<8x!tpu.dma_semaphore, #tpu.memory_space<semaphore_mem>> -> memref<1x!tpu.dma_semaphore, #tpu.memory_space<semaphore_mem>>
      %dma_wait3A_290 = tpu.memref_squeeze %dma_wait3A_289 : memref<1x!tpu.dma_semaphore, #tpu.memory_space<semaphore_mem>> -> memref<!tpu.dma_semaphore, #tpu.memory_space<semaphore_mem>>
      tpu.wait_indirect_dma semaphore(%dma_wait3A_290 : memref<!tpu.dma_semaphore, #tpu.memory_space<semaphore_mem>>) src(%dma_wait3A_288 : memref<10000x64xf32, #tpu.memory_space<hbm>>) dst(%dma_wait3A_282 : memref<125x64xf32, #tpu.memory_space<vmem>>)
      %add3A_291 = arith.constant 0 : i32
      %add3A_292 = arith.addi %mul3A_275, %add3A_291 : i32
      %dma_start3A_293 = arith.constant 0 : i32
      %dma_start3A_294 = arith.constant 0 : i32
      %dma_start3A_295 = arith.constant 0 : i32
      %dma_start3A_296 = arith.constant 0 : i32
      %dma_start3A_297 = tpu.memref_slice %arg11[%dma_start3A_293, %dma_start3A_295, %dma_start3A_296] : memref<8x125x64xf32, #tpu.memory_space<vmem>> -> memref<1x125x64xf32, #tpu.memory_space<vmem>>
      %dma_start3A_298 = tpu.memref_squeeze %dma_start3A_297 : memref<1x125x64xf32, #tpu.memory_space<vmem>> -> memref<125x64xf32, #tpu.memory_space<vmem>>
      %dma_start3A_299 = arith.constant 0 : i32
      %dma_start3A_300 = tpu.memref_slice %arg10[%add3A_292, %dma_start3A_299] : memref<80x125xi32, #tpu.memory_space<vmem>> -> memref<1x125xi32, #tpu.memory_space<vmem>>
      %dma_start3A_301 = tpu.memref_squeeze %dma_start3A_300 : memref<1x125xi32, #tpu.memory_space<vmem>> -> memref<125xi32, #tpu.memory_space<vmem>>
      %dma_start3A_302 = arith.constant 0 : i32
      %dma_start3A_303 = arith.constant 0 : i32
      %dma_start3A_304 = tpu.memref_slice %arg12[%dma_start3A_302, %dma_start3A_303] : memref<10240x64xf32, #tpu.memory_space<vmem_shared>> -> memref<10240x64xf32, #tpu.memory_space<vmem_shared>>
      %dma_start3A_305 = tpu.memref_slice %arg14[%dma_start3A_294] : memref<8x!tpu.dma_semaphore, #tpu.memory_space<semaphore_mem>> -> memref<1x!tpu.dma_semaphore, #tpu.memory_space<semaphore_mem>>
      %dma_start3A_306 = tpu.memref_squeeze %dma_start3A_305 : memref<1x!tpu.dma_semaphore, #tpu.memory_space<semaphore_mem>> -> memref<!tpu.dma_semaphore, #tpu.memory_space<semaphore_mem>>
      tpu.enqueue_indirect_dma source(%dma_start3A_298 : memref<125x64xf32, #tpu.memory_space<vmem>>) target(%dma_start3A_304 : memref<10240x64xf32, #tpu.memory_space<vmem_shared>>) offsets(%dma_start3A_301 : memref<125xi32, #tpu.memory_space<vmem>>) semaphore(%dma_start3A_306 : memref<!tpu.dma_semaphore, #tpu.memory_space<semaphore_mem>>) {add = true}
      %add3A_307 = arith.constant 1 : i32
      %add3A_308 = arith.addi %mul3A_275, %add3A_307 : i32
      %dma_wait3A_309 = arith.constant 1 : i32
      %dma_wait3A_310 = arith.constant 1 : i32
      %dma_wait3A_311 = arith.constant 0 : i32
      %dma_wait3A_312 = arith.constant 0 : i32
      %dma_wait3A_313 = tpu.memref_slice %arg11[%dma_wait3A_309, %dma_wait3A_311, %dma_wait3A_312] : memref<8x125x64xf32, #tpu.memory_space<vmem>> -> memref<1x125x64xf32, #tpu.memory_space<vmem>>
      %dma_wait3A_314 = tpu.memref_squeeze %dma_wait3A_313 : memref<1x125x64xf32, #tpu.memory_space<vmem>> -> memref<125x64xf32, #tpu.memory_space<vmem>>
      %dma_wait3A_315 = arith.constant 0 : i32
      %dma_wait3A_316 = tpu.memref_slice %arg9[%add3A_308, %dma_wait3A_315] : memref<80x125xi32, #tpu.memory_space<vmem>> -> memref<1x125xi32, #tpu.memory_space<vmem>>
      %dma_wait3A_317 = tpu.memref_squeeze %dma_wait3A_316 : memref<1x125xi32, #tpu.memory_space<vmem>> -> memref<125xi32, #tpu.memory_space<vmem>>
      %dma_wait3A_318 = arith.constant 0 : i32
      %dma_wait3A_319 = arith.constant 0 : i32
      %dma_wait3A_320 = tpu.memref_slice %arg2[%dma_wait3A_318, %dma_wait3A_319] : memref<10000x64xf32, #tpu.memory_space<hbm>> -> memref<10000x64xf32, #tpu.memory_space<hbm>>
      %dma_wait3A_321 = tpu.memref_slice %arg13[%dma_wait3A_310] : memref<8x!tpu.dma_semaphore, #tpu.memory_space<semaphore_mem>> -> memref<1x!tpu.dma_semaphore, #tpu.memory_space<semaphore_mem>>
      %dma_wait3A_322 = tpu.memref_squeeze %dma_wait3A_321 : memref<1x!tpu.dma_semaphore, #tpu.memory_space<semaphore_mem>> -> memref<!tpu.dma_semaphore, #tpu.memory_space<semaphore_mem>>
      tpu.wait_indirect_dma semaphore(%dma_wait3A_322 : memref<!tpu.dma_semaphore, #tpu.memory_space<semaphore_mem>>) src(%dma_wait3A_320 : memref<10000x64xf32, #tpu.memory_space<hbm>>) dst(%dma_wait3A_314 : memref<125x64xf32, #tpu.memory_space<vmem>>)
      %add3A_323 = arith.constant 1 : i32
      %add3A_324 = arith.addi %mul3A_275, %add3A_323 : i32
      %dma_start3A_325 = arith.constant 1 : i32
      %dma_start3A_326 = arith.constant 1 : i32
      %dma_start3A_327 = arith.constant 0 : i32
      %dma_start3A_328 = arith.constant 0 : i32
      %dma_start3A_329 = tpu.memref_slice %arg11[%dma_start3A_325, %dma_start3A_327, %dma_start3A_328] : memref<8x125x64xf32, #tpu.memory_space<vmem>> -> memref<1x125x64xf32, #tpu.memory_space<vmem>>
      %dma_start3A_330 = tpu.memref_squeeze %dma_start3A_329 : memref<1x125x64xf32, #tpu.memory_space<vmem>> -> memref<125x64xf32, #tpu.memory_space<vmem>>
      %dma_start3A_331 = arith.constant 0 : i32
      %dma_start3A_332 = tpu.memref_slice %arg10[%add3A_324, %dma_start3A_331] : memref<80x125xi32, #tpu.memory_space<vmem>> -> memref<1x125xi32, #tpu.memory_space<vmem>>
      %dma_start3A_333 = tpu.memref_squeeze %dma_start3A_332 : memref<1x125xi32, #tpu.memory_space<vmem>> -> memref<125xi32, #tpu.memory_space<vmem>>
      %dma_start3A_334 = arith.constant 0 : i32
      %dma_start3A_335 = arith.constant 0 : i32
      %dma_start3A_336 = tpu.memref_slice %arg12[%dma_start3A_334, %dma_start3A_335] : memref<10240x64xf32, #tpu.memory_space<vmem_shared>> -> memref<10240x64xf32, #tpu.memory_space<vmem_shared>>
      %dma_start3A_337 = tpu.memref_slice %arg14[%dma_start3A_326] : memref<8x!tpu.dma_semaphore, #tpu.memory_space<semaphore_mem>> -> memref<1x!tpu.dma_semaphore, #tpu.memory_space<semaphore_mem>>
      %dma_start3A_338 = tpu.memref_squeeze %dma_start3A_337 : memref<1x!tpu.dma_semaphore, #tpu.memory_space<semaphore_mem>> -> memref<!tpu.dma_semaphore, #tpu.memory_space<semaphore_mem>>
      tpu.enqueue_indirect_dma source(%dma_start3A_330 : memref<125x64xf32, #tpu.memory_space<vmem>>) target(%dma_start3A_336 : memref<10240x64xf32, #tpu.memory_space<vmem_shared>>) offsets(%dma_start3A_333 : memref<125xi32, #tpu.memory_space<vmem>>) semaphore(%dma_start3A_338 : memref<!tpu.dma_semaphore, #tpu.memory_space<semaphore_mem>>) {add = true}
      %add3A_339 = arith.constant 2 : i32
      %add3A_340 = arith.addi %mul3A_275, %add3A_339 : i32
      %dma_wait3A_341 = arith.constant 2 : i32
      %dma_wait3A_342 = arith.constant 2 : i32
      %dma_wait3A_343 = arith.constant 0 : i32
      %dma_wait3A_344 = arith.constant 0 : i32
      %dma_wait3A_345 = tpu.memref_slice %arg11[%dma_wait3A_341, %dma_wait3A_343, %dma_wait3A_344] : memref<8x125x64xf32, #tpu.memory_space<vmem>> -> memref<1x125x64xf32, #tpu.memory_space<vmem>>
      %dma_wait3A_346 = tpu.memref_squeeze %dma_wait3A_345 : memref<1x125x64xf32, #tpu.memory_space<vmem>> -> memref<125x64xf32, #tpu.memory_space<vmem>>
      %dma_wait3A_347 = arith.constant 0 : i32
      %dma_wait3A_348 = tpu.memref_slice %arg9[%add3A_340, %dma_wait3A_347] : memref<80x125xi32, #tpu.memory_space<vmem>> -> memref<1x125xi32, #tpu.memory_space<vmem>>
      %dma_wait3A_349 = tpu.memref_squeeze %dma_wait3A_348 : memref<1x125xi32, #tpu.memory_space<vmem>> -> memref<125xi32, #tpu.memory_space<vmem>>
      %dma_wait3A_350 = arith.constant 0 : i32
      %dma_wait3A_351 = arith.constant 0 : i32
      %dma_wait3A_352 = tpu.memref_slice %arg2[%dma_wait3A_350, %dma_wait3A_351] : memref<10000x64xf32, #tpu.memory_space<hbm>> -> memref<10000x64xf32, #tpu.memory_space<hbm>>
      %dma_wait3A_353 = tpu.memref_slice %arg13[%dma_wait3A_342] : memref<8x!tpu.dma_semaphore, #tpu.memory_space<semaphore_mem>> -> memref<1x!tpu.dma_semaphore, #tpu.memory_space<semaphore_mem>>
      %dma_wait3A_354 = tpu.memref_squeeze %dma_wait3A_353 : memref<1x!tpu.dma_semaphore, #tpu.memory_space<semaphore_mem>> -> memref<!tpu.dma_semaphore, #tpu.memory_space<semaphore_mem>>
      tpu.wait_indirect_dma semaphore(%dma_wait3A_354 : memref<!tpu.dma_semaphore, #tpu.memory_space<semaphore_mem>>) src(%dma_wait3A_352 : memref<10000x64xf32, #tpu.memory_space<hbm>>) dst(%dma_wait3A_346 : memref<125x64xf32, #tpu.memory_space<vmem>>)
      %add3A_355 = arith.constant 2 : i32
      %add3A_356 = arith.addi %mul3A_275, %add3A_355 : i32
      %dma_start3A_357 = arith.constant 2 : i32
      %dma_start3A_358 = arith.constant 2 : i32
      %dma_start3A_359 = arith.constant 0 : i32
      %dma_start3A_360 = arith.constant 0 : i32
      %dma_start3A_361 = tpu.memref_slice %arg11[%dma_start3A_357, %dma_start3A_359, %dma_start3A_360] : memref<8x125x64xf32, #tpu.memory_space<vmem>> -> memref<1x125x64xf32, #tpu.memory_space<vmem>>
      %dma_start3A_362 = tpu.memref_squeeze %dma_start3A_361 : memref<1x125x64xf32, #tpu.memory_space<vmem>> -> memref<125x64xf32, #tpu.memory_space<vmem>>
      %dma_start3A_363 = arith.constant 0 : i32
      %dma_start3A_364 = tpu.memref_slice %arg10[%add3A_356, %dma_start3A_363] : memref<80x125xi32, #tpu.memory_space<vmem>> -> memref<1x125xi32, #tpu.memory_space<vmem>>
      %dma_start3A_365 = tpu.memref_squeeze %dma_start3A_364 : memref<1x125xi32, #tpu.memory_space<vmem>> -> memref<125xi32, #tpu.memory_space<vmem>>
      %dma_start3A_366 = arith.constant 0 : i32
      %dma_start3A_367 = arith.constant 0 : i32
      %dma_start3A_368 = tpu.memref_slice %arg12[%dma_start3A_366, %dma_start3A_367] : memref<10240x64xf32, #tpu.memory_space<vmem_shared>> -> memref<10240x64xf32, #tpu.memory_space<vmem_shared>>
      %dma_start3A_369 = tpu.memref_slice %arg14[%dma_start3A_358] : memref<8x!tpu.dma_semaphore, #tpu.memory_space<semaphore_mem>> -> memref<1x!tpu.dma_semaphore, #tpu.memory_space<semaphore_mem>>
      %dma_start3A_370 = tpu.memref_squeeze %dma_start3A_369 : memref<1x!tpu.dma_semaphore, #tpu.memory_space<semaphore_mem>> -> memref<!tpu.dma_semaphore, #tpu.memory_space<semaphore_mem>>
      tpu.enqueue_indirect_dma source(%dma_start3A_362 : memref<125x64xf32, #tpu.memory_space<vmem>>) target(%dma_start3A_368 : memref<10240x64xf32, #tpu.memory_space<vmem_shared>>) offsets(%dma_start3A_365 : memref<125xi32, #tpu.memory_space<vmem>>) semaphore(%dma_start3A_370 : memref<!tpu.dma_semaphore, #tpu.memory_space<semaphore_mem>>) {add = true}
      %add3A_371 = arith.constant 3 : i32
      %add3A_372 = arith.addi %mul3A_275, %add3A_371 : i32
      %dma_wait3A_373 = arith.constant 3 : i32
      %dma_wait3A_374 = arith.constant 3 : i32
      %dma_wait3A_375 = arith.constant 0 : i32
      %dma_wait3A_376 = arith.constant 0 : i32
      %dma_wait3A_377 = tpu.memref_slice %arg11[%dma_wait3A_373, %dma_wait3A_375, %dma_wait3A_376] : memref<8x125x64xf32, #tpu.memory_space<vmem>> -> memref<1x125x64xf32, #tpu.memory_space<vmem>>
      %dma_wait3A_378 = tpu.memref_squeeze %dma_wait3A_377 : memref<1x125x64xf32, #tpu.memory_space<vmem>> -> memref<125x64xf32, #tpu.memory_space<vmem>>
      %dma_wait3A_379 = arith.constant 0 : i32
      %dma_wait3A_380 = tpu.memref_slice %arg9[%add3A_372, %dma_wait3A_379] : memref<80x125xi32, #tpu.memory_space<vmem>> -> memref<1x125xi32, #tpu.memory_space<vmem>>
      %dma_wait3A_381 = tpu.memref_squeeze %dma_wait3A_380 : memref<1x125xi32, #tpu.memory_space<vmem>> -> memref<125xi32, #tpu.memory_space<vmem>>
      %dma_wait3A_382 = arith.constant 0 : i32
      %dma_wait3A_383 = arith.constant 0 : i32
      %dma_wait3A_384 = tpu.memref_slice %arg2[%dma_wait3A_382, %dma_wait3A_383] : memref<10000x64xf32, #tpu.memory_space<hbm>> -> memref<10000x64xf32, #tpu.memory_space<hbm>>
      %dma_wait3A_385 = tpu.memref_slice %arg13[%dma_wait3A_374] : memref<8x!tpu.dma_semaphore, #tpu.memory_space<semaphore_mem>> -> memref<1x!tpu.dma_semaphore, #tpu.memory_space<semaphore_mem>>
      %dma_wait3A_386 = tpu.memref_squeeze %dma_wait3A_385 : memref<1x!tpu.dma_semaphore, #tpu.memory_space<semaphore_mem>> -> memref<!tpu.dma_semaphore, #tpu.memory_space<semaphore_mem>>
      tpu.wait_indirect_dma semaphore(%dma_wait3A_386 : memref<!tpu.dma_semaphore, #tpu.memory_space<semaphore_mem>>) src(%dma_wait3A_384 : memref<10000x64xf32, #tpu.memory_space<hbm>>) dst(%dma_wait3A_378 : memref<125x64xf32, #tpu.memory_space<vmem>>)
      %add3A_387 = arith.constant 3 : i32
      %add3A_388 = arith.addi %mul3A_275, %add3A_387 : i32
      %dma_start3A_389 = arith.constant 3 : i32
      %dma_start3A_390 = arith.constant 3 : i32
      %dma_start3A_391 = arith.constant 0 : i32
      %dma_start3A_392 = arith.constant 0 : i32
      %dma_start3A_393 = tpu.memref_slice %arg11[%dma_start3A_389, %dma_start3A_391, %dma_start3A_392] : memref<8x125x64xf32, #tpu.memory_space<vmem>> -> memref<1x125x64xf32, #tpu.memory_space<vmem>>
      %dma_start3A_394 = tpu.memref_squeeze %dma_start3A_393 : memref<1x125x64xf32, #tpu.memory_space<vmem>> -> memref<125x64xf32, #tpu.memory_space<vmem>>
      %dma_start3A_395 = arith.constant 0 : i32
      %dma_start3A_396 = tpu.memref_slice %arg10[%add3A_388, %dma_start3A_395] : memref<80x125xi32, #tpu.memory_space<vmem>> -> memref<1x125xi32, #tpu.memory_space<vmem>>
      %dma_start3A_397 = tpu.memref_squeeze %dma_start3A_396 : memref<1x125xi32, #tpu.memory_space<vmem>> -> memref<125xi32, #tpu.memory_space<vmem>>
      %dma_start3A_398 = arith.constant 0 : i32
      %dma_start3A_399 = arith.constant 0 : i32
      %dma_start3A_400 = tpu.memref_slice %arg12[%dma_start3A_398, %dma_start3A_399] : memref<10240x64xf32, #tpu.memory_space<vmem_shared>> -> memref<10240x64xf32, #tpu.memory_space<vmem_shared>>
      %dma_start3A_401 = tpu.memref_slice %arg14[%dma_start3A_390] : memref<8x!tpu.dma_semaphore, #tpu.memory_space<semaphore_mem>> -> memref<1x!tpu.dma_semaphore, #tpu.memory_space<semaphore_mem>>
      %dma_start3A_402 = tpu.memref_squeeze %dma_start3A_401 : memref<1x!tpu.dma_semaphore, #tpu.memory_space<semaphore_mem>> -> memref<!tpu.dma_semaphore, #tpu.memory_space<semaphore_mem>>
      tpu.enqueue_indirect_dma source(%dma_start3A_394 : memref<125x64xf32, #tpu.memory_space<vmem>>) target(%dma_start3A_400 : memref<10240x64xf32, #tpu.memory_space<vmem_shared>>) offsets(%dma_start3A_397 : memref<125xi32, #tpu.memory_space<vmem>>) semaphore(%dma_start3A_402 : memref<!tpu.dma_semaphore, #tpu.memory_space<semaphore_mem>>) {add = true}
      %add3A_403 = arith.constant 0 : i32
      %add3A_404 = arith.addi %mul3A_275, %add3A_403 : i32
      %dma_wait3A_405 = arith.constant 0 : i32
      %dma_wait3A_406 = arith.constant 0 : i32
      %dma_wait3A_407 = arith.constant 0 : i32
      %dma_wait3A_408 = arith.constant 0 : i32
      %dma_wait3A_409 = tpu.memref_slice %arg11[%dma_wait3A_405, %dma_wait3A_407, %dma_wait3A_408] : memref<8x125x64xf32, #tpu.memory_space<vmem>> -> memref<1x125x64xf32, #tpu.memory_space<vmem>>
      %dma_wait3A_410 = tpu.memref_squeeze %dma_wait3A_409 : memref<1x125x64xf32, #tpu.memory_space<vmem>> -> memref<125x64xf32, #tpu.memory_space<vmem>>
      %dma_wait3A_411 = arith.constant 0 : i32
      %dma_wait3A_412 = tpu.memref_slice %arg10[%add3A_404, %dma_wait3A_411] : memref<80x125xi32, #tpu.memory_space<vmem>> -> memref<1x125xi32, #tpu.memory_space<vmem>>
      %dma_wait3A_413 = tpu.memref_squeeze %dma_wait3A_412 : memref<1x125xi32, #tpu.memory_space<vmem>> -> memref<125xi32, #tpu.memory_space<vmem>>
      %dma_wait3A_414 = arith.constant 0 : i32
      %dma_wait3A_415 = arith.constant 0 : i32
      %dma_wait3A_416 = tpu.memref_slice %arg12[%dma_wait3A_414, %dma_wait3A_415] : memref<10240x64xf32, #tpu.memory_space<vmem_shared>> -> memref<10240x64xf32, #tpu.memory_space<vmem_shared>>
      %dma_wait3A_417 = tpu.memref_slice %arg14[%dma_wait3A_406] : memref<8x!tpu.dma_semaphore, #tpu.memory_space<semaphore_mem>> -> memref<1x!tpu.dma_semaphore, #tpu.memory_space<semaphore_mem>>
      %dma_wait3A_418 = tpu.memref_squeeze %dma_wait3A_417 : memref<1x!tpu.dma_semaphore, #tpu.memory_space<semaphore_mem>> -> memref<!tpu.dma_semaphore, #tpu.memory_space<semaphore_mem>>
      tpu.wait_indirect_dma semaphore(%dma_wait3A_418 : memref<!tpu.dma_semaphore, #tpu.memory_space<semaphore_mem>>) src(%dma_wait3A_410 : memref<125x64xf32, #tpu.memory_space<vmem>>) dst(%dma_wait3A_416 : memref<10240x64xf32, #tpu.memory_space<vmem_shared>>)
      %add3A_419 = arith.constant 0 : i32
      %add3A_420 = arith.addi %mul3A_275, %add3A_419 : i32
      %add3A_421 = arith.constant 8 : i32
      %add3A_422 = arith.addi %add3A_420, %add3A_421 : i32
      %lt3A = arith.constant 80 : i32
      %lt3A_423 = arith.cmpi slt, %add3A_422, %lt3A : i32
      %convert_element_type3A = arith.extui %lt3A_423 : i1 to i32
      %cond3A = arith.constant 0 : i32
      %cond3A_424 = arith.cmpi ne, %convert_element_type3A, %cond3A : i32
      scf.if %cond3A_424 {
        %add3A_729 = arith.constant 0 : i32
        %add3A_730 = arith.addi %mul3A_275, %add3A_729 : i32
        %add3A_731 = arith.constant 8 : i32
        %add3A_732 = arith.addi %add3A_730, %add3A_731 : i32
        %dma_start3A_733 = arith.constant 0 : i32
        %dma_start3A_734 = arith.constant 0 : i32
        %dma_start3A_735 = arith.constant 0 : i32
        %dma_start3A_736 = arith.constant 0 : i32
        %dma_start3A_737 = tpu.memref_slice %arg11[%dma_start3A_733, %dma_start3A_735, %dma_start3A_736] : memref<8x125x64xf32, #tpu.memory_space<vmem>> -> memref<1x125x64xf32, #tpu.memory_space<vmem>>
        %dma_start3A_738 = tpu.memref_squeeze %dma_start3A_737 : memref<1x125x64xf32, #tpu.memory_space<vmem>> -> memref<125x64xf32, #tpu.memory_space<vmem>>
        %dma_start3A_739 = arith.constant 0 : i32
        %dma_start3A_740 = tpu.memref_slice %arg9[%add3A_732, %dma_start3A_739] : memref<80x125xi32, #tpu.memory_space<vmem>> -> memref<1x125xi32, #tpu.memory_space<vmem>>
        %dma_start3A_741 = tpu.memref_squeeze %dma_start3A_740 : memref<1x125xi32, #tpu.memory_space<vmem>> -> memref<125xi32, #tpu.memory_space<vmem>>
        %dma_start3A_742 = arith.constant 0 : i32
        %dma_start3A_743 = arith.constant 0 : i32
        %dma_start3A_744 = tpu.memref_slice %arg2[%dma_start3A_742, %dma_start3A_743] : memref<10000x64xf32, #tpu.memory_space<hbm>> -> memref<10000x64xf32, #tpu.memory_space<hbm>>
        %dma_start3A_745 = tpu.memref_slice %arg13[%dma_start3A_734] : memref<8x!tpu.dma_semaphore, #tpu.memory_space<semaphore_mem>> -> memref<1x!tpu.dma_semaphore, #tpu.memory_space<semaphore_mem>>
        %dma_start3A_746 = tpu.memref_squeeze %dma_start3A_745 : memref<1x!tpu.dma_semaphore, #tpu.memory_space<semaphore_mem>> -> memref<!tpu.dma_semaphore, #tpu.memory_space<semaphore_mem>>
        tpu.enqueue_indirect_dma source(%dma_start3A_744 : memref<10000x64xf32, #tpu.memory_space<hbm>>) target(%dma_start3A_738 : memref<125x64xf32, #tpu.memory_space<vmem>>) offsets(%dma_start3A_741 : memref<125xi32, #tpu.memory_space<vmem>>) semaphore(%dma_start3A_746 : memref<!tpu.dma_semaphore, #tpu.memory_space<semaphore_mem>>)
      } else {
      }
      %add3A_425 = arith.constant 1 : i32
      %add3A_426 = arith.addi %mul3A_275, %add3A_425 : i32
      %dma_wait3A_427 = arith.constant 1 : i32
      %dma_wait3A_428 = arith.constant 1 : i32
      %dma_wait3A_429 = arith.constant 0 : i32
      %dma_wait3A_430 = arith.constant 0 : i32
      %dma_wait3A_431 = tpu.memref_slice %arg11[%dma_wait3A_427, %dma_wait3A_429, %dma_wait3A_430] : memref<8x125x64xf32, #tpu.memory_space<vmem>> -> memref<1x125x64xf32, #tpu.memory_space<vmem>>
      %dma_wait3A_432 = tpu.memref_squeeze %dma_wait3A_431 : memref<1x125x64xf32, #tpu.memory_space<vmem>> -> memref<125x64xf32, #tpu.memory_space<vmem>>
      %dma_wait3A_433 = arith.constant 0 : i32
      %dma_wait3A_434 = tpu.memref_slice %arg10[%add3A_426, %dma_wait3A_433] : memref<80x125xi32, #tpu.memory_space<vmem>> -> memref<1x125xi32, #tpu.memory_space<vmem>>
      %dma_wait3A_435 = tpu.memref_squeeze %dma_wait3A_434 : memref<1x125xi32, #tpu.memory_space<vmem>> -> memref<125xi32, #tpu.memory_space<vmem>>
      %dma_wait3A_436 = arith.constant 0 : i32
      %dma_wait3A_437 = arith.constant 0 : i32
      %dma_wait3A_438 = tpu.memref_slice %arg12[%dma_wait3A_436, %dma_wait3A_437] : memref<10240x64xf32, #tpu.memory_space<vmem_shared>> -> memref<10240x64xf32, #tpu.memory_space<vmem_shared>>
      %dma_wait3A_439 = tpu.memref_slice %arg14[%dma_wait3A_428] : memref<8x!tpu.dma_semaphore, #tpu.memory_space<semaphore_mem>> -> memref<1x!tpu.dma_semaphore, #tpu.memory_space<semaphore_mem>>
      %dma_wait3A_440 = tpu.memref_squeeze %dma_wait3A_439 : memref<1x!tpu.dma_semaphore, #tpu.memory_space<semaphore_mem>> -> memref<!tpu.dma_semaphore, #tpu.memory_space<semaphore_mem>>
      tpu.wait_indirect_dma semaphore(%dma_wait3A_440 : memref<!tpu.dma_semaphore, #tpu.memory_space<semaphore_mem>>) src(%dma_wait3A_432 : memref<125x64xf32, #tpu.memory_space<vmem>>) dst(%dma_wait3A_438 : memref<10240x64xf32, #tpu.memory_space<vmem_shared>>)
      %add3A_441 = arith.constant 1 : i32
      %add3A_442 = arith.addi %mul3A_275, %add3A_441 : i32
      %add3A_443 = arith.constant 8 : i32
      %add3A_444 = arith.addi %add3A_442, %add3A_443 : i32
      %lt3A_445 = arith.constant 80 : i32
      %lt3A_446 = arith.cmpi slt, %add3A_444, %lt3A_445 : i32
      %convert_element_type3A_447 = arith.extui %lt3A_446 : i1 to i32
      %cond3A_448 = arith.constant 0 : i32
      %cond3A_449 = arith.cmpi ne, %convert_element_type3A_447, %cond3A_448 : i32
      scf.if %cond3A_449 {
        %add3A_729 = arith.constant 1 : i32
        %add3A_730 = arith.addi %mul3A_275, %add3A_729 : i32
        %add3A_731 = arith.constant 8 : i32
        %add3A_732 = arith.addi %add3A_730, %add3A_731 : i32
        %dma_start3A_733 = arith.constant 1 : i32
        %dma_start3A_734 = arith.constant 1 : i32
        %dma_start3A_735 = arith.constant 0 : i32
        %dma_start3A_736 = arith.constant 0 : i32
        %dma_start3A_737 = tpu.memref_slice %arg11[%dma_start3A_733, %dma_start3A_735, %dma_start3A_736] : memref<8x125x64xf32, #tpu.memory_space<vmem>> -> memref<1x125x64xf32, #tpu.memory_space<vmem>>
        %dma_start3A_738 = tpu.memref_squeeze %dma_start3A_737 : memref<1x125x64xf32, #tpu.memory_space<vmem>> -> memref<125x64xf32, #tpu.memory_space<vmem>>
        %dma_start3A_739 = arith.constant 0 : i32
        %dma_start3A_740 = tpu.memref_slice %arg9[%add3A_732, %dma_start3A_739] : memref<80x125xi32, #tpu.memory_space<vmem>> -> memref<1x125xi32, #tpu.memory_space<vmem>>
        %dma_start3A_741 = tpu.memref_squeeze %dma_start3A_740 : memref<1x125xi32, #tpu.memory_space<vmem>> -> memref<125xi32, #tpu.memory_space<vmem>>
        %dma_start3A_742 = arith.constant 0 : i32
        %dma_start3A_743 = arith.constant 0 : i32
        %dma_start3A_744 = tpu.memref_slice %arg2[%dma_start3A_742, %dma_start3A_743] : memref<10000x64xf32, #tpu.memory_space<hbm>> -> memref<10000x64xf32, #tpu.memory_space<hbm>>
        %dma_start3A_745 = tpu.memref_slice %arg13[%dma_start3A_734] : memref<8x!tpu.dma_semaphore, #tpu.memory_space<semaphore_mem>> -> memref<1x!tpu.dma_semaphore, #tpu.memory_space<semaphore_mem>>
        %dma_start3A_746 = tpu.memref_squeeze %dma_start3A_745 : memref<1x!tpu.dma_semaphore, #tpu.memory_space<semaphore_mem>> -> memref<!tpu.dma_semaphore, #tpu.memory_space<semaphore_mem>>
        tpu.enqueue_indirect_dma source(%dma_start3A_744 : memref<10000x64xf32, #tpu.memory_space<hbm>>) target(%dma_start3A_738 : memref<125x64xf32, #tpu.memory_space<vmem>>) offsets(%dma_start3A_741 : memref<125xi32, #tpu.memory_space<vmem>>) semaphore(%dma_start3A_746 : memref<!tpu.dma_semaphore, #tpu.memory_space<semaphore_mem>>)
      } else {
      }
      %add3A_450 = arith.constant 2 : i32
      %add3A_451 = arith.addi %mul3A_275, %add3A_450 : i32
      %dma_wait3A_452 = arith.constant 2 : i32
      %dma_wait3A_453 = arith.constant 2 : i32
      %dma_wait3A_454 = arith.constant 0 : i32
      %dma_wait3A_455 = arith.constant 0 : i32
      %dma_wait3A_456 = tpu.memref_slice %arg11[%dma_wait3A_452, %dma_wait3A_454, %dma_wait3A_455] : memref<8x125x64xf32, #tpu.memory_space<vmem>> -> memref<1x125x64xf32, #tpu.memory_space<vmem>>
      %dma_wait3A_457 = tpu.memref_squeeze %dma_wait3A_456 : memref<1x125x64xf32, #tpu.memory_space<vmem>> -> memref<125x64xf32, #tpu.memory_space<vmem>>
      %dma_wait3A_458 = arith.constant 0 : i32
      %dma_wait3A_459 = tpu.memref_slice %arg10[%add3A_451, %dma_wait3A_458] : memref<80x125xi32, #tpu.memory_space<vmem>> -> memref<1x125xi32, #tpu.memory_space<vmem>>
      %dma_wait3A_460 = tpu.memref_squeeze %dma_wait3A_459 : memref<1x125xi32, #tpu.memory_space<vmem>> -> memref<125xi32, #tpu.memory_space<vmem>>
      %dma_wait3A_461 = arith.constant 0 : i32
      %dma_wait3A_462 = arith.constant 0 : i32
      %dma_wait3A_463 = tpu.memref_slice %arg12[%dma_wait3A_461, %dma_wait3A_462] : memref<10240x64xf32, #tpu.memory_space<vmem_shared>> -> memref<10240x64xf32, #tpu.memory_space<vmem_shared>>
      %dma_wait3A_464 = tpu.memref_slice %arg14[%dma_wait3A_453] : memref<8x!tpu.dma_semaphore, #tpu.memory_space<semaphore_mem>> -> memref<1x!tpu.dma_semaphore, #tpu.memory_space<semaphore_mem>>
      %dma_wait3A_465 = tpu.memref_squeeze %dma_wait3A_464 : memref<1x!tpu.dma_semaphore, #tpu.memory_space<semaphore_mem>> -> memref<!tpu.dma_semaphore, #tpu.memory_space<semaphore_mem>>
      tpu.wait_indirect_dma semaphore(%dma_wait3A_465 : memref<!tpu.dma_semaphore, #tpu.memory_space<semaphore_mem>>) src(%dma_wait3A_457 : memref<125x64xf32, #tpu.memory_space<vmem>>) dst(%dma_wait3A_463 : memref<10240x64xf32, #tpu.memory_space<vmem_shared>>)
      %add3A_466 = arith.constant 2 : i32
      %add3A_467 = arith.addi %mul3A_275, %add3A_466 : i32
      %add3A_468 = arith.constant 8 : i32
      %add3A_469 = arith.addi %add3A_467, %add3A_468 : i32
      %lt3A_470 = arith.constant 80 : i32
      %lt3A_471 = arith.cmpi slt, %add3A_469, %lt3A_470 : i32
      %convert_element_type3A_472 = arith.extui %lt3A_471 : i1 to i32
      %cond3A_473 = arith.constant 0 : i32
      %cond3A_474 = arith.cmpi ne, %convert_element_type3A_472, %cond3A_473 : i32
      scf.if %cond3A_474 {
        %add3A_729 = arith.constant 2 : i32
        %add3A_730 = arith.addi %mul3A_275, %add3A_729 : i32
        %add3A_731 = arith.constant 8 : i32
        %add3A_732 = arith.addi %add3A_730, %add3A_731 : i32
        %dma_start3A_733 = arith.constant 2 : i32
        %dma_start3A_734 = arith.constant 2 : i32
        %dma_start3A_735 = arith.constant 0 : i32
        %dma_start3A_736 = arith.constant 0 : i32
        %dma_start3A_737 = tpu.memref_slice %arg11[%dma_start3A_733, %dma_start3A_735, %dma_start3A_736] : memref<8x125x64xf32, #tpu.memory_space<vmem>> -> memref<1x125x64xf32, #tpu.memory_space<vmem>>
        %dma_start3A_738 = tpu.memref_squeeze %dma_start3A_737 : memref<1x125x64xf32, #tpu.memory_space<vmem>> -> memref<125x64xf32, #tpu.memory_space<vmem>>
        %dma_start3A_739 = arith.constant 0 : i32
        %dma_start3A_740 = tpu.memref_slice %arg9[%add3A_732, %dma_start3A_739] : memref<80x125xi32, #tpu.memory_space<vmem>> -> memref<1x125xi32, #tpu.memory_space<vmem>>
        %dma_start3A_741 = tpu.memref_squeeze %dma_start3A_740 : memref<1x125xi32, #tpu.memory_space<vmem>> -> memref<125xi32, #tpu.memory_space<vmem>>
        %dma_start3A_742 = arith.constant 0 : i32
        %dma_start3A_743 = arith.constant 0 : i32
        %dma_start3A_744 = tpu.memref_slice %arg2[%dma_start3A_742, %dma_start3A_743] : memref<10000x64xf32, #tpu.memory_space<hbm>> -> memref<10000x64xf32, #tpu.memory_space<hbm>>
        %dma_start3A_745 = tpu.memref_slice %arg13[%dma_start3A_734] : memref<8x!tpu.dma_semaphore, #tpu.memory_space<semaphore_mem>> -> memref<1x!tpu.dma_semaphore, #tpu.memory_space<semaphore_mem>>
        %dma_start3A_746 = tpu.memref_squeeze %dma_start3A_745 : memref<1x!tpu.dma_semaphore, #tpu.memory_space<semaphore_mem>> -> memref<!tpu.dma_semaphore, #tpu.memory_space<semaphore_mem>>
        tpu.enqueue_indirect_dma source(%dma_start3A_744 : memref<10000x64xf32, #tpu.memory_space<hbm>>) target(%dma_start3A_738 : memref<125x64xf32, #tpu.memory_space<vmem>>) offsets(%dma_start3A_741 : memref<125xi32, #tpu.memory_space<vmem>>) semaphore(%dma_start3A_746 : memref<!tpu.dma_semaphore, #tpu.memory_space<semaphore_mem>>)
      } else {
      }
      %add3A_475 = arith.constant 3 : i32
      %add3A_476 = arith.addi %mul3A_275, %add3A_475 : i32
      %dma_wait3A_477 = arith.constant 3 : i32
      %dma_wait3A_478 = arith.constant 3 : i32
      %dma_wait3A_479 = arith.constant 0 : i32
      %dma_wait3A_480 = arith.constant 0 : i32
      %dma_wait3A_481 = tpu.memref_slice %arg11[%dma_wait3A_477, %dma_wait3A_479, %dma_wait3A_480] : memref<8x125x64xf32, #tpu.memory_space<vmem>> -> memref<1x125x64xf32, #tpu.memory_space<vmem>>
      %dma_wait3A_482 = tpu.memref_squeeze %dma_wait3A_481 : memref<1x125x64xf32, #tpu.memory_space<vmem>> -> memref<125x64xf32, #tpu.memory_space<vmem>>
      %dma_wait3A_483 = arith.constant 0 : i32
      %dma_wait3A_484 = tpu.memref_slice %arg10[%add3A_476, %dma_wait3A_483] : memref<80x125xi32, #tpu.memory_space<vmem>> -> memref<1x125xi32, #tpu.memory_space<vmem>>
      %dma_wait3A_485 = tpu.memref_squeeze %dma_wait3A_484 : memref<1x125xi32, #tpu.memory_space<vmem>> -> memref<125xi32, #tpu.memory_space<vmem>>
      %dma_wait3A_486 = arith.constant 0 : i32
      %dma_wait3A_487 = arith.constant 0 : i32
      %dma_wait3A_488 = tpu.memref_slice %arg12[%dma_wait3A_486, %dma_wait3A_487] : memref<10240x64xf32, #tpu.memory_space<vmem_shared>> -> memref<10240x64xf32, #tpu.memory_space<vmem_shared>>
      %dma_wait3A_489 = tpu.memref_slice %arg14[%dma_wait3A_478] : memref<8x!tpu.dma_semaphore, #tpu.memory_space<semaphore_mem>> -> memref<1x!tpu.dma_semaphore, #tpu.memory_space<semaphore_mem>>
      %dma_wait3A_490 = tpu.memref_squeeze %dma_wait3A_489 : memref<1x!tpu.dma_semaphore, #tpu.memory_space<semaphore_mem>> -> memref<!tpu.dma_semaphore, #tpu.memory_space<semaphore_mem>>
      tpu.wait_indirect_dma semaphore(%dma_wait3A_490 : memref<!tpu.dma_semaphore, #tpu.memory_space<semaphore_mem>>) src(%dma_wait3A_482 : memref<125x64xf32, #tpu.memory_space<vmem>>) dst(%dma_wait3A_488 : memref<10240x64xf32, #tpu.memory_space<vmem_shared>>)
      %add3A_491 = arith.constant 3 : i32
      %add3A_492 = arith.addi %mul3A_275, %add3A_491 : i32
      %add3A_493 = arith.constant 8 : i32
      %add3A_494 = arith.addi %add3A_492, %add3A_493 : i32
      %lt3A_495 = arith.constant 80 : i32
      %lt3A_496 = arith.cmpi slt, %add3A_494, %lt3A_495 : i32
      %convert_element_type3A_497 = arith.extui %lt3A_496 : i1 to i32
      %cond3A_498 = arith.constant 0 : i32
      %cond3A_499 = arith.cmpi ne, %convert_element_type3A_497, %cond3A_498 : i32
      scf.if %cond3A_499 {
        %add3A_729 = arith.constant 3 : i32
        %add3A_730 = arith.addi %mul3A_275, %add3A_729 : i32
        %add3A_731 = arith.constant 8 : i32
        %add3A_732 = arith.addi %add3A_730, %add3A_731 : i32
        %dma_start3A_733 = arith.constant 3 : i32
        %dma_start3A_734 = arith.constant 3 : i32
        %dma_start3A_735 = arith.constant 0 : i32
        %dma_start3A_736 = arith.constant 0 : i32
        %dma_start3A_737 = tpu.memref_slice %arg11[%dma_start3A_733, %dma_start3A_735, %dma_start3A_736] : memref<8x125x64xf32, #tpu.memory_space<vmem>> -> memref<1x125x64xf32, #tpu.memory_space<vmem>>
        %dma_start3A_738 = tpu.memref_squeeze %dma_start3A_737 : memref<1x125x64xf32, #tpu.memory_space<vmem>> -> memref<125x64xf32, #tpu.memory_space<vmem>>
        %dma_start3A_739 = arith.constant 0 : i32
        %dma_start3A_740 = tpu.memref_slice %arg9[%add3A_732, %dma_start3A_739] : memref<80x125xi32, #tpu.memory_space<vmem>> -> memref<1x125xi32, #tpu.memory_space<vmem>>
        %dma_start3A_741 = tpu.memref_squeeze %dma_start3A_740 : memref<1x125xi32, #tpu.memory_space<vmem>> -> memref<125xi32, #tpu.memory_space<vmem>>
        %dma_start3A_742 = arith.constant 0 : i32
        %dma_start3A_743 = arith.constant 0 : i32
        %dma_start3A_744 = tpu.memref_slice %arg2[%dma_start3A_742, %dma_start3A_743] : memref<10000x64xf32, #tpu.memory_space<hbm>> -> memref<10000x64xf32, #tpu.memory_space<hbm>>
        %dma_start3A_745 = tpu.memref_slice %arg13[%dma_start3A_734] : memref<8x!tpu.dma_semaphore, #tpu.memory_space<semaphore_mem>> -> memref<1x!tpu.dma_semaphore, #tpu.memory_space<semaphore_mem>>
        %dma_start3A_746 = tpu.memref_squeeze %dma_start3A_745 : memref<1x!tpu.dma_semaphore, #tpu.memory_space<semaphore_mem>> -> memref<!tpu.dma_semaphore, #tpu.memory_space<semaphore_mem>>
        tpu.enqueue_indirect_dma source(%dma_start3A_744 : memref<10000x64xf32, #tpu.memory_space<hbm>>) target(%dma_start3A_738 : memref<125x64xf32, #tpu.memory_space<vmem>>) offsets(%dma_start3A_741 : memref<125xi32, #tpu.memory_space<vmem>>) semaphore(%dma_start3A_746 : memref<!tpu.dma_semaphore, #tpu.memory_space<semaphore_mem>>)
      } else {
      }
      %add3A_500 = arith.constant 4 : i32
      %add3A_501 = arith.addi %mul3A_275, %add3A_500 : i32
      %dma_wait3A_502 = arith.constant 4 : i32
      %dma_wait3A_503 = arith.constant 4 : i32
      %dma_wait3A_504 = arith.constant 0 : i32
      %dma_wait3A_505 = arith.constant 0 : i32
      %dma_wait3A_506 = tpu.memref_slice %arg11[%dma_wait3A_502, %dma_wait3A_504, %dma_wait3A_505] : memref<8x125x64xf32, #tpu.memory_space<vmem>> -> memref<1x125x64xf32, #tpu.memory_space<vmem>>
      %dma_wait3A_507 = tpu.memref_squeeze %dma_wait3A_506 : memref<1x125x64xf32, #tpu.memory_space<vmem>> -> memref<125x64xf32, #tpu.memory_space<vmem>>
      %dma_wait3A_508 = arith.constant 0 : i32
      %dma_wait3A_509 = tpu.memref_slice %arg9[%add3A_501, %dma_wait3A_508] : memref<80x125xi32, #tpu.memory_space<vmem>> -> memref<1x125xi32, #tpu.memory_space<vmem>>
      %dma_wait3A_510 = tpu.memref_squeeze %dma_wait3A_509 : memref<1x125xi32, #tpu.memory_space<vmem>> -> memref<125xi32, #tpu.memory_space<vmem>>
      %dma_wait3A_511 = arith.constant 0 : i32
      %dma_wait3A_512 = arith.constant 0 : i32
      %dma_wait3A_513 = tpu.memref_slice %arg2[%dma_wait3A_511, %dma_wait3A_512] : memref<10000x64xf32, #tpu.memory_space<hbm>> -> memref<10000x64xf32, #tpu.memory_space<hbm>>
      %dma_wait3A_514 = tpu.memref_slice %arg13[%dma_wait3A_503] : memref<8x!tpu.dma_semaphore, #tpu.memory_space<semaphore_mem>> -> memref<1x!tpu.dma_semaphore, #tpu.memory_space<semaphore_mem>>
      %dma_wait3A_515 = tpu.memref_squeeze %dma_wait3A_514 : memref<1x!tpu.dma_semaphore, #tpu.memory_space<semaphore_mem>> -> memref<!tpu.dma_semaphore, #tpu.memory_space<semaphore_mem>>
      tpu.wait_indirect_dma semaphore(%dma_wait3A_515 : memref<!tpu.dma_semaphore, #tpu.memory_space<semaphore_mem>>) src(%dma_wait3A_513 : memref<10000x64xf32, #tpu.memory_space<hbm>>) dst(%dma_wait3A_507 : memref<125x64xf32, #tpu.memory_space<vmem>>)
      %add3A_516 = arith.constant 4 : i32
      %add3A_517 = arith.addi %mul3A_275, %add3A_516 : i32
      %dma_start3A_518 = arith.constant 4 : i32
      %dma_start3A_519 = arith.constant 4 : i32
      %dma_start3A_520 = arith.constant 0 : i32
      %dma_start3A_521 = arith.constant 0 : i32
      %dma_start3A_522 = tpu.memref_slice %arg11[%dma_start3A_518, %dma_start3A_520, %dma_start3A_521] : memref<8x125x64xf32, #tpu.memory_space<vmem>> -> memref<1x125x64xf32, #tpu.memory_space<vmem>>
      %dma_start3A_523 = tpu.memref_squeeze %dma_start3A_522 : memref<1x125x64xf32, #tpu.memory_space<vmem>> -> memref<125x64xf32, #tpu.memory_space<vmem>>
      %dma_start3A_524 = arith.constant 0 : i32
      %dma_start3A_525 = tpu.memref_slice %arg10[%add3A_517, %dma_start3A_524] : memref<80x125xi32, #tpu.memory_space<vmem>> -> memref<1x125xi32, #tpu.memory_space<vmem>>
      %dma_start3A_526 = tpu.memref_squeeze %dma_start3A_525 : memref<1x125xi32, #tpu.memory_space<vmem>> -> memref<125xi32, #tpu.memory_space<vmem>>
      %dma_start3A_527 = arith.constant 0 : i32
      %dma_start3A_528 = arith.constant 0 : i32
      %dma_start3A_529 = tpu.memref_slice %arg12[%dma_start3A_527, %dma_start3A_528] : memref<10240x64xf32, #tpu.memory_space<vmem_shared>> -> memref<10240x64xf32, #tpu.memory_space<vmem_shared>>
      %dma_start3A_530 = tpu.memref_slice %arg14[%dma_start3A_519] : memref<8x!tpu.dma_semaphore, #tpu.memory_space<semaphore_mem>> -> memref<1x!tpu.dma_semaphore, #tpu.memory_space<semaphore_mem>>
      %dma_start3A_531 = tpu.memref_squeeze %dma_start3A_530 : memref<1x!tpu.dma_semaphore, #tpu.memory_space<semaphore_mem>> -> memref<!tpu.dma_semaphore, #tpu.memory_space<semaphore_mem>>
      tpu.enqueue_indirect_dma source(%dma_start3A_523 : memref<125x64xf32, #tpu.memory_space<vmem>>) target(%dma_start3A_529 : memref<10240x64xf32, #tpu.memory_space<vmem_shared>>) offsets(%dma_start3A_526 : memref<125xi32, #tpu.memory_space<vmem>>) semaphore(%dma_start3A_531 : memref<!tpu.dma_semaphore, #tpu.memory_space<semaphore_mem>>) {add = true}
      %add3A_532 = arith.constant 5 : i32
      %add3A_533 = arith.addi %mul3A_275, %add3A_532 : i32
      %dma_wait3A_534 = arith.constant 5 : i32
      %dma_wait3A_535 = arith.constant 5 : i32
      %dma_wait3A_536 = arith.constant 0 : i32
      %dma_wait3A_537 = arith.constant 0 : i32
      %dma_wait3A_538 = tpu.memref_slice %arg11[%dma_wait3A_534, %dma_wait3A_536, %dma_wait3A_537] : memref<8x125x64xf32, #tpu.memory_space<vmem>> -> memref<1x125x64xf32, #tpu.memory_space<vmem>>
      %dma_wait3A_539 = tpu.memref_squeeze %dma_wait3A_538 : memref<1x125x64xf32, #tpu.memory_space<vmem>> -> memref<125x64xf32, #tpu.memory_space<vmem>>
      %dma_wait3A_540 = arith.constant 0 : i32
      %dma_wait3A_541 = tpu.memref_slice %arg9[%add3A_533, %dma_wait3A_540] : memref<80x125xi32, #tpu.memory_space<vmem>> -> memref<1x125xi32, #tpu.memory_space<vmem>>
      %dma_wait3A_542 = tpu.memref_squeeze %dma_wait3A_541 : memref<1x125xi32, #tpu.memory_space<vmem>> -> memref<125xi32, #tpu.memory_space<vmem>>
      %dma_wait3A_543 = arith.constant 0 : i32
      %dma_wait3A_544 = arith.constant 0 : i32
      %dma_wait3A_545 = tpu.memref_slice %arg2[%dma_wait3A_543, %dma_wait3A_544] : memref<10000x64xf32, #tpu.memory_space<hbm>> -> memref<10000x64xf32, #tpu.memory_space<hbm>>
      %dma_wait3A_546 = tpu.memref_slice %arg13[%dma_wait3A_535] : memref<8x!tpu.dma_semaphore, #tpu.memory_space<semaphore_mem>> -> memref<1x!tpu.dma_semaphore, #tpu.memory_space<semaphore_mem>>
      %dma_wait3A_547 = tpu.memref_squeeze %dma_wait3A_546 : memref<1x!tpu.dma_semaphore, #tpu.memory_space<semaphore_mem>> -> memref<!tpu.dma_semaphore, #tpu.memory_space<semaphore_mem>>
      tpu.wait_indirect_dma semaphore(%dma_wait3A_547 : memref<!tpu.dma_semaphore, #tpu.memory_space<semaphore_mem>>) src(%dma_wait3A_545 : memref<10000x64xf32, #tpu.memory_space<hbm>>) dst(%dma_wait3A_539 : memref<125x64xf32, #tpu.memory_space<vmem>>)
      %add3A_548 = arith.constant 5 : i32
      %add3A_549 = arith.addi %mul3A_275, %add3A_548 : i32
      %dma_start3A_550 = arith.constant 5 : i32
      %dma_start3A_551 = arith.constant 5 : i32
      %dma_start3A_552 = arith.constant 0 : i32
      %dma_start3A_553 = arith.constant 0 : i32
      %dma_start3A_554 = tpu.memref_slice %arg11[%dma_start3A_550, %dma_start3A_552, %dma_start3A_553] : memref<8x125x64xf32, #tpu.memory_space<vmem>> -> memref<1x125x64xf32, #tpu.memory_space<vmem>>
      %dma_start3A_555 = tpu.memref_squeeze %dma_start3A_554 : memref<1x125x64xf32, #tpu.memory_space<vmem>> -> memref<125x64xf32, #tpu.memory_space<vmem>>
      %dma_start3A_556 = arith.constant 0 : i32
      %dma_start3A_557 = tpu.memref_slice %arg10[%add3A_549, %dma_start3A_556] : memref<80x125xi32, #tpu.memory_space<vmem>> -> memref<1x125xi32, #tpu.memory_space<vmem>>
      %dma_start3A_558 = tpu.memref_squeeze %dma_start3A_557 : memref<1x125xi32, #tpu.memory_space<vmem>> -> memref<125xi32, #tpu.memory_space<vmem>>
      %dma_start3A_559 = arith.constant 0 : i32
      %dma_start3A_560 = arith.constant 0 : i32
      %dma_start3A_561 = tpu.memref_slice %arg12[%dma_start3A_559, %dma_start3A_560] : memref<10240x64xf32, #tpu.memory_space<vmem_shared>> -> memref<10240x64xf32, #tpu.memory_space<vmem_shared>>
      %dma_start3A_562 = tpu.memref_slice %arg14[%dma_start3A_551] : memref<8x!tpu.dma_semaphore, #tpu.memory_space<semaphore_mem>> -> memref<1x!tpu.dma_semaphore, #tpu.memory_space<semaphore_mem>>
      %dma_start3A_563 = tpu.memref_squeeze %dma_start3A_562 : memref<1x!tpu.dma_semaphore, #tpu.memory_space<semaphore_mem>> -> memref<!tpu.dma_semaphore, #tpu.memory_space<semaphore_mem>>
      tpu.enqueue_indirect_dma source(%dma_start3A_555 : memref<125x64xf32, #tpu.memory_space<vmem>>) target(%dma_start3A_561 : memref<10240x64xf32, #tpu.memory_space<vmem_shared>>) offsets(%dma_start3A_558 : memref<125xi32, #tpu.memory_space<vmem>>) semaphore(%dma_start3A_563 : memref<!tpu.dma_semaphore, #tpu.memory_space<semaphore_mem>>) {add = true}
      %add3A_564 = arith.constant 6 : i32
      %add3A_565 = arith.addi %mul3A_275, %add3A_564 : i32
      %dma_wait3A_566 = arith.constant 6 : i32
      %dma_wait3A_567 = arith.constant 6 : i32
      %dma_wait3A_568 = arith.constant 0 : i32
      %dma_wait3A_569 = arith.constant 0 : i32
      %dma_wait3A_570 = tpu.memref_slice %arg11[%dma_wait3A_566, %dma_wait3A_568, %dma_wait3A_569] : memref<8x125x64xf32, #tpu.memory_space<vmem>> -> memref<1x125x64xf32, #tpu.memory_space<vmem>>
      %dma_wait3A_571 = tpu.memref_squeeze %dma_wait3A_570 : memref<1x125x64xf32, #tpu.memory_space<vmem>> -> memref<125x64xf32, #tpu.memory_space<vmem>>
      %dma_wait3A_572 = arith.constant 0 : i32
      %dma_wait3A_573 = tpu.memref_slice %arg9[%add3A_565, %dma_wait3A_572] : memref<80x125xi32, #tpu.memory_space<vmem>> -> memref<1x125xi32, #tpu.memory_space<vmem>>
      %dma_wait3A_574 = tpu.memref_squeeze %dma_wait3A_573 : memref<1x125xi32, #tpu.memory_space<vmem>> -> memref<125xi32, #tpu.memory_space<vmem>>
      %dma_wait3A_575 = arith.constant 0 : i32
      %dma_wait3A_576 = arith.constant 0 : i32
      %dma_wait3A_577 = tpu.memref_slice %arg2[%dma_wait3A_575, %dma_wait3A_576] : memref<10000x64xf32, #tpu.memory_space<hbm>> -> memref<10000x64xf32, #tpu.memory_space<hbm>>
      %dma_wait3A_578 = tpu.memref_slice %arg13[%dma_wait3A_567] : memref<8x!tpu.dma_semaphore, #tpu.memory_space<semaphore_mem>> -> memref<1x!tpu.dma_semaphore, #tpu.memory_space<semaphore_mem>>
      %dma_wait3A_579 = tpu.memref_squeeze %dma_wait3A_578 : memref<1x!tpu.dma_semaphore, #tpu.memory_space<semaphore_mem>> -> memref<!tpu.dma_semaphore, #tpu.memory_space<semaphore_mem>>
      tpu.wait_indirect_dma semaphore(%dma_wait3A_579 : memref<!tpu.dma_semaphore, #tpu.memory_space<semaphore_mem>>) src(%dma_wait3A_577 : memref<10000x64xf32, #tpu.memory_space<hbm>>) dst(%dma_wait3A_571 : memref<125x64xf32, #tpu.memory_space<vmem>>)
      %add3A_580 = arith.constant 6 : i32
      %add3A_581 = arith.addi %mul3A_275, %add3A_580 : i32
      %dma_start3A_582 = arith.constant 6 : i32
      %dma_start3A_583 = arith.constant 6 : i32
      %dma_start3A_584 = arith.constant 0 : i32
      %dma_start3A_585 = arith.constant 0 : i32
      %dma_start3A_586 = tpu.memref_slice %arg11[%dma_start3A_582, %dma_start3A_584, %dma_start3A_585] : memref<8x125x64xf32, #tpu.memory_space<vmem>> -> memref<1x125x64xf32, #tpu.memory_space<vmem>>
      %dma_start3A_587 = tpu.memref_squeeze %dma_start3A_586 : memref<1x125x64xf32, #tpu.memory_space<vmem>> -> memref<125x64xf32, #tpu.memory_space<vmem>>
      %dma_start3A_588 = arith.constant 0 : i32
      %dma_start3A_589 = tpu.memref_slice %arg10[%add3A_581, %dma_start3A_588] : memref<80x125xi32, #tpu.memory_space<vmem>> -> memref<1x125xi32, #tpu.memory_space<vmem>>
      %dma_start3A_590 = tpu.memref_squeeze %dma_start3A_589 : memref<1x125xi32, #tpu.memory_space<vmem>> -> memref<125xi32, #tpu.memory_space<vmem>>
      %dma_start3A_591 = arith.constant 0 : i32
      %dma_start3A_592 = arith.constant 0 : i32
      %dma_start3A_593 = tpu.memref_slice %arg12[%dma_start3A_591, %dma_start3A_592] : memref<10240x64xf32, #tpu.memory_space<vmem_shared>> -> memref<10240x64xf32, #tpu.memory_space<vmem_shared>>
      %dma_start3A_594 = tpu.memref_slice %arg14[%dma_start3A_583] : memref<8x!tpu.dma_semaphore, #tpu.memory_space<semaphore_mem>> -> memref<1x!tpu.dma_semaphore, #tpu.memory_space<semaphore_mem>>
      %dma_start3A_595 = tpu.memref_squeeze %dma_start3A_594 : memref<1x!tpu.dma_semaphore, #tpu.memory_space<semaphore_mem>> -> memref<!tpu.dma_semaphore, #tpu.memory_space<semaphore_mem>>
      tpu.enqueue_indirect_dma source(%dma_start3A_587 : memref<125x64xf32, #tpu.memory_space<vmem>>) target(%dma_start3A_593 : memref<10240x64xf32, #tpu.memory_space<vmem_shared>>) offsets(%dma_start3A_590 : memref<125xi32, #tpu.memory_space<vmem>>) semaphore(%dma_start3A_595 : memref<!tpu.dma_semaphore, #tpu.memory_space<semaphore_mem>>) {add = true}
      %add3A_596 = arith.constant 7 : i32
      %add3A_597 = arith.addi %mul3A_275, %add3A_596 : i32
      %dma_wait3A_598 = arith.constant 7 : i32
      %dma_wait3A_599 = arith.constant 7 : i32
      %dma_wait3A_600 = arith.constant 0 : i32
      %dma_wait3A_601 = arith.constant 0 : i32
      %dma_wait3A_602 = tpu.memref_slice %arg11[%dma_wait3A_598, %dma_wait3A_600, %dma_wait3A_601] : memref<8x125x64xf32, #tpu.memory_space<vmem>> -> memref<1x125x64xf32, #tpu.memory_space<vmem>>
      %dma_wait3A_603 = tpu.memref_squeeze %dma_wait3A_602 : memref<1x125x64xf32, #tpu.memory_space<vmem>> -> memref<125x64xf32, #tpu.memory_space<vmem>>
      %dma_wait3A_604 = arith.constant 0 : i32
      %dma_wait3A_605 = tpu.memref_slice %arg9[%add3A_597, %dma_wait3A_604] : memref<80x125xi32, #tpu.memory_space<vmem>> -> memref<1x125xi32, #tpu.memory_space<vmem>>
      %dma_wait3A_606 = tpu.memref_squeeze %dma_wait3A_605 : memref<1x125xi32, #tpu.memory_space<vmem>> -> memref<125xi32, #tpu.memory_space<vmem>>
      %dma_wait3A_607 = arith.constant 0 : i32
      %dma_wait3A_608 = arith.constant 0 : i32
      %dma_wait3A_609 = tpu.memref_slice %arg2[%dma_wait3A_607, %dma_wait3A_608] : memref<10000x64xf32, #tpu.memory_space<hbm>> -> memref<10000x64xf32, #tpu.memory_space<hbm>>
      %dma_wait3A_610 = tpu.memref_slice %arg13[%dma_wait3A_599] : memref<8x!tpu.dma_semaphore, #tpu.memory_space<semaphore_mem>> -> memref<1x!tpu.dma_semaphore, #tpu.memory_space<semaphore_mem>>
      %dma_wait3A_611 = tpu.memref_squeeze %dma_wait3A_610 : memref<1x!tpu.dma_semaphore, #tpu.memory_space<semaphore_mem>> -> memref<!tpu.dma_semaphore, #tpu.memory_space<semaphore_mem>>
      tpu.wait_indirect_dma semaphore(%dma_wait3A_611 : memref<!tpu.dma_semaphore, #tpu.memory_space<semaphore_mem>>) src(%dma_wait3A_609 : memref<10000x64xf32, #tpu.memory_space<hbm>>) dst(%dma_wait3A_603 : memref<125x64xf32, #tpu.memory_space<vmem>>)
      %add3A_612 = arith.constant 7 : i32
      %add3A_613 = arith.addi %mul3A_275, %add3A_612 : i32
      %dma_start3A_614 = arith.constant 7 : i32
      %dma_start3A_615 = arith.constant 7 : i32
      %dma_start3A_616 = arith.constant 0 : i32
      %dma_start3A_617 = arith.constant 0 : i32
      %dma_start3A_618 = tpu.memref_slice %arg11[%dma_start3A_614, %dma_start3A_616, %dma_start3A_617] : memref<8x125x64xf32, #tpu.memory_space<vmem>> -> memref<1x125x64xf32, #tpu.memory_space<vmem>>
      %dma_start3A_619 = tpu.memref_squeeze %dma_start3A_618 : memref<1x125x64xf32, #tpu.memory_space<vmem>> -> memref<125x64xf32, #tpu.memory_space<vmem>>
      %dma_start3A_620 = arith.constant 0 : i32
      %dma_start3A_621 = tpu.memref_slice %arg10[%add3A_613, %dma_start3A_620] : memref<80x125xi32, #tpu.memory_space<vmem>> -> memref<1x125xi32, #tpu.memory_space<vmem>>
      %dma_start3A_622 = tpu.memref_squeeze %dma_start3A_621 : memref<1x125xi32, #tpu.memory_space<vmem>> -> memref<125xi32, #tpu.memory_space<vmem>>
      %dma_start3A_623 = arith.constant 0 : i32
      %dma_start3A_624 = arith.constant 0 : i32
      %dma_start3A_625 = tpu.memref_slice %arg12[%dma_start3A_623, %dma_start3A_624] : memref<10240x64xf32, #tpu.memory_space<vmem_shared>> -> memref<10240x64xf32, #tpu.memory_space<vmem_shared>>
      %dma_start3A_626 = tpu.memref_slice %arg14[%dma_start3A_615] : memref<8x!tpu.dma_semaphore, #tpu.memory_space<semaphore_mem>> -> memref<1x!tpu.dma_semaphore, #tpu.memory_space<semaphore_mem>>
      %dma_start3A_627 = tpu.memref_squeeze %dma_start3A_626 : memref<1x!tpu.dma_semaphore, #tpu.memory_space<semaphore_mem>> -> memref<!tpu.dma_semaphore, #tpu.memory_space<semaphore_mem>>
      tpu.enqueue_indirect_dma source(%dma_start3A_619 : memref<125x64xf32, #tpu.memory_space<vmem>>) target(%dma_start3A_625 : memref<10240x64xf32, #tpu.memory_space<vmem_shared>>) offsets(%dma_start3A_622 : memref<125xi32, #tpu.memory_space<vmem>>) semaphore(%dma_start3A_627 : memref<!tpu.dma_semaphore, #tpu.memory_space<semaphore_mem>>) {add = true}
      %add3A_628 = arith.constant 4 : i32
      %add3A_629 = arith.addi %mul3A_275, %add3A_628 : i32
      %dma_wait3A_630 = arith.constant 4 : i32
      %dma_wait3A_631 = arith.constant 4 : i32
      %dma_wait3A_632 = arith.constant 0 : i32
      %dma_wait3A_633 = arith.constant 0 : i32
      %dma_wait3A_634 = tpu.memref_slice %arg11[%dma_wait3A_630, %dma_wait3A_632, %dma_wait3A_633] : memref<8x125x64xf32, #tpu.memory_space<vmem>> -> memref<1x125x64xf32, #tpu.memory_space<vmem>>
      %dma_wait3A_635 = tpu.memref_squeeze %dma_wait3A_634 : memref<1x125x64xf32, #tpu.memory_space<vmem>> -> memref<125x64xf32, #tpu.memory_space<vmem>>
      %dma_wait3A_636 = arith.constant 0 : i32
      %dma_wait3A_637 = tpu.memref_slice %arg10[%add3A_629, %dma_wait3A_636] : memref<80x125xi32, #tpu.memory_space<vmem>> -> memref<1x125xi32, #tpu.memory_space<vmem>>
      %dma_wait3A_638 = tpu.memref_squeeze %dma_wait3A_637 : memref<1x125xi32, #tpu.memory_space<vmem>> -> memref<125xi32, #tpu.memory_space<vmem>>
      %dma_wait3A_639 = arith.constant 0 : i32
      %dma_wait3A_640 = arith.constant 0 : i32
      %dma_wait3A_641 = tpu.memref_slice %arg12[%dma_wait3A_639, %dma_wait3A_640] : memref<10240x64xf32, #tpu.memory_space<vmem_shared>> -> memref<10240x64xf32, #tpu.memory_space<vmem_shared>>
      %dma_wait3A_642 = tpu.memref_slice %arg14[%dma_wait3A_631] : memref<8x!tpu.dma_semaphore, #tpu.memory_space<semaphore_mem>> -> memref<1x!tpu.dma_semaphore, #tpu.memory_space<semaphore_mem>>
      %dma_wait3A_643 = tpu.memref_squeeze %dma_wait3A_642 : memref<1x!tpu.dma_semaphore, #tpu.memory_space<semaphore_mem>> -> memref<!tpu.dma_semaphore, #tpu.memory_space<semaphore_mem>>
      tpu.wait_indirect_dma semaphore(%dma_wait3A_643 : memref<!tpu.dma_semaphore, #tpu.memory_space<semaphore_mem>>) src(%dma_wait3A_635 : memref<125x64xf32, #tpu.memory_space<vmem>>) dst(%dma_wait3A_641 : memref<10240x64xf32, #tpu.memory_space<vmem_shared>>)
      %add3A_644 = arith.constant 4 : i32
      %add3A_645 = arith.addi %mul3A_275, %add3A_644 : i32
      %add3A_646 = arith.constant 8 : i32
      %add3A_647 = arith.addi %add3A_645, %add3A_646 : i32
      %lt3A_648 = arith.constant 80 : i32
      %lt3A_649 = arith.cmpi slt, %add3A_647, %lt3A_648 : i32
      %convert_element_type3A_650 = arith.extui %lt3A_649 : i1 to i32
      %cond3A_651 = arith.constant 0 : i32
      %cond3A_652 = arith.cmpi ne, %convert_element_type3A_650, %cond3A_651 : i32
      scf.if %cond3A_652 {
        %add3A_729 = arith.constant 4 : i32
        %add3A_730 = arith.addi %mul3A_275, %add3A_729 : i32
        %add3A_731 = arith.constant 8 : i32
        %add3A_732 = arith.addi %add3A_730, %add3A_731 : i32
        %dma_start3A_733 = arith.constant 4 : i32
        %dma_start3A_734 = arith.constant 4 : i32
        %dma_start3A_735 = arith.constant 0 : i32
        %dma_start3A_736 = arith.constant 0 : i32
        %dma_start3A_737 = tpu.memref_slice %arg11[%dma_start3A_733, %dma_start3A_735, %dma_start3A_736] : memref<8x125x64xf32, #tpu.memory_space<vmem>> -> memref<1x125x64xf32, #tpu.memory_space<vmem>>
        %dma_start3A_738 = tpu.memref_squeeze %dma_start3A_737 : memref<1x125x64xf32, #tpu.memory_space<vmem>> -> memref<125x64xf32, #tpu.memory_space<vmem>>
        %dma_start3A_739 = arith.constant 0 : i32
        %dma_start3A_740 = tpu.memref_slice %arg9[%add3A_732, %dma_start3A_739] : memref<80x125xi32, #tpu.memory_space<vmem>> -> memref<1x125xi32, #tpu.memory_space<vmem>>
        %dma_start3A_741 = tpu.memref_squeeze %dma_start3A_740 : memref<1x125xi32, #tpu.memory_space<vmem>> -> memref<125xi32, #tpu.memory_space<vmem>>
        %dma_start3A_742 = arith.constant 0 : i32
        %dma_start3A_743 = arith.constant 0 : i32
        %dma_start3A_744 = tpu.memref_slice %arg2[%dma_start3A_742, %dma_start3A_743] : memref<10000x64xf32, #tpu.memory_space<hbm>> -> memref<10000x64xf32, #tpu.memory_space<hbm>>
        %dma_start3A_745 = tpu.memref_slice %arg13[%dma_start3A_734] : memref<8x!tpu.dma_semaphore, #tpu.memory_space<semaphore_mem>> -> memref<1x!tpu.dma_semaphore, #tpu.memory_space<semaphore_mem>>
        %dma_start3A_746 = tpu.memref_squeeze %dma_start3A_745 : memref<1x!tpu.dma_semaphore, #tpu.memory_space<semaphore_mem>> -> memref<!tpu.dma_semaphore, #tpu.memory_space<semaphore_mem>>
        tpu.enqueue_indirect_dma source(%dma_start3A_744 : memref<10000x64xf32, #tpu.memory_space<hbm>>) target(%dma_start3A_738 : memref<125x64xf32, #tpu.memory_space<vmem>>) offsets(%dma_start3A_741 : memref<125xi32, #tpu.memory_space<vmem>>) semaphore(%dma_start3A_746 : memref<!tpu.dma_semaphore, #tpu.memory_space<semaphore_mem>>)
      } else {
      }
      %add3A_653 = arith.constant 5 : i32
      %add3A_654 = arith.addi %mul3A_275, %add3A_653 : i32
      %dma_wait3A_655 = arith.constant 5 : i32
      %dma_wait3A_656 = arith.constant 5 : i32
      %dma_wait3A_657 = arith.constant 0 : i32
      %dma_wait3A_658 = arith.constant 0 : i32
      %dma_wait3A_659 = tpu.memref_slice %arg11[%dma_wait3A_655, %dma_wait3A_657, %dma_wait3A_658] : memref<8x125x64xf32, #tpu.memory_space<vmem>> -> memref<1x125x64xf32, #tpu.memory_space<vmem>>
      %dma_wait3A_660 = tpu.memref_squeeze %dma_wait3A_659 : memref<1x125x64xf32, #tpu.memory_space<vmem>> -> memref<125x64xf32, #tpu.memory_space<vmem>>
      %dma_wait3A_661 = arith.constant 0 : i32
      %dma_wait3A_662 = tpu.memref_slice %arg10[%add3A_654, %dma_wait3A_661] : memref<80x125xi32, #tpu.memory_space<vmem>> -> memref<1x125xi32, #tpu.memory_space<vmem>>
      %dma_wait3A_663 = tpu.memref_squeeze %dma_wait3A_662 : memref<1x125xi32, #tpu.memory_space<vmem>> -> memref<125xi32, #tpu.memory_space<vmem>>
      %dma_wait3A_664 = arith.constant 0 : i32
      %dma_wait3A_665 = arith.constant 0 : i32
      %dma_wait3A_666 = tpu.memref_slice %arg12[%dma_wait3A_664, %dma_wait3A_665] : memref<10240x64xf32, #tpu.memory_space<vmem_shared>> -> memref<10240x64xf32, #tpu.memory_space<vmem_shared>>
      %dma_wait3A_667 = tpu.memref_slice %arg14[%dma_wait3A_656] : memref<8x!tpu.dma_semaphore, #tpu.memory_space<semaphore_mem>> -> memref<1x!tpu.dma_semaphore, #tpu.memory_space<semaphore_mem>>
      %dma_wait3A_668 = tpu.memref_squeeze %dma_wait3A_667 : memref<1x!tpu.dma_semaphore, #tpu.memory_space<semaphore_mem>> -> memref<!tpu.dma_semaphore, #tpu.memory_space<semaphore_mem>>
      tpu.wait_indirect_dma semaphore(%dma_wait3A_668 : memref<!tpu.dma_semaphore, #tpu.memory_space<semaphore_mem>>) src(%dma_wait3A_660 : memref<125x64xf32, #tpu.memory_space<vmem>>) dst(%dma_wait3A_666 : memref<10240x64xf32, #tpu.memory_space<vmem_shared>>)
      %add3A_669 = arith.constant 5 : i32
      %add3A_670 = arith.addi %mul3A_275, %add3A_669 : i32
      %add3A_671 = arith.constant 8 : i32
      %add3A_672 = arith.addi %add3A_670, %add3A_671 : i32
      %lt3A_673 = arith.constant 80 : i32
      %lt3A_674 = arith.cmpi slt, %add3A_672, %lt3A_673 : i32
      %convert_element_type3A_675 = arith.extui %lt3A_674 : i1 to i32
      %cond3A_676 = arith.constant 0 : i32
      %cond3A_677 = arith.cmpi ne, %convert_element_type3A_675, %cond3A_676 : i32
      scf.if %cond3A_677 {
        %add3A_729 = arith.constant 5 : i32
        %add3A_730 = arith.addi %mul3A_275, %add3A_729 : i32
        %add3A_731 = arith.constant 8 : i32
        %add3A_732 = arith.addi %add3A_730, %add3A_731 : i32
        %dma_start3A_733 = arith.constant 5 : i32
        %dma_start3A_734 = arith.constant 5 : i32
        %dma_start3A_735 = arith.constant 0 : i32
        %dma_start3A_736 = arith.constant 0 : i32
        %dma_start3A_737 = tpu.memref_slice %arg11[%dma_start3A_733, %dma_start3A_735, %dma_start3A_736] : memref<8x125x64xf32, #tpu.memory_space<vmem>> -> memref<1x125x64xf32, #tpu.memory_space<vmem>>
        %dma_start3A_738 = tpu.memref_squeeze %dma_start3A_737 : memref<1x125x64xf32, #tpu.memory_space<vmem>> -> memref<125x64xf32, #tpu.memory_space<vmem>>
        %dma_start3A_739 = arith.constant 0 : i32
        %dma_start3A_740 = tpu.memref_slice %arg9[%add3A_732, %dma_start3A_739] : memref<80x125xi32, #tpu.memory_space<vmem>> -> memref<1x125xi32, #tpu.memory_space<vmem>>
        %dma_start3A_741 = tpu.memref_squeeze %dma_start3A_740 : memref<1x125xi32, #tpu.memory_space<vmem>> -> memref<125xi32, #tpu.memory_space<vmem>>
        %dma_start3A_742 = arith.constant 0 : i32
        %dma_start3A_743 = arith.constant 0 : i32
        %dma_start3A_744 = tpu.memref_slice %arg2[%dma_start3A_742, %dma_start3A_743] : memref<10000x64xf32, #tpu.memory_space<hbm>> -> memref<10000x64xf32, #tpu.memory_space<hbm>>
        %dma_start3A_745 = tpu.memref_slice %arg13[%dma_start3A_734] : memref<8x!tpu.dma_semaphore, #tpu.memory_space<semaphore_mem>> -> memref<1x!tpu.dma_semaphore, #tpu.memory_space<semaphore_mem>>
        %dma_start3A_746 = tpu.memref_squeeze %dma_start3A_745 : memref<1x!tpu.dma_semaphore, #tpu.memory_space<semaphore_mem>> -> memref<!tpu.dma_semaphore, #tpu.memory_space<semaphore_mem>>
        tpu.enqueue_indirect_dma source(%dma_start3A_744 : memref<10000x64xf32, #tpu.memory_space<hbm>>) target(%dma_start3A_738 : memref<125x64xf32, #tpu.memory_space<vmem>>) offsets(%dma_start3A_741 : memref<125xi32, #tpu.memory_space<vmem>>) semaphore(%dma_start3A_746 : memref<!tpu.dma_semaphore, #tpu.memory_space<semaphore_mem>>)
      } else {
      }
      %add3A_678 = arith.constant 6 : i32
      %add3A_679 = arith.addi %mul3A_275, %add3A_678 : i32
      %dma_wait3A_680 = arith.constant 6 : i32
      %dma_wait3A_681 = arith.constant 6 : i32
      %dma_wait3A_682 = arith.constant 0 : i32
      %dma_wait3A_683 = arith.constant 0 : i32
      %dma_wait3A_684 = tpu.memref_slice %arg11[%dma_wait3A_680, %dma_wait3A_682, %dma_wait3A_683] : memref<8x125x64xf32, #tpu.memory_space<vmem>> -> memref<1x125x64xf32, #tpu.memory_space<vmem>>
      %dma_wait3A_685 = tpu.memref_squeeze %dma_wait3A_684 : memref<1x125x64xf32, #tpu.memory_space<vmem>> -> memref<125x64xf32, #tpu.memory_space<vmem>>
      %dma_wait3A_686 = arith.constant 0 : i32
      %dma_wait3A_687 = tpu.memref_slice %arg10[%add3A_679, %dma_wait3A_686] : memref<80x125xi32, #tpu.memory_space<vmem>> -> memref<1x125xi32, #tpu.memory_space<vmem>>
      %dma_wait3A_688 = tpu.memref_squeeze %dma_wait3A_687 : memref<1x125xi32, #tpu.memory_space<vmem>> -> memref<125xi32, #tpu.memory_space<vmem>>
      %dma_wait3A_689 = arith.constant 0 : i32
      %dma_wait3A_690 = arith.constant 0 : i32
      %dma_wait3A_691 = tpu.memref_slice %arg12[%dma_wait3A_689, %dma_wait3A_690] : memref<10240x64xf32, #tpu.memory_space<vmem_shared>> -> memref<10240x64xf32, #tpu.memory_space<vmem_shared>>
      %dma_wait3A_692 = tpu.memref_slice %arg14[%dma_wait3A_681] : memref<8x!tpu.dma_semaphore, #tpu.memory_space<semaphore_mem>> -> memref<1x!tpu.dma_semaphore, #tpu.memory_space<semaphore_mem>>
      %dma_wait3A_693 = tpu.memref_squeeze %dma_wait3A_692 : memref<1x!tpu.dma_semaphore, #tpu.memory_space<semaphore_mem>> -> memref<!tpu.dma_semaphore, #tpu.memory_space<semaphore_mem>>
      tpu.wait_indirect_dma semaphore(%dma_wait3A_693 : memref<!tpu.dma_semaphore, #tpu.memory_space<semaphore_mem>>) src(%dma_wait3A_685 : memref<125x64xf32, #tpu.memory_space<vmem>>) dst(%dma_wait3A_691 : memref<10240x64xf32, #tpu.memory_space<vmem_shared>>)
      %add3A_694 = arith.constant 6 : i32
      %add3A_695 = arith.addi %mul3A_275, %add3A_694 : i32
      %add3A_696 = arith.constant 8 : i32
      %add3A_697 = arith.addi %add3A_695, %add3A_696 : i32
      %lt3A_698 = arith.constant 80 : i32
      %lt3A_699 = arith.cmpi slt, %add3A_697, %lt3A_698 : i32
      %convert_element_type3A_700 = arith.extui %lt3A_699 : i1 to i32
      %cond3A_701 = arith.constant 0 : i32
      %cond3A_702 = arith.cmpi ne, %convert_element_type3A_700, %cond3A_701 : i32
      scf.if %cond3A_702 {
        %add3A_729 = arith.constant 6 : i32
        %add3A_730 = arith.addi %mul3A_275, %add3A_729 : i32
        %add3A_731 = arith.constant 8 : i32
        %add3A_732 = arith.addi %add3A_730, %add3A_731 : i32
        %dma_start3A_733 = arith.constant 6 : i32
        %dma_start3A_734 = arith.constant 6 : i32
        %dma_start3A_735 = arith.constant 0 : i32
        %dma_start3A_736 = arith.constant 0 : i32
        %dma_start3A_737 = tpu.memref_slice %arg11[%dma_start3A_733, %dma_start3A_735, %dma_start3A_736] : memref<8x125x64xf32, #tpu.memory_space<vmem>> -> memref<1x125x64xf32, #tpu.memory_space<vmem>>
        %dma_start3A_738 = tpu.memref_squeeze %dma_start3A_737 : memref<1x125x64xf32, #tpu.memory_space<vmem>> -> memref<125x64xf32, #tpu.memory_space<vmem>>
        %dma_start3A_739 = arith.constant 0 : i32
        %dma_start3A_740 = tpu.memref_slice %arg9[%add3A_732, %dma_start3A_739] : memref<80x125xi32, #tpu.memory_space<vmem>> -> memref<1x125xi32, #tpu.memory_space<vmem>>
        %dma_start3A_741 = tpu.memref_squeeze %dma_start3A_740 : memref<1x125xi32, #tpu.memory_space<vmem>> -> memref<125xi32, #tpu.memory_space<vmem>>
        %dma_start3A_742 = arith.constant 0 : i32
        %dma_start3A_743 = arith.constant 0 : i32
        %dma_start3A_744 = tpu.memref_slice %arg2[%dma_start3A_742, %dma_start3A_743] : memref<10000x64xf32, #tpu.memory_space<hbm>> -> memref<10000x64xf32, #tpu.memory_space<hbm>>
        %dma_start3A_745 = tpu.memref_slice %arg13[%dma_start3A_734] : memref<8x!tpu.dma_semaphore, #tpu.memory_space<semaphore_mem>> -> memref<1x!tpu.dma_semaphore, #tpu.memory_space<semaphore_mem>>
        %dma_start3A_746 = tpu.memref_squeeze %dma_start3A_745 : memref<1x!tpu.dma_semaphore, #tpu.memory_space<semaphore_mem>> -> memref<!tpu.dma_semaphore, #tpu.memory_space<semaphore_mem>>
        tpu.enqueue_indirect_dma source(%dma_start3A_744 : memref<10000x64xf32, #tpu.memory_space<hbm>>) target(%dma_start3A_738 : memref<125x64xf32, #tpu.memory_space<vmem>>) offsets(%dma_start3A_741 : memref<125xi32, #tpu.memory_space<vmem>>) semaphore(%dma_start3A_746 : memref<!tpu.dma_semaphore, #tpu.memory_space<semaphore_mem>>)
      } else {
      }
      %add3A_703 = arith.constant 7 : i32
      %add3A_704 = arith.addi %mul3A_275, %add3A_703 : i32
      %dma_wait3A_705 = arith.constant 7 : i32
      %dma_wait3A_706 = arith.constant 7 : i32
      %dma_wait3A_707 = arith.constant 0 : i32
      %dma_wait3A_708 = arith.constant 0 : i32
      %dma_wait3A_709 = tpu.memref_slice %arg11[%dma_wait3A_705, %dma_wait3A_707, %dma_wait3A_708] : memref<8x125x64xf32, #tpu.memory_space<vmem>> -> memref<1x125x64xf32, #tpu.memory_space<vmem>>
      %dma_wait3A_710 = tpu.memref_squeeze %dma_wait3A_709 : memref<1x125x64xf32, #tpu.memory_space<vmem>> -> memref<125x64xf32, #tpu.memory_space<vmem>>
      %dma_wait3A_711 = arith.constant 0 : i32
      %dma_wait3A_712 = tpu.memref_slice %arg10[%add3A_704, %dma_wait3A_711] : memref<80x125xi32, #tpu.memory_space<vmem>> -> memref<1x125xi32, #tpu.memory_space<vmem>>
      %dma_wait3A_713 = tpu.memref_squeeze %dma_wait3A_712 : memref<1x125xi32, #tpu.memory_space<vmem>> -> memref<125xi32, #tpu.memory_space<vmem>>
      %dma_wait3A_714 = arith.constant 0 : i32
      %dma_wait3A_715 = arith.constant 0 : i32
      %dma_wait3A_716 = tpu.memref_slice %arg12[%dma_wait3A_714, %dma_wait3A_715] : memref<10240x64xf32, #tpu.memory_space<vmem_shared>> -> memref<10240x64xf32, #tpu.memory_space<vmem_shared>>
      %dma_wait3A_717 = tpu.memref_slice %arg14[%dma_wait3A_706] : memref<8x!tpu.dma_semaphore, #tpu.memory_space<semaphore_mem>> -> memref<1x!tpu.dma_semaphore, #tpu.memory_space<semaphore_mem>>
      %dma_wait3A_718 = tpu.memref_squeeze %dma_wait3A_717 : memref<1x!tpu.dma_semaphore, #tpu.memory_space<semaphore_mem>> -> memref<!tpu.dma_semaphore, #tpu.memory_space<semaphore_mem>>
      tpu.wait_indirect_dma semaphore(%dma_wait3A_718 : memref<!tpu.dma_semaphore, #tpu.memory_space<semaphore_mem>>) src(%dma_wait3A_710 : memref<125x64xf32, #tpu.memory_space<vmem>>) dst(%dma_wait3A_716 : memref<10240x64xf32, #tpu.memory_space<vmem_shared>>)
      %add3A_719 = arith.constant 7 : i32
      %add3A_720 = arith.addi %mul3A_275, %add3A_719 : i32
      %add3A_721 = arith.constant 8 : i32
      %add3A_722 = arith.addi %add3A_720, %add3A_721 : i32
      %lt3A_723 = arith.constant 80 : i32
      %lt3A_724 = arith.cmpi slt, %add3A_722, %lt3A_723 : i32
      %convert_element_type3A_725 = arith.extui %lt3A_724 : i1 to i32
      %cond3A_726 = arith.constant 0 : i32
      %cond3A_727 = arith.cmpi ne, %convert_element_type3A_725, %cond3A_726 : i32
      scf.if %cond3A_727 {
        %add3A_729 = arith.constant 7 : i32
        %add3A_730 = arith.addi %mul3A_275, %add3A_729 : i32
        %add3A_731 = arith.constant 8 : i32
        %add3A_732 = arith.addi %add3A_730, %add3A_731 : i32
        %dma_start3A_733 = arith.constant 7 : i32
        %dma_start3A_734 = arith.constant 7 : i32
        %dma_start3A_735 = arith.constant 0 : i32
        %dma_start3A_736 = arith.constant 0 : i32
        %dma_start3A_737 = tpu.memref_slice %arg11[%dma_start3A_733, %dma_start3A_735, %dma_start3A_736] : memref<8x125x64xf32, #tpu.memory_space<vmem>> -> memref<1x125x64xf32, #tpu.memory_space<vmem>>
        %dma_start3A_738 = tpu.memref_squeeze %dma_start3A_737 : memref<1x125x64xf32, #tpu.memory_space<vmem>> -> memref<125x64xf32, #tpu.memory_space<vmem>>
        %dma_start3A_739 = arith.constant 0 : i32
        %dma_start3A_740 = tpu.memref_slice %arg9[%add3A_732, %dma_start3A_739] : memref<80x125xi32, #tpu.memory_space<vmem>> -> memref<1x125xi32, #tpu.memory_space<vmem>>
        %dma_start3A_741 = tpu.memref_squeeze %dma_start3A_740 : memref<1x125xi32, #tpu.memory_space<vmem>> -> memref<125xi32, #tpu.memory_space<vmem>>
        %dma_start3A_742 = arith.constant 0 : i32
        %dma_start3A_743 = arith.constant 0 : i32
        %dma_start3A_744 = tpu.memref_slice %arg2[%dma_start3A_742, %dma_start3A_743] : memref<10000x64xf32, #tpu.memory_space<hbm>> -> memref<10000x64xf32, #tpu.memory_space<hbm>>
        %dma_start3A_745 = tpu.memref_slice %arg13[%dma_start3A_734] : memref<8x!tpu.dma_semaphore, #tpu.memory_space<semaphore_mem>> -> memref<1x!tpu.dma_semaphore, #tpu.memory_space<semaphore_mem>>
        %dma_start3A_746 = tpu.memref_squeeze %dma_start3A_745 : memref<1x!tpu.dma_semaphore, #tpu.memory_space<semaphore_mem>> -> memref<!tpu.dma_semaphore, #tpu.memory_space<semaphore_mem>>
        tpu.enqueue_indirect_dma source(%dma_start3A_744 : memref<10000x64xf32, #tpu.memory_space<hbm>>) target(%dma_start3A_738 : memref<125x64xf32, #tpu.memory_space<vmem>>) offsets(%dma_start3A_741 : memref<125xi32, #tpu.memory_space<vmem>>) semaphore(%dma_start3A_746 : memref<!tpu.dma_semaphore, #tpu.memory_space<semaphore_mem>>)
      } else {
      }
      %scan3A_728 = arith.constant 0 : i32
      scf.yield %scan3A_728 : i32
    }
    %scan3A_129 = arith.constant 10 : i32
    %barrier3A_130 = arith.constant 0 : index
    tpu.barrier barrier_id(%barrier3A_130)
    %mul3A_131 = arith.constant 640 : i32
    %mul3A_132 = arith.muli %arg1, %mul3A_131 : i32
    %mul3A_133 = arith.constant 640 : i32
    %mul3A_134 = arith.muli %arg1, %mul3A_133 : i32
    "tpu.region"() ({
      %run_scoped3A = tpu.sem_alloc : memref<!tpu.dma_semaphore, #tpu.memory_space<semaphore_mem>>
      %dma_start3A_272 = arith.constant 0 : i32
      %dma_start3A_273 = tpu.memref_slice %arg7[%arg0, %mul3A_134, %dma_start3A_272] : memref<2x10240x64xf32, #tpu.memory_space<hbm>> -> memref<1x640x64xf32, #tpu.memory_space<hbm>>
      %dma_start3A_274 = tpu.memref_squeeze %dma_start3A_273 : memref<1x640x64xf32, #tpu.memory_space<hbm>> -> memref<640x64xf32, #tpu.memory_space<hbm>>
      %dma_start3A_275 = arith.constant 0 : i32
      %dma_start3A_276 = tpu.memref_slice %arg12[%mul3A_132, %dma_start3A_275] : memref<10240x64xf32, #tpu.memory_space<vmem_shared>> -> memref<640x64xf32, #tpu.memory_space<vmem_shared>>
      tpu.enqueue_dma source(%dma_start3A_276 : memref<640x64xf32, #tpu.memory_space<vmem_shared>>) target(%dma_start3A_274 : memref<640x64xf32, #tpu.memory_space<hbm>>) target_semaphore(%run_scoped3A : memref<!tpu.dma_semaphore, #tpu.memory_space<semaphore_mem>>)
      %dma_wait3A = arith.constant 0 : i32
      %dma_wait3A_277 = tpu.memref_slice %arg7[%arg0, %mul3A_134, %dma_wait3A] : memref<2x10240x64xf32, #tpu.memory_space<hbm>> -> memref<1x640x64xf32, #tpu.memory_space<hbm>>
      %dma_wait3A_278 = tpu.memref_squeeze %dma_wait3A_277 : memref<1x640x64xf32, #tpu.memory_space<hbm>> -> memref<640x64xf32, #tpu.memory_space<hbm>>
      %dma_wait3A_279 = arith.constant 0 : i32
      %dma_wait3A_280 = tpu.memref_slice %arg12[%mul3A_132, %dma_wait3A_279] : memref<10240x64xf32, #tpu.memory_space<vmem_shared>> -> memref<640x64xf32, #tpu.memory_space<vmem_shared>>
      tpu.wait_dma2 semaphore(%run_scoped3A : memref<!tpu.dma_semaphore, #tpu.memory_space<semaphore_mem>>) src(%dma_wait3A_280 : memref<640x64xf32, #tpu.memory_space<vmem_shared>>) dst(%dma_wait3A_278 : memref<640x64xf32, #tpu.memory_space<hbm>>)
      tpu.yield
    }) : () -> ()
    %mul3A_135 = arith.constant 640 : i32
    %mul3A_136 = arith.muli %arg1, %mul3A_135 : i32
    %mul3A_137 = arith.constant 640 : i32
    %mul3A_138 = arith.muli %arg1, %mul3A_137 : i32
    "tpu.region"() ({
      %run_scoped3A = tpu.sem_alloc : memref<!tpu.dma_semaphore, #tpu.memory_space<semaphore_mem>>
      %dma_start3A_272 = arith.constant 0 : i32
      %dma_start3A_273 = tpu.memref_slice %arg12[%mul3A_138, %dma_start3A_272] : memref<10240x64xf32, #tpu.memory_space<vmem_shared>> -> memref<640x64xf32, #tpu.memory_space<vmem_shared>>
      %dma_start3A_274 = arith.constant 0 : i32
      %dma_start3A_275 = tpu.memref_slice %arg6[%mul3A_136, %dma_start3A_274] : memref<10240x64xf32, #tpu.memory_space<hbm>> -> memref<640x64xf32, #tpu.memory_space<hbm>>
      tpu.enqueue_dma source(%dma_start3A_275 : memref<640x64xf32, #tpu.memory_space<hbm>>) target(%dma_start3A_273 : memref<640x64xf32, #tpu.memory_space<vmem_shared>>) target_semaphore(%run_scoped3A : memref<!tpu.dma_semaphore, #tpu.memory_space<semaphore_mem>>)
      %dma_wait3A = arith.constant 0 : i32
      %dma_wait3A_276 = tpu.memref_slice %arg12[%mul3A_138, %dma_wait3A] : memref<10240x64xf32, #tpu.memory_space<vmem_shared>> -> memref<640x64xf32, #tpu.memory_space<vmem_shared>>
      %dma_wait3A_277 = arith.constant 0 : i32
      %dma_wait3A_278 = tpu.memref_slice %arg6[%mul3A_136, %dma_wait3A_277] : memref<10240x64xf32, #tpu.memory_space<hbm>> -> memref<640x64xf32, #tpu.memory_space<hbm>>
      tpu.wait_dma2 semaphore(%run_scoped3A : memref<!tpu.dma_semaphore, #tpu.memory_space<semaphore_mem>>) src(%dma_wait3A_278 : memref<640x64xf32, #tpu.memory_space<hbm>>) dst(%dma_wait3A_276 : memref<640x64xf32, #tpu.memory_space<vmem_shared>>)
      tpu.yield
    }) : () -> ()
    %barrier3A_139 = arith.constant 0 : index
    tpu.barrier barrier_id(%barrier3A_139)
    %dma_start3A_140 = arith.constant 0 : i32
    %dma_start3A_141 = arith.constant 0 : i32
    %dma_start3A_142 = arith.constant 0 : i32
    %dma_start3A_143 = arith.constant 0 : i32
    %dma_start3A_144 = arith.constant 0 : i32
    %dma_start3A_145 = tpu.memref_slice %arg11[%dma_start3A_141, %dma_start3A_143, %dma_start3A_144] : memref<8x125x64xf32, #tpu.memory_space<vmem>> -> memref<1x125x64xf32, #tpu.memory_space<vmem>>
    %dma_start3A_146 = tpu.memref_squeeze %dma_start3A_145 : memref<1x125x64xf32, #tpu.memory_space<vmem>> -> memref<125x64xf32, #tpu.memory_space<vmem>>
    %dma_start3A_147 = arith.constant 0 : i32
    %dma_start3A_148 = tpu.memref_slice %arg9[%dma_start3A_140, %dma_start3A_147] : memref<80x125xi32, #tpu.memory_space<vmem>> -> memref<1x125xi32, #tpu.memory_space<vmem>>
    %dma_start3A_149 = tpu.memref_squeeze %dma_start3A_148 : memref<1x125xi32, #tpu.memory_space<vmem>> -> memref<125xi32, #tpu.memory_space<vmem>>
    %dma_start3A_150 = arith.constant 0 : i32
    %dma_start3A_151 = arith.constant 0 : i32
    %dma_start3A_152 = tpu.memref_slice %arg3[%dma_start3A_150, %dma_start3A_151] : memref<10000x64xf32, #tpu.memory_space<hbm>> -> memref<10000x64xf32, #tpu.memory_space<hbm>>
    %dma_start3A_153 = tpu.memref_slice %arg13[%dma_start3A_142] : memref<8x!tpu.dma_semaphore, #tpu.memory_space<semaphore_mem>> -> memref<1x!tpu.dma_semaphore, #tpu.memory_space<semaphore_mem>>
    %dma_start3A_154 = tpu.memref_squeeze %dma_start3A_153 : memref<1x!tpu.dma_semaphore, #tpu.memory_space<semaphore_mem>> -> memref<!tpu.dma_semaphore, #tpu.memory_space<semaphore_mem>>
    tpu.enqueue_indirect_dma source(%dma_start3A_152 : memref<10000x64xf32, #tpu.memory_space<hbm>>) target(%dma_start3A_146 : memref<125x64xf32, #tpu.memory_space<vmem>>) offsets(%dma_start3A_149 : memref<125xi32, #tpu.memory_space<vmem>>) semaphore(%dma_start3A_154 : memref<!tpu.dma_semaphore, #tpu.memory_space<semaphore_mem>>)
    %dma_start3A_155 = arith.constant 1 : i32
    %dma_start3A_156 = arith.constant 1 : i32
    %dma_start3A_157 = arith.constant 1 : i32
    %dma_start3A_158 = arith.constant 0 : i32
    %dma_start3A_159 = arith.constant 0 : i32
    %dma_start3A_160 = tpu.memref_slice %arg11[%dma_start3A_156, %dma_start3A_158, %dma_start3A_159] : memref<8x125x64xf32, #tpu.memory_space<vmem>> -> memref<1x125x64xf32, #tpu.memory_space<vmem>>
    %dma_start3A_161 = tpu.memref_squeeze %dma_start3A_160 : memref<1x125x64xf32, #tpu.memory_space<vmem>> -> memref<125x64xf32, #tpu.memory_space<vmem>>
    %dma_start3A_162 = arith.constant 0 : i32
    %dma_start3A_163 = tpu.memref_slice %arg9[%dma_start3A_155, %dma_start3A_162] : memref<80x125xi32, #tpu.memory_space<vmem>> -> memref<1x125xi32, #tpu.memory_space<vmem>>
    %dma_start3A_164 = tpu.memref_squeeze %dma_start3A_163 : memref<1x125xi32, #tpu.memory_space<vmem>> -> memref<125xi32, #tpu.memory_space<vmem>>
    %dma_start3A_165 = arith.constant 0 : i32
    %dma_start3A_166 = arith.constant 0 : i32
    %dma_start3A_167 = tpu.memref_slice %arg3[%dma_start3A_165, %dma_start3A_166] : memref<10000x64xf32, #tpu.memory_space<hbm>> -> memref<10000x64xf32, #tpu.memory_space<hbm>>
    %dma_start3A_168 = tpu.memref_slice %arg13[%dma_start3A_157] : memref<8x!tpu.dma_semaphore, #tpu.memory_space<semaphore_mem>> -> memref<1x!tpu.dma_semaphore, #tpu.memory_space<semaphore_mem>>
    %dma_start3A_169 = tpu.memref_squeeze %dma_start3A_168 : memref<1x!tpu.dma_semaphore, #tpu.memory_space<semaphore_mem>> -> memref<!tpu.dma_semaphore, #tpu.memory_space<semaphore_mem>>
    tpu.enqueue_indirect_dma source(%dma_start3A_167 : memref<10000x64xf32, #tpu.memory_space<hbm>>) target(%dma_start3A_161 : memref<125x64xf32, #tpu.memory_space<vmem>>) offsets(%dma_start3A_164 : memref<125xi32, #tpu.memory_space<vmem>>) semaphore(%dma_start3A_169 : memref<!tpu.dma_semaphore, #tpu.memory_space<semaphore_mem>>)
    %dma_start3A_170 = arith.constant 2 : i32
    %dma_start3A_171 = arith.constant 2 : i32
    %dma_start3A_172 = arith.constant 2 : i32
    %dma_start3A_173 = arith.constant 0 : i32
    %dma_start3A_174 = arith.constant 0 : i32
    %dma_start3A_175 = tpu.memref_slice %arg11[%dma_start3A_171, %dma_start3A_173, %dma_start3A_174] : memref<8x125x64xf32, #tpu.memory_space<vmem>> -> memref<1x125x64xf32, #tpu.memory_space<vmem>>
    %dma_start3A_176 = tpu.memref_squeeze %dma_start3A_175 : memref<1x125x64xf32, #tpu.memory_space<vmem>> -> memref<125x64xf32, #tpu.memory_space<vmem>>
    %dma_start3A_177 = arith.constant 0 : i32
    %dma_start3A_178 = tpu.memref_slice %arg9[%dma_start3A_170, %dma_start3A_177] : memref<80x125xi32, #tpu.memory_space<vmem>> -> memref<1x125xi32, #tpu.memory_space<vmem>>
    %dma_start3A_179 = tpu.memref_squeeze %dma_start3A_178 : memref<1x125xi32, #tpu.memory_space<vmem>> -> memref<125xi32, #tpu.memory_space<vmem>>
    %dma_start3A_180 = arith.constant 0 : i32
    %dma_start3A_181 = arith.constant 0 : i32
    %dma_start3A_182 = tpu.memref_slice %arg3[%dma_start3A_180, %dma_start3A_181] : memref<10000x64xf32, #tpu.memory_space<hbm>> -> memref<10000x64xf32, #tpu.memory_space<hbm>>
    %dma_start3A_183 = tpu.memref_slice %arg13[%dma_start3A_172] : memref<8x!tpu.dma_semaphore, #tpu.memory_space<semaphore_mem>> -> memref<1x!tpu.dma_semaphore, #tpu.memory_space<semaphore_mem>>
    %dma_start3A_184 = tpu.memref_squeeze %dma_start3A_183 : memref<1x!tpu.dma_semaphore, #tpu.memory_space<semaphore_mem>> -> memref<!tpu.dma_semaphore, #tpu.memory_space<semaphore_mem>>
    tpu.enqueue_indirect_dma source(%dma_start3A_182 : memref<10000x64xf32, #tpu.memory_space<hbm>>) target(%dma_start3A_176 : memref<125x64xf32, #tpu.memory_space<vmem>>) offsets(%dma_start3A_179 : memref<125xi32, #tpu.memory_space<vmem>>) semaphore(%dma_start3A_184 : memref<!tpu.dma_semaphore, #tpu.memory_space<semaphore_mem>>)
    %dma_start3A_185 = arith.constant 3 : i32
    %dma_start3A_186 = arith.constant 3 : i32
    %dma_start3A_187 = arith.constant 3 : i32
    %dma_start3A_188 = arith.constant 0 : i32
    %dma_start3A_189 = arith.constant 0 : i32
    %dma_start3A_190 = tpu.memref_slice %arg11[%dma_start3A_186, %dma_start3A_188, %dma_start3A_189] : memref<8x125x64xf32, #tpu.memory_space<vmem>> -> memref<1x125x64xf32, #tpu.memory_space<vmem>>
    %dma_start3A_191 = tpu.memref_squeeze %dma_start3A_190 : memref<1x125x64xf32, #tpu.memory_space<vmem>> -> memref<125x64xf32, #tpu.memory_space<vmem>>
    %dma_start3A_192 = arith.constant 0 : i32
    %dma_start3A_193 = tpu.memref_slice %arg9[%dma_start3A_185, %dma_start3A_192] : memref<80x125xi32, #tpu.memory_space<vmem>> -> memref<1x125xi32, #tpu.memory_space<vmem>>
    %dma_start3A_194 = tpu.memref_squeeze %dma_start3A_193 : memref<1x125xi32, #tpu.memory_space<vmem>> -> memref<125xi32, #tpu.memory_space<vmem>>
    %dma_start3A_195 = arith.constant 0 : i32
    %dma_start3A_196 = arith.constant 0 : i32
    %dma_start3A_197 = tpu.memref_slice %arg3[%dma_start3A_195, %dma_start3A_196] : memref<10000x64xf32, #tpu.memory_space<hbm>> -> memref<10000x64xf32, #tpu.memory_space<hbm>>
    %dma_start3A_198 = tpu.memref_slice %arg13[%dma_start3A_187] : memref<8x!tpu.dma_semaphore, #tpu.memory_space<semaphore_mem>> -> memref<1x!tpu.dma_semaphore, #tpu.memory_space<semaphore_mem>>
    %dma_start3A_199 = tpu.memref_squeeze %dma_start3A_198 : memref<1x!tpu.dma_semaphore, #tpu.memory_space<semaphore_mem>> -> memref<!tpu.dma_semaphore, #tpu.memory_space<semaphore_mem>>
    tpu.enqueue_indirect_dma source(%dma_start3A_197 : memref<10000x64xf32, #tpu.memory_space<hbm>>) target(%dma_start3A_191 : memref<125x64xf32, #tpu.memory_space<vmem>>) offsets(%dma_start3A_194 : memref<125xi32, #tpu.memory_space<vmem>>) semaphore(%dma_start3A_199 : memref<!tpu.dma_semaphore, #tpu.memory_space<semaphore_mem>>)
    %dma_start3A_200 = arith.constant 4 : i32
    %dma_start3A_201 = arith.constant 4 : i32
    %dma_start3A_202 = arith.constant 4 : i32
    %dma_start3A_203 = arith.constant 0 : i32
    %dma_start3A_204 = arith.constant 0 : i32
    %dma_start3A_205 = tpu.memref_slice %arg11[%dma_start3A_201, %dma_start3A_203, %dma_start3A_204] : memref<8x125x64xf32, #tpu.memory_space<vmem>> -> memref<1x125x64xf32, #tpu.memory_space<vmem>>
    %dma_start3A_206 = tpu.memref_squeeze %dma_start3A_205 : memref<1x125x64xf32, #tpu.memory_space<vmem>> -> memref<125x64xf32, #tpu.memory_space<vmem>>
    %dma_start3A_207 = arith.constant 0 : i32
    %dma_start3A_208 = tpu.memref_slice %arg9[%dma_start3A_200, %dma_start3A_207] : memref<80x125xi32, #tpu.memory_space<vmem>> -> memref<1x125xi32, #tpu.memory_space<vmem>>
    %dma_start3A_209 = tpu.memref_squeeze %dma_start3A_208 : memref<1x125xi32, #tpu.memory_space<vmem>> -> memref<125xi32, #tpu.memory_space<vmem>>
    %dma_start3A_210 = arith.constant 0 : i32
    %dma_start3A_211 = arith.constant 0 : i32
    %dma_start3A_212 = tpu.memref_slice %arg3[%dma_start3A_210, %dma_start3A_211] : memref<10000x64xf32, #tpu.memory_space<hbm>> -> memref<10000x64xf32, #tpu.memory_space<hbm>>
    %dma_start3A_213 = tpu.memref_slice %arg13[%dma_start3A_202] : memref<8x!tpu.dma_semaphore, #tpu.memory_space<semaphore_mem>> -> memref<1x!tpu.dma_semaphore, #tpu.memory_space<semaphore_mem>>
    %dma_start3A_214 = tpu.memref_squeeze %dma_start3A_213 : memref<1x!tpu.dma_semaphore, #tpu.memory_space<semaphore_mem>> -> memref<!tpu.dma_semaphore, #tpu.memory_space<semaphore_mem>>
    tpu.enqueue_indirect_dma source(%dma_start3A_212 : memref<10000x64xf32, #tpu.memory_space<hbm>>) target(%dma_start3A_206 : memref<125x64xf32, #tpu.memory_space<vmem>>) offsets(%dma_start3A_209 : memref<125xi32, #tpu.memory_space<vmem>>) semaphore(%dma_start3A_214 : memref<!tpu.dma_semaphore, #tpu.memory_space<semaphore_mem>>)
    %dma_start3A_215 = arith.constant 5 : i32
    %dma_start3A_216 = arith.constant 5 : i32
    %dma_start3A_217 = arith.constant 5 : i32
    %dma_start3A_218 = arith.constant 0 : i32
    %dma_start3A_219 = arith.constant 0 : i32
    %dma_start3A_220 = tpu.memref_slice %arg11[%dma_start3A_216, %dma_start3A_218, %dma_start3A_219] : memref<8x125x64xf32, #tpu.memory_space<vmem>> -> memref<1x125x64xf32, #tpu.memory_space<vmem>>
    %dma_start3A_221 = tpu.memref_squeeze %dma_start3A_220 : memref<1x125x64xf32, #tpu.memory_space<vmem>> -> memref<125x64xf32, #tpu.memory_space<vmem>>
    %dma_start3A_222 = arith.constant 0 : i32
    %dma_start3A_223 = tpu.memref_slice %arg9[%dma_start3A_215, %dma_start3A_222] : memref<80x125xi32, #tpu.memory_space<vmem>> -> memref<1x125xi32, #tpu.memory_space<vmem>>
    %dma_start3A_224 = tpu.memref_squeeze %dma_start3A_223 : memref<1x125xi32, #tpu.memory_space<vmem>> -> memref<125xi32, #tpu.memory_space<vmem>>
    %dma_start3A_225 = arith.constant 0 : i32
    %dma_start3A_226 = arith.constant 0 : i32
    %dma_start3A_227 = tpu.memref_slice %arg3[%dma_start3A_225, %dma_start3A_226] : memref<10000x64xf32, #tpu.memory_space<hbm>> -> memref<10000x64xf32, #tpu.memory_space<hbm>>
    %dma_start3A_228 = tpu.memref_slice %arg13[%dma_start3A_217] : memref<8x!tpu.dma_semaphore, #tpu.memory_space<semaphore_mem>> -> memref<1x!tpu.dma_semaphore, #tpu.memory_space<semaphore_mem>>
    %dma_start3A_229 = tpu.memref_squeeze %dma_start3A_228 : memref<1x!tpu.dma_semaphore, #tpu.memory_space<semaphore_mem>> -> memref<!tpu.dma_semaphore, #tpu.memory_space<semaphore_mem>>
    tpu.enqueue_indirect_dma source(%dma_start3A_227 : memref<10000x64xf32, #tpu.memory_space<hbm>>) target(%dma_start3A_221 : memref<125x64xf32, #tpu.memory_space<vmem>>) offsets(%dma_start3A_224 : memref<125xi32, #tpu.memory_space<vmem>>) semaphore(%dma_start3A_229 : memref<!tpu.dma_semaphore, #tpu.memory_space<semaphore_mem>>)
    %dma_start3A_230 = arith.constant 6 : i32
    %dma_start3A_231 = arith.constant 6 : i32
    %dma_start3A_232 = arith.constant 6 : i32
    %dma_start3A_233 = arith.constant 0 : i32
    %dma_start3A_234 = arith.constant 0 : i32
    %dma_start3A_235 = tpu.memref_slice %arg11[%dma_start3A_231, %dma_start3A_233, %dma_start3A_234] : memref<8x125x64xf32, #tpu.memory_space<vmem>> -> memref<1x125x64xf32, #tpu.memory_space<vmem>>
    %dma_start3A_236 = tpu.memref_squeeze %dma_start3A_235 : memref<1x125x64xf32, #tpu.memory_space<vmem>> -> memref<125x64xf32, #tpu.memory_space<vmem>>
    %dma_start3A_237 = arith.constant 0 : i32
    %dma_start3A_238 = tpu.memref_slice %arg9[%dma_start3A_230, %dma_start3A_237] : memref<80x125xi32, #tpu.memory_space<vmem>> -> memref<1x125xi32, #tpu.memory_space<vmem>>
    %dma_start3A_239 = tpu.memref_squeeze %dma_start3A_238 : memref<1x125xi32, #tpu.memory_space<vmem>> -> memref<125xi32, #tpu.memory_space<vmem>>
    %dma_start3A_240 = arith.constant 0 : i32
    %dma_start3A_241 = arith.constant 0 : i32
    %dma_start3A_242 = tpu.memref_slice %arg3[%dma_start3A_240, %dma_start3A_241] : memref<10000x64xf32, #tpu.memory_space<hbm>> -> memref<10000x64xf32, #tpu.memory_space<hbm>>
    %dma_start3A_243 = tpu.memref_slice %arg13[%dma_start3A_232] : memref<8x!tpu.dma_semaphore, #tpu.memory_space<semaphore_mem>> -> memref<1x!tpu.dma_semaphore, #tpu.memory_space<semaphore_mem>>
    %dma_start3A_244 = tpu.memref_squeeze %dma_start3A_243 : memref<1x!tpu.dma_semaphore, #tpu.memory_space<semaphore_mem>> -> memref<!tpu.dma_semaphore, #tpu.memory_space<semaphore_mem>>
    tpu.enqueue_indirect_dma source(%dma_start3A_242 : memref<10000x64xf32, #tpu.memory_space<hbm>>) target(%dma_start3A_236 : memref<125x64xf32, #tpu.memory_space<vmem>>) offsets(%dma_start3A_239 : memref<125xi32, #tpu.memory_space<vmem>>) semaphore(%dma_start3A_244 : memref<!tpu.dma_semaphore, #tpu.memory_space<semaphore_mem>>)
    %dma_start3A_245 = arith.constant 7 : i32
    %dma_start3A_246 = arith.constant 7 : i32
    %dma_start3A_247 = arith.constant 7 : i32
    %dma_start3A_248 = arith.constant 0 : i32
    %dma_start3A_249 = arith.constant 0 : i32
    %dma_start3A_250 = tpu.memref_slice %arg11[%dma_start3A_246, %dma_start3A_248, %dma_start3A_249] : memref<8x125x64xf32, #tpu.memory_space<vmem>> -> memref<1x125x64xf32, #tpu.memory_space<vmem>>
    %dma_start3A_251 = tpu.memref_squeeze %dma_start3A_250 : memref<1x125x64xf32, #tpu.memory_space<vmem>> -> memref<125x64xf32, #tpu.memory_space<vmem>>
    %dma_start3A_252 = arith.constant 0 : i32
    %dma_start3A_253 = tpu.memref_slice %arg9[%dma_start3A_245, %dma_start3A_252] : memref<80x125xi32, #tpu.memory_space<vmem>> -> memref<1x125xi32, #tpu.memory_space<vmem>>
    %dma_start3A_254 = tpu.memref_squeeze %dma_start3A_253 : memref<1x125xi32, #tpu.memory_space<vmem>> -> memref<125xi32, #tpu.memory_space<vmem>>
    %dma_start3A_255 = arith.constant 0 : i32
    %dma_start3A_256 = arith.constant 0 : i32
    %dma_start3A_257 = tpu.memref_slice %arg3[%dma_start3A_255, %dma_start3A_256] : memref<10000x64xf32, #tpu.memory_space<hbm>> -> memref<10000x64xf32, #tpu.memory_space<hbm>>
    %dma_start3A_258 = tpu.memref_slice %arg13[%dma_start3A_247] : memref<8x!tpu.dma_semaphore, #tpu.memory_space<semaphore_mem>> -> memref<1x!tpu.dma_semaphore, #tpu.memory_space<semaphore_mem>>
    %dma_start3A_259 = tpu.memref_squeeze %dma_start3A_258 : memref<1x!tpu.dma_semaphore, #tpu.memory_space<semaphore_mem>> -> memref<!tpu.dma_semaphore, #tpu.memory_space<semaphore_mem>>
    tpu.enqueue_indirect_dma source(%dma_start3A_257 : memref<10000x64xf32, #tpu.memory_space<hbm>>) target(%dma_start3A_251 : memref<125x64xf32, #tpu.memory_space<vmem>>) offsets(%dma_start3A_254 : memref<125xi32, #tpu.memory_space<vmem>>) semaphore(%dma_start3A_259 : memref<!tpu.dma_semaphore, #tpu.memory_space<semaphore_mem>>)
    %scan3A_260 = arith.constant 0 : i32
    %scan3A_261 = arith.constant 0 : i32
    %scan3A_262 = arith.constant 10 : i32
    %scan3A_263 = arith.addi %scan3A_261, %scan3A_262 : i32
    %scan3A_264 = arith.constant 1 : i32
    %scan3A_265 = scf.for %scan3A_272 = %scan3A_261 to %scan3A_263 step %scan3A_264 iter_args(%scan3A_273 = %scan3A_260) -> (i32)  : i32 {
      %mul3A_274 = arith.constant 8 : i32
      %mul3A_275 = arith.muli %scan3A_272, %mul3A_274 : i32
      %add3A_276 = arith.constant 0 : i32
      %add3A_277 = arith.addi %mul3A_275, %add3A_276 : i32
      %dma_wait3A = arith.constant 0 : i32
      %dma_wait3A_278 = arith.constant 0 : i32
      %dma_wait3A_279 = arith.constant 0 : i32
      %dma_wait3A_280 = arith.constant 0 : i32
      %dma_wait3A_281 = tpu.memref_slice %arg11[%dma_wait3A, %dma_wait3A_279, %dma_wait3A_280] : memref<8x125x64xf32, #tpu.memory_space<vmem>> -> memref<1x125x64xf32, #tpu.memory_space<vmem>>
      %dma_wait3A_282 = tpu.memref_squeeze %dma_wait3A_281 : memref<1x125x64xf32, #tpu.memory_space<vmem>> -> memref<125x64xf32, #tpu.memory_space<vmem>>
      %dma_wait3A_283 = arith.constant 0 : i32
      %dma_wait3A_284 = tpu.memref_slice %arg9[%add3A_277, %dma_wait3A_283] : memref<80x125xi32, #tpu.memory_space<vmem>> -> memref<1x125xi32, #tpu.memory_space<vmem>>
      %dma_wait3A_285 = tpu.memref_squeeze %dma_wait3A_284 : memref<1x125xi32, #tpu.memory_space<vmem>> -> memref<125xi32, #tpu.memory_space<vmem>>
      %dma_wait3A_286 = arith.constant 0 : i32
      %dma_wait3A_287 = arith.constant 0 : i32
      %dma_wait3A_288 = tpu.memref_slice %arg3[%dma_wait3A_286, %dma_wait3A_287] : memref<10000x64xf32, #tpu.memory_space<hbm>> -> memref<10000x64xf32, #tpu.memory_space<hbm>>
      %dma_wait3A_289 = tpu.memref_slice %arg13[%dma_wait3A_278] : memref<8x!tpu.dma_semaphore, #tpu.memory_space<semaphore_mem>> -> memref<1x!tpu.dma_semaphore, #tpu.memory_space<semaphore_mem>>
      %dma_wait3A_290 = tpu.memref_squeeze %dma_wait3A_289 : memref<1x!tpu.dma_semaphore, #tpu.memory_space<semaphore_mem>> -> memref<!tpu.dma_semaphore, #tpu.memory_space<semaphore_mem>>
      tpu.wait_indirect_dma semaphore(%dma_wait3A_290 : memref<!tpu.dma_semaphore, #tpu.memory_space<semaphore_mem>>) src(%dma_wait3A_288 : memref<10000x64xf32, #tpu.memory_space<hbm>>) dst(%dma_wait3A_282 : memref<125x64xf32, #tpu.memory_space<vmem>>)
      %add3A_291 = arith.constant 0 : i32
      %add3A_292 = arith.addi %mul3A_275, %add3A_291 : i32
      %dma_start3A_293 = arith.constant 0 : i32
      %dma_start3A_294 = arith.constant 0 : i32
      %dma_start3A_295 = arith.constant 0 : i32
      %dma_start3A_296 = arith.constant 0 : i32
      %dma_start3A_297 = tpu.memref_slice %arg11[%dma_start3A_293, %dma_start3A_295, %dma_start3A_296] : memref<8x125x64xf32, #tpu.memory_space<vmem>> -> memref<1x125x64xf32, #tpu.memory_space<vmem>>
      %dma_start3A_298 = tpu.memref_squeeze %dma_start3A_297 : memref<1x125x64xf32, #tpu.memory_space<vmem>> -> memref<125x64xf32, #tpu.memory_space<vmem>>
      %dma_start3A_299 = arith.constant 0 : i32
      %dma_start3A_300 = tpu.memref_slice %arg10[%add3A_292, %dma_start3A_299] : memref<80x125xi32, #tpu.memory_space<vmem>> -> memref<1x125xi32, #tpu.memory_space<vmem>>
      %dma_start3A_301 = tpu.memref_squeeze %dma_start3A_300 : memref<1x125xi32, #tpu.memory_space<vmem>> -> memref<125xi32, #tpu.memory_space<vmem>>
      %dma_start3A_302 = arith.constant 0 : i32
      %dma_start3A_303 = arith.constant 0 : i32
      %dma_start3A_304 = tpu.memref_slice %arg12[%dma_start3A_302, %dma_start3A_303] : memref<10240x64xf32, #tpu.memory_space<vmem_shared>> -> memref<10240x64xf32, #tpu.memory_space<vmem_shared>>
      %dma_start3A_305 = tpu.memref_slice %arg14[%dma_start3A_294] : memref<8x!tpu.dma_semaphore, #tpu.memory_space<semaphore_mem>> -> memref<1x!tpu.dma_semaphore, #tpu.memory_space<semaphore_mem>>
      %dma_start3A_306 = tpu.memref_squeeze %dma_start3A_305 : memref<1x!tpu.dma_semaphore, #tpu.memory_space<semaphore_mem>> -> memref<!tpu.dma_semaphore, #tpu.memory_space<semaphore_mem>>
      tpu.enqueue_indirect_dma source(%dma_start3A_298 : memref<125x64xf32, #tpu.memory_space<vmem>>) target(%dma_start3A_304 : memref<10240x64xf32, #tpu.memory_space<vmem_shared>>) offsets(%dma_start3A_301 : memref<125xi32, #tpu.memory_space<vmem>>) semaphore(%dma_start3A_306 : memref<!tpu.dma_semaphore, #tpu.memory_space<semaphore_mem>>) {add = true}
      %add3A_307 = arith.constant 1 : i32
      %add3A_308 = arith.addi %mul3A_275, %add3A_307 : i32
      %dma_wait3A_309 = arith.constant 1 : i32
      %dma_wait3A_310 = arith.constant 1 : i32
      %dma_wait3A_311 = arith.constant 0 : i32
      %dma_wait3A_312 = arith.constant 0 : i32
      %dma_wait3A_313 = tpu.memref_slice %arg11[%dma_wait3A_309, %dma_wait3A_311, %dma_wait3A_312] : memref<8x125x64xf32, #tpu.memory_space<vmem>> -> memref<1x125x64xf32, #tpu.memory_space<vmem>>
      %dma_wait3A_314 = tpu.memref_squeeze %dma_wait3A_313 : memref<1x125x64xf32, #tpu.memory_space<vmem>> -> memref<125x64xf32, #tpu.memory_space<vmem>>
      %dma_wait3A_315 = arith.constant 0 : i32
      %dma_wait3A_316 = tpu.memref_slice %arg9[%add3A_308, %dma_wait3A_315] : memref<80x125xi32, #tpu.memory_space<vmem>> -> memref<1x125xi32, #tpu.memory_space<vmem>>
      %dma_wait3A_317 = tpu.memref_squeeze %dma_wait3A_316 : memref<1x125xi32, #tpu.memory_space<vmem>> -> memref<125xi32, #tpu.memory_space<vmem>>
      %dma_wait3A_318 = arith.constant 0 : i32
      %dma_wait3A_319 = arith.constant 0 : i32
      %dma_wait3A_320 = tpu.memref_slice %arg3[%dma_wait3A_318, %dma_wait3A_319] : memref<10000x64xf32, #tpu.memory_space<hbm>> -> memref<10000x64xf32, #tpu.memory_space<hbm>>
      %dma_wait3A_321 = tpu.memref_slice %arg13[%dma_wait3A_310] : memref<8x!tpu.dma_semaphore, #tpu.memory_space<semaphore_mem>> -> memref<1x!tpu.dma_semaphore, #tpu.memory_space<semaphore_mem>>
      %dma_wait3A_322 = tpu.memref_squeeze %dma_wait3A_321 : memref<1x!tpu.dma_semaphore, #tpu.memory_space<semaphore_mem>> -> memref<!tpu.dma_semaphore, #tpu.memory_space<semaphore_mem>>
      tpu.wait_indirect_dma semaphore(%dma_wait3A_322 : memref<!tpu.dma_semaphore, #tpu.memory_space<semaphore_mem>>) src(%dma_wait3A_320 : memref<10000x64xf32, #tpu.memory_space<hbm>>) dst(%dma_wait3A_314 : memref<125x64xf32, #tpu.memory_space<vmem>>)
      %add3A_323 = arith.constant 1 : i32
      %add3A_324 = arith.addi %mul3A_275, %add3A_323 : i32
      %dma_start3A_325 = arith.constant 1 : i32
      %dma_start3A_326 = arith.constant 1 : i32
      %dma_start3A_327 = arith.constant 0 : i32
      %dma_start3A_328 = arith.constant 0 : i32
      %dma_start3A_329 = tpu.memref_slice %arg11[%dma_start3A_325, %dma_start3A_327, %dma_start3A_328] : memref<8x125x64xf32, #tpu.memory_space<vmem>> -> memref<1x125x64xf32, #tpu.memory_space<vmem>>
      %dma_start3A_330 = tpu.memref_squeeze %dma_start3A_329 : memref<1x125x64xf32, #tpu.memory_space<vmem>> -> memref<125x64xf32, #tpu.memory_space<vmem>>
      %dma_start3A_331 = arith.constant 0 : i32
      %dma_start3A_332 = tpu.memref_slice %arg10[%add3A_324, %dma_start3A_331] : memref<80x125xi32, #tpu.memory_space<vmem>> -> memref<1x125xi32, #tpu.memory_space<vmem>>
      %dma_start3A_333 = tpu.memref_squeeze %dma_start3A_332 : memref<1x125xi32, #tpu.memory_space<vmem>> -> memref<125xi32, #tpu.memory_space<vmem>>
      %dma_start3A_334 = arith.constant 0 : i32
      %dma_start3A_335 = arith.constant 0 : i32
      %dma_start3A_336 = tpu.memref_slice %arg12[%dma_start3A_334, %dma_start3A_335] : memref<10240x64xf32, #tpu.memory_space<vmem_shared>> -> memref<10240x64xf32, #tpu.memory_space<vmem_shared>>
      %dma_start3A_337 = tpu.memref_slice %arg14[%dma_start3A_326] : memref<8x!tpu.dma_semaphore, #tpu.memory_space<semaphore_mem>> -> memref<1x!tpu.dma_semaphore, #tpu.memory_space<semaphore_mem>>
      %dma_start3A_338 = tpu.memref_squeeze %dma_start3A_337 : memref<1x!tpu.dma_semaphore, #tpu.memory_space<semaphore_mem>> -> memref<!tpu.dma_semaphore, #tpu.memory_space<semaphore_mem>>
      tpu.enqueue_indirect_dma source(%dma_start3A_330 : memref<125x64xf32, #tpu.memory_space<vmem>>) target(%dma_start3A_336 : memref<10240x64xf32, #tpu.memory_space<vmem_shared>>) offsets(%dma_start3A_333 : memref<125xi32, #tpu.memory_space<vmem>>) semaphore(%dma_start3A_338 : memref<!tpu.dma_semaphore, #tpu.memory_space<semaphore_mem>>) {add = true}
      %add3A_339 = arith.constant 2 : i32
      %add3A_340 = arith.addi %mul3A_275, %add3A_339 : i32
      %dma_wait3A_341 = arith.constant 2 : i32
      %dma_wait3A_342 = arith.constant 2 : i32
      %dma_wait3A_343 = arith.constant 0 : i32
      %dma_wait3A_344 = arith.constant 0 : i32
      %dma_wait3A_345 = tpu.memref_slice %arg11[%dma_wait3A_341, %dma_wait3A_343, %dma_wait3A_344] : memref<8x125x64xf32, #tpu.memory_space<vmem>> -> memref<1x125x64xf32, #tpu.memory_space<vmem>>
      %dma_wait3A_346 = tpu.memref_squeeze %dma_wait3A_345 : memref<1x125x64xf32, #tpu.memory_space<vmem>> -> memref<125x64xf32, #tpu.memory_space<vmem>>
      %dma_wait3A_347 = arith.constant 0 : i32
      %dma_wait3A_348 = tpu.memref_slice %arg9[%add3A_340, %dma_wait3A_347] : memref<80x125xi32, #tpu.memory_space<vmem>> -> memref<1x125xi32, #tpu.memory_space<vmem>>
      %dma_wait3A_349 = tpu.memref_squeeze %dma_wait3A_348 : memref<1x125xi32, #tpu.memory_space<vmem>> -> memref<125xi32, #tpu.memory_space<vmem>>
      %dma_wait3A_350 = arith.constant 0 : i32
      %dma_wait3A_351 = arith.constant 0 : i32
      %dma_wait3A_352 = tpu.memref_slice %arg3[%dma_wait3A_350, %dma_wait3A_351] : memref<10000x64xf32, #tpu.memory_space<hbm>> -> memref<10000x64xf32, #tpu.memory_space<hbm>>
      %dma_wait3A_353 = tpu.memref_slice %arg13[%dma_wait3A_342] : memref<8x!tpu.dma_semaphore, #tpu.memory_space<semaphore_mem>> -> memref<1x!tpu.dma_semaphore, #tpu.memory_space<semaphore_mem>>
      %dma_wait3A_354 = tpu.memref_squeeze %dma_wait3A_353 : memref<1x!tpu.dma_semaphore, #tpu.memory_space<semaphore_mem>> -> memref<!tpu.dma_semaphore, #tpu.memory_space<semaphore_mem>>
      tpu.wait_indirect_dma semaphore(%dma_wait3A_354 : memref<!tpu.dma_semaphore, #tpu.memory_space<semaphore_mem>>) src(%dma_wait3A_352 : memref<10000x64xf32, #tpu.memory_space<hbm>>) dst(%dma_wait3A_346 : memref<125x64xf32, #tpu.memory_space<vmem>>)
      %add3A_355 = arith.constant 2 : i32
      %add3A_356 = arith.addi %mul3A_275, %add3A_355 : i32
      %dma_start3A_357 = arith.constant 2 : i32
      %dma_start3A_358 = arith.constant 2 : i32
      %dma_start3A_359 = arith.constant 0 : i32
      %dma_start3A_360 = arith.constant 0 : i32
      %dma_start3A_361 = tpu.memref_slice %arg11[%dma_start3A_357, %dma_start3A_359, %dma_start3A_360] : memref<8x125x64xf32, #tpu.memory_space<vmem>> -> memref<1x125x64xf32, #tpu.memory_space<vmem>>
      %dma_start3A_362 = tpu.memref_squeeze %dma_start3A_361 : memref<1x125x64xf32, #tpu.memory_space<vmem>> -> memref<125x64xf32, #tpu.memory_space<vmem>>
      %dma_start3A_363 = arith.constant 0 : i32
      %dma_start3A_364 = tpu.memref_slice %arg10[%add3A_356, %dma_start3A_363] : memref<80x125xi32, #tpu.memory_space<vmem>> -> memref<1x125xi32, #tpu.memory_space<vmem>>
      %dma_start3A_365 = tpu.memref_squeeze %dma_start3A_364 : memref<1x125xi32, #tpu.memory_space<vmem>> -> memref<125xi32, #tpu.memory_space<vmem>>
      %dma_start3A_366 = arith.constant 0 : i32
      %dma_start3A_367 = arith.constant 0 : i32
      %dma_start3A_368 = tpu.memref_slice %arg12[%dma_start3A_366, %dma_start3A_367] : memref<10240x64xf32, #tpu.memory_space<vmem_shared>> -> memref<10240x64xf32, #tpu.memory_space<vmem_shared>>
      %dma_start3A_369 = tpu.memref_slice %arg14[%dma_start3A_358] : memref<8x!tpu.dma_semaphore, #tpu.memory_space<semaphore_mem>> -> memref<1x!tpu.dma_semaphore, #tpu.memory_space<semaphore_mem>>
      %dma_start3A_370 = tpu.memref_squeeze %dma_start3A_369 : memref<1x!tpu.dma_semaphore, #tpu.memory_space<semaphore_mem>> -> memref<!tpu.dma_semaphore, #tpu.memory_space<semaphore_mem>>
      tpu.enqueue_indirect_dma source(%dma_start3A_362 : memref<125x64xf32, #tpu.memory_space<vmem>>) target(%dma_start3A_368 : memref<10240x64xf32, #tpu.memory_space<vmem_shared>>) offsets(%dma_start3A_365 : memref<125xi32, #tpu.memory_space<vmem>>) semaphore(%dma_start3A_370 : memref<!tpu.dma_semaphore, #tpu.memory_space<semaphore_mem>>) {add = true}
      %add3A_371 = arith.constant 3 : i32
      %add3A_372 = arith.addi %mul3A_275, %add3A_371 : i32
      %dma_wait3A_373 = arith.constant 3 : i32
      %dma_wait3A_374 = arith.constant 3 : i32
      %dma_wait3A_375 = arith.constant 0 : i32
      %dma_wait3A_376 = arith.constant 0 : i32
      %dma_wait3A_377 = tpu.memref_slice %arg11[%dma_wait3A_373, %dma_wait3A_375, %dma_wait3A_376] : memref<8x125x64xf32, #tpu.memory_space<vmem>> -> memref<1x125x64xf32, #tpu.memory_space<vmem>>
      %dma_wait3A_378 = tpu.memref_squeeze %dma_wait3A_377 : memref<1x125x64xf32, #tpu.memory_space<vmem>> -> memref<125x64xf32, #tpu.memory_space<vmem>>
      %dma_wait3A_379 = arith.constant 0 : i32
      %dma_wait3A_380 = tpu.memref_slice %arg9[%add3A_372, %dma_wait3A_379] : memref<80x125xi32, #tpu.memory_space<vmem>> -> memref<1x125xi32, #tpu.memory_space<vmem>>
      %dma_wait3A_381 = tpu.memref_squeeze %dma_wait3A_380 : memref<1x125xi32, #tpu.memory_space<vmem>> -> memref<125xi32, #tpu.memory_space<vmem>>
      %dma_wait3A_382 = arith.constant 0 : i32
      %dma_wait3A_383 = arith.constant 0 : i32
      %dma_wait3A_384 = tpu.memref_slice %arg3[%dma_wait3A_382, %dma_wait3A_383] : memref<10000x64xf32, #tpu.memory_space<hbm>> -> memref<10000x64xf32, #tpu.memory_space<hbm>>
      %dma_wait3A_385 = tpu.memref_slice %arg13[%dma_wait3A_374] : memref<8x!tpu.dma_semaphore, #tpu.memory_space<semaphore_mem>> -> memref<1x!tpu.dma_semaphore, #tpu.memory_space<semaphore_mem>>
      %dma_wait3A_386 = tpu.memref_squeeze %dma_wait3A_385 : memref<1x!tpu.dma_semaphore, #tpu.memory_space<semaphore_mem>> -> memref<!tpu.dma_semaphore, #tpu.memory_space<semaphore_mem>>
      tpu.wait_indirect_dma semaphore(%dma_wait3A_386 : memref<!tpu.dma_semaphore, #tpu.memory_space<semaphore_mem>>) src(%dma_wait3A_384 : memref<10000x64xf32, #tpu.memory_space<hbm>>) dst(%dma_wait3A_378 : memref<125x64xf32, #tpu.memory_space<vmem>>)
      %add3A_387 = arith.constant 3 : i32
      %add3A_388 = arith.addi %mul3A_275, %add3A_387 : i32
      %dma_start3A_389 = arith.constant 3 : i32
      %dma_start3A_390 = arith.constant 3 : i32
      %dma_start3A_391 = arith.constant 0 : i32
      %dma_start3A_392 = arith.constant 0 : i32
      %dma_start3A_393 = tpu.memref_slice %arg11[%dma_start3A_389, %dma_start3A_391, %dma_start3A_392] : memref<8x125x64xf32, #tpu.memory_space<vmem>> -> memref<1x125x64xf32, #tpu.memory_space<vmem>>
      %dma_start3A_394 = tpu.memref_squeeze %dma_start3A_393 : memref<1x125x64xf32, #tpu.memory_space<vmem>> -> memref<125x64xf32, #tpu.memory_space<vmem>>
      %dma_start3A_395 = arith.constant 0 : i32
      %dma_start3A_396 = tpu.memref_slice %arg10[%add3A_388, %dma_start3A_395] : memref<80x125xi32, #tpu.memory_space<vmem>> -> memref<1x125xi32, #tpu.memory_space<vmem>>
      %dma_start3A_397 = tpu.memref_squeeze %dma_start3A_396 : memref<1x125xi32, #tpu.memory_space<vmem>> -> memref<125xi32, #tpu.memory_space<vmem>>
      %dma_start3A_398 = arith.constant 0 : i32
      %dma_start3A_399 = arith.constant 0 : i32
      %dma_start3A_400 = tpu.memref_slice %arg12[%dma_start3A_398, %dma_start3A_399] : memref<10240x64xf32, #tpu.memory_space<vmem_shared>> -> memref<10240x64xf32, #tpu.memory_space<vmem_shared>>
      %dma_start3A_401 = tpu.memref_slice %arg14[%dma_start3A_390] : memref<8x!tpu.dma_semaphore, #tpu.memory_space<semaphore_mem>> -> memref<1x!tpu.dma_semaphore, #tpu.memory_space<semaphore_mem>>
      %dma_start3A_402 = tpu.memref_squeeze %dma_start3A_401 : memref<1x!tpu.dma_semaphore, #tpu.memory_space<semaphore_mem>> -> memref<!tpu.dma_semaphore, #tpu.memory_space<semaphore_mem>>
      tpu.enqueue_indirect_dma source(%dma_start3A_394 : memref<125x64xf32, #tpu.memory_space<vmem>>) target(%dma_start3A_400 : memref<10240x64xf32, #tpu.memory_space<vmem_shared>>) offsets(%dma_start3A_397 : memref<125xi32, #tpu.memory_space<vmem>>) semaphore(%dma_start3A_402 : memref<!tpu.dma_semaphore, #tpu.memory_space<semaphore_mem>>) {add = true}
      %add3A_403 = arith.constant 0 : i32
      %add3A_404 = arith.addi %mul3A_275, %add3A_403 : i32
      %dma_wait3A_405 = arith.constant 0 : i32
      %dma_wait3A_406 = arith.constant 0 : i32
      %dma_wait3A_407 = arith.constant 0 : i32
      %dma_wait3A_408 = arith.constant 0 : i32
      %dma_wait3A_409 = tpu.memref_slice %arg11[%dma_wait3A_405, %dma_wait3A_407, %dma_wait3A_408] : memref<8x125x64xf32, #tpu.memory_space<vmem>> -> memref<1x125x64xf32, #tpu.memory_space<vmem>>
      %dma_wait3A_410 = tpu.memref_squeeze %dma_wait3A_409 : memref<1x125x64xf32, #tpu.memory_space<vmem>> -> memref<125x64xf32, #tpu.memory_space<vmem>>
      %dma_wait3A_411 = arith.constant 0 : i32
      %dma_wait3A_412 = tpu.memref_slice %arg10[%add3A_404, %dma_wait3A_411] : memref<80x125xi32, #tpu.memory_space<vmem>> -> memref<1x125xi32, #tpu.memory_space<vmem>>
      %dma_wait3A_413 = tpu.memref_squeeze %dma_wait3A_412 : memref<1x125xi32, #tpu.memory_space<vmem>> -> memref<125xi32, #tpu.memory_space<vmem>>
      %dma_wait3A_414 = arith.constant 0 : i32
      %dma_wait3A_415 = arith.constant 0 : i32
      %dma_wait3A_416 = tpu.memref_slice %arg12[%dma_wait3A_414, %dma_wait3A_415] : memref<10240x64xf32, #tpu.memory_space<vmem_shared>> -> memref<10240x64xf32, #tpu.memory_space<vmem_shared>>
      %dma_wait3A_417 = tpu.memref_slice %arg14[%dma_wait3A_406] : memref<8x!tpu.dma_semaphore, #tpu.memory_space<semaphore_mem>> -> memref<1x!tpu.dma_semaphore, #tpu.memory_space<semaphore_mem>>
      %dma_wait3A_418 = tpu.memref_squeeze %dma_wait3A_417 : memref<1x!tpu.dma_semaphore, #tpu.memory_space<semaphore_mem>> -> memref<!tpu.dma_semaphore, #tpu.memory_space<semaphore_mem>>
      tpu.wait_indirect_dma semaphore(%dma_wait3A_418 : memref<!tpu.dma_semaphore, #tpu.memory_space<semaphore_mem>>) src(%dma_wait3A_410 : memref<125x64xf32, #tpu.memory_space<vmem>>) dst(%dma_wait3A_416 : memref<10240x64xf32, #tpu.memory_space<vmem_shared>>)
      %add3A_419 = arith.constant 0 : i32
      %add3A_420 = arith.addi %mul3A_275, %add3A_419 : i32
      %add3A_421 = arith.constant 8 : i32
      %add3A_422 = arith.addi %add3A_420, %add3A_421 : i32
      %lt3A = arith.constant 80 : i32
      %lt3A_423 = arith.cmpi slt, %add3A_422, %lt3A : i32
      %convert_element_type3A = arith.extui %lt3A_423 : i1 to i32
      %cond3A = arith.constant 0 : i32
      %cond3A_424 = arith.cmpi ne, %convert_element_type3A, %cond3A : i32
      scf.if %cond3A_424 {
        %add3A_729 = arith.constant 0 : i32
        %add3A_730 = arith.addi %mul3A_275, %add3A_729 : i32
        %add3A_731 = arith.constant 8 : i32
        %add3A_732 = arith.addi %add3A_730, %add3A_731 : i32
        %dma_start3A_733 = arith.constant 0 : i32
        %dma_start3A_734 = arith.constant 0 : i32
        %dma_start3A_735 = arith.constant 0 : i32
        %dma_start3A_736 = arith.constant 0 : i32
        %dma_start3A_737 = tpu.memref_slice %arg11[%dma_start3A_733, %dma_start3A_735, %dma_start3A_736] : memref<8x125x64xf32, #tpu.memory_space<vmem>> -> memref<1x125x64xf32, #tpu.memory_space<vmem>>
        %dma_start3A_738 = tpu.memref_squeeze %dma_start3A_737 : memref<1x125x64xf32, #tpu.memory_space<vmem>> -> memref<125x64xf32, #tpu.memory_space<vmem>>
        %dma_start3A_739 = arith.constant 0 : i32
        %dma_start3A_740 = tpu.memref_slice %arg9[%add3A_732, %dma_start3A_739] : memref<80x125xi32, #tpu.memory_space<vmem>> -> memref<1x125xi32, #tpu.memory_space<vmem>>
        %dma_start3A_741 = tpu.memref_squeeze %dma_start3A_740 : memref<1x125xi32, #tpu.memory_space<vmem>> -> memref<125xi32, #tpu.memory_space<vmem>>
        %dma_start3A_742 = arith.constant 0 : i32
        %dma_start3A_743 = arith.constant 0 : i32
        %dma_start3A_744 = tpu.memref_slice %arg3[%dma_start3A_742, %dma_start3A_743] : memref<10000x64xf32, #tpu.memory_space<hbm>> -> memref<10000x64xf32, #tpu.memory_space<hbm>>
        %dma_start3A_745 = tpu.memref_slice %arg13[%dma_start3A_734] : memref<8x!tpu.dma_semaphore, #tpu.memory_space<semaphore_mem>> -> memref<1x!tpu.dma_semaphore, #tpu.memory_space<semaphore_mem>>
        %dma_start3A_746 = tpu.memref_squeeze %dma_start3A_745 : memref<1x!tpu.dma_semaphore, #tpu.memory_space<semaphore_mem>> -> memref<!tpu.dma_semaphore, #tpu.memory_space<semaphore_mem>>
        tpu.enqueue_indirect_dma source(%dma_start3A_744 : memref<10000x64xf32, #tpu.memory_space<hbm>>) target(%dma_start3A_738 : memref<125x64xf32, #tpu.memory_space<vmem>>) offsets(%dma_start3A_741 : memref<125xi32, #tpu.memory_space<vmem>>) semaphore(%dma_start3A_746 : memref<!tpu.dma_semaphore, #tpu.memory_space<semaphore_mem>>)
      } else {
      }
      %add3A_425 = arith.constant 1 : i32
      %add3A_426 = arith.addi %mul3A_275, %add3A_425 : i32
      %dma_wait3A_427 = arith.constant 1 : i32
      %dma_wait3A_428 = arith.constant 1 : i32
      %dma_wait3A_429 = arith.constant 0 : i32
      %dma_wait3A_430 = arith.constant 0 : i32
      %dma_wait3A_431 = tpu.memref_slice %arg11[%dma_wait3A_427, %dma_wait3A_429, %dma_wait3A_430] : memref<8x125x64xf32, #tpu.memory_space<vmem>> -> memref<1x125x64xf32, #tpu.memory_space<vmem>>
      %dma_wait3A_432 = tpu.memref_squeeze %dma_wait3A_431 : memref<1x125x64xf32, #tpu.memory_space<vmem>> -> memref<125x64xf32, #tpu.memory_space<vmem>>
      %dma_wait3A_433 = arith.constant 0 : i32
      %dma_wait3A_434 = tpu.memref_slice %arg10[%add3A_426, %dma_wait3A_433] : memref<80x125xi32, #tpu.memory_space<vmem>> -> memref<1x125xi32, #tpu.memory_space<vmem>>
      %dma_wait3A_435 = tpu.memref_squeeze %dma_wait3A_434 : memref<1x125xi32, #tpu.memory_space<vmem>> -> memref<125xi32, #tpu.memory_space<vmem>>
      %dma_wait3A_436 = arith.constant 0 : i32
      %dma_wait3A_437 = arith.constant 0 : i32
      %dma_wait3A_438 = tpu.memref_slice %arg12[%dma_wait3A_436, %dma_wait3A_437] : memref<10240x64xf32, #tpu.memory_space<vmem_shared>> -> memref<10240x64xf32, #tpu.memory_space<vmem_shared>>
      %dma_wait3A_439 = tpu.memref_slice %arg14[%dma_wait3A_428] : memref<8x!tpu.dma_semaphore, #tpu.memory_space<semaphore_mem>> -> memref<1x!tpu.dma_semaphore, #tpu.memory_space<semaphore_mem>>
      %dma_wait3A_440 = tpu.memref_squeeze %dma_wait3A_439 : memref<1x!tpu.dma_semaphore, #tpu.memory_space<semaphore_mem>> -> memref<!tpu.dma_semaphore, #tpu.memory_space<semaphore_mem>>
      tpu.wait_indirect_dma semaphore(%dma_wait3A_440 : memref<!tpu.dma_semaphore, #tpu.memory_space<semaphore_mem>>) src(%dma_wait3A_432 : memref<125x64xf32, #tpu.memory_space<vmem>>) dst(%dma_wait3A_438 : memref<10240x64xf32, #tpu.memory_space<vmem_shared>>)
      %add3A_441 = arith.constant 1 : i32
      %add3A_442 = arith.addi %mul3A_275, %add3A_441 : i32
      %add3A_443 = arith.constant 8 : i32
      %add3A_444 = arith.addi %add3A_442, %add3A_443 : i32
      %lt3A_445 = arith.constant 80 : i32
      %lt3A_446 = arith.cmpi slt, %add3A_444, %lt3A_445 : i32
      %convert_element_type3A_447 = arith.extui %lt3A_446 : i1 to i32
      %cond3A_448 = arith.constant 0 : i32
      %cond3A_449 = arith.cmpi ne, %convert_element_type3A_447, %cond3A_448 : i32
      scf.if %cond3A_449 {
        %add3A_729 = arith.constant 1 : i32
        %add3A_730 = arith.addi %mul3A_275, %add3A_729 : i32
        %add3A_731 = arith.constant 8 : i32
        %add3A_732 = arith.addi %add3A_730, %add3A_731 : i32
        %dma_start3A_733 = arith.constant 1 : i32
        %dma_start3A_734 = arith.constant 1 : i32
        %dma_start3A_735 = arith.constant 0 : i32
        %dma_start3A_736 = arith.constant 0 : i32
        %dma_start3A_737 = tpu.memref_slice %arg11[%dma_start3A_733, %dma_start3A_735, %dma_start3A_736] : memref<8x125x64xf32, #tpu.memory_space<vmem>> -> memref<1x125x64xf32, #tpu.memory_space<vmem>>
        %dma_start3A_738 = tpu.memref_squeeze %dma_start3A_737 : memref<1x125x64xf32, #tpu.memory_space<vmem>> -> memref<125x64xf32, #tpu.memory_space<vmem>>
        %dma_start3A_739 = arith.constant 0 : i32
        %dma_start3A_740 = tpu.memref_slice %arg9[%add3A_732, %dma_start3A_739] : memref<80x125xi32, #tpu.memory_space<vmem>> -> memref<1x125xi32, #tpu.memory_space<vmem>>
        %dma_start3A_741 = tpu.memref_squeeze %dma_start3A_740 : memref<1x125xi32, #tpu.memory_space<vmem>> -> memref<125xi32, #tpu.memory_space<vmem>>
        %dma_start3A_742 = arith.constant 0 : i32
        %dma_start3A_743 = arith.constant 0 : i32
        %dma_start3A_744 = tpu.memref_slice %arg3[%dma_start3A_742, %dma_start3A_743] : memref<10000x64xf32, #tpu.memory_space<hbm>> -> memref<10000x64xf32, #tpu.memory_space<hbm>>
        %dma_start3A_745 = tpu.memref_slice %arg13[%dma_start3A_734] : memref<8x!tpu.dma_semaphore, #tpu.memory_space<semaphore_mem>> -> memref<1x!tpu.dma_semaphore, #tpu.memory_space<semaphore_mem>>
        %dma_start3A_746 = tpu.memref_squeeze %dma_start3A_745 : memref<1x!tpu.dma_semaphore, #tpu.memory_space<semaphore_mem>> -> memref<!tpu.dma_semaphore, #tpu.memory_space<semaphore_mem>>
        tpu.enqueue_indirect_dma source(%dma_start3A_744 : memref<10000x64xf32, #tpu.memory_space<hbm>>) target(%dma_start3A_738 : memref<125x64xf32, #tpu.memory_space<vmem>>) offsets(%dma_start3A_741 : memref<125xi32, #tpu.memory_space<vmem>>) semaphore(%dma_start3A_746 : memref<!tpu.dma_semaphore, #tpu.memory_space<semaphore_mem>>)
      } else {
      }
      %add3A_450 = arith.constant 2 : i32
      %add3A_451 = arith.addi %mul3A_275, %add3A_450 : i32
      %dma_wait3A_452 = arith.constant 2 : i32
      %dma_wait3A_453 = arith.constant 2 : i32
      %dma_wait3A_454 = arith.constant 0 : i32
      %dma_wait3A_455 = arith.constant 0 : i32
      %dma_wait3A_456 = tpu.memref_slice %arg11[%dma_wait3A_452, %dma_wait3A_454, %dma_wait3A_455] : memref<8x125x64xf32, #tpu.memory_space<vmem>> -> memref<1x125x64xf32, #tpu.memory_space<vmem>>
      %dma_wait3A_457 = tpu.memref_squeeze %dma_wait3A_456 : memref<1x125x64xf32, #tpu.memory_space<vmem>> -> memref<125x64xf32, #tpu.memory_space<vmem>>
      %dma_wait3A_458 = arith.constant 0 : i32
      %dma_wait3A_459 = tpu.memref_slice %arg10[%add3A_451, %dma_wait3A_458] : memref<80x125xi32, #tpu.memory_space<vmem>> -> memref<1x125xi32, #tpu.memory_space<vmem>>
      %dma_wait3A_460 = tpu.memref_squeeze %dma_wait3A_459 : memref<1x125xi32, #tpu.memory_space<vmem>> -> memref<125xi32, #tpu.memory_space<vmem>>
      %dma_wait3A_461 = arith.constant 0 : i32
      %dma_wait3A_462 = arith.constant 0 : i32
      %dma_wait3A_463 = tpu.memref_slice %arg12[%dma_wait3A_461, %dma_wait3A_462] : memref<10240x64xf32, #tpu.memory_space<vmem_shared>> -> memref<10240x64xf32, #tpu.memory_space<vmem_shared>>
      %dma_wait3A_464 = tpu.memref_slice %arg14[%dma_wait3A_453] : memref<8x!tpu.dma_semaphore, #tpu.memory_space<semaphore_mem>> -> memref<1x!tpu.dma_semaphore, #tpu.memory_space<semaphore_mem>>
      %dma_wait3A_465 = tpu.memref_squeeze %dma_wait3A_464 : memref<1x!tpu.dma_semaphore, #tpu.memory_space<semaphore_mem>> -> memref<!tpu.dma_semaphore, #tpu.memory_space<semaphore_mem>>
      tpu.wait_indirect_dma semaphore(%dma_wait3A_465 : memref<!tpu.dma_semaphore, #tpu.memory_space<semaphore_mem>>) src(%dma_wait3A_457 : memref<125x64xf32, #tpu.memory_space<vmem>>) dst(%dma_wait3A_463 : memref<10240x64xf32, #tpu.memory_space<vmem_shared>>)
      %add3A_466 = arith.constant 2 : i32
      %add3A_467 = arith.addi %mul3A_275, %add3A_466 : i32
      %add3A_468 = arith.constant 8 : i32
      %add3A_469 = arith.addi %add3A_467, %add3A_468 : i32
      %lt3A_470 = arith.constant 80 : i32
      %lt3A_471 = arith.cmpi slt, %add3A_469, %lt3A_470 : i32
      %convert_element_type3A_472 = arith.extui %lt3A_471 : i1 to i32
      %cond3A_473 = arith.constant 0 : i32
      %cond3A_474 = arith.cmpi ne, %convert_element_type3A_472, %cond3A_473 : i32
      scf.if %cond3A_474 {
        %add3A_729 = arith.constant 2 : i32
        %add3A_730 = arith.addi %mul3A_275, %add3A_729 : i32
        %add3A_731 = arith.constant 8 : i32
        %add3A_732 = arith.addi %add3A_730, %add3A_731 : i32
        %dma_start3A_733 = arith.constant 2 : i32
        %dma_start3A_734 = arith.constant 2 : i32
        %dma_start3A_735 = arith.constant 0 : i32
        %dma_start3A_736 = arith.constant 0 : i32
        %dma_start3A_737 = tpu.memref_slice %arg11[%dma_start3A_733, %dma_start3A_735, %dma_start3A_736] : memref<8x125x64xf32, #tpu.memory_space<vmem>> -> memref<1x125x64xf32, #tpu.memory_space<vmem>>
        %dma_start3A_738 = tpu.memref_squeeze %dma_start3A_737 : memref<1x125x64xf32, #tpu.memory_space<vmem>> -> memref<125x64xf32, #tpu.memory_space<vmem>>
        %dma_start3A_739 = arith.constant 0 : i32
        %dma_start3A_740 = tpu.memref_slice %arg9[%add3A_732, %dma_start3A_739] : memref<80x125xi32, #tpu.memory_space<vmem>> -> memref<1x125xi32, #tpu.memory_space<vmem>>
        %dma_start3A_741 = tpu.memref_squeeze %dma_start3A_740 : memref<1x125xi32, #tpu.memory_space<vmem>> -> memref<125xi32, #tpu.memory_space<vmem>>
        %dma_start3A_742 = arith.constant 0 : i32
        %dma_start3A_743 = arith.constant 0 : i32
        %dma_start3A_744 = tpu.memref_slice %arg3[%dma_start3A_742, %dma_start3A_743] : memref<10000x64xf32, #tpu.memory_space<hbm>> -> memref<10000x64xf32, #tpu.memory_space<hbm>>
        %dma_start3A_745 = tpu.memref_slice %arg13[%dma_start3A_734] : memref<8x!tpu.dma_semaphore, #tpu.memory_space<semaphore_mem>> -> memref<1x!tpu.dma_semaphore, #tpu.memory_space<semaphore_mem>>
        %dma_start3A_746 = tpu.memref_squeeze %dma_start3A_745 : memref<1x!tpu.dma_semaphore, #tpu.memory_space<semaphore_mem>> -> memref<!tpu.dma_semaphore, #tpu.memory_space<semaphore_mem>>
        tpu.enqueue_indirect_dma source(%dma_start3A_744 : memref<10000x64xf32, #tpu.memory_space<hbm>>) target(%dma_start3A_738 : memref<125x64xf32, #tpu.memory_space<vmem>>) offsets(%dma_start3A_741 : memref<125xi32, #tpu.memory_space<vmem>>) semaphore(%dma_start3A_746 : memref<!tpu.dma_semaphore, #tpu.memory_space<semaphore_mem>>)
      } else {
      }
      %add3A_475 = arith.constant 3 : i32
      %add3A_476 = arith.addi %mul3A_275, %add3A_475 : i32
      %dma_wait3A_477 = arith.constant 3 : i32
      %dma_wait3A_478 = arith.constant 3 : i32
      %dma_wait3A_479 = arith.constant 0 : i32
      %dma_wait3A_480 = arith.constant 0 : i32
      %dma_wait3A_481 = tpu.memref_slice %arg11[%dma_wait3A_477, %dma_wait3A_479, %dma_wait3A_480] : memref<8x125x64xf32, #tpu.memory_space<vmem>> -> memref<1x125x64xf32, #tpu.memory_space<vmem>>
      %dma_wait3A_482 = tpu.memref_squeeze %dma_wait3A_481 : memref<1x125x64xf32, #tpu.memory_space<vmem>> -> memref<125x64xf32, #tpu.memory_space<vmem>>
      %dma_wait3A_483 = arith.constant 0 : i32
      %dma_wait3A_484 = tpu.memref_slice %arg10[%add3A_476, %dma_wait3A_483] : memref<80x125xi32, #tpu.memory_space<vmem>> -> memref<1x125xi32, #tpu.memory_space<vmem>>
      %dma_wait3A_485 = tpu.memref_squeeze %dma_wait3A_484 : memref<1x125xi32, #tpu.memory_space<vmem>> -> memref<125xi32, #tpu.memory_space<vmem>>
      %dma_wait3A_486 = arith.constant 0 : i32
      %dma_wait3A_487 = arith.constant 0 : i32
      %dma_wait3A_488 = tpu.memref_slice %arg12[%dma_wait3A_486, %dma_wait3A_487] : memref<10240x64xf32, #tpu.memory_space<vmem_shared>> -> memref<10240x64xf32, #tpu.memory_space<vmem_shared>>
      %dma_wait3A_489 = tpu.memref_slice %arg14[%dma_wait3A_478] : memref<8x!tpu.dma_semaphore, #tpu.memory_space<semaphore_mem>> -> memref<1x!tpu.dma_semaphore, #tpu.memory_space<semaphore_mem>>
      %dma_wait3A_490 = tpu.memref_squeeze %dma_wait3A_489 : memref<1x!tpu.dma_semaphore, #tpu.memory_space<semaphore_mem>> -> memref<!tpu.dma_semaphore, #tpu.memory_space<semaphore_mem>>
      tpu.wait_indirect_dma semaphore(%dma_wait3A_490 : memref<!tpu.dma_semaphore, #tpu.memory_space<semaphore_mem>>) src(%dma_wait3A_482 : memref<125x64xf32, #tpu.memory_space<vmem>>) dst(%dma_wait3A_488 : memref<10240x64xf32, #tpu.memory_space<vmem_shared>>)
      %add3A_491 = arith.constant 3 : i32
      %add3A_492 = arith.addi %mul3A_275, %add3A_491 : i32
      %add3A_493 = arith.constant 8 : i32
      %add3A_494 = arith.addi %add3A_492, %add3A_493 : i32
      %lt3A_495 = arith.constant 80 : i32
      %lt3A_496 = arith.cmpi slt, %add3A_494, %lt3A_495 : i32
      %convert_element_type3A_497 = arith.extui %lt3A_496 : i1 to i32
      %cond3A_498 = arith.constant 0 : i32
      %cond3A_499 = arith.cmpi ne, %convert_element_type3A_497, %cond3A_498 : i32
      scf.if %cond3A_499 {
        %add3A_729 = arith.constant 3 : i32
        %add3A_730 = arith.addi %mul3A_275, %add3A_729 : i32
        %add3A_731 = arith.constant 8 : i32
        %add3A_732 = arith.addi %add3A_730, %add3A_731 : i32
        %dma_start3A_733 = arith.constant 3 : i32
        %dma_start3A_734 = arith.constant 3 : i32
        %dma_start3A_735 = arith.constant 0 : i32
        %dma_start3A_736 = arith.constant 0 : i32
        %dma_start3A_737 = tpu.memref_slice %arg11[%dma_start3A_733, %dma_start3A_735, %dma_start3A_736] : memref<8x125x64xf32, #tpu.memory_space<vmem>> -> memref<1x125x64xf32, #tpu.memory_space<vmem>>
        %dma_start3A_738 = tpu.memref_squeeze %dma_start3A_737 : memref<1x125x64xf32, #tpu.memory_space<vmem>> -> memref<125x64xf32, #tpu.memory_space<vmem>>
        %dma_start3A_739 = arith.constant 0 : i32
        %dma_start3A_740 = tpu.memref_slice %arg9[%add3A_732, %dma_start3A_739] : memref<80x125xi32, #tpu.memory_space<vmem>> -> memref<1x125xi32, #tpu.memory_space<vmem>>
        %dma_start3A_741 = tpu.memref_squeeze %dma_start3A_740 : memref<1x125xi32, #tpu.memory_space<vmem>> -> memref<125xi32, #tpu.memory_space<vmem>>
        %dma_start3A_742 = arith.constant 0 : i32
        %dma_start3A_743 = arith.constant 0 : i32
        %dma_start3A_744 = tpu.memref_slice %arg3[%dma_start3A_742, %dma_start3A_743] : memref<10000x64xf32, #tpu.memory_space<hbm>> -> memref<10000x64xf32, #tpu.memory_space<hbm>>
        %dma_start3A_745 = tpu.memref_slice %arg13[%dma_start3A_734] : memref<8x!tpu.dma_semaphore, #tpu.memory_space<semaphore_mem>> -> memref<1x!tpu.dma_semaphore, #tpu.memory_space<semaphore_mem>>
        %dma_start3A_746 = tpu.memref_squeeze %dma_start3A_745 : memref<1x!tpu.dma_semaphore, #tpu.memory_space<semaphore_mem>> -> memref<!tpu.dma_semaphore, #tpu.memory_space<semaphore_mem>>
        tpu.enqueue_indirect_dma source(%dma_start3A_744 : memref<10000x64xf32, #tpu.memory_space<hbm>>) target(%dma_start3A_738 : memref<125x64xf32, #tpu.memory_space<vmem>>) offsets(%dma_start3A_741 : memref<125xi32, #tpu.memory_space<vmem>>) semaphore(%dma_start3A_746 : memref<!tpu.dma_semaphore, #tpu.memory_space<semaphore_mem>>)
      } else {
      }
      %add3A_500 = arith.constant 4 : i32
      %add3A_501 = arith.addi %mul3A_275, %add3A_500 : i32
      %dma_wait3A_502 = arith.constant 4 : i32
      %dma_wait3A_503 = arith.constant 4 : i32
      %dma_wait3A_504 = arith.constant 0 : i32
      %dma_wait3A_505 = arith.constant 0 : i32
      %dma_wait3A_506 = tpu.memref_slice %arg11[%dma_wait3A_502, %dma_wait3A_504, %dma_wait3A_505] : memref<8x125x64xf32, #tpu.memory_space<vmem>> -> memref<1x125x64xf32, #tpu.memory_space<vmem>>
      %dma_wait3A_507 = tpu.memref_squeeze %dma_wait3A_506 : memref<1x125x64xf32, #tpu.memory_space<vmem>> -> memref<125x64xf32, #tpu.memory_space<vmem>>
      %dma_wait3A_508 = arith.constant 0 : i32
      %dma_wait3A_509 = tpu.memref_slice %arg9[%add3A_501, %dma_wait3A_508] : memref<80x125xi32, #tpu.memory_space<vmem>> -> memref<1x125xi32, #tpu.memory_space<vmem>>
      %dma_wait3A_510 = tpu.memref_squeeze %dma_wait3A_509 : memref<1x125xi32, #tpu.memory_space<vmem>> -> memref<125xi32, #tpu.memory_space<vmem>>
      %dma_wait3A_511 = arith.constant 0 : i32
      %dma_wait3A_512 = arith.constant 0 : i32
      %dma_wait3A_513 = tpu.memref_slice %arg3[%dma_wait3A_511, %dma_wait3A_512] : memref<10000x64xf32, #tpu.memory_space<hbm>> -> memref<10000x64xf32, #tpu.memory_space<hbm>>
      %dma_wait3A_514 = tpu.memref_slice %arg13[%dma_wait3A_503] : memref<8x!tpu.dma_semaphore, #tpu.memory_space<semaphore_mem>> -> memref<1x!tpu.dma_semaphore, #tpu.memory_space<semaphore_mem>>
      %dma_wait3A_515 = tpu.memref_squeeze %dma_wait3A_514 : memref<1x!tpu.dma_semaphore, #tpu.memory_space<semaphore_mem>> -> memref<!tpu.dma_semaphore, #tpu.memory_space<semaphore_mem>>
      tpu.wait_indirect_dma semaphore(%dma_wait3A_515 : memref<!tpu.dma_semaphore, #tpu.memory_space<semaphore_mem>>) src(%dma_wait3A_513 : memref<10000x64xf32, #tpu.memory_space<hbm>>) dst(%dma_wait3A_507 : memref<125x64xf32, #tpu.memory_space<vmem>>)
      %add3A_516 = arith.constant 4 : i32
      %add3A_517 = arith.addi %mul3A_275, %add3A_516 : i32
      %dma_start3A_518 = arith.constant 4 : i32
      %dma_start3A_519 = arith.constant 4 : i32
      %dma_start3A_520 = arith.constant 0 : i32
      %dma_start3A_521 = arith.constant 0 : i32
      %dma_start3A_522 = tpu.memref_slice %arg11[%dma_start3A_518, %dma_start3A_520, %dma_start3A_521] : memref<8x125x64xf32, #tpu.memory_space<vmem>> -> memref<1x125x64xf32, #tpu.memory_space<vmem>>
      %dma_start3A_523 = tpu.memref_squeeze %dma_start3A_522 : memref<1x125x64xf32, #tpu.memory_space<vmem>> -> memref<125x64xf32, #tpu.memory_space<vmem>>
      %dma_start3A_524 = arith.constant 0 : i32
      %dma_start3A_525 = tpu.memref_slice %arg10[%add3A_517, %dma_start3A_524] : memref<80x125xi32, #tpu.memory_space<vmem>> -> memref<1x125xi32, #tpu.memory_space<vmem>>
      %dma_start3A_526 = tpu.memref_squeeze %dma_start3A_525 : memref<1x125xi32, #tpu.memory_space<vmem>> -> memref<125xi32, #tpu.memory_space<vmem>>
      %dma_start3A_527 = arith.constant 0 : i32
      %dma_start3A_528 = arith.constant 0 : i32
      %dma_start3A_529 = tpu.memref_slice %arg12[%dma_start3A_527, %dma_start3A_528] : memref<10240x64xf32, #tpu.memory_space<vmem_shared>> -> memref<10240x64xf32, #tpu.memory_space<vmem_shared>>
      %dma_start3A_530 = tpu.memref_slice %arg14[%dma_start3A_519] : memref<8x!tpu.dma_semaphore, #tpu.memory_space<semaphore_mem>> -> memref<1x!tpu.dma_semaphore, #tpu.memory_space<semaphore_mem>>
      %dma_start3A_531 = tpu.memref_squeeze %dma_start3A_530 : memref<1x!tpu.dma_semaphore, #tpu.memory_space<semaphore_mem>> -> memref<!tpu.dma_semaphore, #tpu.memory_space<semaphore_mem>>
      tpu.enqueue_indirect_dma source(%dma_start3A_523 : memref<125x64xf32, #tpu.memory_space<vmem>>) target(%dma_start3A_529 : memref<10240x64xf32, #tpu.memory_space<vmem_shared>>) offsets(%dma_start3A_526 : memref<125xi32, #tpu.memory_space<vmem>>) semaphore(%dma_start3A_531 : memref<!tpu.dma_semaphore, #tpu.memory_space<semaphore_mem>>) {add = true}
      %add3A_532 = arith.constant 5 : i32
      %add3A_533 = arith.addi %mul3A_275, %add3A_532 : i32
      %dma_wait3A_534 = arith.constant 5 : i32
      %dma_wait3A_535 = arith.constant 5 : i32
      %dma_wait3A_536 = arith.constant 0 : i32
      %dma_wait3A_537 = arith.constant 0 : i32
      %dma_wait3A_538 = tpu.memref_slice %arg11[%dma_wait3A_534, %dma_wait3A_536, %dma_wait3A_537] : memref<8x125x64xf32, #tpu.memory_space<vmem>> -> memref<1x125x64xf32, #tpu.memory_space<vmem>>
      %dma_wait3A_539 = tpu.memref_squeeze %dma_wait3A_538 : memref<1x125x64xf32, #tpu.memory_space<vmem>> -> memref<125x64xf32, #tpu.memory_space<vmem>>
      %dma_wait3A_540 = arith.constant 0 : i32
      %dma_wait3A_541 = tpu.memref_slice %arg9[%add3A_533, %dma_wait3A_540] : memref<80x125xi32, #tpu.memory_space<vmem>> -> memref<1x125xi32, #tpu.memory_space<vmem>>
      %dma_wait3A_542 = tpu.memref_squeeze %dma_wait3A_541 : memref<1x125xi32, #tpu.memory_space<vmem>> -> memref<125xi32, #tpu.memory_space<vmem>>
      %dma_wait3A_543 = arith.constant 0 : i32
      %dma_wait3A_544 = arith.constant 0 : i32
      %dma_wait3A_545 = tpu.memref_slice %arg3[%dma_wait3A_543, %dma_wait3A_544] : memref<10000x64xf32, #tpu.memory_space<hbm>> -> memref<10000x64xf32, #tpu.memory_space<hbm>>
      %dma_wait3A_546 = tpu.memref_slice %arg13[%dma_wait3A_535] : memref<8x!tpu.dma_semaphore, #tpu.memory_space<semaphore_mem>> -> memref<1x!tpu.dma_semaphore, #tpu.memory_space<semaphore_mem>>
      %dma_wait3A_547 = tpu.memref_squeeze %dma_wait3A_546 : memref<1x!tpu.dma_semaphore, #tpu.memory_space<semaphore_mem>> -> memref<!tpu.dma_semaphore, #tpu.memory_space<semaphore_mem>>
      tpu.wait_indirect_dma semaphore(%dma_wait3A_547 : memref<!tpu.dma_semaphore, #tpu.memory_space<semaphore_mem>>) src(%dma_wait3A_545 : memref<10000x64xf32, #tpu.memory_space<hbm>>) dst(%dma_wait3A_539 : memref<125x64xf32, #tpu.memory_space<vmem>>)
      %add3A_548 = arith.constant 5 : i32
      %add3A_549 = arith.addi %mul3A_275, %add3A_548 : i32
      %dma_start3A_550 = arith.constant 5 : i32
      %dma_start3A_551 = arith.constant 5 : i32
      %dma_start3A_552 = arith.constant 0 : i32
      %dma_start3A_553 = arith.constant 0 : i32
      %dma_start3A_554 = tpu.memref_slice %arg11[%dma_start3A_550, %dma_start3A_552, %dma_start3A_553] : memref<8x125x64xf32, #tpu.memory_space<vmem>> -> memref<1x125x64xf32, #tpu.memory_space<vmem>>
      %dma_start3A_555 = tpu.memref_squeeze %dma_start3A_554 : memref<1x125x64xf32, #tpu.memory_space<vmem>> -> memref<125x64xf32, #tpu.memory_space<vmem>>
      %dma_start3A_556 = arith.constant 0 : i32
      %dma_start3A_557 = tpu.memref_slice %arg10[%add3A_549, %dma_start3A_556] : memref<80x125xi32, #tpu.memory_space<vmem>> -> memref<1x125xi32, #tpu.memory_space<vmem>>
      %dma_start3A_558 = tpu.memref_squeeze %dma_start3A_557 : memref<1x125xi32, #tpu.memory_space<vmem>> -> memref<125xi32, #tpu.memory_space<vmem>>
      %dma_start3A_559 = arith.constant 0 : i32
      %dma_start3A_560 = arith.constant 0 : i32
      %dma_start3A_561 = tpu.memref_slice %arg12[%dma_start3A_559, %dma_start3A_560] : memref<10240x64xf32, #tpu.memory_space<vmem_shared>> -> memref<10240x64xf32, #tpu.memory_space<vmem_shared>>
      %dma_start3A_562 = tpu.memref_slice %arg14[%dma_start3A_551] : memref<8x!tpu.dma_semaphore, #tpu.memory_space<semaphore_mem>> -> memref<1x!tpu.dma_semaphore, #tpu.memory_space<semaphore_mem>>
      %dma_start3A_563 = tpu.memref_squeeze %dma_start3A_562 : memref<1x!tpu.dma_semaphore, #tpu.memory_space<semaphore_mem>> -> memref<!tpu.dma_semaphore, #tpu.memory_space<semaphore_mem>>
      tpu.enqueue_indirect_dma source(%dma_start3A_555 : memref<125x64xf32, #tpu.memory_space<vmem>>) target(%dma_start3A_561 : memref<10240x64xf32, #tpu.memory_space<vmem_shared>>) offsets(%dma_start3A_558 : memref<125xi32, #tpu.memory_space<vmem>>) semaphore(%dma_start3A_563 : memref<!tpu.dma_semaphore, #tpu.memory_space<semaphore_mem>>) {add = true}
      %add3A_564 = arith.constant 6 : i32
      %add3A_565 = arith.addi %mul3A_275, %add3A_564 : i32
      %dma_wait3A_566 = arith.constant 6 : i32
      %dma_wait3A_567 = arith.constant 6 : i32
      %dma_wait3A_568 = arith.constant 0 : i32
      %dma_wait3A_569 = arith.constant 0 : i32
      %dma_wait3A_570 = tpu.memref_slice %arg11[%dma_wait3A_566, %dma_wait3A_568, %dma_wait3A_569] : memref<8x125x64xf32, #tpu.memory_space<vmem>> -> memref<1x125x64xf32, #tpu.memory_space<vmem>>
      %dma_wait3A_571 = tpu.memref_squeeze %dma_wait3A_570 : memref<1x125x64xf32, #tpu.memory_space<vmem>> -> memref<125x64xf32, #tpu.memory_space<vmem>>
      %dma_wait3A_572 = arith.constant 0 : i32
      %dma_wait3A_573 = tpu.memref_slice %arg9[%add3A_565, %dma_wait3A_572] : memref<80x125xi32, #tpu.memory_space<vmem>> -> memref<1x125xi32, #tpu.memory_space<vmem>>
      %dma_wait3A_574 = tpu.memref_squeeze %dma_wait3A_573 : memref<1x125xi32, #tpu.memory_space<vmem>> -> memref<125xi32, #tpu.memory_space<vmem>>
      %dma_wait3A_575 = arith.constant 0 : i32
      %dma_wait3A_576 = arith.constant 0 : i32
      %dma_wait3A_577 = tpu.memref_slice %arg3[%dma_wait3A_575, %dma_wait3A_576] : memref<10000x64xf32, #tpu.memory_space<hbm>> -> memref<10000x64xf32, #tpu.memory_space<hbm>>
      %dma_wait3A_578 = tpu.memref_slice %arg13[%dma_wait3A_567] : memref<8x!tpu.dma_semaphore, #tpu.memory_space<semaphore_mem>> -> memref<1x!tpu.dma_semaphore, #tpu.memory_space<semaphore_mem>>
      %dma_wait3A_579 = tpu.memref_squeeze %dma_wait3A_578 : memref<1x!tpu.dma_semaphore, #tpu.memory_space<semaphore_mem>> -> memref<!tpu.dma_semaphore, #tpu.memory_space<semaphore_mem>>
      tpu.wait_indirect_dma semaphore(%dma_wait3A_579 : memref<!tpu.dma_semaphore, #tpu.memory_space<semaphore_mem>>) src(%dma_wait3A_577 : memref<10000x64xf32, #tpu.memory_space<hbm>>) dst(%dma_wait3A_571 : memref<125x64xf32, #tpu.memory_space<vmem>>)
      %add3A_580 = arith.constant 6 : i32
      %add3A_581 = arith.addi %mul3A_275, %add3A_580 : i32
      %dma_start3A_582 = arith.constant 6 : i32
      %dma_start3A_583 = arith.constant 6 : i32
      %dma_start3A_584 = arith.constant 0 : i32
      %dma_start3A_585 = arith.constant 0 : i32
      %dma_start3A_586 = tpu.memref_slice %arg11[%dma_start3A_582, %dma_start3A_584, %dma_start3A_585] : memref<8x125x64xf32, #tpu.memory_space<vmem>> -> memref<1x125x64xf32, #tpu.memory_space<vmem>>
      %dma_start3A_587 = tpu.memref_squeeze %dma_start3A_586 : memref<1x125x64xf32, #tpu.memory_space<vmem>> -> memref<125x64xf32, #tpu.memory_space<vmem>>
      %dma_start3A_588 = arith.constant 0 : i32
      %dma_start3A_589 = tpu.memref_slice %arg10[%add3A_581, %dma_start3A_588] : memref<80x125xi32, #tpu.memory_space<vmem>> -> memref<1x125xi32, #tpu.memory_space<vmem>>
      %dma_start3A_590 = tpu.memref_squeeze %dma_start3A_589 : memref<1x125xi32, #tpu.memory_space<vmem>> -> memref<125xi32, #tpu.memory_space<vmem>>
      %dma_start3A_591 = arith.constant 0 : i32
      %dma_start3A_592 = arith.constant 0 : i32
      %dma_start3A_593 = tpu.memref_slice %arg12[%dma_start3A_591, %dma_start3A_592] : memref<10240x64xf32, #tpu.memory_space<vmem_shared>> -> memref<10240x64xf32, #tpu.memory_space<vmem_shared>>
      %dma_start3A_594 = tpu.memref_slice %arg14[%dma_start3A_583] : memref<8x!tpu.dma_semaphore, #tpu.memory_space<semaphore_mem>> -> memref<1x!tpu.dma_semaphore, #tpu.memory_space<semaphore_mem>>
      %dma_start3A_595 = tpu.memref_squeeze %dma_start3A_594 : memref<1x!tpu.dma_semaphore, #tpu.memory_space<semaphore_mem>> -> memref<!tpu.dma_semaphore, #tpu.memory_space<semaphore_mem>>
      tpu.enqueue_indirect_dma source(%dma_start3A_587 : memref<125x64xf32, #tpu.memory_space<vmem>>) target(%dma_start3A_593 : memref<10240x64xf32, #tpu.memory_space<vmem_shared>>) offsets(%dma_start3A_590 : memref<125xi32, #tpu.memory_space<vmem>>) semaphore(%dma_start3A_595 : memref<!tpu.dma_semaphore, #tpu.memory_space<semaphore_mem>>) {add = true}
      %add3A_596 = arith.constant 7 : i32
      %add3A_597 = arith.addi %mul3A_275, %add3A_596 : i32
      %dma_wait3A_598 = arith.constant 7 : i32
      %dma_wait3A_599 = arith.constant 7 : i32
      %dma_wait3A_600 = arith.constant 0 : i32
      %dma_wait3A_601 = arith.constant 0 : i32
      %dma_wait3A_602 = tpu.memref_slice %arg11[%dma_wait3A_598, %dma_wait3A_600, %dma_wait3A_601] : memref<8x125x64xf32, #tpu.memory_space<vmem>> -> memref<1x125x64xf32, #tpu.memory_space<vmem>>
      %dma_wait3A_603 = tpu.memref_squeeze %dma_wait3A_602 : memref<1x125x64xf32, #tpu.memory_space<vmem>> -> memref<125x64xf32, #tpu.memory_space<vmem>>
      %dma_wait3A_604 = arith.constant 0 : i32
      %dma_wait3A_605 = tpu.memref_slice %arg9[%add3A_597, %dma_wait3A_604] : memref<80x125xi32, #tpu.memory_space<vmem>> -> memref<1x125xi32, #tpu.memory_space<vmem>>
      %dma_wait3A_606 = tpu.memref_squeeze %dma_wait3A_605 : memref<1x125xi32, #tpu.memory_space<vmem>> -> memref<125xi32, #tpu.memory_space<vmem>>
      %dma_wait3A_607 = arith.constant 0 : i32
      %dma_wait3A_608 = arith.constant 0 : i32
      %dma_wait3A_609 = tpu.memref_slice %arg3[%dma_wait3A_607, %dma_wait3A_608] : memref<10000x64xf32, #tpu.memory_space<hbm>> -> memref<10000x64xf32, #tpu.memory_space<hbm>>
      %dma_wait3A_610 = tpu.memref_slice %arg13[%dma_wait3A_599] : memref<8x!tpu.dma_semaphore, #tpu.memory_space<semaphore_mem>> -> memref<1x!tpu.dma_semaphore, #tpu.memory_space<semaphore_mem>>
      %dma_wait3A_611 = tpu.memref_squeeze %dma_wait3A_610 : memref<1x!tpu.dma_semaphore, #tpu.memory_space<semaphore_mem>> -> memref<!tpu.dma_semaphore, #tpu.memory_space<semaphore_mem>>
      tpu.wait_indirect_dma semaphore(%dma_wait3A_611 : memref<!tpu.dma_semaphore, #tpu.memory_space<semaphore_mem>>) src(%dma_wait3A_609 : memref<10000x64xf32, #tpu.memory_space<hbm>>) dst(%dma_wait3A_603 : memref<125x64xf32, #tpu.memory_space<vmem>>)
      %add3A_612 = arith.constant 7 : i32
      %add3A_613 = arith.addi %mul3A_275, %add3A_612 : i32
      %dma_start3A_614 = arith.constant 7 : i32
      %dma_start3A_615 = arith.constant 7 : i32
      %dma_start3A_616 = arith.constant 0 : i32
      %dma_start3A_617 = arith.constant 0 : i32
      %dma_start3A_618 = tpu.memref_slice %arg11[%dma_start3A_614, %dma_start3A_616, %dma_start3A_617] : memref<8x125x64xf32, #tpu.memory_space<vmem>> -> memref<1x125x64xf32, #tpu.memory_space<vmem>>
      %dma_start3A_619 = tpu.memref_squeeze %dma_start3A_618 : memref<1x125x64xf32, #tpu.memory_space<vmem>> -> memref<125x64xf32, #tpu.memory_space<vmem>>
      %dma_start3A_620 = arith.constant 0 : i32
      %dma_start3A_621 = tpu.memref_slice %arg10[%add3A_613, %dma_start3A_620] : memref<80x125xi32, #tpu.memory_space<vmem>> -> memref<1x125xi32, #tpu.memory_space<vmem>>
      %dma_start3A_622 = tpu.memref_squeeze %dma_start3A_621 : memref<1x125xi32, #tpu.memory_space<vmem>> -> memref<125xi32, #tpu.memory_space<vmem>>
      %dma_start3A_623 = arith.constant 0 : i32
      %dma_start3A_624 = arith.constant 0 : i32
      %dma_start3A_625 = tpu.memref_slice %arg12[%dma_start3A_623, %dma_start3A_624] : memref<10240x64xf32, #tpu.memory_space<vmem_shared>> -> memref<10240x64xf32, #tpu.memory_space<vmem_shared>>
      %dma_start3A_626 = tpu.memref_slice %arg14[%dma_start3A_615] : memref<8x!tpu.dma_semaphore, #tpu.memory_space<semaphore_mem>> -> memref<1x!tpu.dma_semaphore, #tpu.memory_space<semaphore_mem>>
      %dma_start3A_627 = tpu.memref_squeeze %dma_start3A_626 : memref<1x!tpu.dma_semaphore, #tpu.memory_space<semaphore_mem>> -> memref<!tpu.dma_semaphore, #tpu.memory_space<semaphore_mem>>
      tpu.enqueue_indirect_dma source(%dma_start3A_619 : memref<125x64xf32, #tpu.memory_space<vmem>>) target(%dma_start3A_625 : memref<10240x64xf32, #tpu.memory_space<vmem_shared>>) offsets(%dma_start3A_622 : memref<125xi32, #tpu.memory_space<vmem>>) semaphore(%dma_start3A_627 : memref<!tpu.dma_semaphore, #tpu.memory_space<semaphore_mem>>) {add = true}
      %add3A_628 = arith.constant 4 : i32
      %add3A_629 = arith.addi %mul3A_275, %add3A_628 : i32
      %dma_wait3A_630 = arith.constant 4 : i32
      %dma_wait3A_631 = arith.constant 4 : i32
      %dma_wait3A_632 = arith.constant 0 : i32
      %dma_wait3A_633 = arith.constant 0 : i32
      %dma_wait3A_634 = tpu.memref_slice %arg11[%dma_wait3A_630, %dma_wait3A_632, %dma_wait3A_633] : memref<8x125x64xf32, #tpu.memory_space<vmem>> -> memref<1x125x64xf32, #tpu.memory_space<vmem>>
      %dma_wait3A_635 = tpu.memref_squeeze %dma_wait3A_634 : memref<1x125x64xf32, #tpu.memory_space<vmem>> -> memref<125x64xf32, #tpu.memory_space<vmem>>
      %dma_wait3A_636 = arith.constant 0 : i32
      %dma_wait3A_637 = tpu.memref_slice %arg10[%add3A_629, %dma_wait3A_636] : memref<80x125xi32, #tpu.memory_space<vmem>> -> memref<1x125xi32, #tpu.memory_space<vmem>>
      %dma_wait3A_638 = tpu.memref_squeeze %dma_wait3A_637 : memref<1x125xi32, #tpu.memory_space<vmem>> -> memref<125xi32, #tpu.memory_space<vmem>>
      %dma_wait3A_639 = arith.constant 0 : i32
      %dma_wait3A_640 = arith.constant 0 : i32
      %dma_wait3A_641 = tpu.memref_slice %arg12[%dma_wait3A_639, %dma_wait3A_640] : memref<10240x64xf32, #tpu.memory_space<vmem_shared>> -> memref<10240x64xf32, #tpu.memory_space<vmem_shared>>
      %dma_wait3A_642 = tpu.memref_slice %arg14[%dma_wait3A_631] : memref<8x!tpu.dma_semaphore, #tpu.memory_space<semaphore_mem>> -> memref<1x!tpu.dma_semaphore, #tpu.memory_space<semaphore_mem>>
      %dma_wait3A_643 = tpu.memref_squeeze %dma_wait3A_642 : memref<1x!tpu.dma_semaphore, #tpu.memory_space<semaphore_mem>> -> memref<!tpu.dma_semaphore, #tpu.memory_space<semaphore_mem>>
      tpu.wait_indirect_dma semaphore(%dma_wait3A_643 : memref<!tpu.dma_semaphore, #tpu.memory_space<semaphore_mem>>) src(%dma_wait3A_635 : memref<125x64xf32, #tpu.memory_space<vmem>>) dst(%dma_wait3A_641 : memref<10240x64xf32, #tpu.memory_space<vmem_shared>>)
      %add3A_644 = arith.constant 4 : i32
      %add3A_645 = arith.addi %mul3A_275, %add3A_644 : i32
      %add3A_646 = arith.constant 8 : i32
      %add3A_647 = arith.addi %add3A_645, %add3A_646 : i32
      %lt3A_648 = arith.constant 80 : i32
      %lt3A_649 = arith.cmpi slt, %add3A_647, %lt3A_648 : i32
      %convert_element_type3A_650 = arith.extui %lt3A_649 : i1 to i32
      %cond3A_651 = arith.constant 0 : i32
      %cond3A_652 = arith.cmpi ne, %convert_element_type3A_650, %cond3A_651 : i32
      scf.if %cond3A_652 {
        %add3A_729 = arith.constant 4 : i32
        %add3A_730 = arith.addi %mul3A_275, %add3A_729 : i32
        %add3A_731 = arith.constant 8 : i32
        %add3A_732 = arith.addi %add3A_730, %add3A_731 : i32
        %dma_start3A_733 = arith.constant 4 : i32
        %dma_start3A_734 = arith.constant 4 : i32
        %dma_start3A_735 = arith.constant 0 : i32
        %dma_start3A_736 = arith.constant 0 : i32
        %dma_start3A_737 = tpu.memref_slice %arg11[%dma_start3A_733, %dma_start3A_735, %dma_start3A_736] : memref<8x125x64xf32, #tpu.memory_space<vmem>> -> memref<1x125x64xf32, #tpu.memory_space<vmem>>
        %dma_start3A_738 = tpu.memref_squeeze %dma_start3A_737 : memref<1x125x64xf32, #tpu.memory_space<vmem>> -> memref<125x64xf32, #tpu.memory_space<vmem>>
        %dma_start3A_739 = arith.constant 0 : i32
        %dma_start3A_740 = tpu.memref_slice %arg9[%add3A_732, %dma_start3A_739] : memref<80x125xi32, #tpu.memory_space<vmem>> -> memref<1x125xi32, #tpu.memory_space<vmem>>
        %dma_start3A_741 = tpu.memref_squeeze %dma_start3A_740 : memref<1x125xi32, #tpu.memory_space<vmem>> -> memref<125xi32, #tpu.memory_space<vmem>>
        %dma_start3A_742 = arith.constant 0 : i32
        %dma_start3A_743 = arith.constant 0 : i32
        %dma_start3A_744 = tpu.memref_slice %arg3[%dma_start3A_742, %dma_start3A_743] : memref<10000x64xf32, #tpu.memory_space<hbm>> -> memref<10000x64xf32, #tpu.memory_space<hbm>>
        %dma_start3A_745 = tpu.memref_slice %arg13[%dma_start3A_734] : memref<8x!tpu.dma_semaphore, #tpu.memory_space<semaphore_mem>> -> memref<1x!tpu.dma_semaphore, #tpu.memory_space<semaphore_mem>>
        %dma_start3A_746 = tpu.memref_squeeze %dma_start3A_745 : memref<1x!tpu.dma_semaphore, #tpu.memory_space<semaphore_mem>> -> memref<!tpu.dma_semaphore, #tpu.memory_space<semaphore_mem>>
        tpu.enqueue_indirect_dma source(%dma_start3A_744 : memref<10000x64xf32, #tpu.memory_space<hbm>>) target(%dma_start3A_738 : memref<125x64xf32, #tpu.memory_space<vmem>>) offsets(%dma_start3A_741 : memref<125xi32, #tpu.memory_space<vmem>>) semaphore(%dma_start3A_746 : memref<!tpu.dma_semaphore, #tpu.memory_space<semaphore_mem>>)
      } else {
      }
      %add3A_653 = arith.constant 5 : i32
      %add3A_654 = arith.addi %mul3A_275, %add3A_653 : i32
      %dma_wait3A_655 = arith.constant 5 : i32
      %dma_wait3A_656 = arith.constant 5 : i32
      %dma_wait3A_657 = arith.constant 0 : i32
      %dma_wait3A_658 = arith.constant 0 : i32
      %dma_wait3A_659 = tpu.memref_slice %arg11[%dma_wait3A_655, %dma_wait3A_657, %dma_wait3A_658] : memref<8x125x64xf32, #tpu.memory_space<vmem>> -> memref<1x125x64xf32, #tpu.memory_space<vmem>>
      %dma_wait3A_660 = tpu.memref_squeeze %dma_wait3A_659 : memref<1x125x64xf32, #tpu.memory_space<vmem>> -> memref<125x64xf32, #tpu.memory_space<vmem>>
      %dma_wait3A_661 = arith.constant 0 : i32
      %dma_wait3A_662 = tpu.memref_slice %arg10[%add3A_654, %dma_wait3A_661] : memref<80x125xi32, #tpu.memory_space<vmem>> -> memref<1x125xi32, #tpu.memory_space<vmem>>
      %dma_wait3A_663 = tpu.memref_squeeze %dma_wait3A_662 : memref<1x125xi32, #tpu.memory_space<vmem>> -> memref<125xi32, #tpu.memory_space<vmem>>
      %dma_wait3A_664 = arith.constant 0 : i32
      %dma_wait3A_665 = arith.constant 0 : i32
      %dma_wait3A_666 = tpu.memref_slice %arg12[%dma_wait3A_664, %dma_wait3A_665] : memref<10240x64xf32, #tpu.memory_space<vmem_shared>> -> memref<10240x64xf32, #tpu.memory_space<vmem_shared>>
      %dma_wait3A_667 = tpu.memref_slice %arg14[%dma_wait3A_656] : memref<8x!tpu.dma_semaphore, #tpu.memory_space<semaphore_mem>> -> memref<1x!tpu.dma_semaphore, #tpu.memory_space<semaphore_mem>>
      %dma_wait3A_668 = tpu.memref_squeeze %dma_wait3A_667 : memref<1x!tpu.dma_semaphore, #tpu.memory_space<semaphore_mem>> -> memref<!tpu.dma_semaphore, #tpu.memory_space<semaphore_mem>>
      tpu.wait_indirect_dma semaphore(%dma_wait3A_668 : memref<!tpu.dma_semaphore, #tpu.memory_space<semaphore_mem>>) src(%dma_wait3A_660 : memref<125x64xf32, #tpu.memory_space<vmem>>) dst(%dma_wait3A_666 : memref<10240x64xf32, #tpu.memory_space<vmem_shared>>)
      %add3A_669 = arith.constant 5 : i32
      %add3A_670 = arith.addi %mul3A_275, %add3A_669 : i32
      %add3A_671 = arith.constant 8 : i32
      %add3A_672 = arith.addi %add3A_670, %add3A_671 : i32
      %lt3A_673 = arith.constant 80 : i32
      %lt3A_674 = arith.cmpi slt, %add3A_672, %lt3A_673 : i32
      %convert_element_type3A_675 = arith.extui %lt3A_674 : i1 to i32
      %cond3A_676 = arith.constant 0 : i32
      %cond3A_677 = arith.cmpi ne, %convert_element_type3A_675, %cond3A_676 : i32
      scf.if %cond3A_677 {
        %add3A_729 = arith.constant 5 : i32
        %add3A_730 = arith.addi %mul3A_275, %add3A_729 : i32
        %add3A_731 = arith.constant 8 : i32
        %add3A_732 = arith.addi %add3A_730, %add3A_731 : i32
        %dma_start3A_733 = arith.constant 5 : i32
        %dma_start3A_734 = arith.constant 5 : i32
        %dma_start3A_735 = arith.constant 0 : i32
        %dma_start3A_736 = arith.constant 0 : i32
        %dma_start3A_737 = tpu.memref_slice %arg11[%dma_start3A_733, %dma_start3A_735, %dma_start3A_736] : memref<8x125x64xf32, #tpu.memory_space<vmem>> -> memref<1x125x64xf32, #tpu.memory_space<vmem>>
        %dma_start3A_738 = tpu.memref_squeeze %dma_start3A_737 : memref<1x125x64xf32, #tpu.memory_space<vmem>> -> memref<125x64xf32, #tpu.memory_space<vmem>>
        %dma_start3A_739 = arith.constant 0 : i32
        %dma_start3A_740 = tpu.memref_slice %arg9[%add3A_732, %dma_start3A_739] : memref<80x125xi32, #tpu.memory_space<vmem>> -> memref<1x125xi32, #tpu.memory_space<vmem>>
        %dma_start3A_741 = tpu.memref_squeeze %dma_start3A_740 : memref<1x125xi32, #tpu.memory_space<vmem>> -> memref<125xi32, #tpu.memory_space<vmem>>
        %dma_start3A_742 = arith.constant 0 : i32
        %dma_start3A_743 = arith.constant 0 : i32
        %dma_start3A_744 = tpu.memref_slice %arg3[%dma_start3A_742, %dma_start3A_743] : memref<10000x64xf32, #tpu.memory_space<hbm>> -> memref<10000x64xf32, #tpu.memory_space<hbm>>
        %dma_start3A_745 = tpu.memref_slice %arg13[%dma_start3A_734] : memref<8x!tpu.dma_semaphore, #tpu.memory_space<semaphore_mem>> -> memref<1x!tpu.dma_semaphore, #tpu.memory_space<semaphore_mem>>
        %dma_start3A_746 = tpu.memref_squeeze %dma_start3A_745 : memref<1x!tpu.dma_semaphore, #tpu.memory_space<semaphore_mem>> -> memref<!tpu.dma_semaphore, #tpu.memory_space<semaphore_mem>>
        tpu.enqueue_indirect_dma source(%dma_start3A_744 : memref<10000x64xf32, #tpu.memory_space<hbm>>) target(%dma_start3A_738 : memref<125x64xf32, #tpu.memory_space<vmem>>) offsets(%dma_start3A_741 : memref<125xi32, #tpu.memory_space<vmem>>) semaphore(%dma_start3A_746 : memref<!tpu.dma_semaphore, #tpu.memory_space<semaphore_mem>>)
      } else {
      }
      %add3A_678 = arith.constant 6 : i32
      %add3A_679 = arith.addi %mul3A_275, %add3A_678 : i32
      %dma_wait3A_680 = arith.constant 6 : i32
      %dma_wait3A_681 = arith.constant 6 : i32
      %dma_wait3A_682 = arith.constant 0 : i32
      %dma_wait3A_683 = arith.constant 0 : i32
      %dma_wait3A_684 = tpu.memref_slice %arg11[%dma_wait3A_680, %dma_wait3A_682, %dma_wait3A_683] : memref<8x125x64xf32, #tpu.memory_space<vmem>> -> memref<1x125x64xf32, #tpu.memory_space<vmem>>
      %dma_wait3A_685 = tpu.memref_squeeze %dma_wait3A_684 : memref<1x125x64xf32, #tpu.memory_space<vmem>> -> memref<125x64xf32, #tpu.memory_space<vmem>>
      %dma_wait3A_686 = arith.constant 0 : i32
      %dma_wait3A_687 = tpu.memref_slice %arg10[%add3A_679, %dma_wait3A_686] : memref<80x125xi32, #tpu.memory_space<vmem>> -> memref<1x125xi32, #tpu.memory_space<vmem>>
      %dma_wait3A_688 = tpu.memref_squeeze %dma_wait3A_687 : memref<1x125xi32, #tpu.memory_space<vmem>> -> memref<125xi32, #tpu.memory_space<vmem>>
      %dma_wait3A_689 = arith.constant 0 : i32
      %dma_wait3A_690 = arith.constant 0 : i32
      %dma_wait3A_691 = tpu.memref_slice %arg12[%dma_wait3A_689, %dma_wait3A_690] : memref<10240x64xf32, #tpu.memory_space<vmem_shared>> -> memref<10240x64xf32, #tpu.memory_space<vmem_shared>>
      %dma_wait3A_692 = tpu.memref_slice %arg14[%dma_wait3A_681] : memref<8x!tpu.dma_semaphore, #tpu.memory_space<semaphore_mem>> -> memref<1x!tpu.dma_semaphore, #tpu.memory_space<semaphore_mem>>
      %dma_wait3A_693 = tpu.memref_squeeze %dma_wait3A_692 : memref<1x!tpu.dma_semaphore, #tpu.memory_space<semaphore_mem>> -> memref<!tpu.dma_semaphore, #tpu.memory_space<semaphore_mem>>
      tpu.wait_indirect_dma semaphore(%dma_wait3A_693 : memref<!tpu.dma_semaphore, #tpu.memory_space<semaphore_mem>>) src(%dma_wait3A_685 : memref<125x64xf32, #tpu.memory_space<vmem>>) dst(%dma_wait3A_691 : memref<10240x64xf32, #tpu.memory_space<vmem_shared>>)
      %add3A_694 = arith.constant 6 : i32
      %add3A_695 = arith.addi %mul3A_275, %add3A_694 : i32
      %add3A_696 = arith.constant 8 : i32
      %add3A_697 = arith.addi %add3A_695, %add3A_696 : i32
      %lt3A_698 = arith.constant 80 : i32
      %lt3A_699 = arith.cmpi slt, %add3A_697, %lt3A_698 : i32
      %convert_element_type3A_700 = arith.extui %lt3A_699 : i1 to i32
      %cond3A_701 = arith.constant 0 : i32
      %cond3A_702 = arith.cmpi ne, %convert_element_type3A_700, %cond3A_701 : i32
      scf.if %cond3A_702 {
        %add3A_729 = arith.constant 6 : i32
        %add3A_730 = arith.addi %mul3A_275, %add3A_729 : i32
        %add3A_731 = arith.constant 8 : i32
        %add3A_732 = arith.addi %add3A_730, %add3A_731 : i32
        %dma_start3A_733 = arith.constant 6 : i32
        %dma_start3A_734 = arith.constant 6 : i32
        %dma_start3A_735 = arith.constant 0 : i32
        %dma_start3A_736 = arith.constant 0 : i32
        %dma_start3A_737 = tpu.memref_slice %arg11[%dma_start3A_733, %dma_start3A_735, %dma_start3A_736] : memref<8x125x64xf32, #tpu.memory_space<vmem>> -> memref<1x125x64xf32, #tpu.memory_space<vmem>>
        %dma_start3A_738 = tpu.memref_squeeze %dma_start3A_737 : memref<1x125x64xf32, #tpu.memory_space<vmem>> -> memref<125x64xf32, #tpu.memory_space<vmem>>
        %dma_start3A_739 = arith.constant 0 : i32
        %dma_start3A_740 = tpu.memref_slice %arg9[%add3A_732, %dma_start3A_739] : memref<80x125xi32, #tpu.memory_space<vmem>> -> memref<1x125xi32, #tpu.memory_space<vmem>>
        %dma_start3A_741 = tpu.memref_squeeze %dma_start3A_740 : memref<1x125xi32, #tpu.memory_space<vmem>> -> memref<125xi32, #tpu.memory_space<vmem>>
        %dma_start3A_742 = arith.constant 0 : i32
        %dma_start3A_743 = arith.constant 0 : i32
        %dma_start3A_744 = tpu.memref_slice %arg3[%dma_start3A_742, %dma_start3A_743] : memref<10000x64xf32, #tpu.memory_space<hbm>> -> memref<10000x64xf32, #tpu.memory_space<hbm>>
        %dma_start3A_745 = tpu.memref_slice %arg13[%dma_start3A_734] : memref<8x!tpu.dma_semaphore, #tpu.memory_space<semaphore_mem>> -> memref<1x!tpu.dma_semaphore, #tpu.memory_space<semaphore_mem>>
        %dma_start3A_746 = tpu.memref_squeeze %dma_start3A_745 : memref<1x!tpu.dma_semaphore, #tpu.memory_space<semaphore_mem>> -> memref<!tpu.dma_semaphore, #tpu.memory_space<semaphore_mem>>
        tpu.enqueue_indirect_dma source(%dma_start3A_744 : memref<10000x64xf32, #tpu.memory_space<hbm>>) target(%dma_start3A_738 : memref<125x64xf32, #tpu.memory_space<vmem>>) offsets(%dma_start3A_741 : memref<125xi32, #tpu.memory_space<vmem>>) semaphore(%dma_start3A_746 : memref<!tpu.dma_semaphore, #tpu.memory_space<semaphore_mem>>)
      } else {
      }
      %add3A_703 = arith.constant 7 : i32
      %add3A_704 = arith.addi %mul3A_275, %add3A_703 : i32
      %dma_wait3A_705 = arith.constant 7 : i32
      %dma_wait3A_706 = arith.constant 7 : i32
      %dma_wait3A_707 = arith.constant 0 : i32
      %dma_wait3A_708 = arith.constant 0 : i32
      %dma_wait3A_709 = tpu.memref_slice %arg11[%dma_wait3A_705, %dma_wait3A_707, %dma_wait3A_708] : memref<8x125x64xf32, #tpu.memory_space<vmem>> -> memref<1x125x64xf32, #tpu.memory_space<vmem>>
      %dma_wait3A_710 = tpu.memref_squeeze %dma_wait3A_709 : memref<1x125x64xf32, #tpu.memory_space<vmem>> -> memref<125x64xf32, #tpu.memory_space<vmem>>
      %dma_wait3A_711 = arith.constant 0 : i32
      %dma_wait3A_712 = tpu.memref_slice %arg10[%add3A_704, %dma_wait3A_711] : memref<80x125xi32, #tpu.memory_space<vmem>> -> memref<1x125xi32, #tpu.memory_space<vmem>>
      %dma_wait3A_713 = tpu.memref_squeeze %dma_wait3A_712 : memref<1x125xi32, #tpu.memory_space<vmem>> -> memref<125xi32, #tpu.memory_space<vmem>>
      %dma_wait3A_714 = arith.constant 0 : i32
      %dma_wait3A_715 = arith.constant 0 : i32
      %dma_wait3A_716 = tpu.memref_slice %arg12[%dma_wait3A_714, %dma_wait3A_715] : memref<10240x64xf32, #tpu.memory_space<vmem_shared>> -> memref<10240x64xf32, #tpu.memory_space<vmem_shared>>
      %dma_wait3A_717 = tpu.memref_slice %arg14[%dma_wait3A_706] : memref<8x!tpu.dma_semaphore, #tpu.memory_space<semaphore_mem>> -> memref<1x!tpu.dma_semaphore, #tpu.memory_space<semaphore_mem>>
      %dma_wait3A_718 = tpu.memref_squeeze %dma_wait3A_717 : memref<1x!tpu.dma_semaphore, #tpu.memory_space<semaphore_mem>> -> memref<!tpu.dma_semaphore, #tpu.memory_space<semaphore_mem>>
      tpu.wait_indirect_dma semaphore(%dma_wait3A_718 : memref<!tpu.dma_semaphore, #tpu.memory_space<semaphore_mem>>) src(%dma_wait3A_710 : memref<125x64xf32, #tpu.memory_space<vmem>>) dst(%dma_wait3A_716 : memref<10240x64xf32, #tpu.memory_space<vmem_shared>>)
      %add3A_719 = arith.constant 7 : i32
      %add3A_720 = arith.addi %mul3A_275, %add3A_719 : i32
      %add3A_721 = arith.constant 8 : i32
      %add3A_722 = arith.addi %add3A_720, %add3A_721 : i32
      %lt3A_723 = arith.constant 80 : i32
      %lt3A_724 = arith.cmpi slt, %add3A_722, %lt3A_723 : i32
      %convert_element_type3A_725 = arith.extui %lt3A_724 : i1 to i32
      %cond3A_726 = arith.constant 0 : i32
      %cond3A_727 = arith.cmpi ne, %convert_element_type3A_725, %cond3A_726 : i32
      scf.if %cond3A_727 {
        %add3A_729 = arith.constant 7 : i32
        %add3A_730 = arith.addi %mul3A_275, %add3A_729 : i32
        %add3A_731 = arith.constant 8 : i32
        %add3A_732 = arith.addi %add3A_730, %add3A_731 : i32
        %dma_start3A_733 = arith.constant 7 : i32
        %dma_start3A_734 = arith.constant 7 : i32
        %dma_start3A_735 = arith.constant 0 : i32
        %dma_start3A_736 = arith.constant 0 : i32
        %dma_start3A_737 = tpu.memref_slice %arg11[%dma_start3A_733, %dma_start3A_735, %dma_start3A_736] : memref<8x125x64xf32, #tpu.memory_space<vmem>> -> memref<1x125x64xf32, #tpu.memory_space<vmem>>
        %dma_start3A_738 = tpu.memref_squeeze %dma_start3A_737 : memref<1x125x64xf32, #tpu.memory_space<vmem>> -> memref<125x64xf32, #tpu.memory_space<vmem>>
        %dma_start3A_739 = arith.constant 0 : i32
        %dma_start3A_740 = tpu.memref_slice %arg9[%add3A_732, %dma_start3A_739] : memref<80x125xi32, #tpu.memory_space<vmem>> -> memref<1x125xi32, #tpu.memory_space<vmem>>
        %dma_start3A_741 = tpu.memref_squeeze %dma_start3A_740 : memref<1x125xi32, #tpu.memory_space<vmem>> -> memref<125xi32, #tpu.memory_space<vmem>>
        %dma_start3A_742 = arith.constant 0 : i32
        %dma_start3A_743 = arith.constant 0 : i32
        %dma_start3A_744 = tpu.memref_slice %arg3[%dma_start3A_742, %dma_start3A_743] : memref<10000x64xf32, #tpu.memory_space<hbm>> -> memref<10000x64xf32, #tpu.memory_space<hbm>>
        %dma_start3A_745 = tpu.memref_slice %arg13[%dma_start3A_734] : memref<8x!tpu.dma_semaphore, #tpu.memory_space<semaphore_mem>> -> memref<1x!tpu.dma_semaphore, #tpu.memory_space<semaphore_mem>>
        %dma_start3A_746 = tpu.memref_squeeze %dma_start3A_745 : memref<1x!tpu.dma_semaphore, #tpu.memory_space<semaphore_mem>> -> memref<!tpu.dma_semaphore, #tpu.memory_space<semaphore_mem>>
        tpu.enqueue_indirect_dma source(%dma_start3A_744 : memref<10000x64xf32, #tpu.memory_space<hbm>>) target(%dma_start3A_738 : memref<125x64xf32, #tpu.memory_space<vmem>>) offsets(%dma_start3A_741 : memref<125xi32, #tpu.memory_space<vmem>>) semaphore(%dma_start3A_746 : memref<!tpu.dma_semaphore, #tpu.memory_space<semaphore_mem>>)
      } else {
      }
      %scan3A_728 = arith.constant 0 : i32
      scf.yield %scan3A_728 : i32
    }
    %scan3A_266 = arith.constant 10 : i32
    %barrier3A_267 = arith.constant 0 : index
    tpu.barrier barrier_id(%barrier3A_267)
    %mul3A_268 = arith.constant 640 : i32
    %mul3A_269 = arith.muli %arg1, %mul3A_268 : i32
    %mul3A_270 = arith.constant 640 : i32
    %mul3A_271 = arith.muli %arg1, %mul3A_270 : i32
    "tpu.region"() ({
      %run_scoped3A = tpu.sem_alloc : memref<!tpu.dma_semaphore, #tpu.memory_space<semaphore_mem>>
      %dma_start3A_272 = arith.constant 0 : i32
      %dma_start3A_273 = tpu.memref_slice %arg8[%arg0, %mul3A_271, %dma_start3A_272] : memref<2x10240x64xf32, #tpu.memory_space<hbm>> -> memref<1x640x64xf32, #tpu.memory_space<hbm>>
      %dma_start3A_274 = tpu.memref_squeeze %dma_start3A_273 : memref<1x640x64xf32, #tpu.memory_space<hbm>> -> memref<640x64xf32, #tpu.memory_space<hbm>>
      %dma_start3A_275 = arith.constant 0 : i32
      %dma_start3A_276 = tpu.memref_slice %arg12[%mul3A_269, %dma_start3A_275] : memref<10240x64xf32, #tpu.memory_space<vmem_shared>> -> memref<640x64xf32, #tpu.memory_space<vmem_shared>>
      tpu.enqueue_dma source(%dma_start3A_276 : memref<640x64xf32, #tpu.memory_space<vmem_shared>>) target(%dma_start3A_274 : memref<640x64xf32, #tpu.memory_space<hbm>>) target_semaphore(%run_scoped3A : memref<!tpu.dma_semaphore, #tpu.memory_space<semaphore_mem>>)
      %dma_wait3A = arith.constant 0 : i32
      %dma_wait3A_277 = tpu.memref_slice %arg8[%arg0, %mul3A_271, %dma_wait3A] : memref<2x10240x64xf32, #tpu.memory_space<hbm>> -> memref<1x640x64xf32, #tpu.memory_space<hbm>>
      %dma_wait3A_278 = tpu.memref_squeeze %dma_wait3A_277 : memref<1x640x64xf32, #tpu.memory_space<hbm>> -> memref<640x64xf32, #tpu.memory_space<hbm>>
      %dma_wait3A_279 = arith.constant 0 : i32
      %dma_wait3A_280 = tpu.memref_slice %arg12[%mul3A_269, %dma_wait3A_279] : memref<10240x64xf32, #tpu.memory_space<vmem_shared>> -> memref<640x64xf32, #tpu.memory_space<vmem_shared>>
      tpu.wait_dma2 semaphore(%run_scoped3A : memref<!tpu.dma_semaphore, #tpu.memory_space<semaphore_mem>>) src(%dma_wait3A_280 : memref<640x64xf32, #tpu.memory_space<vmem_shared>>) dst(%dma_wait3A_278 : memref<640x64xf32, #tpu.memory_space<hbm>>)
      tpu.yield
    }) : () -> ()
    return
  }
}

module attributes {stable_mosaic.version = 14 : i64} {
  func.func @body(%arg0: i32, %arg1: memref<2000x128xf32, #tpu.memory_space<vmem>>, %arg2: memref<128x128xf32, #tpu.memory_space<vmem>>, %arg3: memref<128xf32, #tpu.memory_space<vmem>>, %arg4: memref<2x2000x16xf32, #tpu.memory_space<vmem>>, %arg5: memref<16x128xf32, #tpu.memory_space<vmem>>, %arg6: memref<128x128xf32, #tpu.memory_space<vmem>>, %arg7: memref<2000x64xf32, #tpu.memory_space<vmem>>, %arg8: memref<2000x64xf32, #tpu.memory_space<vmem>>, %arg9: memref<2000x128xf32, #tpu.memory_space<vmem>>, %arg10: memref<2000x1xf32, #tpu.memory_space<vmem>>) attributes {dimension_semantics = [#tpu.dimension_semantics<arbitrary>], iteration_bounds = array<i64: 5>, scalar_prefetch = 0 : i64, scratch_operands = 0 : i64, tpu.core_type = #tpu.core_type<tc>, window_params = [{transform_indices = @transform_0, window_bounds = array<i64: 2000, 128>}, {pipeline_mode = #tpu.pipeline_mode<synchronous>, transform_indices = @transform_1, window_bounds = array<i64: 128, 128>}, {pipeline_mode = #tpu.pipeline_mode<synchronous>, transform_indices = @transform_2, window_bounds = array<i64: 128>}, {transform_indices = @transform_3, window_bounds = array<i64: 2, 2000, 16>}, {pipeline_mode = #tpu.pipeline_mode<synchronous>, transform_indices = @transform_4, window_bounds = array<i64: 16, 128>}, {pipeline_mode = #tpu.pipeline_mode<synchronous>, transform_indices = @transform_5, window_bounds = array<i64: 128, 128>}, {transform_indices = @transform_6, window_bounds = array<i64: 2000, 64>}, {transform_indices = @transform_7, window_bounds = array<i64: 2000, 64>}, {transform_indices = @transform_8, window_bounds = array<i64: 2000, 128>}, {transform_indices = @transform_9, window_bounds = array<i64: 2000, 1>}]} {
    %get3A = arith.constant 0 : index
    %get3A_0 = arith.constant 0 : index
    %get3A_1 = arith.constant 0 : index
    %get3A_2 = vector.load %arg4[%get3A, %get3A_0, %get3A_1] : memref<2x2000x16xf32, #tpu.memory_space<vmem>>, vector<1x2000x16xf32>
    %get3A_3 = vector.shape_cast %get3A_2 : vector<1x2000x16xf32> to vector<2000x16xf32>
    %get3A_4 = arith.constant 1 : index
    %get3A_5 = arith.constant 0 : index
    %get3A_6 = arith.constant 0 : index
    %get3A_7 = vector.load %arg4[%get3A_4, %get3A_5, %get3A_6] : memref<2x2000x16xf32, #tpu.memory_space<vmem>>, vector<1x2000x16xf32>
    %get3A_8 = vector.shape_cast %get3A_7 : vector<1x2000x16xf32> to vector<2000x16xf32>
    %add3A = arith.addf %get3A_3, %get3A_8 : vector<2000x16xf32>
    %reduce_sum3A = arith.constant dense<0.000000e+00> : vector<2000xf32>
    %reduce_sum3A_9 = vector.multi_reduction <add>, %add3A, %reduce_sum3A [1] : vector<2000x16xf32> to vector<2000xf32>
    %add3A_10 = arith.constant 1.000000e+00 : f32
    %add3A_11 = vector.broadcast %add3A_10 : f32 to vector<2000xf32>
    %add3A_12 = arith.addf %reduce_sum3A_9, %add3A_11 : vector<2000xf32>
    %rsqrt3A = math.rsqrt %add3A_12 : vector<2000xf32>
    %broadcast_in_dim3A = vector.shape_cast %rsqrt3A : vector<2000xf32> to vector<2000x1xf32>
    %swap3A = arith.constant 0 : index
    %swap3A_13 = arith.constant 0 : index
    %swap3A_14 = vector.load %arg10[%swap3A, %swap3A_13] : memref<2000x1xf32, #tpu.memory_space<vmem>>, vector<2000x1xf32>
    tpu.vector_store %arg10[%swap3A, %swap3A_13], %broadcast_in_dim3A {strides = array<i32>} : memref<2000x1xf32, #tpu.memory_space<vmem>>, vector<2000x1xf32>,
    %get3A_15 = arith.constant 0 : index
    %get3A_16 = arith.constant 0 : index
    %get3A_17 = vector.load %arg1[%get3A_15, %get3A_16] : memref<2000x128xf32, #tpu.memory_space<vmem>>, vector<2000x128xf32>
    %get3A_18 = arith.constant 0 : index
    %get3A_19 = arith.constant 0 : index
    %get3A_20 = vector.load %arg2[%get3A_18, %get3A_19] : memref<128x128xf32, #tpu.memory_space<vmem>>, vector<128x128xf32>
    %transpose3A = tpu.transpose %get3A_20, [1, 0] : vector<128x128xf32> -> vector<128x128xf32>
    %dot_general3A = arith.constant dense<0.000000e+00> : vector<2000x128xf32>
    %dot_general3A_21 = tpu.matmul %get3A_17, %transpose3A, %dot_general3A {dimension_numbers = #tpu.dot_dimension_numbers<[1], [0], [0], [1], [0, 0, 1, 1], [], []>, transpose_lhs_hint = false} : vector<2000x128xf32>, vector<128x128xf32>, vector<2000x128xf32> -> vector<2000x128xf32>
    %get3A_22 = arith.constant 0 : index
    %get3A_23 = vector.load %arg3[%get3A_22] : memref<128xf32, #tpu.memory_space<vmem>>, vector<128xf32>
    %broadcast_in_dim3A_24 = vector.shape_cast %get3A_23 : vector<128xf32> to vector<1x128xf32>
    %add3A_25 = vector.broadcast %broadcast_in_dim3A_24 : vector<1x128xf32> to vector<2000x128xf32>
    %add3A_26 = arith.addf %dot_general3A_21, %add3A_25 : vector<2000x128xf32>
    %get3A_27 = arith.constant 0 : index
    %get3A_28 = arith.constant 0 : index
    %get3A_29 = vector.load %arg6[%get3A_27, %get3A_28] : memref<128x128xf32, #tpu.memory_space<vmem>>, vector<128x128xf32>
    %transpose3A_30 = tpu.transpose %get3A_29, [1, 0] : vector<128x128xf32> -> vector<128x128xf32>
    %dot_general3A_31 = arith.constant dense<0.000000e+00> : vector<2000x128xf32>
    %dot_general3A_32 = tpu.matmul %add3A_26, %transpose3A_30, %dot_general3A_31 {dimension_numbers = #tpu.dot_dimension_numbers<[1], [0], [0], [1], [0, 0, 1, 1], [], []>, transpose_lhs_hint = false} : vector<2000x128xf32>, vector<128x128xf32>, vector<2000x128xf32> -> vector<2000x128xf32>
    %mul3A = vector.broadcast %broadcast_in_dim3A : vector<2000x1xf32> to vector<2000x128xf32>
    %mul3A_33 = arith.mulf %dot_general3A_32, %mul3A : vector<2000x128xf32>
    %slice3A = vector.extract_strided_slice %mul3A_33 {offsets = [0, 0], sizes = [2000, 64], strides = [1, 1]} : vector<2000x128xf32> to vector<2000x64xf32>
    %swap3A_34 = arith.constant 0 : index
    %swap3A_35 = arith.constant 0 : index
    %swap3A_36 = vector.load %arg7[%swap3A_34, %swap3A_35] : memref<2000x64xf32, #tpu.memory_space<vmem>>, vector<2000x64xf32>
    tpu.vector_store %arg7[%swap3A_34, %swap3A_35], %slice3A {strides = array<i32>} : memref<2000x64xf32, #tpu.memory_space<vmem>>, vector<2000x64xf32>,
    %slice3A_37 = vector.extract_strided_slice %mul3A_33 {offsets = [0, 64], sizes = [2000, 64], strides = [1, 1]} : vector<2000x128xf32> to vector<2000x64xf32>
    %swap3A_38 = arith.constant 0 : index
    %swap3A_39 = arith.constant 0 : index
    %swap3A_40 = vector.load %arg8[%swap3A_38, %swap3A_39] : memref<2000x64xf32, #tpu.memory_space<vmem>>, vector<2000x64xf32>
    tpu.vector_store %arg8[%swap3A_38, %swap3A_39], %slice3A_37 {strides = array<i32>} : memref<2000x64xf32, #tpu.memory_space<vmem>>, vector<2000x64xf32>,
    %get3A_41 = arith.constant 0 : index
    %get3A_42 = arith.constant 0 : index
    %get3A_43 = vector.load %arg5[%get3A_41, %get3A_42] : memref<16x128xf32, #tpu.memory_space<vmem>>, vector<16x128xf32>
    %dot_general3A_44 = arith.constant dense<0.000000e+00> : vector<2000x128xf32>
    %dot_general3A_45 = tpu.matmul %add3A, %get3A_43, %dot_general3A_44 {dimension_numbers = #tpu.dot_dimension_numbers<[1], [0], [0], [1], [0, 0, 1, 1], [], []>, precision = #tpu.contract_precision<fp32>, transpose_lhs_hint = false} : vector<2000x16xf32>, vector<16x128xf32>, vector<2000x128xf32> -> vector<2000x128xf32>
    %max3A = arith.constant 1.000000e+00 : f32
    %max3A_46 = vector.broadcast %max3A : f32 to vector<2000xf32>
    %max3A_47 = arith.maximumf %reduce_sum3A_9, %max3A_46 : vector<2000xf32>
    %broadcast_in_dim3A_48 = vector.shape_cast %max3A_47 : vector<2000xf32> to vector<2000x1xf32>
    %div3A = vector.broadcast %broadcast_in_dim3A_48 : vector<2000x1xf32> to vector<2000x128xf32>
    %div3A_49 = arith.divf %dot_general3A_45, %div3A : vector<2000x128xf32>
    %swap3A_50 = arith.constant 0 : index
    %swap3A_51 = arith.constant 0 : index
    %swap3A_52 = vector.load %arg9[%swap3A_50, %swap3A_51] : memref<2000x128xf32, #tpu.memory_space<vmem>>, vector<2000x128xf32>
    tpu.vector_store %arg9[%swap3A_50, %swap3A_51], %div3A_49 {strides = array<i32>} : memref<2000x128xf32, #tpu.memory_space<vmem>>, vector<2000x128xf32>,
    return
  }
  func.func @transform_0(%arg0: i32) -> (i32, i32) {
    %c0_i32 = arith.constant 0 : i32
    %c0_i32_0 = arith.constant 0 : i32
    return %arg0, %c0_i32 : i32, i32
  }
  func.func @transform_1(%arg0: i32) -> (i32, i32) {
    %c0_i32 = arith.constant 0 : i32
    %c0_i32_0 = arith.constant 0 : i32
    %c0_i32_1 = arith.constant 0 : i32
    return %c0_i32, %c0_i32_0 : i32, i32
  }
  func.func @transform_2(%arg0: i32) -> i32 {
    %c0_i32 = arith.constant 0 : i32
    %c0_i32_0 = arith.constant 0 : i32
    return %c0_i32 : i32
  }
  func.func @transform_3(%arg0: i32) -> (i32, i32, i32) {
    %c0_i32 = arith.constant 0 : i32
    %c0_i32_0 = arith.constant 0 : i32
    %c0_i32_1 = arith.constant 0 : i32
    return %c0_i32, %arg0, %c0_i32_0 : i32, i32, i32
  }
  func.func @transform_4(%arg0: i32) -> (i32, i32) {
    %c0_i32 = arith.constant 0 : i32
    %c0_i32_0 = arith.constant 0 : i32
    %c0_i32_1 = arith.constant 0 : i32
    return %c0_i32, %c0_i32_0 : i32, i32
  }
  func.func @transform_5(%arg0: i32) -> (i32, i32) {
    %c0_i32 = arith.constant 0 : i32
    %c0_i32_0 = arith.constant 0 : i32
    %c0_i32_1 = arith.constant 0 : i32
    return %c0_i32, %c0_i32_0 : i32, i32
  }
  func.func @transform_6(%arg0: i32) -> (i32, i32) {
    %c0_i32 = arith.constant 0 : i32
    %c0_i32_0 = arith.constant 0 : i32
    return %arg0, %c0_i32 : i32, i32
  }
  func.func @transform_7(%arg0: i32) -> (i32, i32) {
    %c0_i32 = arith.constant 0 : i32
    %c0_i32_0 = arith.constant 0 : i32
    return %arg0, %c0_i32 : i32, i32
  }
  func.func @transform_8(%arg0: i32) -> (i32, i32) {
    %c0_i32 = arith.constant 0 : i32
    %c0_i32_0 = arith.constant 0 : i32
    return %arg0, %c0_i32 : i32, i32
  }
  func.func @transform_9(%arg0: i32) -> (i32, i32) {
    %c0_i32 = arith.constant 0 : i32
    %c0_i32_0 = arith.constant 0 : i32
    return %arg0, %c0_i32 : i32, i32
  }
}

module attributes {stable_mosaic.version = 14 : i64} {
  func.func @body(%arg0: i32, %arg1: memref<2x2000x64xf32, #tpu.memory_space<vmem>>, %arg2: memref<2x2000x64xf32, #tpu.memory_space<vmem>>, %arg3: memref<2000x64xf32, #tpu.memory_space<vmem>>, %arg4: memref<2000x64xf32, #tpu.memory_space<vmem>>, %arg5: memref<2000x1xf32, #tpu.memory_space<vmem>>, %arg6: memref<128xf32, #tpu.memory_space<vmem>>, %arg7: memref<2000x128xf32, #tpu.memory_space<vmem>>, %arg8: memref<128x256xf32, #tpu.memory_space<vmem>>, %arg9: memref<128xf32, #tpu.memory_space<vmem>>, %arg10: memref<128x128xf32, #tpu.memory_space<vmem>>, %arg11: memref<128xf32, #tpu.memory_space<vmem>>, %arg12: memref<2000x128xf32, #tpu.memory_space<vmem>>, %arg13: memref<1x1x128xf32, #tpu.memory_space<vmem>>, %arg14: memref<1x1x128xf32, #tpu.memory_space<vmem>>) attributes {dimension_semantics = [#tpu.dimension_semantics<arbitrary>], iteration_bounds = array<i64: 5>, scalar_prefetch = 0 : i64, scratch_operands = 0 : i64, tpu.core_type = #tpu.core_type<tc>, window_params = [{transform_indices = @transform_0, window_bounds = array<i64: 2, 2000, 64>}, {transform_indices = @transform_1, window_bounds = array<i64: 2, 2000, 64>}, {transform_indices = @transform_2, window_bounds = array<i64: 2000, 64>}, {transform_indices = @transform_3, window_bounds = array<i64: 2000, 64>}, {transform_indices = @transform_4, window_bounds = array<i64: 2000, 1>}, {pipeline_mode = #tpu.pipeline_mode<synchronous>, transform_indices = @transform_5, window_bounds = array<i64: 128>}, {transform_indices = @transform_6, window_bounds = array<i64: 2000, 128>}, {pipeline_mode = #tpu.pipeline_mode<synchronous>, transform_indices = @transform_7, window_bounds = array<i64: 128, 256>}, {pipeline_mode = #tpu.pipeline_mode<synchronous>, transform_indices = @transform_8, window_bounds = array<i64: 128>}, {pipeline_mode = #tpu.pipeline_mode<synchronous>, transform_indices = @transform_9, window_bounds = array<i64: 128, 128>}, {pipeline_mode = #tpu.pipeline_mode<synchronous>, transform_indices = @transform_10, window_bounds = array<i64: 128>}, {transform_indices = @transform_11, window_bounds = array<i64: 2000, 128>}, {transform_indices = @transform_12, window_bounds = array<i64: 1, 1, 128>}, {transform_indices = @transform_13, window_bounds = array<i64: 1, 1, 128>}]} {
    %get3A = arith.constant 0 : index
    %get3A_0 = arith.constant 0 : index
    %get3A_1 = arith.constant 0 : index
    %get3A_2 = vector.load %arg1[%get3A, %get3A_0, %get3A_1] : memref<2x2000x64xf32, #tpu.memory_space<vmem>>, vector<1x2000x64xf32>
    %get3A_3 = vector.shape_cast %get3A_2 : vector<1x2000x64xf32> to vector<2000x64xf32>
    %get3A_4 = arith.constant 1 : index
    %get3A_5 = arith.constant 0 : index
    %get3A_6 = arith.constant 0 : index
    %get3A_7 = vector.load %arg1[%get3A_4, %get3A_5, %get3A_6] : memref<2x2000x64xf32, #tpu.memory_space<vmem>>, vector<1x2000x64xf32>
    %get3A_8 = vector.shape_cast %get3A_7 : vector<1x2000x64xf32> to vector<2000x64xf32>
    %add3A = arith.addf %get3A_3, %get3A_8 : vector<2000x64xf32>
    %get3A_9 = arith.constant 0 : index
    %get3A_10 = arith.constant 0 : index
    %get3A_11 = vector.load %arg3[%get3A_9, %get3A_10] : memref<2000x64xf32, #tpu.memory_space<vmem>>, vector<2000x64xf32>
    %add3A_12 = arith.addf %add3A, %get3A_11 : vector<2000x64xf32>
    %get3A_13 = arith.constant 0 : index
    %get3A_14 = arith.constant 0 : index
    %get3A_15 = arith.constant 0 : index
    %get3A_16 = vector.load %arg2[%get3A_13, %get3A_14, %get3A_15] : memref<2x2000x64xf32, #tpu.memory_space<vmem>>, vector<1x2000x64xf32>
    %get3A_17 = vector.shape_cast %get3A_16 : vector<1x2000x64xf32> to vector<2000x64xf32>
    %get3A_18 = arith.constant 1 : index
    %get3A_19 = arith.constant 0 : index
    %get3A_20 = arith.constant 0 : index
    %get3A_21 = vector.load %arg2[%get3A_18, %get3A_19, %get3A_20] : memref<2x2000x64xf32, #tpu.memory_space<vmem>>, vector<1x2000x64xf32>
    %get3A_22 = vector.shape_cast %get3A_21 : vector<1x2000x64xf32> to vector<2000x64xf32>
    %add3A_23 = arith.addf %get3A_17, %get3A_22 : vector<2000x64xf32>
    %get3A_24 = arith.constant 0 : index
    %get3A_25 = arith.constant 0 : index
    %get3A_26 = vector.load %arg4[%get3A_24, %get3A_25] : memref<2000x64xf32, #tpu.memory_space<vmem>>, vector<2000x64xf32>
    %add3A_27 = arith.addf %add3A_23, %get3A_26 : vector<2000x64xf32>
    %concatenate3A = tpu.concatenate %add3A_12, %add3A_27 in 1 : vector<2000x64xf32>, vector<2000x64xf32> -> vector<2000x128xf32>
    %get3A_28 = arith.constant 0 : index
    %get3A_29 = arith.constant 0 : index
    %get3A_30 = vector.load %arg5[%get3A_28, %get3A_29] : memref<2000x1xf32, #tpu.memory_space<vmem>>, vector<2000x1xf32>
    %mul3A = vector.broadcast %get3A_30 : vector<2000x1xf32> to vector<2000x128xf32>
    %mul3A_31 = arith.mulf %concatenate3A, %mul3A : vector<2000x128xf32>
    %get3A_32 = arith.constant 0 : index
    %get3A_33 = vector.load %arg6[%get3A_32] : memref<128xf32, #tpu.memory_space<vmem>>, vector<128xf32>
    %broadcast_in_dim3A = vector.shape_cast %get3A_33 : vector<128xf32> to vector<1x128xf32>
    %add3A_34 = vector.broadcast %broadcast_in_dim3A : vector<1x128xf32> to vector<2000x128xf32>
    %add3A_35 = arith.addf %mul3A_31, %add3A_34 : vector<2000x128xf32>
    %get3A_36 = arith.constant 0 : index
    %get3A_37 = arith.constant 0 : index
    %get3A_38 = vector.load %arg8[%get3A_36, %get3A_37] : memref<128x256xf32, #tpu.memory_space<vmem>>, vector<128x128xf32>
    %transpose3A = tpu.transpose %get3A_38, [1, 0] : vector<128x128xf32> -> vector<128x128xf32>
    %dot_general3A = arith.constant dense<0.000000e+00> : vector<2000x128xf32>
    %dot_general3A_39 = tpu.matmul %add3A_35, %transpose3A, %dot_general3A {dimension_numbers = #tpu.dot_dimension_numbers<[1], [0], [0], [1], [0, 0, 1, 1], [], []>, transpose_lhs_hint = false} : vector<2000x128xf32>, vector<128x128xf32>, vector<2000x128xf32> -> vector<2000x128xf32>
    %get3A_40 = arith.constant 0 : index
    %get3A_41 = arith.constant 0 : index
    %get3A_42 = vector.load %arg7[%get3A_40, %get3A_41] : memref<2000x128xf32, #tpu.memory_space<vmem>>, vector<2000x128xf32>
    %get3A_43 = arith.constant 0 : index
    %get3A_44 = arith.constant 128 : index
    %get3A_45 = vector.load %arg8[%get3A_43, %get3A_44] : memref<128x256xf32, #tpu.memory_space<vmem>>, vector<128x128xf32>
    %transpose3A_46 = tpu.transpose %get3A_45, [1, 0] : vector<128x128xf32> -> vector<128x128xf32>
    %dot_general3A_47 = arith.constant dense<0.000000e+00> : vector<2000x128xf32>
    %dot_general3A_48 = tpu.matmul %get3A_42, %transpose3A_46, %dot_general3A_47 {dimension_numbers = #tpu.dot_dimension_numbers<[1], [0], [0], [1], [0, 0, 1, 1], [], []>, transpose_lhs_hint = false} : vector<2000x128xf32>, vector<128x128xf32>, vector<2000x128xf32> -> vector<2000x128xf32>
    %add3A_49 = arith.addf %dot_general3A_39, %dot_general3A_48 : vector<2000x128xf32>
    %get3A_50 = arith.constant 0 : index
    %get3A_51 = vector.load %arg9[%get3A_50] : memref<128xf32, #tpu.memory_space<vmem>>, vector<128xf32>
    %broadcast_in_dim3A_52 = vector.shape_cast %get3A_51 : vector<128xf32> to vector<1x128xf32>
    %add3A_53 = vector.broadcast %broadcast_in_dim3A_52 : vector<1x128xf32> to vector<2000x128xf32>
    %add3A_54 = arith.addf %add3A_49, %add3A_53 : vector<2000x128xf32>
    %max3A = arith.constant 0.000000e+00 : f32
    %max3A_55 = vector.broadcast %max3A : f32 to vector<2000x128xf32>
    %max3A_56 = arith.maximumf %add3A_54, %max3A_55 : vector<2000x128xf32>
    %get3A_57 = arith.constant 0 : index
    %get3A_58 = arith.constant 0 : index
    %get3A_59 = vector.load %arg10[%get3A_57, %get3A_58] : memref<128x128xf32, #tpu.memory_space<vmem>>, vector<128x128xf32>
    %transpose3A_60 = tpu.transpose %get3A_59, [1, 0] : vector<128x128xf32> -> vector<128x128xf32>
    %dot_general3A_61 = arith.constant dense<0.000000e+00> : vector<2000x128xf32>
    %dot_general3A_62 = tpu.matmul %max3A_56, %transpose3A_60, %dot_general3A_61 {dimension_numbers = #tpu.dot_dimension_numbers<[1], [0], [0], [1], [0, 0, 1, 1], [], []>, transpose_lhs_hint = false} : vector<2000x128xf32>, vector<128x128xf32>, vector<2000x128xf32> -> vector<2000x128xf32>
    %get3A_63 = arith.constant 0 : index
    %get3A_64 = vector.load %arg11[%get3A_63] : memref<128xf32, #tpu.memory_space<vmem>>, vector<128xf32>
    %broadcast_in_dim3A_65 = vector.shape_cast %get3A_64 : vector<128xf32> to vector<1x128xf32>
    %add3A_66 = vector.broadcast %broadcast_in_dim3A_65 : vector<1x128xf32> to vector<2000x128xf32>
    %add3A_67 = arith.addf %dot_general3A_62, %add3A_66 : vector<2000x128xf32>
    %swap3A = arith.constant 0 : index
    %swap3A_68 = arith.constant 0 : index
    %swap3A_69 = vector.load %arg12[%swap3A, %swap3A_68] : memref<2000x128xf32, #tpu.memory_space<vmem>>, vector<2000x128xf32>
    tpu.vector_store %arg12[%swap3A, %swap3A_68], %add3A_67 {strides = array<i32>} : memref<2000x128xf32, #tpu.memory_space<vmem>>, vector<2000x128xf32>,
    %reduce_sum3A = arith.constant dense<0.000000e+00> : vector<128xf32>
    %reduce_sum3A_70 = vector.multi_reduction <add>, %add3A_67, %reduce_sum3A [0] : vector<2000x128xf32> to vector<128xf32>
    %broadcast_in_dim3A_71 = vector.shape_cast %reduce_sum3A_70 : vector<128xf32> to vector<1x1x128xf32>
    %swap3A_72 = arith.constant 0 : index
    %swap3A_73 = arith.constant 0 : index
    %swap3A_74 = arith.constant 0 : index
    %swap3A_75 = vector.load %arg13[%swap3A_72, %swap3A_73, %swap3A_74] : memref<1x1x128xf32, #tpu.memory_space<vmem>>, vector<1x1x128xf32>
    tpu.vector_store %arg13[%swap3A_72, %swap3A_73, %swap3A_74], %broadcast_in_dim3A_71 {strides = array<i32>} : memref<1x1x128xf32, #tpu.memory_space<vmem>>, vector<1x1x128xf32>,
    %mul3A_76 = arith.mulf %add3A_67, %add3A_67 : vector<2000x128xf32>
    %reduce_sum3A_77 = arith.constant dense<0.000000e+00> : vector<128xf32>
    %reduce_sum3A_78 = vector.multi_reduction <add>, %mul3A_76, %reduce_sum3A_77 [0] : vector<2000x128xf32> to vector<128xf32>
    %broadcast_in_dim3A_79 = vector.shape_cast %reduce_sum3A_78 : vector<128xf32> to vector<1x1x128xf32>
    %swap3A_80 = arith.constant 0 : index
    %swap3A_81 = arith.constant 0 : index
    %swap3A_82 = arith.constant 0 : index
    %swap3A_83 = vector.load %arg14[%swap3A_80, %swap3A_81, %swap3A_82] : memref<1x1x128xf32, #tpu.memory_space<vmem>>, vector<1x1x128xf32>
    tpu.vector_store %arg14[%swap3A_80, %swap3A_81, %swap3A_82], %broadcast_in_dim3A_79 {strides = array<i32>} : memref<1x1x128xf32, #tpu.memory_space<vmem>>, vector<1x1x128xf32>,
    return
  }
  func.func @transform_0(%arg0: i32) -> (i32, i32, i32) {
    %c0_i32 = arith.constant 0 : i32
    %c0_i32_0 = arith.constant 0 : i32
    %c0_i32_1 = arith.constant 0 : i32
    return %c0_i32, %arg0, %c0_i32_0 : i32, i32, i32
  }
  func.func @transform_1(%arg0: i32) -> (i32, i32, i32) {
    %c0_i32 = arith.constant 0 : i32
    %c0_i32_0 = arith.constant 0 : i32
    %c0_i32_1 = arith.constant 0 : i32
    return %c0_i32, %arg0, %c0_i32_0 : i32, i32, i32
  }
  func.func @transform_2(%arg0: i32) -> (i32, i32) {
    %c0_i32 = arith.constant 0 : i32
    %c0_i32_0 = arith.constant 0 : i32
    return %arg0, %c0_i32 : i32, i32
  }
  func.func @transform_3(%arg0: i32) -> (i32, i32) {
    %c0_i32 = arith.constant 0 : i32
    %c0_i32_0 = arith.constant 0 : i32
    return %arg0, %c0_i32 : i32, i32
  }
  func.func @transform_4(%arg0: i32) -> (i32, i32) {
    %c0_i32 = arith.constant 0 : i32
    %c0_i32_0 = arith.constant 0 : i32
    return %arg0, %c0_i32 : i32, i32
  }
  func.func @transform_5(%arg0: i32) -> i32 {
    %c0_i32 = arith.constant 0 : i32
    %c0_i32_0 = arith.constant 0 : i32
    return %c0_i32 : i32
  }
  func.func @transform_6(%arg0: i32) -> (i32, i32) {
    %c0_i32 = arith.constant 0 : i32
    %c0_i32_0 = arith.constant 0 : i32
    return %arg0, %c0_i32 : i32, i32
  }
  func.func @transform_7(%arg0: i32) -> (i32, i32) {
    %c0_i32 = arith.constant 0 : i32
    %c0_i32_0 = arith.constant 0 : i32
    %c0_i32_1 = arith.constant 0 : i32
    return %c0_i32, %c0_i32_0 : i32, i32
  }
  func.func @transform_8(%arg0: i32) -> i32 {
    %c0_i32 = arith.constant 0 : i32
    %c0_i32_0 = arith.constant 0 : i32
    return %c0_i32 : i32
  }
  func.func @transform_9(%arg0: i32) -> (i32, i32) {
    %c0_i32 = arith.constant 0 : i32
    %c0_i32_0 = arith.constant 0 : i32
    %c0_i32_1 = arith.constant 0 : i32
    return %c0_i32, %c0_i32_0 : i32, i32
  }
  func.func @transform_10(%arg0: i32) -> i32 {
    %c0_i32 = arith.constant 0 : i32
    %c0_i32_0 = arith.constant 0 : i32
    return %c0_i32 : i32
  }
  func.func @transform_11(%arg0: i32) -> (i32, i32) {
    %c0_i32 = arith.constant 0 : i32
    %c0_i32_0 = arith.constant 0 : i32
    return %arg0, %c0_i32 : i32, i32
  }
  func.func @transform_12(%arg0: i32) -> (i32, i32, i32) {
    %c0_i32 = arith.constant 0 : i32
    %c0_i32_0 = arith.constant 0 : i32
    %c0_i32_1 = arith.constant 0 : i32
    return %arg0, %c0_i32, %c0_i32_0 : i32, i32, i32
  }
  func.func @transform_13(%arg0: i32) -> (i32, i32, i32) {
    %c0_i32 = arith.constant 0 : i32
    %c0_i32_0 = arith.constant 0 : i32
    %c0_i32_1 = arith.constant 0 : i32
    return %arg0, %c0_i32, %c0_i32_0 : i32, i32, i32
  }
}

module attributes {stable_mosaic.version = 14 : i64} {
  func.func @body(%arg0: i32, %arg1: memref<2000x128xf32, #tpu.memory_space<vmem>>, %arg2: memref<5x1x128xf32, #tpu.memory_space<vmem>>, %arg3: memref<5x1x128xf32, #tpu.memory_space<vmem>>, %arg4: memref<128xf32, #tpu.memory_space<vmem>>, %arg5: memref<128xf32, #tpu.memory_space<vmem>>, %arg6: memref<128x128xf32, #tpu.memory_space<vmem>>, %arg7: memref<2000x1xf32, #tpu.memory_space<vmem>>, %arg8: memref<2000x64xf32, #tpu.memory_space<vmem>>, %arg9: memref<2000x64xf32, #tpu.memory_space<vmem>>) attributes {dimension_semantics = [#tpu.dimension_semantics<arbitrary>], iteration_bounds = array<i64: 5>, scalar_prefetch = 0 : i64, scratch_operands = 0 : i64, tpu.core_type = #tpu.core_type<tc>, window_params = [{transform_indices = @transform_0, window_bounds = array<i64: 2000, 128>}, {pipeline_mode = #tpu.pipeline_mode<synchronous>, transform_indices = @transform_1, window_bounds = array<i64: 5, 1, 128>}, {pipeline_mode = #tpu.pipeline_mode<synchronous>, transform_indices = @transform_2, window_bounds = array<i64: 5, 1, 128>}, {pipeline_mode = #tpu.pipeline_mode<synchronous>, transform_indices = @transform_3, window_bounds = array<i64: 128>}, {pipeline_mode = #tpu.pipeline_mode<synchronous>, transform_indices = @transform_4, window_bounds = array<i64: 128>}, {pipeline_mode = #tpu.pipeline_mode<synchronous>, transform_indices = @transform_5, window_bounds = array<i64: 128, 128>}, {transform_indices = @transform_6, window_bounds = array<i64: 2000, 1>}, {transform_indices = @transform_7, window_bounds = array<i64: 2000, 64>}, {transform_indices = @transform_8, window_bounds = array<i64: 2000, 64>}]} {
    %get3A = arith.constant 0 : index
    %get3A_0 = arith.constant 0 : index
    %get3A_1 = arith.constant 0 : index
    %get3A_2 = vector.load %arg2[%get3A, %get3A_0, %get3A_1] : memref<5x1x128xf32, #tpu.memory_space<vmem>>, vector<5x1x128xf32>
    %reduce_sum3A = arith.constant dense<0.000000e+00> : vector<128xf32>
    %reduce_sum3A_3 = vector.multi_reduction <add>, %get3A_2, %reduce_sum3A [0, 1] : vector<5x1x128xf32> to vector<128xf32>
    %div3A = arith.constant 1.000000e+04 : f32
    %div3A_4 = vector.broadcast %div3A : f32 to vector<128xf32>
    %div3A_5 = arith.divf %reduce_sum3A_3, %div3A_4 : vector<128xf32>
    %get3A_6 = arith.constant 0 : index
    %get3A_7 = arith.constant 0 : index
    %get3A_8 = arith.constant 0 : index
    %get3A_9 = vector.load %arg3[%get3A_6, %get3A_7, %get3A_8] : memref<5x1x128xf32, #tpu.memory_space<vmem>>, vector<5x1x128xf32>
    %reduce_sum3A_10 = arith.constant dense<0.000000e+00> : vector<128xf32>
    %reduce_sum3A_11 = vector.multi_reduction <add>, %get3A_9, %reduce_sum3A_10 [0, 1] : vector<5x1x128xf32> to vector<128xf32>
    %div3A_12 = arith.constant 1.000000e+04 : f32
    %div3A_13 = vector.broadcast %div3A_12 : f32 to vector<128xf32>
    %div3A_14 = arith.divf %reduce_sum3A_11, %div3A_13 : vector<128xf32>
    %mul3A = arith.mulf %div3A_5, %div3A_5 : vector<128xf32>
    %sub3A = arith.subf %div3A_14, %mul3A : vector<128xf32>
    %add3A = arith.constant 9.99999974E-6 : f32
    %add3A_15 = vector.broadcast %add3A : f32 to vector<128xf32>
    %add3A_16 = arith.addf %sub3A, %add3A_15 : vector<128xf32>
    %rsqrt3A = math.rsqrt %add3A_16 : vector<128xf32>
    %get3A_17 = arith.constant 0 : index
    %get3A_18 = vector.load %arg4[%get3A_17] : memref<128xf32, #tpu.memory_space<vmem>>, vector<128xf32>
    %mul3A_19 = arith.mulf %rsqrt3A, %get3A_18 : vector<128xf32>
    %get3A_20 = arith.constant 0 : index
    %get3A_21 = arith.constant 0 : index
    %get3A_22 = vector.load %arg1[%get3A_20, %get3A_21] : memref<2000x128xf32, #tpu.memory_space<vmem>>, vector<2000x128xf32>
    %broadcast_in_dim3A = vector.shape_cast %div3A_5 : vector<128xf32> to vector<1x128xf32>
    %sub3A_23 = vector.broadcast %broadcast_in_dim3A : vector<1x128xf32> to vector<2000x128xf32>
    %sub3A_24 = arith.subf %get3A_22, %sub3A_23 : vector<2000x128xf32>
    %broadcast_in_dim3A_25 = vector.shape_cast %mul3A_19 : vector<128xf32> to vector<1x128xf32>
    %mul3A_26 = vector.broadcast %broadcast_in_dim3A_25 : vector<1x128xf32> to vector<2000x128xf32>
    %mul3A_27 = arith.mulf %sub3A_24, %mul3A_26 : vector<2000x128xf32>
    %get3A_28 = arith.constant 0 : index
    %get3A_29 = vector.load %arg5[%get3A_28] : memref<128xf32, #tpu.memory_space<vmem>>, vector<128xf32>
    %broadcast_in_dim3A_30 = vector.shape_cast %get3A_29 : vector<128xf32> to vector<1x128xf32>
    %add3A_31 = vector.broadcast %broadcast_in_dim3A_30 : vector<1x128xf32> to vector<2000x128xf32>
    %add3A_32 = arith.addf %mul3A_27, %add3A_31 : vector<2000x128xf32>
    %max3A = arith.constant 0.000000e+00 : f32
    %max3A_33 = vector.broadcast %max3A : f32 to vector<2000x128xf32>
    %max3A_34 = arith.maximumf %add3A_32, %max3A_33 : vector<2000x128xf32>
    %get3A_35 = arith.constant 0 : index
    %get3A_36 = arith.constant 0 : index
    %get3A_37 = vector.load %arg6[%get3A_35, %get3A_36] : memref<128x128xf32, #tpu.memory_space<vmem>>, vector<128x128xf32>
    %transpose3A = tpu.transpose %get3A_37, [1, 0] : vector<128x128xf32> -> vector<128x128xf32>
    %dot_general3A = arith.constant dense<0.000000e+00> : vector<2000x128xf32>
    %dot_general3A_38 = tpu.matmul %max3A_34, %transpose3A, %dot_general3A {dimension_numbers = #tpu.dot_dimension_numbers<[1], [0], [0], [1], [0, 0, 1, 1], [], []>, transpose_lhs_hint = false} : vector<2000x128xf32>, vector<128x128xf32>, vector<2000x128xf32> -> vector<2000x128xf32>
    %get3A_39 = arith.constant 0 : index
    %get3A_40 = arith.constant 0 : index
    %get3A_41 = vector.load %arg7[%get3A_39, %get3A_40] : memref<2000x1xf32, #tpu.memory_space<vmem>>, vector<2000x1xf32>
    %mul3A_42 = vector.broadcast %get3A_41 : vector<2000x1xf32> to vector<2000x128xf32>
    %mul3A_43 = arith.mulf %dot_general3A_38, %mul3A_42 : vector<2000x128xf32>
    %slice3A = vector.extract_strided_slice %mul3A_43 {offsets = [0, 0], sizes = [2000, 64], strides = [1, 1]} : vector<2000x128xf32> to vector<2000x64xf32>
    %swap3A = arith.constant 0 : index
    %swap3A_44 = arith.constant 0 : index
    %swap3A_45 = vector.load %arg8[%swap3A, %swap3A_44] : memref<2000x64xf32, #tpu.memory_space<vmem>>, vector<2000x64xf32>
    tpu.vector_store %arg8[%swap3A, %swap3A_44], %slice3A {strides = array<i32>} : memref<2000x64xf32, #tpu.memory_space<vmem>>, vector<2000x64xf32>,
    %slice3A_46 = vector.extract_strided_slice %mul3A_43 {offsets = [0, 64], sizes = [2000, 64], strides = [1, 1]} : vector<2000x128xf32> to vector<2000x64xf32>
    %swap3A_47 = arith.constant 0 : index
    %swap3A_48 = arith.constant 0 : index
    %swap3A_49 = vector.load %arg9[%swap3A_47, %swap3A_48] : memref<2000x64xf32, #tpu.memory_space<vmem>>, vector<2000x64xf32>
    tpu.vector_store %arg9[%swap3A_47, %swap3A_48], %slice3A_46 {strides = array<i32>} : memref<2000x64xf32, #tpu.memory_space<vmem>>, vector<2000x64xf32>,
    return
  }
  func.func @transform_0(%arg0: i32) -> (i32, i32) {
    %c0_i32 = arith.constant 0 : i32
    %c0_i32_0 = arith.constant 0 : i32
    return %arg0, %c0_i32 : i32, i32
  }
  func.func @transform_1(%arg0: i32) -> (i32, i32, i32) {
    %c0_i32 = arith.constant 0 : i32
    %c0_i32_0 = arith.constant 0 : i32
    %c0_i32_1 = arith.constant 0 : i32
    %c0_i32_2 = arith.constant 0 : i32
    return %c0_i32, %c0_i32_0, %c0_i32_1 : i32, i32, i32
  }
  func.func @transform_2(%arg0: i32) -> (i32, i32, i32) {
    %c0_i32 = arith.constant 0 : i32
    %c0_i32_0 = arith.constant 0 : i32
    %c0_i32_1 = arith.constant 0 : i32
    %c0_i32_2 = arith.constant 0 : i32
    return %c0_i32, %c0_i32_0, %c0_i32_1 : i32, i32, i32
  }
  func.func @transform_3(%arg0: i32) -> i32 {
    %c0_i32 = arith.constant 0 : i32
    %c0_i32_0 = arith.constant 0 : i32
    return %c0_i32 : i32
  }
  func.func @transform_4(%arg0: i32) -> i32 {
    %c0_i32 = arith.constant 0 : i32
    %c0_i32_0 = arith.constant 0 : i32
    return %c0_i32 : i32
  }
  func.func @transform_5(%arg0: i32) -> (i32, i32) {
    %c0_i32 = arith.constant 0 : i32
    %c0_i32_0 = arith.constant 0 : i32
    %c0_i32_1 = arith.constant 0 : i32
    return %c0_i32, %c0_i32_0 : i32, i32
  }
  func.func @transform_6(%arg0: i32) -> (i32, i32) {
    %c0_i32 = arith.constant 0 : i32
    %c0_i32_0 = arith.constant 0 : i32
    return %arg0, %c0_i32 : i32, i32
  }
  func.func @transform_7(%arg0: i32) -> (i32, i32) {
    %c0_i32 = arith.constant 0 : i32
    %c0_i32_0 = arith.constant 0 : i32
    return %arg0, %c0_i32 : i32, i32
  }
  func.func @transform_8(%arg0: i32) -> (i32, i32) {
    %c0_i32 = arith.constant 0 : i32
    %c0_i32_0 = arith.constant 0 : i32
    return %arg0, %c0_i32 : i32, i32
  }
}

module attributes {stable_mosaic.version = 14 : i64} {
  func.func @body(%arg0: i32, %arg1: memref<2000x128xf32, #tpu.memory_space<vmem>>, %arg2: memref<5x1x128xf32, #tpu.memory_space<vmem>>, %arg3: memref<5x1x128xf32, #tpu.memory_space<vmem>>, %arg4: memref<128xf32, #tpu.memory_space<vmem>>, %arg5: memref<128xf32, #tpu.memory_space<vmem>>, %arg6: memref<64x128xf32, #tpu.memory_space<vmem>>, %arg7: memref<64xf32, #tpu.memory_space<vmem>>, %arg8: memref<64x128xf32, #tpu.memory_space<vmem>>, %arg9: memref<64xf32, #tpu.memory_space<vmem>>, %arg10: memref<2000x64xf32, #tpu.memory_space<vmem>>, %arg11: memref<2000x64xf32, #tpu.memory_space<vmem>>) attributes {dimension_semantics = [#tpu.dimension_semantics<arbitrary>], iteration_bounds = array<i64: 5>, scalar_prefetch = 0 : i64, scratch_operands = 0 : i64, tpu.core_type = #tpu.core_type<tc>, window_params = [{transform_indices = @transform_0, window_bounds = array<i64: 2000, 128>}, {pipeline_mode = #tpu.pipeline_mode<synchronous>, transform_indices = @transform_1, window_bounds = array<i64: 5, 1, 128>}, {pipeline_mode = #tpu.pipeline_mode<synchronous>, transform_indices = @transform_2, window_bounds = array<i64: 5, 1, 128>}, {pipeline_mode = #tpu.pipeline_mode<synchronous>, transform_indices = @transform_3, window_bounds = array<i64: 128>}, {pipeline_mode = #tpu.pipeline_mode<synchronous>, transform_indices = @transform_4, window_bounds = array<i64: 128>}, {pipeline_mode = #tpu.pipeline_mode<synchronous>, transform_indices = @transform_5, window_bounds = array<i64: 64, 128>}, {pipeline_mode = #tpu.pipeline_mode<synchronous>, transform_indices = @transform_6, window_bounds = array<i64: 64>}, {pipeline_mode = #tpu.pipeline_mode<synchronous>, transform_indices = @transform_7, window_bounds = array<i64: 64, 128>}, {pipeline_mode = #tpu.pipeline_mode<synchronous>, transform_indices = @transform_8, window_bounds = array<i64: 64>}, {transform_indices = @transform_9, window_bounds = array<i64: 2000, 64>}, {transform_indices = @transform_10, window_bounds = array<i64: 2000, 64>}]} {
    %get3A = arith.constant 0 : index
    %get3A_0 = arith.constant 0 : index
    %get3A_1 = arith.constant 0 : index
    %get3A_2 = vector.load %arg2[%get3A, %get3A_0, %get3A_1] : memref<5x1x128xf32, #tpu.memory_space<vmem>>, vector<5x1x128xf32>
    %reduce_sum3A = arith.constant dense<0.000000e+00> : vector<128xf32>
    %reduce_sum3A_3 = vector.multi_reduction <add>, %get3A_2, %reduce_sum3A [0, 1] : vector<5x1x128xf32> to vector<128xf32>
    %div3A = arith.constant 1.000000e+04 : f32
    %div3A_4 = vector.broadcast %div3A : f32 to vector<128xf32>
    %div3A_5 = arith.divf %reduce_sum3A_3, %div3A_4 : vector<128xf32>
    %get3A_6 = arith.constant 0 : index
    %get3A_7 = arith.constant 0 : index
    %get3A_8 = arith.constant 0 : index
    %get3A_9 = vector.load %arg3[%get3A_6, %get3A_7, %get3A_8] : memref<5x1x128xf32, #tpu.memory_space<vmem>>, vector<5x1x128xf32>
    %reduce_sum3A_10 = arith.constant dense<0.000000e+00> : vector<128xf32>
    %reduce_sum3A_11 = vector.multi_reduction <add>, %get3A_9, %reduce_sum3A_10 [0, 1] : vector<5x1x128xf32> to vector<128xf32>
    %div3A_12 = arith.constant 1.000000e+04 : f32
    %div3A_13 = vector.broadcast %div3A_12 : f32 to vector<128xf32>
    %div3A_14 = arith.divf %reduce_sum3A_11, %div3A_13 : vector<128xf32>
    %mul3A = arith.mulf %div3A_5, %div3A_5 : vector<128xf32>
    %sub3A = arith.subf %div3A_14, %mul3A : vector<128xf32>
    %add3A = arith.constant 9.99999974E-6 : f32
    %add3A_15 = vector.broadcast %add3A : f32 to vector<128xf32>
    %add3A_16 = arith.addf %sub3A, %add3A_15 : vector<128xf32>
    %rsqrt3A = math.rsqrt %add3A_16 : vector<128xf32>
    %get3A_17 = arith.constant 0 : index
    %get3A_18 = vector.load %arg4[%get3A_17] : memref<128xf32, #tpu.memory_space<vmem>>, vector<128xf32>
    %mul3A_19 = arith.mulf %rsqrt3A, %get3A_18 : vector<128xf32>
    %get3A_20 = arith.constant 0 : index
    %get3A_21 = arith.constant 0 : index
    %get3A_22 = vector.load %arg1[%get3A_20, %get3A_21] : memref<2000x128xf32, #tpu.memory_space<vmem>>, vector<2000x128xf32>
    %broadcast_in_dim3A = vector.shape_cast %div3A_5 : vector<128xf32> to vector<1x128xf32>
    %sub3A_23 = vector.broadcast %broadcast_in_dim3A : vector<1x128xf32> to vector<2000x128xf32>
    %sub3A_24 = arith.subf %get3A_22, %sub3A_23 : vector<2000x128xf32>
    %broadcast_in_dim3A_25 = vector.shape_cast %mul3A_19 : vector<128xf32> to vector<1x128xf32>
    %mul3A_26 = vector.broadcast %broadcast_in_dim3A_25 : vector<1x128xf32> to vector<2000x128xf32>
    %mul3A_27 = arith.mulf %sub3A_24, %mul3A_26 : vector<2000x128xf32>
    %get3A_28 = arith.constant 0 : index
    %get3A_29 = vector.load %arg5[%get3A_28] : memref<128xf32, #tpu.memory_space<vmem>>, vector<128xf32>
    %broadcast_in_dim3A_30 = vector.shape_cast %get3A_29 : vector<128xf32> to vector<1x128xf32>
    %add3A_31 = vector.broadcast %broadcast_in_dim3A_30 : vector<1x128xf32> to vector<2000x128xf32>
    %add3A_32 = arith.addf %mul3A_27, %add3A_31 : vector<2000x128xf32>
    %max3A = arith.constant 0.000000e+00 : f32
    %max3A_33 = vector.broadcast %max3A : f32 to vector<2000x128xf32>
    %max3A_34 = arith.maximumf %add3A_32, %max3A_33 : vector<2000x128xf32>
    %get3A_35 = arith.constant 0 : index
    %get3A_36 = arith.constant 0 : index
    %get3A_37 = vector.load %arg6[%get3A_35, %get3A_36] : memref<64x128xf32, #tpu.memory_space<vmem>>, vector<64x128xf32>
    %transpose3A = tpu.transpose %get3A_37, [1, 0] : vector<64x128xf32> -> vector<128x64xf32>
    %dot_general3A = arith.constant dense<0.000000e+00> : vector<2000x64xf32>
    %dot_general3A_38 = tpu.matmul %max3A_34, %transpose3A, %dot_general3A {dimension_numbers = #tpu.dot_dimension_numbers<[1], [0], [0], [1], [0, 0, 1, 1], [], []>, transpose_lhs_hint = false} : vector<2000x128xf32>, vector<128x64xf32>, vector<2000x64xf32> -> vector<2000x64xf32>
    %get3A_39 = arith.constant 0 : index
    %get3A_40 = vector.load %arg7[%get3A_39] : memref<64xf32, #tpu.memory_space<vmem>>, vector<64xf32>
    %broadcast_in_dim3A_41 = vector.shape_cast %get3A_40 : vector<64xf32> to vector<1x64xf32>
    %add3A_42 = vector.broadcast %broadcast_in_dim3A_41 : vector<1x64xf32> to vector<2000x64xf32>
    %add3A_43 = arith.addf %dot_general3A_38, %add3A_42 : vector<2000x64xf32>
    %swap3A = arith.constant 0 : index
    %swap3A_44 = arith.constant 0 : index
    %swap3A_45 = vector.load %arg10[%swap3A, %swap3A_44] : memref<2000x64xf32, #tpu.memory_space<vmem>>, vector<2000x64xf32>
    tpu.vector_store %arg10[%swap3A, %swap3A_44], %add3A_43 {strides = array<i32>} : memref<2000x64xf32, #tpu.memory_space<vmem>>, vector<2000x64xf32>,
    %get3A_46 = arith.constant 0 : index
    %get3A_47 = arith.constant 0 : index
    %get3A_48 = vector.load %arg8[%get3A_46, %get3A_47] : memref<64x128xf32, #tpu.memory_space<vmem>>, vector<64x128xf32>
    %transpose3A_49 = tpu.transpose %get3A_48, [1, 0] : vector<64x128xf32> -> vector<128x64xf32>
    %dot_general3A_50 = arith.constant dense<0.000000e+00> : vector<2000x64xf32>
    %dot_general3A_51 = tpu.matmul %max3A_34, %transpose3A_49, %dot_general3A_50 {dimension_numbers = #tpu.dot_dimension_numbers<[1], [0], [0], [1], [0, 0, 1, 1], [], []>, transpose_lhs_hint = false} : vector<2000x128xf32>, vector<128x64xf32>, vector<2000x64xf32> -> vector<2000x64xf32>
    %get3A_52 = arith.constant 0 : index
    %get3A_53 = vector.load %arg9[%get3A_52] : memref<64xf32, #tpu.memory_space<vmem>>, vector<64xf32>
    %broadcast_in_dim3A_54 = vector.shape_cast %get3A_53 : vector<64xf32> to vector<1x64xf32>
    %add3A_55 = vector.broadcast %broadcast_in_dim3A_54 : vector<1x64xf32> to vector<2000x64xf32>
    %add3A_56 = arith.addf %dot_general3A_51, %add3A_55 : vector<2000x64xf32>
    %swap3A_57 = arith.constant 0 : index
    %swap3A_58 = arith.constant 0 : index
    %swap3A_59 = vector.load %arg11[%swap3A_57, %swap3A_58] : memref<2000x64xf32, #tpu.memory_space<vmem>>, vector<2000x64xf32>
    tpu.vector_store %arg11[%swap3A_57, %swap3A_58], %add3A_56 {strides = array<i32>} : memref<2000x64xf32, #tpu.memory_space<vmem>>, vector<2000x64xf32>,
    return
  }
  func.func @transform_0(%arg0: i32) -> (i32, i32) {
    %c0_i32 = arith.constant 0 : i32
    %c0_i32_0 = arith.constant 0 : i32
    return %arg0, %c0_i32 : i32, i32
  }
  func.func @transform_1(%arg0: i32) -> (i32, i32, i32) {
    %c0_i32 = arith.constant 0 : i32
    %c0_i32_0 = arith.constant 0 : i32
    %c0_i32_1 = arith.constant 0 : i32
    %c0_i32_2 = arith.constant 0 : i32
    return %c0_i32, %c0_i32_0, %c0_i32_1 : i32, i32, i32
  }
  func.func @transform_2(%arg0: i32) -> (i32, i32, i32) {
    %c0_i32 = arith.constant 0 : i32
    %c0_i32_0 = arith.constant 0 : i32
    %c0_i32_1 = arith.constant 0 : i32
    %c0_i32_2 = arith.constant 0 : i32
    return %c0_i32, %c0_i32_0, %c0_i32_1 : i32, i32, i32
  }
  func.func @transform_3(%arg0: i32) -> i32 {
    %c0_i32 = arith.constant 0 : i32
    %c0_i32_0 = arith.constant 0 : i32
    return %c0_i32 : i32
  }
  func.func @transform_4(%arg0: i32) -> i32 {
    %c0_i32 = arith.constant 0 : i32
    %c0_i32_0 = arith.constant 0 : i32
    return %c0_i32 : i32
  }
  func.func @transform_5(%arg0: i32) -> (i32, i32) {
    %c0_i32 = arith.constant 0 : i32
    %c0_i32_0 = arith.constant 0 : i32
    %c0_i32_1 = arith.constant 0 : i32
    return %c0_i32, %c0_i32_0 : i32, i32
  }
  func.func @transform_6(%arg0: i32) -> i32 {
    %c0_i32 = arith.constant 0 : i32
    %c0_i32_0 = arith.constant 0 : i32
    return %c0_i32 : i32
  }
  func.func @transform_7(%arg0: i32) -> (i32, i32) {
    %c0_i32 = arith.constant 0 : i32
    %c0_i32_0 = arith.constant 0 : i32
    %c0_i32_1 = arith.constant 0 : i32
    return %c0_i32, %c0_i32_0 : i32, i32
  }
  func.func @transform_8(%arg0: i32) -> i32 {
    %c0_i32 = arith.constant 0 : i32
    %c0_i32_0 = arith.constant 0 : i32
    return %c0_i32 : i32
  }
  func.func @transform_9(%arg0: i32) -> (i32, i32) {
    %c0_i32 = arith.constant 0 : i32
    %c0_i32_0 = arith.constant 0 : i32
    return %arg0, %c0_i32 : i32, i32
  }
  func.func @transform_10(%arg0: i32) -> (i32, i32) {
    %c0_i32 = arith.constant 0 : i32
    %c0_i32_0 = arith.constant 0 : i32
    return %arg0, %c0_i32 : i32, i32
  }
}

</mosaic_0001>

<sc_bundles>
// kernel: kernel.10.cloned.1.call-start
scs
__scs_entry_jumppad:
0x0: {  	(pc) =	sbr.rel $0x88, $3  }
0x1: {  	(tag) =	ssettag $0x0;
	lr =	simm.s32 $0x1  }
0x2: {  	[smem:$0x3F87] =	sst lr;
	_ =	strace $0xD0000000  }
0x3: {  	_ = 	snop  }
0x4: {  	_ = 	snop  }
0x5: {  	_ = 	snop  }
0x6: {  	_ = 	snop  }
0x7: {  	_ = 	snop  }
__scs_overlays_trampoline_lowered:
0x8: {  	[smem:$0x3F96] =	sst s0  }
0x9: {  	[smem:$0x3F97] =	sst s1  }
0xa: {  	[smem:$0x3F98] =	sst s2  }
0xb: {  	[smem:$0x3F99] =	sst s3  }
0xc: {  	[smem:$0x3F9A] =	sst s4  }
0xd: {  	[smem:$0x3F9B] =	sst s5  }
0xe: {  	[smem:$0x3F9C] =	sst s6  }
0xf: {  	[smem:$0x3F9D] =	sst s7  }
0x10: {  	[smem:$0x3F9E] =	sst s8  }
0x11: {  	[smem:$0x3F9F] =	sst s9;
	s0 =	simm.s32 @!p0 $0x0  }
0x12: {  	s1 =	sld [smem:$0x3F85];
	s0 =	simm.s32 @p0 $0x1  }
0x13: {  	[smem:$0x3FA0] =	sst s0;
	s0 =	simm.s32 @!p1 $0x0  }
0x14: {  	s2 =	sld [smem:$0x3F84];
	s0 =	simm.s32 @p1 $0x1  }
0x15: {  	[smem:$0x3FA1] =	sst s0;
	s0 =	simm.s32 @!p2 $0x0  }
0x16: {  	s3 =	sld [smem:$0x3FDB];
	s0 =	simm.s32 @p2 $0x1  }
0x17: {  	s4 =	simm.s32 $0x1BF5;
	[smem:$0x3FA3] =	sst s0  }
0x18: {  	s0 =	sld [smem:$0x3F86];
	_ =	swait.ge [sflag:s4], $0x0  }
0x19: {  	s7 =	sld [smem:$0x3F87]  }
0x1a: {  	s8 =	sadd.s32 $0xFFFFE003, lr  }
0x1b: {  	s9 =	sadd.s32 $0xFFFFFEF7, lr;
	s5 =	simm.s32 $0xFFFFFFFF;
	p2 =	slt.u32 s8, $0xFFFFF086  }
0x1c: {  	p1 =	slt.u32 s9, $0xF7A;
	s5 =	simm.s32 @!p2 $0x0  }
0x1d: {  	s5 =	simm.s32 @p1 $0x1;
	p0 =	seq.s32 s7, s2  }
0x1e: {  	s7 =	smul.u32 @!p0 $0xF7A, s2;
	p2 =	seq.s32 @!p0 s5, $0x0  }
0x1f: {  	s9 =	smul.u32 $0xF7A, s1;
	s8 =	simm.s32 @!p0 $0x1BF5;
	p2 =	por !p2, p0  }
0x20: {  	[sflag:s8] =	ssyncset.s32 @!p0 $0xFFFFF086;
	s6 =	sadd.s32 @!p0 s3, s7;
	s7 =	simm.s32 @!p0 $0x108  }
0x21: {  	s3 =	sadd.s32 s3, s9;
	s6 =	sadd.s32 @!p0 $0x88, s6;
	s7 =	simm.s32 @p2 $0x1082  }
0x22: {  	[simem:s7], [sflag:s8] =	dma.local @!p0 [hbm:s6], $0xF7A  }
0x23: {  	s9 =	sor.u32 $0xD0000000, s2;
	s6 =	simm.s32 $0x108;
	_ =	swait.ge @!p0 [sflag:s8], $0x0  }
0x24: {  	s3 =	sadd.s32 $0x88, s3;
	s6 =	simm.s32 @!p1 $0x1082;
	[sflag:s4] =	ssyncset.s32 $0xFFFFF086  }
0x25: {  	[simem:s6], [sflag:s4] =	dma.local [hbm:s3], $0xF7A  }
0x26: {  	[smem:$0x3F87] =	sst s1;
	(tag) =	ssettag s2;
	_ =	strace s9  }
0x27: {  	s1 =	sld [smem:$0x3F97]  }
0x28: {  	s2 =	sld [smem:$0x3F98]  }
0x29: {  	s4 =	sld [smem:$0x3F9A]  }
0x2a: {  	p0 =	seq.s32 s5, $0x0;
	s5 =	sld [smem:$0x3F9B]  }
0x2b: {  	s6 =	sld [smem:$0x3F9C]  }
0x2c: {  	s7 =	sld [smem:$0x3F9D]  }
0x2d: {  	s3 =	simm.s32 $0x108;
	s8 =	sld [smem:$0x3F9E]  }
0x2e: {  	s3 =	simm.s32 @!p0 $0x1082;
	s9 =	sld [smem:$0x3F9F]  }
0x2f: {  	lr =	sadd.s32 s0, s3;
	s0 =	sld [smem:$0x3F96]  }
0x30: {  	s3 =	sld [smem:$0x3F99]  }
0x31: {  	[smem:$0x3FA2] =	sst s10  }
0x32: {  	s10 =	sld [smem:$0x3FA0];
	_ =	sdelay $0x3  }
0x33: {  	p0 =	seq.s32 s10, $0x1;
	s10 =	sld [smem:$0x3FA2];
	_ =	sdelay $0x3  }
0x34: {  	[smem:$0x3FA2] =	sst s10  }
0x35: {  	s10 =	sld [smem:$0x3FA1];
	_ =	sdelay $0x3  }
0x36: {  	p1 =	seq.s32 s10, $0x1;
	s10 =	sld [smem:$0x3FA2];
	_ =	sdelay $0x3  }
0x37: {  	[smem:$0x3FA2] =	sst s10  }
0x38: {  	s10 =	sld [smem:$0x3FA3]  }
0x39: {  	_ = 	snop;
	(pc) =	sbr.ind lr, $3  }
0x3a: {  	_ = 	snop  }
0x3b: {  	_ = 	snop  }
0x3c: {  	p2 =	seq.s32 s10, $0x1;
	s10 =	sld [smem:$0x3FA2]  }
0x3d: {  	_ =	shalt  }
0x3e: {  	_ =	shalt  }
0x3f: {  	_ =	shalt  }
0x40: {  	_ =	shalt  }
0x41: {  	_ =	shalt  }
0x42: {  	_ =	shalt  }
0x43: {  	_ =	shalt  }
0x44: {  	_ =	shalt  }
0x45: {  	_ =	shalt  }
0x46: {  	_ =	shalt  }
0x47: {  	_ =	shalt  }
0x48: {  	_ =	shalt  }
0x49: {  	_ =	shalt  }
0x4a: {  	_ =	shalt  }
0x4b: {  	_ =	shalt  }
0x4c: {  	_ =	shalt  }
0x4d: {  	_ =	shalt  }
0x4e: {  	_ =	shalt  }
0x4f: {  	_ =	shalt  }
0x50: {  	_ =	shalt  }
0x51: {  	_ =	shalt  }
0x52: {  	_ =	shalt  }
0x53: {  	_ =	shalt  }
0x54: {  	_ =	shalt  }
0x55: {  	_ =	shalt  }
0x56: {  	_ =	shalt  }
0x57: {  	_ =	shalt  }
0x58: {  	_ =	shalt  }
0x59: {  	_ =	shalt  }
0x5a: {  	_ =	shalt  }
0x5b: {  	_ =	shalt  }
0x5c: {  	_ =	shalt  }
0x5d: {  	_ =	shalt  }
0x5e: {  	_ =	shalt  }
0x5f: {  	_ =	shalt  }
0x60: {  	_ =	shalt  }
0x61: {  	_ =	shalt  }
0x62: {  	_ =	shalt  }
0x63: {  	_ =	shalt  }
0x64: {  	_ =	shalt  }
0x65: {  	_ =	shalt  }
0x66: {  	_ =	shalt  }
0x67: {  	_ =	shalt  }
0x68: {  	_ =	shalt  }
0x69: {  	_ =	shalt  }
0x6a: {  	_ =	shalt  }
0x6b: {  	_ =	shalt  }
0x6c: {  	_ =	shalt  }
0x6d: {  	_ =	shalt  }
0x6e: {  	_ =	shalt  }
0x6f: {  	_ =	shalt  }
0x70: {  	_ =	shalt  }
0x71: {  	_ =	shalt  }
0x72: {  	_ =	shalt  }
0x73: {  	_ =	shalt  }
0x74: {  	_ =	shalt  }
0x75: {  	_ =	shalt  }
0x76: {  	_ =	shalt  }
0x77: {  	_ =	shalt  }
0x78: {  	_ =	shalt  }
0x79: {  	_ =	shalt  }
0x7a: {  	_ =	shalt  }
0x7b: {  	_ =	shalt  }
0x7c: {  	_ =	shalt  }
0x7d: {  	_ =	shalt  }
0x7e: {  	_ =	shalt  }
0x7f: {  	_ =	shalt  }
0x80: {  	_ =	shalt  }
0x81: {  	_ =	shalt  }
0x82: {  	_ =	shalt  }
0x83: {  	_ =	shalt  }
0x84: {  	_ =	shalt  }
0x85: {  	_ =	shalt  }
0x86: {  	_ =	shalt  }
0x87: {  	_ =	shalt  }
.Lfunc_end0:
.L_simem_size_0:
called_computation_lowered:
.L_overlay_start_0:
0x88: {  	s2 =	sld [smem:$0x3FD9]  }
0x89: {  	s3 =	sld [smem:$0x3FFE];
	_ =	sdelay $0x1  }
0x8a: {  	s1 =	srdreg.scid  }
0x8b: {  	s0 =	sand.u32 $0x1, s1  }
0x8c: {  	s14 =	sshll.u32 s0, $0xA;
	s2 =	sadd.s32 s3, s2  }
0x8d: {  	s2 =	sadd.s32 s2, s14  }
0x8e: {  	[smem:$0x3FAE] =	sst s2  }
0x8f: {  	_ = 	snop  }
0x90: {  	s2 =	sld [smem:$0x3FD0];
	_ =	sdelay $0x2  }
0x91: {  	s15 =	simm.s32 $0xA;
	s4 =	simm.s32 $0x10  }
0x92: {  	[smem:s4], [sflag:s15] =	dma.local [hbm:s2], $0x1  }
0x93: {  	_ =	swait.eq [sflag:s15], $0x1  }
0x94: {  	[sflag:s15] =	ssyncset.done $0x0  }
0x95: {  	s16 =	sld [smem:$0x10];
	[sflag:s15] =	ssyncadd.s32 $0xFFFFFFFF  }
0x96: {  	s17 =	sld [smem:$0x11];
	(tm) =	ssettm $0x1  }
0x97: {  	s18 =	sld [smem:$0x3FFB];
	_ =	sdelay $0x3  }
0x98: {  	_ =	strace s18  }
0x99: {  	s4 =	sld [smem:$0x3FFC];
	_ =	sdelay $0x3  }
0x9a: {  	_ =	strace s4  }
0x9b: {  	s4 =	sld [smem:$0x3FFD];
	_ =	sdelay $0x3  }
0x9c: {  	_ =	strace s4  }
0x9d: {  	_ =	strace $0x8FFFFFFF  }
0x9e: {  	s19 =	sld [smem:$0x3FDB];
	_ =	sdelay $0x1  }
0x9f: {  	s5 =	simm.s32 $_scs_section_size  }
0xa0: {  	s6 =	simm.s32 $_size__tile_overlayer_lowered;
	s7 =	simm.s32 $_tile_overlayer_lowered  }
0xa1: {  	s22 =	simm.s32 $0x1BFF;
	s21 =	sshll.u32 s7, $0x1;
	s4 =	sadd.s32 s5, s19  }
0xa2: {  	s8 =	simm.s32 $0x0;
	s20 =	sshll.u32 s6, $0x1;
	s6 =	sadd.s32 s21, s4  }
0xa3: {  	[timem:s8], [sflag:s22] =	dma.local [hbm:s6], s20  }
0xa4: {  	_ =	swait.ge [sflag:s22], s20  }
0xa5: {  	s5 =	ssub.s32 $0x0, s20;
	[sflag:s22] =	ssyncset.done $0x0  }
0xa6: {  	[sflag:s22] =	ssyncadd.s32 s5;
	_ =	sdelay $0x1  }
0xa7: {  	s23 =	simm.s32 $0x1B8B  }
0xa8: {  	_ =	swait.ge [sflag:s23], $0x1  }
0xa9: {  	[sflag:s23] =	ssyncset.done $0x0  }
0xaa: {  	s25 =	simm.s32 $0x1B8E;
	s24 =	sld [smem:$0x3FFE];
	[sflag:s23] =	ssyncadd.s32 $0xFFFFFFFF  }
0xab: {  	s26 =	simm.s32 $execute0_lowered;
	[smem:$0x3FD2] =	sst s25  }
0xac: {  	s6 =	sshll.u32 s26, $0x1;
	_ =	strace $0x80000046;
	[dreg:$0x1] =	wrdreg $0xFFFFFFFF  }
0xad: {  	s28 =	simm.s32 $_size_execute0_lowered;
	s4 =	sadd.s32 s4, s6;
	[dreg:$0x0] =	wrdreg $0x0  }
0xae: {  	s6 =	sshll.u32 s28, $0x1;
	[dreg:$0x2] =	wrdreg s4  }
0xaf: {  	[dreg:$0x3] =	wrdreg s6  }
0xb0: {  	[dreg:$0x4] =	wrdreg $0xC0  }
0xb1: {  	_ =	task [dreg:s8], $0x5FFFF  }
0xb2: {  	[dreg:$0x1] =	wrdreg $0xFFFFFFFF  }
0xb3: {  	[dreg:$0x0] =	wrdreg $0x60  }
0xb4: {  	[dreg:$0x2] =	wrdreg s17  }
0xb5: {  	[dreg:$0x3] =	wrdreg s16  }
0xb6: {  	[dreg:$0x4] =	wrdreg s24  }
0xb7: {  	[dreg:$0x5] =	wrdreg $0x78800  }
0xb8: {  	[dreg:$0x6] =	wrdreg $0x9  }
0xb9: {  	_ =	task.clear_ibuf [dreg:s8], $0x7FFFF;
	_ =	strace $0x90000046  }
0xba: {  	s29 =	simm.s32 $0x9;
	_ =	strace $0x80000048  }
0xbb: {  	_ =	swait.ge [sflag:s29], $0x1  }
0xbc: {  	[sflag:s29] =	ssyncadd.s32 $0xFFFFFFFF  }
0xbd: {  	_ =	strace $0x90000048  }
0xbe: {  	_ =	sfence  }
0xbf: {  	s30 =	sld [smem:$0x0];
	_ =	sdelay $0x2  }
0xc0: {  	s31 =	sshll.u32 s1, $0xD;
	s1 =	sshrl.u32 s1, $0x2  }
0xc1: {  	s3 =	sand.u32 $0x4000, s31;
	s1 =	sadd.s32 s1, s30  }
0xc2: {  	s0 =	sor.u32 s3, s0;
	s1 =	sshll.u32 s1, $0x11  }
0xc3: {  	s0 =	sor.u32 s1, s0  }
0xc4: {  	s0 =	sadd.s32 $0x8F2B, s0  }
0xc5: {  	[sflag:s0] =	ssyncadd.remote.s32 $0x1  }
0xc6: {  	_ =	sfence.sel $0xFFFF  }
0xc7: {  	[dreg:$0x0] =	wrdreg $0xFFFFFFFF;
	(pc) =	sbr.abs _section_cstart, $3  }
0xc8: {  	[dreg:$0x1] =	wrdreg $0xFFFFFFFF  }
0xc9: {  	_ =	task.clear_ibuf [dreg:s8], $0x2FFFF;
	_ =	strace $0x9FFFFFFF  }
0xca: {  	(tm) =	ssettm $0x7FFFFFFF  }
0xcb: {  	_ =	shalt  }
tec
execute0_lowered:
.L_overlay_start_1:
0x0: {  	(tag) =	ssettag $0x1  }
0x1: {  	s4 =	rddreg [dreg:$0x0]  }
0x2: {  	s5 =	rddreg [dreg:$0x1]  }
0x3: {  	s6 =	rddreg [dreg:$0x2]  }
0x4: {  	s2 =	rddreg [dreg:$0x3]  }
0x5: {  	s0 =	rddreg [dreg:$0x4]  }
0x6: {  	s3 =	simm.s32 $0x0;
	s1 =	stileid.u32;
	s7 =	srdreg.scid  }
0x7: {  	s14 =	simm.s32 $0x7800;
	s15 =	simm.s32 $0x20;
	s16 =	simm.s32 $0x10  }
0x8: {  	s17 =	simm.s32 $0x0;
	[smem:$0x7FF] =	sst s3;
	s8 =	smul.u32 $0x2800, s1  }
0x9: {  	s7 =	sand.u32 $0x1, s7;
	s9 =	smul.u32 $0x5000, s1;
	s31 =	sshll.u32 s1, $0x6  }
0xa: {  	_ =	strace $0x80000047;
	s10 =	sshll.u32 s7, $0x4;
	s12 =	sshll.u32 s7, $0x7  }
0xb: {  	s7 =	ssub.s32 $0x2, s7;
	s11 =	sshrl.u32 s8, $0x3;
	s10 =	sor.u32 s1, s10  }
0xc: {  	s9 =	sor.u32 s12, s9;
	s30 =	sshrl.u32 s7, $0x1;
	s13 =	sadd.s32 s8, s2  }
0xd: {  	s10 =	smul.u32 $0x500, s10;
	s11 =	sadd.s32 s11, s6;
	s9 =	sshrl.u32 s9, $0x3  }
0xe: {  	s12 =	ssub.s32 s7, s30;
	s9 =	sadd.s32 s9, s6;
	s6 =	sadd.s32 $0x5600, s11  }
0xf: {  	s8 =	smax.u32 s12, $0x1;
	s11 =	sor.u32 $0x1C01, s31;
	s12 =	sshrl.u32 s13, $0x3  }
0x10: {  	s13 =	simm.s32 $0x80;
	s4 =	sadd.s32 s4, s10;
	s5 =	sadd.s32 s5, s10  }
0x11: {  	v0 =	vimm.f32 $1.000000000e+00;
	s7 =	sadd.s32 $0xA600, s9;
	s9 =	simm.s32 $0x1;
	s10 =	simm.s32 $0x2800  }
.LBB2_1:
0x12: {  	[tilespmem:s3], [sflag:$0x1] =	stream.linear.gather [hbm4b:s4+s3], $0x2800, $0x38;
	[tilespmem:$0xA080] =	vst v63  }
0x13: {  	_ =	swait.ge [sflag:s9], $0x2800  }
0x14: {  	[sflag:s9] =	ssyncset.done $0x0  }
0x15: {  	[sflag:s9] =	ssyncadd.s32 $0xFFFFD800  }
0x16: {  	[tilespmem:s10], [sflag:$0x1] =	stream.linear.gather [hbm4b:s5+s3], $0x2800, $0x38;
	[tilespmem:$0xA080] =	vst v63  }
0x17: {  	_ =	swait.ge [sflag:s9], $0x2800  }
0x18: {  	[sflag:s9] =	ssyncset.done $0x0  }
0x19: {  	[sflag:s9] =	ssyncadd.s32 $0xFFFFD800  }
0x1a: {  	[spmem:s12], [sflag:s11] =	dma.local [hbm:s6], $0x500  }
0x1b: {  	_ =	swait.ge [sflag:s9], $0x500  }
0x1c: {  	[sflag:s9] =	ssyncset.done $0x0  }
0x1d: {  	[sflag:s9] =	ssyncadd.s32 $0xFFFFFB00  }
0x1e: {  	[tilespmem:$0x7800] =	vst v0  }
0x1f: {  	[tilespmem:$0x7810] =	vst v0  }
0x20: {  	[tilespmem:$0x7820] =	vst v0  }
0x21: {  	[tilespmem:$0x7830] =	vst v0  }
0x22: {  	[tilespmem:$0x7840] =	vst v0  }
0x23: {  	[tilespmem:$0x7850] =	vst v0  }
0x24: {  	[tilespmem:$0x7860] =	vst v0  }
0x25: {  	s18 =	simm.s32 $0x0;
	[tilespmem:$0x7870] =	vst v0  }
0x26: {  	v1 =	vld [tilespmem:s18+$0x70]  }
0x27: {  	v2 =	vld [tilespmem:s18+$0x2870]  }
0x28: {  	v3 =	vld [tilespmem:s18+$0x0]  }
0x29: {  	v4 =	vld [tilespmem:s18+$0x10]  }
0x2a: {  	v5 =	vld [tilespmem:s18+$0x20]  }
0x2b: {  	v7 =	vld [tilespmem:s18+$0x30]  }
0x2c: {  	v10 =	vld [tilespmem:s18+$0x40]  }
0x2d: {  	v9 =	vld [tilespmem:s18+$0x2800]  }
0x2e: {  	v11 =	vld [tilespmem:s18+$0x2810];
	v1 =	vshll.u32 v1, $0x4  }
0x2f: {  	v1 =	vadd.s32 v2, v1;
	v2 =	vld [tilespmem:s18+$0x50]  }
0x30: {  	[tilespmem:s18+$0x5070] =	vst v1;
	v1 =	vld [tilespmem:s18+$0x60]  }
0x31: {  	v8 =	vld [tilespmem:s18+$0x2820]  }
0x32: {  	v6 =	vld [tilespmem:s18+$0x2830]  }
0x33: {  	v12 =	vshll.u32 v3, $0x4;
	v3 =	vld [tilespmem:s18+$0x2840];
	v13 =	vshll.u32 v4, $0x4;
	v7 =	vshll.u32 v7, $0x4  }
0x34: {  	v4 =	vld [tilespmem:s18+$0x2850];
	v12 =	vadd.s32 v9, v12;
	v9 =	vshll.u32 v5, $0x4;
	v5 =	vshll.u32 v10, $0x4  }
0x35: {  	s19 =	simm.s32 $0x80;
	s20 =	simm.s32 $0x400;
	v11 =	vadd.s32 v11, v13;
	v10 =	vld [tilespmem:s18+$0x2860];
	[tilespmem:s18+$0x5000] =	vst v12;
	v2 =	vshll.u32 v2, $0x4;
	v1 =	vshll.u32 v1, $0x4  }
.LBB2_2:
0x36: {  	p0 =	sne.s32 s20, $0x9E00;
	v12 =	vld [tilespmem:s19+$0x70];
	[tilespmem:s18+$0x5010] =	vst v11;
	v8 =	vadd.s32 v8, v9  }
0x37: {  	v9 =	vld [tilespmem:s19+$0x2870];
	[tilespmem:s18+$0x5020] =	vst v8;
	v6 =	vadd.s32 v6, v7  }
0x38: {  	v7 =	vld [tilespmem:s19+$0x0];
	[tilespmem:s18+$0x5030] =	vst v6;
	v3 =	vadd.s32 v3, v5  }
0x39: {  	v5 =	vld [tilespmem:s19+$0x10];
	[tilespmem:s18+$0x5040] =	vst v3;
	v2 =	vadd.s32 v4, v2  }
0x3a: {  	v3 =	vld [tilespmem:s19+$0x20];
	[tilespmem:s18+$0x5050] =	vst v2;
	v1 =	vadd.s32 v10, v1  }
0x3b: {  	v2 =	vld [tilespmem:s19+$0x30];
	v4 =	vshll.u32 v12, $0x4;
	[tilespmem:s18+$0x5060] =	vst v1;
	s18 =	smov.u32 s19  }
0x3c: {  	v1 =	vld [tilespmem:s18+$0x40];
	v4 =	vadd.s32 v9, v4  }
0x3d: {  	v10 =	vshll.u32 v7, $0x4;
	v11 =	vld [tilespmem:s18+$0x50];
	[tilespmem:s18+$0x5070] =	vst v4  }
0x3e: {  	v12 =	vshll.u32 v5, $0x4;
	v4 =	vld [tilespmem:s18+$0x60]  }
0x3f: {  	v13 =	vld [tilespmem:s18+$0x2800];
	v9 =	vshll.u32 v3, $0x4  }
0x40: {  	v14 =	vld [tilespmem:s18+$0x2810];
	v7 =	vshll.u32 v2, $0x4  }
.Ltmp0:
0x41: {  	v8 =	vld [tilespmem:s18+$0x2820];
	v5 =	vshll.u32 v1, $0x4;
	(pc) =	sbr.rel @p0 .LBB2_2-.Ltmp0, $4  }
0x42: {  	v6 =	vld [tilespmem:s18+$0x2830];
	v2 =	vshll.u32 v11, $0x4  }
0x43: {  	v3 =	vld [tilespmem:s18+$0x2840];
	v1 =	vshll.u32 v4, $0x4  }
0x44: {  	v10 =	vadd.s32 v13, v10;
	v4 =	vld [tilespmem:s18+$0x2850]  }
0x45: {  	s19 =	sshra.s32 s20, $0x2;
	s20 =	sadd.s32 $0x200, s20;
	[tilespmem:s18+$0x5000] =	vst v10;
	v11 =	vadd.s32 v14, v12;
	v10 =	vld [tilespmem:s18+$0x2860]  }
0x46: {  	v12 =	vld [tilespmem:s19+$0x70];
	[tilespmem:s18+$0x5010] =	vst v11;
	v8 =	vadd.s32 v8, v9  }
0x47: {  	v55 =	vld [tilespmem:s19+$0x2870];
	[tilespmem:s18+$0x5020] =	vst v8;
	v6 =	vadd.s32 v6, v7  }
0x48: {  	v56 =	vld [tilespmem:s19+$0x0];
	[tilespmem:s18+$0x5030] =	vst v6;
	v3 =	vadd.s32 v3, v5  }
0x49: {  	v57 =	vld [tilespmem:s19+$0x10];
	[tilespmem:s18+$0x5040] =	vst v3;
	v2 =	vadd.s32 v4, v2  }
0x4a: {  	v3 =	vld [tilespmem:s19+$0x20];
	[tilespmem:s18+$0x5050] =	vst v2;
	v1 =	vadd.s32 v10, v1  }
0x4b: {  	v2 =	vld [tilespmem:s19+$0x30];
	[tilespmem:s18+$0x5060] =	vst v1  }
0x4c: {  	v58 =	vld [tilespmem:s19+$0x40]  }
0x4d: {  	v6 =	vld [tilespmem:s19+$0x50]  }
0x4e: {  	v8 =	vld [tilespmem:s19+$0x2800]  }
0x4f: {  	v59 =	vld [tilespmem:s19+$0x2810]  }
0x50: {  	v60 =	vld [tilespmem:s19+$0x2820]  }
0x51: {  	v11 =	vld [tilespmem:s19+$0x2830]  }
0x52: {  	v1 =	vshll.u32 v12, $0x4;
	v61 =	vld [tilespmem:s19+$0x2840]  }
0x53: {  	v1 =	vadd.s32 v55, v1;
	v62 =	vld [tilespmem:s19+$0x2850];
	v7 =	vshll.u32 v56, $0x4  }
0x54: {  	[tilespmem:s19+$0x5070] =	vst v1;
	v1 =	vld [tilespmem:s19+$0x60];
	v5 =	vshll.u32 v57, $0x4;
	v7 =	vadd.s32 v8, v7  }
0x55: {  	v63 =	vld [tilespmem:s19+$0x2860];
	v3 =	vshll.u32 v3, $0x4;
	v5 =	vadd.s32 v59, v5;
	[tilespmem:s19+$0x5000] =	vst v7  }
0x56: {  	v2 =	vshll.u32 v2, $0x4;
	v3 =	vadd.s32 v60, v3;
	[tilespmem:s19+$0x5010] =	vst v5  }
0x57: {  	v4 =	vshll.u32 v58, $0x4;
	v2 =	vadd.s32 v11, v2;
	[tilespmem:s19+$0x5020] =	vst v3  }
0x58: {  	v3 =	vshll.u32 v6, $0x4;
	[tilespmem:s19+$0x5030] =	vst v2;
	v2 =	vadd.s32 v61, v4  }
0x59: {  	v1 =	vshll.u32 v1, $0x4;
	[tilespmem:s19+$0x5040] =	vst v2;
	v2 =	vadd.s32 v62, v3  }
0x5a: {  	v1 =	vadd.s32 v63, v1;
	[tilespmem:s19+$0x5050] =	vst v2  }
0x5b: {  	[tilespmem:s19+$0x5060] =	vst v1  }
0x5c: {  	s31 =	simm.s32 $0x5000;
	[bflag:$0x0] =	sbarrier.arrive $0xFFFF  }
0x5d: {  	[spmem:s2] =	stream.indirect.scatter.add.f32 [tilespmem:s14], [sflag:$0x1], $0x1, s31, s13, $0xb8;
	[tilespmem:$0xA080] =	vst v63  }
0x5e: {  	s18 =	simm.s32 $0x200;
	_ =	swait.ge [sflag:s9], $0x80  }
.LBB2_4:
0x5f: {  	s19 =	sshra.s32 s18, $0x2;
	[sflag:s9] =	ssyncset.done $0x0;
	p0 =	sne.s32 s18, $0x9E00  }
.Ltmp1:
0x60: {  	s19 =	sadd.s32 $0x5000, s19;
	[sflag:s9] =	ssyncadd.s32 $0xFFFFFF80;
	(pc) =	sbr.rel @p0 .LBB2_4-.Ltmp1, $3  }
0x61: {  	[spmem:s2] =	stream.indirect.scatter.add.f32 [tilespmem:s14], [sflag:$0x1], $0x1, s19, s13, $0xb8;
	[tilespmem:$0xA080] =	vst v63  }
0x62: {  	s18 =	sadd.s32 $0x200, s18;
	_ =	sdelay $0x1  }
0x63: {  	_ =	swait.ge [sflag:s9], $0x80  }
0x64: {  	[sflag:s9] =	ssyncset.done $0x0;
	s17 =	sadd.s32 $0x1, s17  }
0x65: {  	[sflag:s9] =	ssyncadd.s32 $0xFFFFFF80;
	p0 =	sne.s32 s17, s8  }
.Ltmp2:
0x66: {  	[bflag:$0x0] =	sbarrier.arrive $0xFFFF;
	(pc) =	sbr.rel @p0 .LBB2_1-.Ltmp2, $4  }
0x67: {  	[hbm:s7@s15], [sflag:s11] =	dma.strided [spmem:s12@s16], $0x500, s9, $0x10   }
0x68: {  	_ =	swait.ge [sflag:s9], $0x500  }
0x69: {  	[sflag:s9] =	ssyncset.done $0x0  }
0x6a: {  	[sflag:s9] =	ssyncadd.s32 $0xFFFFFB00  }
0x6b: {  	_ =	sfence.sel $0x180000  }
0x6c: {  	[bflag:$0x0] =	sbarrier.arrive $0xFFFF  }
0x6d: {  	p0 =	sne.s32 s1, $0x0;
	_ =	strace $0x90000047  }
0x6e: {  	s0 =	sadd.s32 @!p0 $0x100000, s0;
	[bflag:$0x2] =	sbarrier.arrive $0xFFFF  }
0x6f: {  	[sflag:s0] =	ssyncadd.tile.s32 @!p0 $0x1;
	_ =	shalt  }
.Lfunc_end2:
_tile_overlayer_lowered:
.L_overlay_start_2:
0x70: {  	(tag) =	ssettag $0x2  }
0x71: {  	s0 =	rddreg [dreg:$0x0];
	s2 =	stileid.u32  }
0x72: {  	s1 =	rddreg [dreg:$0x1];
	p0 =	sne.s32 s2, $0x0  }
0x73: {  	s3 =	rddreg [dreg:$0x2];
	[bflag:$0x3] =	sbarrier.arrive $0xFFFF;
	s2 =	simm.s32 @!p0 $0x1C01  }
0x74: {  	[timem:s3], [sflag:s2] =	dma.local @!p0 [hbm:s0], s1  }
0x75: {  	s0 =	simm.s32 @!p0 $0x1  }
0x76: {  	_ =	swait.ge @!p0 [sflag:s0], s1  }
0x77: {  	s1 =	ssub.s32 @!p0 $0x0, s1;
	[sflag:s0] =	ssyncset.done @!p0 $0x0  }
0x78: {  	[sflag:s0] =	ssyncadd.s32 @!p0 s1  }
0x79: {  	[bflag:$0x3] =	sbarrier.arrive $0xFFFF  }
0x7a: {  	_ =	shalt  }

// kernel: kernel.13.cloned.1.call-start
scs
__scs_entry_jumppad:
0x0: {  	(pc) =	sbr.rel $0x88, $3  }
0x1: {  	(tag) =	ssettag $0x0;
	lr =	simm.s32 $0x1  }
0x2: {  	[smem:$0x3F87] =	sst lr;
	_ =	strace $0xD0000000  }
0x3: {  	_ = 	snop  }
0x4: {  	_ = 	snop  }
0x5: {  	_ = 	snop  }
0x6: {  	_ = 	snop  }
0x7: {  	_ = 	snop  }
__scs_overlays_trampoline_lowered:
0x8: {  	[smem:$0x3F96] =	sst s0  }
0x9: {  	[smem:$0x3F97] =	sst s1  }
0xa: {  	[smem:$0x3F98] =	sst s2  }
0xb: {  	[smem:$0x3F99] =	sst s3  }
0xc: {  	[smem:$0x3F9A] =	sst s4  }
0xd: {  	[smem:$0x3F9B] =	sst s5  }
0xe: {  	[smem:$0x3F9C] =	sst s6  }
0xf: {  	[smem:$0x3F9D] =	sst s7  }
0x10: {  	[smem:$0x3F9E] =	sst s8  }
0x11: {  	[smem:$0x3F9F] =	sst s9;
	s0 =	simm.s32 @!p0 $0x0  }
0x12: {  	s1 =	sld [smem:$0x3F85];
	s0 =	simm.s32 @p0 $0x1  }
0x13: {  	[smem:$0x3FA0] =	sst s0;
	s0 =	simm.s32 @!p1 $0x0  }
0x14: {  	s2 =	sld [smem:$0x3F84];
	s0 =	simm.s32 @p1 $0x1  }
0x15: {  	[smem:$0x3FA1] =	sst s0;
	s0 =	simm.s32 @!p2 $0x0  }
0x16: {  	s3 =	sld [smem:$0x3FDB];
	s0 =	simm.s32 @p2 $0x1  }
0x17: {  	s4 =	simm.s32 $0x1BF5;
	[smem:$0x3FA3] =	sst s0  }
0x18: {  	s0 =	sld [smem:$0x3F86];
	_ =	swait.ge [sflag:s4], $0x0  }
0x19: {  	s7 =	sld [smem:$0x3F87]  }
0x1a: {  	s8 =	sadd.s32 $0xFFFFE003, lr  }
0x1b: {  	s9 =	sadd.s32 $0xFFFFFEF7, lr;
	s5 =	simm.s32 $0xFFFFFFFF;
	p2 =	slt.u32 s8, $0xFFFFF086  }
0x1c: {  	p1 =	slt.u32 s9, $0xF7A;
	s5 =	simm.s32 @!p2 $0x0  }
0x1d: {  	s5 =	simm.s32 @p1 $0x1;
	p0 =	seq.s32 s7, s2  }
0x1e: {  	s7 =	smul.u32 @!p0 $0xF7A, s2;
	p2 =	seq.s32 @!p0 s5, $0x0  }
0x1f: {  	s9 =	smul.u32 $0xF7A, s1;
	s8 =	simm.s32 @!p0 $0x1BF5;
	p2 =	por !p2, p0  }
0x20: {  	[sflag:s8] =	ssyncset.s32 @!p0 $0xFFFFF086;
	s6 =	sadd.s32 @!p0 s3, s7;
	s7 =	simm.s32 @!p0 $0x108  }
0x21: {  	s3 =	sadd.s32 s3, s9;
	s6 =	sadd.s32 @!p0 $0x88, s6;
	s7 =	simm.s32 @p2 $0x1082  }
0x22: {  	[simem:s7], [sflag:s8] =	dma.local @!p0 [hbm:s6], $0xF7A  }
0x23: {  	s9 =	sor.u32 $0xD0000000, s2;
	s6 =	simm.s32 $0x108;
	_ =	swait.ge @!p0 [sflag:s8], $0x0  }
0x24: {  	s3 =	sadd.s32 $0x88, s3;
	s6 =	simm.s32 @!p1 $0x1082;
	[sflag:s4] =	ssyncset.s32 $0xFFFFF086  }
0x25: {  	[simem:s6], [sflag:s4] =	dma.local [hbm:s3], $0xF7A  }
0x26: {  	[smem:$0x3F87] =	sst s1;
	(tag) =	ssettag s2;
	_ =	strace s9  }
0x27: {  	s1 =	sld [smem:$0x3F97]  }
0x28: {  	s2 =	sld [smem:$0x3F98]  }
0x29: {  	s4 =	sld [smem:$0x3F9A]  }
0x2a: {  	p0 =	seq.s32 s5, $0x0;
	s5 =	sld [smem:$0x3F9B]  }
0x2b: {  	s6 =	sld [smem:$0x3F9C]  }
0x2c: {  	s7 =	sld [smem:$0x3F9D]  }
0x2d: {  	s3 =	simm.s32 $0x108;
	s8 =	sld [smem:$0x3F9E]  }
0x2e: {  	s3 =	simm.s32 @!p0 $0x1082;
	s9 =	sld [smem:$0x3F9F]  }
0x2f: {  	lr =	sadd.s32 s0, s3;
	s0 =	sld [smem:$0x3F96]  }
0x30: {  	s3 =	sld [smem:$0x3F99]  }
0x31: {  	[smem:$0x3FA2] =	sst s10  }
0x32: {  	s10 =	sld [smem:$0x3FA0];
	_ =	sdelay $0x3  }
0x33: {  	p0 =	seq.s32 s10, $0x1;
	s10 =	sld [smem:$0x3FA2];
	_ =	sdelay $0x3  }
0x34: {  	[smem:$0x3FA2] =	sst s10  }
0x35: {  	s10 =	sld [smem:$0x3FA1];
	_ =	sdelay $0x3  }
0x36: {  	p1 =	seq.s32 s10, $0x1;
	s10 =	sld [smem:$0x3FA2];
	_ =	sdelay $0x3  }
0x37: {  	[smem:$0x3FA2] =	sst s10  }
0x38: {  	s10 =	sld [smem:$0x3FA3]  }
0x39: {  	_ = 	snop;
	(pc) =	sbr.ind lr, $3  }
0x3a: {  	_ = 	snop  }
0x3b: {  	_ = 	snop  }
0x3c: {  	p2 =	seq.s32 s10, $0x1;
	s10 =	sld [smem:$0x3FA2]  }
0x3d: {  	_ =	shalt  }
0x3e: {  	_ =	shalt  }
0x3f: {  	_ =	shalt  }
0x40: {  	_ =	shalt  }
0x41: {  	_ =	shalt  }
0x42: {  	_ =	shalt  }
0x43: {  	_ =	shalt  }
0x44: {  	_ =	shalt  }
0x45: {  	_ =	shalt  }
0x46: {  	_ =	shalt  }
0x47: {  	_ =	shalt  }
0x48: {  	_ =	shalt  }
0x49: {  	_ =	shalt  }
0x4a: {  	_ =	shalt  }
0x4b: {  	_ =	shalt  }
0x4c: {  	_ =	shalt  }
0x4d: {  	_ =	shalt  }
0x4e: {  	_ =	shalt  }
0x4f: {  	_ =	shalt  }
0x50: {  	_ =	shalt  }
0x51: {  	_ =	shalt  }
0x52: {  	_ =	shalt  }
0x53: {  	_ =	shalt  }
0x54: {  	_ =	shalt  }
0x55: {  	_ =	shalt  }
0x56: {  	_ =	shalt  }
0x57: {  	_ =	shalt  }
0x58: {  	_ =	shalt  }
0x59: {  	_ =	shalt  }
0x5a: {  	_ =	shalt  }
0x5b: {  	_ =	shalt  }
0x5c: {  	_ =	shalt  }
0x5d: {  	_ =	shalt  }
0x5e: {  	_ =	shalt  }
0x5f: {  	_ =	shalt  }
0x60: {  	_ =	shalt  }
0x61: {  	_ =	shalt  }
0x62: {  	_ =	shalt  }
0x63: {  	_ =	shalt  }
0x64: {  	_ =	shalt  }
0x65: {  	_ =	shalt  }
0x66: {  	_ =	shalt  }
0x67: {  	_ =	shalt  }
0x68: {  	_ =	shalt  }
0x69: {  	_ =	shalt  }
0x6a: {  	_ =	shalt  }
0x6b: {  	_ =	shalt  }
0x6c: {  	_ =	shalt  }
0x6d: {  	_ =	shalt  }
0x6e: {  	_ =	shalt  }
0x6f: {  	_ =	shalt  }
0x70: {  	_ =	shalt  }
0x71: {  	_ =	shalt  }
0x72: {  	_ =	shalt  }
0x73: {  	_ =	shalt  }
0x74: {  	_ =	shalt  }
0x75: {  	_ =	shalt  }
0x76: {  	_ =	shalt  }
0x77: {  	_ =	shalt  }
0x78: {  	_ =	shalt  }
0x79: {  	_ =	shalt  }
0x7a: {  	_ =	shalt  }
0x7b: {  	_ =	shalt  }
0x7c: {  	_ =	shalt  }
0x7d: {  	_ =	shalt  }
0x7e: {  	_ =	shalt  }
0x7f: {  	_ =	shalt  }
0x80: {  	_ =	shalt  }
0x81: {  	_ =	shalt  }
0x82: {  	_ =	shalt  }
0x83: {  	_ =	shalt  }
0x84: {  	_ =	shalt  }
0x85: {  	_ =	shalt  }
0x86: {  	_ =	shalt  }
0x87: {  	_ =	shalt  }
.Lfunc_end0:
.L_simem_size_0:
called_computation.1_lowered:
.L_overlay_start_0:
0x88: {  	s2 =	sld [smem:$0x3FD9]  }
0x89: {  	s3 =	sld [smem:$0x3FFE];
	_ =	sdelay $0x1  }
0x8a: {  	s1 =	srdreg.scid  }
0x8b: {  	s0 =	sand.u32 $0x1, s1  }
0x8c: {  	s14 =	sshll.u32 s0, $0xA;
	s2 =	sadd.s32 s3, s2  }
0x8d: {  	s2 =	sadd.s32 s2, s14  }
0x8e: {  	[smem:$0x3FAE] =	sst s2  }
0x8f: {  	_ = 	snop  }
0x90: {  	s2 =	sld [smem:$0x3FD0];
	_ =	sdelay $0x2  }
0x91: {  	s15 =	simm.s32 $0xA;
	s4 =	simm.s32 $0x10  }
0x92: {  	[smem:s4], [sflag:s15] =	dma.local [hbm:s2], $0x1  }
0x93: {  	_ =	swait.eq [sflag:s15], $0x1  }
0x94: {  	[sflag:s15] =	ssyncset.done $0x0  }
0x95: {  	s16 =	sld [smem:$0x10];
	[sflag:s15] =	ssyncadd.s32 $0xFFFFFFFF  }
0x96: {  	s17 =	sld [smem:$0x11];
	(tm) =	ssettm $0x1  }
0x97: {  	s18 =	sld [smem:$0x3FFB];
	_ =	sdelay $0x3  }
0x98: {  	_ =	strace s18  }
0x99: {  	s4 =	sld [smem:$0x3FFC];
	_ =	sdelay $0x3  }
0x9a: {  	_ =	strace s4  }
0x9b: {  	s4 =	sld [smem:$0x3FFD];
	_ =	sdelay $0x3  }
0x9c: {  	_ =	strace s4  }
0x9d: {  	_ =	strace $0x8FFFFFFF  }
0x9e: {  	s19 =	sld [smem:$0x3FDB];
	_ =	sdelay $0x1  }
0x9f: {  	s5 =	simm.s32 $_scs_section_size  }
0xa0: {  	s6 =	simm.s32 $_size__tile_overlayer_lowered;
	s7 =	simm.s32 $_tile_overlayer_lowered  }
0xa1: {  	s22 =	simm.s32 $0x1BFF;
	s21 =	sshll.u32 s7, $0x1;
	s4 =	sadd.s32 s5, s19  }
0xa2: {  	s8 =	simm.s32 $0x0;
	s20 =	sshll.u32 s6, $0x1;
	s6 =	sadd.s32 s21, s4  }
0xa3: {  	[timem:s8], [sflag:s22] =	dma.local [hbm:s6], s20  }
0xa4: {  	_ =	swait.ge [sflag:s22], s20  }
0xa5: {  	s5 =	ssub.s32 $0x0, s20;
	[sflag:s22] =	ssyncset.done $0x0  }
0xa6: {  	[sflag:s22] =	ssyncadd.s32 s5;
	_ =	sdelay $0x1  }
0xa7: {  	s23 =	simm.s32 $0x1B8B  }
0xa8: {  	_ =	swait.ge [sflag:s23], $0x1  }
0xa9: {  	[sflag:s23] =	ssyncset.done $0x0  }
0xaa: {  	s25 =	simm.s32 $0x1B8E;
	s24 =	sld [smem:$0x3FFE];
	[sflag:s23] =	ssyncadd.s32 $0xFFFFFFFF  }
0xab: {  	s26 =	simm.s32 $execute0_lowered;
	[smem:$0x3FD2] =	sst s25  }
0xac: {  	s6 =	sshll.u32 s26, $0x1;
	_ =	strace $0x80000049;
	[dreg:$0x1] =	wrdreg $0xFFFFFFFF  }
0xad: {  	s28 =	simm.s32 $_size_execute0_lowered;
	s4 =	sadd.s32 s4, s6;
	[dreg:$0x0] =	wrdreg $0x0  }
0xae: {  	s6 =	sshll.u32 s28, $0x1;
	[dreg:$0x2] =	wrdreg s4  }
0xaf: {  	[dreg:$0x3] =	wrdreg s6  }
0xb0: {  	[dreg:$0x4] =	wrdreg $0xC0  }
0xb1: {  	_ =	task [dreg:s8], $0x5FFFF  }
0xb2: {  	[dreg:$0x1] =	wrdreg $0xFFFFFFFF  }
0xb3: {  	[dreg:$0x0] =	wrdreg $0x60  }
0xb4: {  	[dreg:$0x2] =	wrdreg s17  }
0xb5: {  	[dreg:$0x3] =	wrdreg s16  }
0xb6: {  	[dreg:$0x4] =	wrdreg s24  }
0xb7: {  	[dreg:$0x5] =	wrdreg $0x14A000  }
0xb8: {  	[dreg:$0x6] =	wrdreg $0x9  }
0xb9: {  	_ =	task.clear_ibuf [dreg:s8], $0x7FFFF;
	_ =	strace $0x90000049  }
0xba: {  	s29 =	simm.s32 $0x9;
	_ =	strace $0x8000004B  }
0xbb: {  	_ =	swait.ge [sflag:s29], $0x1  }
0xbc: {  	[sflag:s29] =	ssyncadd.s32 $0xFFFFFFFF  }
0xbd: {  	_ =	strace $0x9000004B  }
0xbe: {  	_ =	sfence  }
0xbf: {  	s30 =	sld [smem:$0x0];
	_ =	sdelay $0x2  }
0xc0: {  	s31 =	sshll.u32 s1, $0xD;
	s1 =	sshrl.u32 s1, $0x2  }
0xc1: {  	s3 =	sand.u32 $0x4000, s31;
	s1 =	sadd.s32 s1, s30  }
0xc2: {  	s0 =	sor.u32 s3, s0;
	s1 =	sshll.u32 s1, $0x11  }
0xc3: {  	s0 =	sor.u32 s1, s0  }
0xc4: {  	s0 =	sadd.s32 $0x8F2B, s0  }
0xc5: {  	[sflag:s0] =	ssyncadd.remote.s32 $0x1  }
0xc6: {  	_ =	sfence.sel $0xFFFF  }
0xc7: {  	[dreg:$0x0] =	wrdreg $0xFFFFFFFF;
	(pc) =	sbr.abs _section_cstart, $3  }
0xc8: {  	[dreg:$0x1] =	wrdreg $0xFFFFFFFF  }
0xc9: {  	_ =	task.clear_ibuf [dreg:s8], $0x2FFFF;
	_ =	strace $0x9FFFFFFF  }
0xca: {  	(tm) =	ssettm $0x7FFFFFFF  }
0xcb: {  	_ =	shalt  }
tec
execute0_lowered:
.L_overlay_start_1:
0x0: {  	(tag) =	ssettag $0x1  }
0x1: {  	s1 =	rddreg [dreg:$0x0]  }
0x2: {  	s2 =	rddreg [dreg:$0x1]  }
0x3: {  	s0 =	srdreg.scid;
	s5 =	rddreg [dreg:$0x2]  }
0x4: {  	s10 =	stileid.u32;
	s4 =	rddreg [dreg:$0x3];
	s7 =	simm.s32 $0x0  }
0x5: {  	s12 =	simm.s32 $0x11;
	s16 =	simm.s32 $0x7D;
	s17 =	simm.s32 $0x5000  }
0x6: {  	s19 =	simm.s32 $0x6F40;
	s28 =	simm.s32 $0xEC40;
	s30 =	simm.s32 $0x10B80  }
0x7: {  	s13 =	simm.s32 $0x2;
	s11 =	simm.s32 $0x6;
	s18 =	simm.s32 $0x7  }
0x8: {  	s20 =	simm.s32 $0x8;
	s29 =	simm.s32 $0x10;
	s0 =	sand.u32 $0x1, s0  }
0x9: {  	s6 =	smul.u32 $0xA000, s10;
	[smem:$0x7FF] =	sst s7;
	s26 =	sshll.u32 s10, $0x6  }
0xa: {  	s3 =	sshll.u32 s0, $0x4;
	s21 =	smul.u32 $0xA0000, s0;
	_ =	strace $0x8000004A  }
0xb: {  	s0 =	ssub.s32 $0x2, s0;
	s15 =	sor.u32 $0x1C11, s26;
	s26 =	simm.s32 $0xF  }
0xc: {  	s3 =	sor.u32 s10, s3;
	s8 =	sshrl.u32 s6, $0x3;
	s9 =	sshrl.u32 s0, $0x1  }
0xd: {  	s23 =	sadd.s32 s6, s4;
	s10 =	simm.s32 $0x5;
	[dreg:$0xb] =	wrdreg s15  }
0xe: {  	s3 =	smul.u32 $0x500, s3;
	s7 =	sadd.s32 s6, s21;
	s8 =	sadd.s32 s8, s5  }
0xf: {  	s0 =	ssub.s32 s0, s9;
	s31 =	sshrl.u32 s23, $0x3;
	s21 =	simm.s32 $0x8E80  }
0x10: {  	s23 =	simm.s32 $0xADC0;
	s6 =	simm.s32 $0x3;
	s9 =	simm.s32 $0x9  }
0x11: {  	s7 =	sshrl.u32 s7, $0x3;
	s24 =	sadd.s32 $0x76A00, s8;
	[dreg:$0xc] =	wrdreg s31  }
0x12: {  	s0 =	smax.u32 s0, $0x1;
	s3 =	sadd.s32 s3, s5;
	[dreg:$0x7] =	wrdreg s24  }
0x13: {  	s5 =	sadd.s32 s7, s5;
	[dreg:$0xa] =	wrdreg s0;
	s22 =	sadd.s32 $0x14600, s3  }
.Ltmp0:
0x14: {  	s3 =	sadd.s32 $0x1E600, s3;
	[dreg:$0x5] =	wrdreg s22;
	(pc) =	sbr.rel .LBB2_1-.Ltmp0, $4  }
0x15: {  	s8 =	simm.s32 $0x0;
	s25 =	sadd.s32 $0xB2A00, s5;
	[dreg:$0x6] =	wrdreg s3  }
0x16: {  	s0 =	simm.s32 $0x1;
	s5 =	sadd.s32 $0x8AA00, s5;
	[dreg:$0x8] =	wrdreg s25  }
0x17: {  	s7 =	simm.s32 $0x4;
	s24 =	simm.s32 $0xE;
	[dreg:$0x9] =	wrdreg s5  }
0x18: {  	s25 =	simm.s32 $0xCD00;
	s3 =	simm.s32 $0x12AC0;
	s22 =	simm.s32 $0xD  }
.LBB2_7:
0x19: {  	_ =	swait.ge [sflag:s24], $0x1F40  }
0x1a: {  	[sflag:s24] =	ssyncset.done $0x0  }
0x1b: {  	[sflag:s24] =	ssyncadd.s32 $0xFFFFE0C0  }
0x1c: {  	_ =	swait.ge [sflag:s26], $0x1F40  }
0x1d: {  	[sflag:s26] =	ssyncset.done $0x0  }
0x1e: {  	[sflag:s26] =	ssyncadd.s32 $0xFFFFE0C0  }
0x1f: {  	_ =	swait.ge [sflag:s29], $0x1F40  }
0x20: {  	[sflag:s29] =	ssyncset.done $0x0  }
0x21: {  	[sflag:s29] =	ssyncadd.s32 $0xFFFFE0C0  }
0x22: {  	[bflag:$0x0] =	sbarrier.arrive $0xFFFF  }
0x23: {  	s5 =	rddreg [dreg:$0x9]  }
0x24: {  	s15 =	rddreg [dreg:$0xb]  }
0x25: {  	s12 =	simm.s32 $0x11;
	s31 =	rddreg [dreg:$0xc]  }
0x26: {  	[hbm:s5], [sflag:s15] =	dma.local [spmem:s31], $0x1400  }
0x27: {  	_ =	swait.ge [sflag:s12], $0x1400  }
0x28: {  	s8 =	rddreg [dreg:$0xd]  }
0x29: {  	s14 =	rddreg [dreg:$0xa];
	s8 =	sadd.s32 $0x1, s8  }
0x2a: {  	p0 =	sne.s32 s8, s14  }
.Ltmp1:
0x2b: {  	_ = 	snop;
	(pc) =	sbr.rel @!p0 .LBB2_8-.Ltmp1, $3  }
0x2c: {  	_ =	sdelay $0x1  }
0x2d: {  	[sflag:s12] =	ssyncset.done $0x0  }
0x2e: {  	[sflag:s12] =	ssyncadd.s32 $0xFFFFEC00  }
.LBB2_1:
0x2f: {  	[dreg:$0xd] =	wrdreg s8  }
0x30: {  	s5 =	simm.s32 $0x0;
	s14 =	rddreg [dreg:$0x5]  }
0x31: {  	[tilespmem:s5], [sflag:$0x11] =	stream.linear.gather [hbm4b:s14+s5], $0x2800, $0x38;
	[tilespmem:$0x1EA00] =	vst v63  }
0x32: {  	_ =	swait.ge [sflag:s12], $0x2800  }
0x33: {  	[sflag:s12] =	ssyncset.done $0x0  }
0x34: {  	s14 =	simm.s32 $0x2800;
	s8 =	rddreg [dreg:$0x6];
	[sflag:s12] =	ssyncadd.s32 $0xFFFFD800  }
0x35: {  	[tilespmem:s14], [sflag:$0x11] =	stream.linear.gather [hbm4b:s8+s5], $0x2800, $0x38;
	[tilespmem:$0x1EA00] =	vst v63  }
0x36: {  	_ =	swait.ge [sflag:s12], $0x2800  }
0x37: {  	[sflag:s12] =	ssyncset.done $0x0  }
0x38: {  	s14 =	rddreg [dreg:$0x7];
	[sflag:s12] =	ssyncadd.s32 $0xFFFFD800  }
0x39: {  	[spmem:s31], [sflag:s15] =	dma.local [hbm:s14], $0x1400  }
0x3a: {  	_ =	swait.ge [sflag:s12], $0x1400  }
0x3b: {  	[sflag:s12] =	ssyncset.done $0x0  }
0x3c: {  	[sflag:s12] =	ssyncadd.s32 $0xFFFFEC00  }
0x3d: {  	[bflag:$0x0] =	sbarrier.arrive $0xFFFF  }
0x3e: {  	[tilespmem:s17], [sflag:$0x1] =	stream.indirect.gather [hbm4b:s1+s16], $0x40, s5, s16, $0xb8;
	[tilespmem:$0x1EA00] =	vst v63  }
0x3f: {  	s15 =	simm.s32 $0x80  }
0x40: {  	[tilespmem:s19], [sflag:$0x2] =	stream.indirect.gather [hbm4b:s1+s16], $0x40, s15, s16, $0xb8;
	[tilespmem:$0x1EA00] =	vst v63  }
0x41: {  	s31 =	simm.s32 $0x100  }
0x42: {  	[tilespmem:s21], [sflag:$0x3] =	stream.indirect.gather [hbm4b:s1+s16], $0x40, s31, s16, $0xb8;
	[tilespmem:$0x1EA00] =	vst v63  }
0x43: {  	s8 =	simm.s32 $0x180  }
0x44: {  	[tilespmem:s23], [sflag:$0x4] =	stream.indirect.gather [hbm4b:s1+s16], $0x40, s8, s16, $0xb8;
	[tilespmem:$0x1EA00] =	vst v63  }
0x45: {  	s12 =	simm.s32 $0x200  }
0x46: {  	[tilespmem:s25], [sflag:$0x5] =	stream.indirect.gather [hbm4b:s1+s16], $0x40, s12, s16, $0xb8;
	[tilespmem:$0x1EA00] =	vst v63  }
0x47: {  	s14 =	simm.s32 $0x280  }
0x48: {  	[tilespmem:s28], [sflag:$0x6] =	stream.indirect.gather [hbm4b:s1+s16], $0x40, s14, s16, $0xb8;
	[tilespmem:$0x1EA00] =	vst v63  }
0x49: {  	s15 =	simm.s32 $0x300  }
0x4a: {  	[tilespmem:s30], [sflag:$0x7] =	stream.indirect.gather [hbm4b:s1+s16], $0x40, s15, s16, $0xb8;
	[tilespmem:$0x1EA00] =	vst v63  }
0x4b: {  	s5 =	simm.s32 $0x0;
	s31 =	simm.s32 $0x380  }
0x4c: {  	[tilespmem:s3], [sflag:$0x8] =	stream.indirect.gather [hbm4b:s1+s16], $0x40, s31, s16, $0xb8;
	[tilespmem:$0x1EA00] =	vst v63  }
.LBB2_2:
0x4d: {  	_ =	swait.ge [sflag:s0], $0x1F40  }
0x4e: {  	s8 =	sshra.s32 s5, $0x2;
	[sflag:s0] =	ssyncset.done $0x0  }
0x4f: {  	s14 =	sadd.s32 $0x2800, s8;
	[sflag:s0] =	ssyncadd.s32 $0xFFFFE0C0  }
0x50: {  	[spmem:s4] =	stream.indirect.scatter.add.f32 [tilespmem:s17], [sflag:$0x9], $0x40, s14, s16, $0xb8;
	[tilespmem:$0x1EA00] =	vst v63  }
0x51: {  	_ =	swait.ge [sflag:s13], $0x1F40  }
0x52: {  	[sflag:s13] =	ssyncset.done $0x0  }
0x53: {  	s31 =	sadd.s32 $0x2880, s8;
	[sflag:s13] =	ssyncadd.s32 $0xFFFFE0C0  }
0x54: {  	[spmem:s4] =	stream.indirect.scatter.add.f32 [tilespmem:s19], [sflag:$0xA], $0x40, s31, s16, $0xb8;
	[tilespmem:$0x1EA00] =	vst v63  }
0x55: {  	_ =	swait.ge [sflag:s6], $0x1F40  }
0x56: {  	[sflag:s6] =	ssyncset.done $0x0  }
0x57: {  	s12 =	sadd.s32 $0x2900, s8;
	[sflag:s6] =	ssyncadd.s32 $0xFFFFE0C0  }
0x58: {  	[spmem:s4] =	stream.indirect.scatter.add.f32 [tilespmem:s21], [sflag:$0xB], $0x40, s12, s16, $0xb8;
	[tilespmem:$0x1EA00] =	vst v63  }
0x59: {  	_ =	swait.ge [sflag:s7], $0x1F40  }
0x5a: {  	[sflag:s7] =	ssyncset.done $0x0  }
0x5b: {  	s15 =	sadd.s32 $0x2980, s8;
	[sflag:s7] =	ssyncadd.s32 $0xFFFFE0C0  }
0x5c: {  	[spmem:s4] =	stream.indirect.scatter.add.f32 [tilespmem:s23], [sflag:$0xC], $0x40, s15, s16, $0xb8;
	[tilespmem:$0x1EA00] =	vst v63  }
0x5d: {  	p0 =	sne.s32 s5, $0x9000;
	_ =	swait.ge [sflag:s9], $0x1F40  }
0x5e: {  	s14 =	sshra.s32 @p0 s5, $0x2;
	s31 =	simm.s32 @p0 $0x7D;
	[sflag:s9] =	ssyncset.done $0x0  }
0x5f: {  	s12 =	simm.s32 @p0 $0x5000;
	s15 =	sadd.s32 @p0 $0x400, s14;
	[sflag:s9] =	ssyncadd.s32 $0xFFFFE0C0  }
0x60: {  	[tilespmem:s12], [sflag:$0x1] =	stream.indirect.gather @p0 [hbm4b:s1+s31], $0x40, s15, s31, $0xb8;
	[tilespmem:$0x1EA00] =	vst v63  }
0x61: {  	s12 =	simm.s32 @p0 $0xA  }
0x62: {  	_ =	swait.ge @p0 [sflag:s12], $0x1F40  }
0x63: {  	[sflag:s12] =	ssyncset.done @p0 $0x0  }
0x64: {  	s15 =	simm.s32 @p0 $0x6F40;
	[sflag:s12] =	ssyncadd.s32 @p0 $0xFFFFE0C0;
	s12 =	sadd.s32 @p0 $0x480, s14  }
0x65: {  	[tilespmem:s15], [sflag:$0x2] =	stream.indirect.gather @p0 [hbm4b:s1+s31], $0x40, s12, s31, $0xb8;
	[tilespmem:$0x1EA00] =	vst v63  }
0x66: {  	s12 =	simm.s32 @p0 $0xB  }
0x67: {  	_ =	swait.ge @p0 [sflag:s12], $0x1F40  }
0x68: {  	[sflag:s12] =	ssyncset.done @p0 $0x0  }
0x69: {  	s15 =	simm.s32 @p0 $0x8E80;
	[sflag:s12] =	ssyncadd.s32 @p0 $0xFFFFE0C0;
	s12 =	sadd.s32 @p0 $0x500, s14  }
0x6a: {  	[tilespmem:s15], [sflag:$0x3] =	stream.indirect.gather @p0 [hbm4b:s1+s31], $0x40, s12, s31, $0xb8;
	[tilespmem:$0x1EA00] =	vst v63  }
0x6b: {  	s12 =	simm.s32 @p0 $0xC  }
0x6c: {  	_ =	swait.ge @p0 [sflag:s12], $0x1F40  }
0x6d: {  	[sflag:s12] =	ssyncset.done @p0 $0x0  }
0x6e: {  	[sflag:s12] =	ssyncadd.s32 @p0 $0xFFFFE0C0;
	s12 =	sadd.s32 @p0 $0x580, s14;
	s14 =	simm.s32 @p0 $0xADC0  }
0x6f: {  	[tilespmem:s14], [sflag:$0x4] =	stream.indirect.gather @p0 [hbm4b:s1+s31], $0x40, s12, s31, $0xb8;
	[tilespmem:$0x1EA00] =	vst v63  }
0x70: {  	s12 =	simm.s32 @!p0 $0xA  }
0x71: {  	_ =	swait.ge @!p0 [sflag:s12], $0x1F40  }
0x72: {  	[sflag:s12] =	ssyncset.done @!p0 $0x0  }
0x73: {  	[sflag:s12] =	ssyncadd.s32 @!p0 $0xFFFFE0C0;
	s12 =	simm.s32 @!p0 $0xB  }
0x74: {  	_ =	swait.ge @!p0 [sflag:s12], $0x1F40  }
0x75: {  	[sflag:s12] =	ssyncset.done @!p0 $0x0  }
0x76: {  	[sflag:s12] =	ssyncadd.s32 @!p0 $0xFFFFE0C0;
	s12 =	simm.s32 @!p0 $0xC  }
0x77: {  	_ =	swait.ge @!p0 [sflag:s12], $0x1F40  }
0x78: {  	[sflag:s12] =	ssyncset.done @!p0 $0x0  }
0x79: {  	[sflag:s12] =	ssyncadd.s32 @!p0 $0xFFFFE0C0  }
0x7a: {  	_ =	swait.ge [sflag:s10], $0x1F40  }
0x7b: {  	[sflag:s10] =	ssyncset.done $0x0  }
0x7c: {  	s31 =	sadd.s32 $0x2A00, s8;
	[sflag:s10] =	ssyncadd.s32 $0xFFFFE0C0  }
0x7d: {  	[spmem:s4] =	stream.indirect.scatter.add.f32 [tilespmem:s25], [sflag:$0xD], $0x40, s31, s16, $0xb8;
	[tilespmem:$0x1EA00] =	vst v63  }
0x7e: {  	_ =	swait.ge [sflag:s11], $0x1F40  }
0x7f: {  	[sflag:s11] =	ssyncset.done $0x0  }
0x80: {  	s14 =	sadd.s32 $0x2A80, s8;
	[sflag:s11] =	ssyncadd.s32 $0xFFFFE0C0  }
0x81: {  	[spmem:s4] =	stream.indirect.scatter.add.f32 [tilespmem:s28], [sflag:$0xE], $0x40, s14, s16, $0xb8;
	[tilespmem:$0x1EA00] =	vst v63  }
0x82: {  	_ =	swait.ge [sflag:s18], $0x1F40  }
0x83: {  	[sflag:s18] =	ssyncset.done $0x0  }
0x84: {  	s15 =	sadd.s32 $0x2B00, s8;
	[sflag:s18] =	ssyncadd.s32 $0xFFFFE0C0  }
0x85: {  	[spmem:s4] =	stream.indirect.scatter.add.f32 [tilespmem:s30], [sflag:$0xF], $0x40, s15, s16, $0xb8;
	[tilespmem:$0x1EA00] =	vst v63  }
0x86: {  	_ =	swait.ge [sflag:s20], $0x1F40  }
0x87: {  	p0 =	seq.s32 s5, $0x9000;
	[sflag:s20] =	ssyncset.done $0x0  }
.Ltmp2:
0x88: {  	s31 =	sadd.s32 $0x2B80, s8;
	[sflag:s20] =	ssyncadd.s32 $0xFFFFE0C0;
	(pc) =	sbr.rel @p0 .LBB2_4-.Ltmp2, $4  }
0x89: {  	[spmem:s4] =	stream.indirect.scatter.add.f32 [tilespmem:s3], [sflag:$0x10], $0x40, s31, s16, $0xb8;
	[tilespmem:$0x1EA00] =	vst v63  }
0x8a: {  	_ =	swait.ge [sflag:s22], $0x1F40  }
0x8b: {  	[sflag:s22] =	ssyncset.done $0x0  }
0x8c: {  	[sflag:s22] =	ssyncadd.s32 $0xFFFFE0C0  }
0x8d: {  	s12 =	sadd.s32 $0x600, s8  }
0x8e: {  	[tilespmem:s25], [sflag:$0x5] =	stream.indirect.gather [hbm4b:s1+s16], $0x40, s12, s16, $0xb8;
	[tilespmem:$0x1EA00] =	vst v63  }
0x8f: {  	_ =	swait.ge [sflag:s24], $0x1F40  }
0x90: {  	[sflag:s24] =	ssyncset.done $0x0  }
0x91: {  	s14 =	sadd.s32 $0x680, s8;
	[sflag:s24] =	ssyncadd.s32 $0xFFFFE0C0  }
0x92: {  	[tilespmem:s28], [sflag:$0x6] =	stream.indirect.gather [hbm4b:s1+s16], $0x40, s14, s16, $0xb8;
	[tilespmem:$0x1EA00] =	vst v63  }
0x93: {  	_ =	swait.ge [sflag:s26], $0x1F40  }
0x94: {  	[sflag:s26] =	ssyncset.done $0x0  }
0x95: {  	s15 =	sadd.s32 $0x700, s8;
	[sflag:s26] =	ssyncadd.s32 $0xFFFFE0C0  }
0x96: {  	[tilespmem:s30], [sflag:$0x7] =	stream.indirect.gather [hbm4b:s1+s16], $0x40, s15, s16, $0xb8;
	[tilespmem:$0x1EA00] =	vst v63  }
.Ltmp3:
0x97: {  	_ = 	snop;
	(pc) =	sbr.rel .LBB2_2-.Ltmp3, $4  }
0x98: {  	_ =	swait.ge [sflag:s29], $0x1F40  }
0x99: {  	[sflag:s29] =	ssyncset.done $0x0  }
0x9a: {  	s31 =	sadd.s32 $0x780, s8;
	s5 =	sadd.s32 $0x1000, s5;
	[sflag:s29] =	ssyncadd.s32 $0xFFFFE0C0  }
0x9b: {  	[tilespmem:s3], [sflag:$0x8] =	stream.indirect.gather [hbm4b:s1+s16], $0x40, s31, s16, $0xb8;
	[tilespmem:$0x1EA00] =	vst v63  }
.LBB2_4:
0x9c: {  	_ =	swait.ge [sflag:s24], $0x1F40  }
0x9d: {  	[sflag:s24] =	ssyncset.done $0x0  }
0x9e: {  	[sflag:s24] =	ssyncadd.s32 $0xFFFFE0C0  }
0x9f: {  	_ =	swait.ge [sflag:s26], $0x1F40  }
0xa0: {  	[sflag:s26] =	ssyncset.done $0x0  }
0xa1: {  	[sflag:s26] =	ssyncadd.s32 $0xFFFFE0C0  }
0xa2: {  	_ =	swait.ge [sflag:s29], $0x1F40  }
0xa3: {  	[sflag:s29] =	ssyncset.done $0x0  }
0xa4: {  	[sflag:s29] =	ssyncadd.s32 $0xFFFFE0C0  }
0xa5: {  	[bflag:$0x0] =	sbarrier.arrive $0xFFFF  }
0xa6: {  	s5 =	rddreg [dreg:$0x8]  }
0xa7: {  	s12 =	rddreg [dreg:$0xb]  }
0xa8: {  	s8 =	simm.s32 $0x11;
	s14 =	rddreg [dreg:$0xc]  }
0xa9: {  	[hbm:s5], [sflag:s12] =	dma.local [spmem:s14], $0x1400  }
0xaa: {  	_ =	swait.ge [sflag:s8], $0x1400  }
0xab: {  	[sflag:s8] =	ssyncset.done $0x0  }
0xac: {  	s31 =	rddreg [dreg:$0x7];
	[sflag:s8] =	ssyncadd.s32 $0xFFFFEC00  }
0xad: {  	[spmem:s14], [sflag:s12] =	dma.local [hbm:s31], $0x1400  }
0xae: {  	_ =	swait.ge [sflag:s8], $0x1400  }
0xaf: {  	[sflag:s8] =	ssyncset.done $0x0  }
0xb0: {  	[sflag:s8] =	ssyncadd.s32 $0xFFFFEC00  }
0xb1: {  	s5 =	simm.s32 $0x0;
	[bflag:$0x0] =	sbarrier.arrive $0xFFFF  }
0xb2: {  	[tilespmem:s17], [sflag:$0x1] =	stream.indirect.gather [hbm4b:s2+s16], $0x40, s5, s16, $0xb8;
	[tilespmem:$0x1EA00] =	vst v63  }
0xb3: {  	s14 =	simm.s32 $0x80  }
0xb4: {  	[tilespmem:s19], [sflag:$0x2] =	stream.indirect.gather [hbm4b:s2+s16], $0x40, s14, s16, $0xb8;
	[tilespmem:$0x1EA00] =	vst v63  }
0xb5: {  	s15 =	simm.s32 $0x100  }
0xb6: {  	[tilespmem:s21], [sflag:$0x3] =	stream.indirect.gather [hbm4b:s2+s16], $0x40, s15, s16, $0xb8;
	[tilespmem:$0x1EA00] =	vst v63  }
0xb7: {  	s31 =	simm.s32 $0x180  }
0xb8: {  	[tilespmem:s23], [sflag:$0x4] =	stream.indirect.gather [hbm4b:s2+s16], $0x40, s31, s16, $0xb8;
	[tilespmem:$0x1EA00] =	vst v63  }
0xb9: {  	s12 =	simm.s32 $0x200  }
0xba: {  	[tilespmem:s25], [sflag:$0x5] =	stream.indirect.gather [hbm4b:s2+s16], $0x40, s12, s16, $0xb8;
	[tilespmem:$0x1EA00] =	vst v63  }
0xbb: {  	s14 =	simm.s32 $0x280  }
0xbc: {  	[tilespmem:s28], [sflag:$0x6] =	stream.indirect.gather [hbm4b:s2+s16], $0x40, s14, s16, $0xb8;
	[tilespmem:$0x1EA00] =	vst v63  }
0xbd: {  	s15 =	simm.s32 $0x300  }
0xbe: {  	[tilespmem:s30], [sflag:$0x7] =	stream.indirect.gather [hbm4b:s2+s16], $0x40, s15, s16, $0xb8;
	[tilespmem:$0x1EA00] =	vst v63  }
0xbf: {  	s31 =	simm.s32 $0x380  }
0xc0: {  	[tilespmem:s3], [sflag:$0x8] =	stream.indirect.gather [hbm4b:s2+s16], $0x40, s31, s16, $0xb8;
	[tilespmem:$0x1EA00] =	vst v63  }
.LBB2_5:
0xc1: {  	_ =	swait.ge [sflag:s0], $0x1F40  }
0xc2: {  	s8 =	sshra.s32 s5, $0x2;
	[sflag:s0] =	ssyncset.done $0x0  }
0xc3: {  	s12 =	sadd.s32 $0x2800, s8;
	[sflag:s0] =	ssyncadd.s32 $0xFFFFE0C0  }
0xc4: {  	[spmem:s4] =	stream.indirect.scatter.add.f32 [tilespmem:s17], [sflag:$0x9], $0x40, s12, s16, $0xb8;
	[tilespmem:$0x1EA00] =	vst v63  }
0xc5: {  	_ =	swait.ge [sflag:s13], $0x1F40  }
0xc6: {  	[sflag:s13] =	ssyncset.done $0x0  }
0xc7: {  	s31 =	sadd.s32 $0x2880, s8;
	[sflag:s13] =	ssyncadd.s32 $0xFFFFE0C0  }
0xc8: {  	[spmem:s4] =	stream.indirect.scatter.add.f32 [tilespmem:s19], [sflag:$0xA], $0x40, s31, s16, $0xb8;
	[tilespmem:$0x1EA00] =	vst v63  }
0xc9: {  	_ =	swait.ge [sflag:s6], $0x1F40  }
0xca: {  	[sflag:s6] =	ssyncset.done $0x0  }
0xcb: {  	s14 =	sadd.s32 $0x2900, s8;
	[sflag:s6] =	ssyncadd.s32 $0xFFFFE0C0  }
0xcc: {  	[spmem:s4] =	stream.indirect.scatter.add.f32 [tilespmem:s21], [sflag:$0xB], $0x40, s14, s16, $0xb8;
	[tilespmem:$0x1EA00] =	vst v63  }
0xcd: {  	_ =	swait.ge [sflag:s7], $0x1F40  }
0xce: {  	[sflag:s7] =	ssyncset.done $0x0  }
0xcf: {  	s15 =	sadd.s32 $0x2980, s8;
	[sflag:s7] =	ssyncadd.s32 $0xFFFFE0C0  }
0xd0: {  	[spmem:s4] =	stream.indirect.scatter.add.f32 [tilespmem:s23], [sflag:$0xC], $0x40, s15, s16, $0xb8;
	[tilespmem:$0x1EA00] =	vst v63  }
0xd1: {  	p0 =	sne.s32 s5, $0x9000;
	_ =	swait.ge [sflag:s9], $0x1F40  }
0xd2: {  	s12 =	sshra.s32 @p0 s5, $0x2;
	s31 =	simm.s32 @p0 $0x5000;
	[sflag:s9] =	ssyncset.done $0x0  }
0xd3: {  	s14 =	sadd.s32 @p0 $0x400, s12;
	s15 =	simm.s32 @p0 $0x7D;
	[sflag:s9] =	ssyncadd.s32 $0xFFFFE0C0  }
0xd4: {  	[tilespmem:s31], [sflag:$0x1] =	stream.indirect.gather @p0 [hbm4b:s2+s15], $0x40, s14, s15, $0xb8;
	[tilespmem:$0x1EA00] =	vst v63  }
0xd5: {  	s14 =	simm.s32 @p0 $0xA  }
0xd6: {  	_ =	swait.ge @p0 [sflag:s14], $0x1F40  }
0xd7: {  	[sflag:s14] =	ssyncset.done @p0 $0x0  }
0xd8: {  	s31 =	simm.s32 @p0 $0x6F40;
	[sflag:s14] =	ssyncadd.s32 @p0 $0xFFFFE0C0;
	s14 =	sadd.s32 @p0 $0x480, s12  }
0xd9: {  	[tilespmem:s31], [sflag:$0x2] =	stream.indirect.gather @p0 [hbm4b:s2+s15], $0x40, s14, s15, $0xb8;
	[tilespmem:$0x1EA00] =	vst v63  }
0xda: {  	s14 =	simm.s32 @p0 $0xB  }
0xdb: {  	_ =	swait.ge @p0 [sflag:s14], $0x1F40  }
0xdc: {  	[sflag:s14] =	ssyncset.done @p0 $0x0  }
0xdd: {  	s31 =	simm.s32 @p0 $0x8E80;
	[sflag:s14] =	ssyncadd.s32 @p0 $0xFFFFE0C0;
	s14 =	sadd.s32 @p0 $0x500, s12  }
0xde: {  	[tilespmem:s31], [sflag:$0x3] =	stream.indirect.gather @p0 [hbm4b:s2+s15], $0x40, s14, s15, $0xb8;
	[tilespmem:$0x1EA00] =	vst v63  }
0xdf: {  	s14 =	simm.s32 @p0 $0xC  }
0xe0: {  	_ =	swait.ge @p0 [sflag:s14], $0x1F40  }
0xe1: {  	[sflag:s14] =	ssyncset.done @p0 $0x0  }
0xe2: {  	s12 =	sadd.s32 @p0 $0x580, s12;
	[sflag:s14] =	ssyncadd.s32 @p0 $0xFFFFE0C0;
	s14 =	simm.s32 @p0 $0xADC0  }
0xe3: {  	[tilespmem:s14], [sflag:$0x4] =	stream.indirect.gather @p0 [hbm4b:s2+s15], $0x40, s12, s15, $0xb8;
	[tilespmem:$0x1EA00] =	vst v63  }
0xe4: {  	s12 =	simm.s32 @!p0 $0xA  }
0xe5: {  	_ =	swait.ge @!p0 [sflag:s12], $0x1F40  }
0xe6: {  	[sflag:s12] =	ssyncset.done @!p0 $0x0  }
0xe7: {  	[sflag:s12] =	ssyncadd.s32 @!p0 $0xFFFFE0C0;
	s12 =	simm.s32 @!p0 $0xB  }
0xe8: {  	_ =	swait.ge @!p0 [sflag:s12], $0x1F40  }
0xe9: {  	[sflag:s12] =	ssyncset.done @!p0 $0x0  }
0xea: {  	[sflag:s12] =	ssyncadd.s32 @!p0 $0xFFFFE0C0;
	s12 =	simm.s32 @!p0 $0xC  }
0xeb: {  	_ =	swait.ge @!p0 [sflag:s12], $0x1F40  }
0xec: {  	[sflag:s12] =	ssyncset.done @!p0 $0x0  }
0xed: {  	[sflag:s12] =	ssyncadd.s32 @!p0 $0xFFFFE0C0  }
0xee: {  	_ =	swait.ge [sflag:s10], $0x1F40  }
0xef: {  	[sflag:s10] =	ssyncset.done $0x0  }
0xf0: {  	s31 =	sadd.s32 $0x2A00, s8;
	[sflag:s10] =	ssyncadd.s32 $0xFFFFE0C0  }
0xf1: {  	[spmem:s4] =	stream.indirect.scatter.add.f32 [tilespmem:s25], [sflag:$0xD], $0x40, s31, s16, $0xb8;
	[tilespmem:$0x1EA00] =	vst v63  }
0xf2: {  	_ =	swait.ge [sflag:s11], $0x1F40  }
0xf3: {  	[sflag:s11] =	ssyncset.done $0x0  }
0xf4: {  	s14 =	sadd.s32 $0x2A80, s8;
	[sflag:s11] =	ssyncadd.s32 $0xFFFFE0C0  }
0xf5: {  	[spmem:s4] =	stream.indirect.scatter.add.f32 [tilespmem:s28], [sflag:$0xE], $0x40, s14, s16, $0xb8;
	[tilespmem:$0x1EA00] =	vst v63  }
0xf6: {  	_ =	swait.ge [sflag:s18], $0x1F40  }
0xf7: {  	[sflag:s18] =	ssyncset.done $0x0  }
0xf8: {  	s15 =	sadd.s32 $0x2B00, s8;
	[sflag:s18] =	ssyncadd.s32 $0xFFFFE0C0  }
0xf9: {  	[spmem:s4] =	stream.indirect.scatter.add.f32 [tilespmem:s30], [sflag:$0xF], $0x40, s15, s16, $0xb8;
	[tilespmem:$0x1EA00] =	vst v63  }
0xfa: {  	_ =	swait.ge [sflag:s20], $0x1F40  }
0xfb: {  	p0 =	seq.s32 s5, $0x9000;
	[sflag:s20] =	ssyncset.done $0x0  }
.Ltmp4:
0xfc: {  	s31 =	sadd.s32 $0x2B80, s8;
	[sflag:s20] =	ssyncadd.s32 $0xFFFFE0C0;
	(pc) =	sbr.rel @p0 .LBB2_7-.Ltmp4, $4  }
0xfd: {  	[spmem:s4] =	stream.indirect.scatter.add.f32 [tilespmem:s3], [sflag:$0x10], $0x40, s31, s16, $0xb8;
	[tilespmem:$0x1EA00] =	vst v63  }
0xfe: {  	_ =	swait.ge [sflag:s22], $0x1F40  }
0xff: {  	[sflag:s22] =	ssyncset.done $0x0  }
0x100: {  	[sflag:s22] =	ssyncadd.s32 $0xFFFFE0C0  }
0x101: {  	s12 =	sadd.s32 $0x600, s8  }
0x102: {  	[tilespmem:s25], [sflag:$0x5] =	stream.indirect.gather [hbm4b:s2+s16], $0x40, s12, s16, $0xb8;
	[tilespmem:$0x1EA00] =	vst v63  }
0x103: {  	_ =	swait.ge [sflag:s24], $0x1F40  }
0x104: {  	[sflag:s24] =	ssyncset.done $0x0  }
0x105: {  	s14 =	sadd.s32 $0x680, s8;
	[sflag:s24] =	ssyncadd.s32 $0xFFFFE0C0  }
0x106: {  	[tilespmem:s28], [sflag:$0x6] =	stream.indirect.gather [hbm4b:s2+s16], $0x40, s14, s16, $0xb8;
	[tilespmem:$0x1EA00] =	vst v63  }
0x107: {  	_ =	swait.ge [sflag:s26], $0x1F40  }
0x108: {  	[sflag:s26] =	ssyncset.done $0x0  }
0x109: {  	s15 =	sadd.s32 $0x700, s8;
	[sflag:s26] =	ssyncadd.s32 $0xFFFFE0C0  }
0x10a: {  	[tilespmem:s30], [sflag:$0x7] =	stream.indirect.gather [hbm4b:s2+s16], $0x40, s15, s16, $0xb8;
	[tilespmem:$0x1EA00] =	vst v63  }
.Ltmp5:
0x10b: {  	_ = 	snop;
	(pc) =	sbr.rel .LBB2_5-.Ltmp5, $4  }
0x10c: {  	_ =	swait.ge [sflag:s29], $0x1F40  }
0x10d: {  	[sflag:s29] =	ssyncset.done $0x0  }
0x10e: {  	s31 =	sadd.s32 $0x780, s8;
	s5 =	sadd.s32 $0x1000, s5;
	[sflag:s29] =	ssyncadd.s32 $0xFFFFE0C0  }
0x10f: {  	[tilespmem:s3], [sflag:$0x8] =	stream.indirect.gather [hbm4b:s2+s16], $0x40, s31, s16, $0xb8;
	[tilespmem:$0x1EA00] =	vst v63  }
.LBB2_8:
0x110: {  	_ =	sfence.sel $0x180000  }
0x111: {  	[bflag:$0x0] =	sbarrier.arrive $0xFFFF  }
0x112: {  	_ =	strace $0x9000004A  }
0x113: {  	s0 =	stileid.u32;
	[bflag:$0x2] =	sbarrier.arrive $0xFFFF  }
0x114: {  	p0 =	sne.s32 s0, $0x0;
	s0 =	rddreg [dreg:$0x4]  }
0x115: {  	s0 =	sadd.s32 @!p0 $0x100000, s0  }
0x116: {  	[sflag:s0] =	ssyncadd.tile.s32 @!p0 $0x1;
	_ =	shalt  }
.Lfunc_end2:
_tile_overlayer_lowered:
.L_overlay_start_2:
0x117: {  	(tag) =	ssettag $0x2  }
0x118: {  	s0 =	rddreg [dreg:$0x0];
	s2 =	stileid.u32  }
0x119: {  	s1 =	rddreg [dreg:$0x1];
	p0 =	sne.s32 s2, $0x0  }
0x11a: {  	s3 =	rddreg [dreg:$0x2];
	[bflag:$0x3] =	sbarrier.arrive $0xFFFF;
	s2 =	simm.s32 @!p0 $0x1C11  }
0x11b: {  	[timem:s3], [sflag:s2] =	dma.local @!p0 [hbm:s0], s1  }
0x11c: {  	s0 =	simm.s32 @!p0 $0x11  }
0x11d: {  	_ =	swait.ge @!p0 [sflag:s0], s1  }
0x11e: {  	s1 =	ssub.s32 @!p0 $0x0, s1;
	[sflag:s0] =	ssyncset.done @!p0 $0x0  }
0x11f: {  	[sflag:s0] =	ssyncadd.s32 @!p0 s1  }
0x120: {  	[bflag:$0x3] =	sbarrier.arrive $0xFFFF  }
0x121: {  	_ =	shalt  }

// kernel: kernel.16.cloned.1.call-start
scs
__scs_entry_jumppad:
0x0: {  	(pc) =	sbr.rel $0x88, $3  }
0x1: {  	(tag) =	ssettag $0x0;
	lr =	simm.s32 $0x1  }
0x2: {  	[smem:$0x3F87] =	sst lr;
	_ =	strace $0xD0000000  }
0x3: {  	_ = 	snop  }
0x4: {  	_ = 	snop  }
0x5: {  	_ = 	snop  }
0x6: {  	_ = 	snop  }
0x7: {  	_ = 	snop  }
__scs_overlays_trampoline_lowered:
0x8: {  	[smem:$0x3F96] =	sst s0  }
0x9: {  	[smem:$0x3F97] =	sst s1  }
0xa: {  	[smem:$0x3F98] =	sst s2  }
0xb: {  	[smem:$0x3F99] =	sst s3  }
0xc: {  	[smem:$0x3F9A] =	sst s4  }
0xd: {  	[smem:$0x3F9B] =	sst s5  }
0xe: {  	[smem:$0x3F9C] =	sst s6  }
0xf: {  	[smem:$0x3F9D] =	sst s7  }
0x10: {  	[smem:$0x3F9E] =	sst s8  }
0x11: {  	[smem:$0x3F9F] =	sst s9;
	s0 =	simm.s32 @!p0 $0x0  }
0x12: {  	s1 =	sld [smem:$0x3F85];
	s0 =	simm.s32 @p0 $0x1  }
0x13: {  	[smem:$0x3FA0] =	sst s0;
	s0 =	simm.s32 @!p1 $0x0  }
0x14: {  	s2 =	sld [smem:$0x3F84];
	s0 =	simm.s32 @p1 $0x1  }
0x15: {  	[smem:$0x3FA1] =	sst s0;
	s0 =	simm.s32 @!p2 $0x0  }
0x16: {  	s3 =	sld [smem:$0x3FDB];
	s0 =	simm.s32 @p2 $0x1  }
0x17: {  	s4 =	simm.s32 $0x1BF5;
	[smem:$0x3FA3] =	sst s0  }
0x18: {  	s0 =	sld [smem:$0x3F86];
	_ =	swait.ge [sflag:s4], $0x0  }
0x19: {  	s7 =	sld [smem:$0x3F87]  }
0x1a: {  	s8 =	sadd.s32 $0xFFFFE003, lr  }
0x1b: {  	s9 =	sadd.s32 $0xFFFFFEF7, lr;
	s5 =	simm.s32 $0xFFFFFFFF;
	p2 =	slt.u32 s8, $0xFFFFF086  }
0x1c: {  	p1 =	slt.u32 s9, $0xF7A;
	s5 =	simm.s32 @!p2 $0x0  }
0x1d: {  	s5 =	simm.s32 @p1 $0x1;
	p0 =	seq.s32 s7, s2  }
0x1e: {  	s7 =	smul.u32 @!p0 $0xF7A, s2;
	p2 =	seq.s32 @!p0 s5, $0x0  }
0x1f: {  	s9 =	smul.u32 $0xF7A, s1;
	s8 =	simm.s32 @!p0 $0x1BF5;
	p2 =	por !p2, p0  }
0x20: {  	[sflag:s8] =	ssyncset.s32 @!p0 $0xFFFFF086;
	s6 =	sadd.s32 @!p0 s3, s7;
	s7 =	simm.s32 @!p0 $0x108  }
0x21: {  	s3 =	sadd.s32 s3, s9;
	s6 =	sadd.s32 @!p0 $0x88, s6;
	s7 =	simm.s32 @p2 $0x1082  }
0x22: {  	[simem:s7], [sflag:s8] =	dma.local @!p0 [hbm:s6], $0xF7A  }
0x23: {  	s9 =	sor.u32 $0xD0000000, s2;
	s6 =	simm.s32 $0x108;
	_ =	swait.ge @!p0 [sflag:s8], $0x0  }
0x24: {  	s3 =	sadd.s32 $0x88, s3;
	s6 =	simm.s32 @!p1 $0x1082;
	[sflag:s4] =	ssyncset.s32 $0xFFFFF086  }
0x25: {  	[simem:s6], [sflag:s4] =	dma.local [hbm:s3], $0xF7A  }
0x26: {  	[smem:$0x3F87] =	sst s1;
	(tag) =	ssettag s2;
	_ =	strace s9  }
0x27: {  	s1 =	sld [smem:$0x3F97]  }
0x28: {  	s2 =	sld [smem:$0x3F98]  }
0x29: {  	s4 =	sld [smem:$0x3F9A]  }
0x2a: {  	p0 =	seq.s32 s5, $0x0;
	s5 =	sld [smem:$0x3F9B]  }
0x2b: {  	s6 =	sld [smem:$0x3F9C]  }
0x2c: {  	s7 =	sld [smem:$0x3F9D]  }
0x2d: {  	s3 =	simm.s32 $0x108;
	s8 =	sld [smem:$0x3F9E]  }
0x2e: {  	s3 =	simm.s32 @!p0 $0x1082;
	s9 =	sld [smem:$0x3F9F]  }
0x2f: {  	lr =	sadd.s32 s0, s3;
	s0 =	sld [smem:$0x3F96]  }
0x30: {  	s3 =	sld [smem:$0x3F99]  }
0x31: {  	[smem:$0x3FA2] =	sst s10  }
0x32: {  	s10 =	sld [smem:$0x3FA0];
	_ =	sdelay $0x3  }
0x33: {  	p0 =	seq.s32 s10, $0x1;
	s10 =	sld [smem:$0x3FA2];
	_ =	sdelay $0x3  }
0x34: {  	[smem:$0x3FA2] =	sst s10  }
0x35: {  	s10 =	sld [smem:$0x3FA1];
	_ =	sdelay $0x3  }
0x36: {  	p1 =	seq.s32 s10, $0x1;
	s10 =	sld [smem:$0x3FA2];
	_ =	sdelay $0x3  }
0x37: {  	[smem:$0x3FA2] =	sst s10  }
0x38: {  	s10 =	sld [smem:$0x3FA3]  }
0x39: {  	_ = 	snop;
	(pc) =	sbr.ind lr, $3  }
0x3a: {  	_ = 	snop  }
0x3b: {  	_ = 	snop  }
0x3c: {  	p2 =	seq.s32 s10, $0x1;
	s10 =	sld [smem:$0x3FA2]  }
0x3d: {  	_ =	shalt  }
0x3e: {  	_ =	shalt  }
0x3f: {  	_ =	shalt  }
0x40: {  	_ =	shalt  }
0x41: {  	_ =	shalt  }
0x42: {  	_ =	shalt  }
0x43: {  	_ =	shalt  }
0x44: {  	_ =	shalt  }
0x45: {  	_ =	shalt  }
0x46: {  	_ =	shalt  }
0x47: {  	_ =	shalt  }
0x48: {  	_ =	shalt  }
0x49: {  	_ =	shalt  }
0x4a: {  	_ =	shalt  }
0x4b: {  	_ =	shalt  }
0x4c: {  	_ =	shalt  }
0x4d: {  	_ =	shalt  }
0x4e: {  	_ =	shalt  }
0x4f: {  	_ =	shalt  }
0x50: {  	_ =	shalt  }
0x51: {  	_ =	shalt  }
0x52: {  	_ =	shalt  }
0x53: {  	_ =	shalt  }
0x54: {  	_ =	shalt  }
0x55: {  	_ =	shalt  }
0x56: {  	_ =	shalt  }
0x57: {  	_ =	shalt  }
0x58: {  	_ =	shalt  }
0x59: {  	_ =	shalt  }
0x5a: {  	_ =	shalt  }
0x5b: {  	_ =	shalt  }
0x5c: {  	_ =	shalt  }
0x5d: {  	_ =	shalt  }
0x5e: {  	_ =	shalt  }
0x5f: {  	_ =	shalt  }
0x60: {  	_ =	shalt  }
0x61: {  	_ =	shalt  }
0x62: {  	_ =	shalt  }
0x63: {  	_ =	shalt  }
0x64: {  	_ =	shalt  }
0x65: {  	_ =	shalt  }
0x66: {  	_ =	shalt  }
0x67: {  	_ =	shalt  }
0x68: {  	_ =	shalt  }
0x69: {  	_ =	shalt  }
0x6a: {  	_ =	shalt  }
0x6b: {  	_ =	shalt  }
0x6c: {  	_ =	shalt  }
0x6d: {  	_ =	shalt  }
0x6e: {  	_ =	shalt  }
0x6f: {  	_ =	shalt  }
0x70: {  	_ =	shalt  }
0x71: {  	_ =	shalt  }
0x72: {  	_ =	shalt  }
0x73: {  	_ =	shalt  }
0x74: {  	_ =	shalt  }
0x75: {  	_ =	shalt  }
0x76: {  	_ =	shalt  }
0x77: {  	_ =	shalt  }
0x78: {  	_ =	shalt  }
0x79: {  	_ =	shalt  }
0x7a: {  	_ =	shalt  }
0x7b: {  	_ =	shalt  }
0x7c: {  	_ =	shalt  }
0x7d: {  	_ =	shalt  }
0x7e: {  	_ =	shalt  }
0x7f: {  	_ =	shalt  }
0x80: {  	_ =	shalt  }
0x81: {  	_ =	shalt  }
0x82: {  	_ =	shalt  }
0x83: {  	_ =	shalt  }
0x84: {  	_ =	shalt  }
0x85: {  	_ =	shalt  }
0x86: {  	_ =	shalt  }
0x87: {  	_ =	shalt  }
.Lfunc_end0:
.L_simem_size_0:
called_computation.2_lowered:
.L_overlay_start_0:
0x88: {  	s2 =	sld [smem:$0x3FD9]  }
0x89: {  	s3 =	sld [smem:$0x3FFE];
	_ =	sdelay $0x1  }
0x8a: {  	s1 =	srdreg.scid  }
0x8b: {  	s0 =	sand.u32 $0x1, s1  }
0x8c: {  	s14 =	sshll.u32 s0, $0xA;
	s2 =	sadd.s32 s3, s2  }
0x8d: {  	s2 =	sadd.s32 s2, s14  }
0x8e: {  	[smem:$0x3FAE] =	sst s2  }
0x8f: {  	_ = 	snop  }
0x90: {  	s2 =	sld [smem:$0x3FD0];
	_ =	sdelay $0x2  }
0x91: {  	s15 =	simm.s32 $0xA;
	s4 =	simm.s32 $0x10  }
0x92: {  	[smem:s4], [sflag:s15] =	dma.local [hbm:s2], $0x1  }
0x93: {  	_ =	swait.eq [sflag:s15], $0x1  }
0x94: {  	[sflag:s15] =	ssyncset.done $0x0  }
0x95: {  	s16 =	sld [smem:$0x10];
	[sflag:s15] =	ssyncadd.s32 $0xFFFFFFFF  }
0x96: {  	s17 =	sld [smem:$0x11];
	(tm) =	ssettm $0x1  }
0x97: {  	s18 =	sld [smem:$0x3FFB];
	_ =	sdelay $0x3  }
0x98: {  	_ =	strace s18  }
0x99: {  	s4 =	sld [smem:$0x3FFC];
	_ =	sdelay $0x3  }
0x9a: {  	_ =	strace s4  }
0x9b: {  	s4 =	sld [smem:$0x3FFD];
	_ =	sdelay $0x3  }
0x9c: {  	_ =	strace s4  }
0x9d: {  	_ =	strace $0x8FFFFFFF  }
0x9e: {  	s19 =	sld [smem:$0x3FDB];
	_ =	sdelay $0x1  }
0x9f: {  	s5 =	simm.s32 $_scs_section_size  }
0xa0: {  	s6 =	simm.s32 $_size__tile_overlayer_lowered;
	s7 =	simm.s32 $_tile_overlayer_lowered  }
0xa1: {  	s22 =	simm.s32 $0x1BFF;
	s21 =	sshll.u32 s7, $0x1;
	s4 =	sadd.s32 s5, s19  }
0xa2: {  	s8 =	simm.s32 $0x0;
	s20 =	sshll.u32 s6, $0x1;
	s6 =	sadd.s32 s21, s4  }
0xa3: {  	[timem:s8], [sflag:s22] =	dma.local [hbm:s6], s20  }
0xa4: {  	_ =	swait.ge [sflag:s22], s20  }
0xa5: {  	s5 =	ssub.s32 $0x0, s20;
	[sflag:s22] =	ssyncset.done $0x0  }
0xa6: {  	[sflag:s22] =	ssyncadd.s32 s5;
	_ =	sdelay $0x1  }
0xa7: {  	s23 =	simm.s32 $0x1B8B  }
0xa8: {  	_ =	swait.ge [sflag:s23], $0x1  }
0xa9: {  	[sflag:s23] =	ssyncset.done $0x0  }
0xaa: {  	s25 =	simm.s32 $0x1B8E;
	s24 =	sld [smem:$0x3FFE];
	[sflag:s23] =	ssyncadd.s32 $0xFFFFFFFF  }
0xab: {  	s26 =	simm.s32 $execute0_lowered;
	[smem:$0x3FD2] =	sst s25  }
0xac: {  	s6 =	sshll.u32 s26, $0x1;
	_ =	strace $0x8000004C;
	[dreg:$0x1] =	wrdreg $0xFFFFFFFF  }
0xad: {  	s28 =	simm.s32 $_size_execute0_lowered;
	s4 =	sadd.s32 s4, s6;
	[dreg:$0x0] =	wrdreg $0x0  }
0xae: {  	s6 =	sshll.u32 s28, $0x1;
	[dreg:$0x2] =	wrdreg s4  }
0xaf: {  	[dreg:$0x3] =	wrdreg s6  }
0xb0: {  	[dreg:$0x4] =	wrdreg $0xC0  }
0xb1: {  	_ =	task [dreg:s8], $0x5FFFF  }
0xb2: {  	[dreg:$0x1] =	wrdreg $0xFFFFFFFF  }
0xb3: {  	[dreg:$0x0] =	wrdreg $0x60  }
0xb4: {  	[dreg:$0x2] =	wrdreg s17  }
0xb5: {  	[dreg:$0x3] =	wrdreg s16  }
0xb6: {  	[dreg:$0x4] =	wrdreg s24  }
0xb7: {  	[dreg:$0x5] =	wrdreg $0x14A000  }
0xb8: {  	[dreg:$0x6] =	wrdreg $0x9  }
0xb9: {  	_ =	task.clear_ibuf [dreg:s8], $0x7FFFF;
	_ =	strace $0x9000004C  }
0xba: {  	s29 =	simm.s32 $0x9;
	_ =	strace $0x8000004E  }
0xbb: {  	_ =	swait.ge [sflag:s29], $0x1  }
0xbc: {  	[sflag:s29] =	ssyncadd.s32 $0xFFFFFFFF  }
0xbd: {  	_ =	strace $0x9000004E  }
0xbe: {  	_ =	sfence  }
0xbf: {  	s30 =	sld [smem:$0x0];
	_ =	sdelay $0x2  }
0xc0: {  	s31 =	sshll.u32 s1, $0xD;
	s1 =	sshrl.u32 s1, $0x2  }
0xc1: {  	s3 =	sand.u32 $0x4000, s31;
	s1 =	sadd.s32 s1, s30  }
0xc2: {  	s0 =	sor.u32 s3, s0;
	s1 =	sshll.u32 s1, $0x11  }
0xc3: {  	s0 =	sor.u32 s1, s0  }
0xc4: {  	s0 =	sadd.s32 $0x8F2B, s0  }
0xc5: {  	[sflag:s0] =	ssyncadd.remote.s32 $0x1  }
0xc6: {  	_ =	sfence.sel $0xFFFF  }
0xc7: {  	[dreg:$0x0] =	wrdreg $0xFFFFFFFF;
	(pc) =	sbr.abs _section_cstart, $3  }
0xc8: {  	[dreg:$0x1] =	wrdreg $0xFFFFFFFF  }
0xc9: {  	_ =	task.clear_ibuf [dreg:s8], $0x2FFFF;
	_ =	strace $0x9FFFFFFF  }
0xca: {  	(tm) =	ssettm $0x7FFFFFFF  }
0xcb: {  	_ =	shalt  }
tec
execute0_lowered:
.L_overlay_start_1:
0x0: {  	(tag) =	ssettag $0x1  }
0x1: {  	s1 =	rddreg [dreg:$0x0]  }
0x2: {  	s2 =	rddreg [dreg:$0x1]  }
0x3: {  	s0 =	srdreg.scid;
	s5 =	rddreg [dreg:$0x2]  }
0x4: {  	s10 =	stileid.u32;
	s4 =	rddreg [dreg:$0x3];
	s7 =	simm.s32 $0x0  }
0x5: {  	s12 =	simm.s32 $0x11;
	s16 =	simm.s32 $0x7D;
	s17 =	simm.s32 $0x5000  }
0x6: {  	s19 =	simm.s32 $0x6F40;
	s28 =	simm.s32 $0xEC40;
	s30 =	simm.s32 $0x10B80  }
0x7: {  	s13 =	simm.s32 $0x2;
	s11 =	simm.s32 $0x6;
	s18 =	simm.s32 $0x7  }
0x8: {  	s20 =	simm.s32 $0x8;
	s29 =	simm.s32 $0x10;
	s0 =	sand.u32 $0x1, s0  }
0x9: {  	s6 =	smul.u32 $0xA000, s10;
	[smem:$0x7FF] =	sst s7;
	s26 =	sshll.u32 s10, $0x6  }
0xa: {  	s3 =	sshll.u32 s0, $0x4;
	s21 =	smul.u32 $0xA0000, s0;
	_ =	strace $0x8000004D  }
0xb: {  	s0 =	ssub.s32 $0x2, s0;
	s15 =	sor.u32 $0x1C11, s26;
	s26 =	simm.s32 $0xF  }
0xc: {  	s3 =	sor.u32 s10, s3;
	s8 =	sshrl.u32 s6, $0x3;
	s9 =	sshrl.u32 s0, $0x1  }
0xd: {  	s23 =	sadd.s32 s6, s4;
	s10 =	simm.s32 $0x5;
	[dreg:$0xb] =	wrdreg s15  }
0xe: {  	s3 =	smul.u32 $0x500, s3;
	s7 =	sadd.s32 s6, s21;
	s8 =	sadd.s32 s8, s5  }
0xf: {  	s0 =	ssub.s32 s0, s9;
	s31 =	sshrl.u32 s23, $0x3;
	s21 =	simm.s32 $0x8E80  }
0x10: {  	s23 =	simm.s32 $0xADC0;
	s6 =	simm.s32 $0x3;
	s9 =	simm.s32 $0x9  }
0x11: {  	s7 =	sshrl.u32 s7, $0x3;
	s24 =	sadd.s32 $0x76A00, s8;
	[dreg:$0xc] =	wrdreg s31  }
0x12: {  	s0 =	smax.u32 s0, $0x1;
	s3 =	sadd.s32 s3, s5;
	[dreg:$0x7] =	wrdreg s24  }
0x13: {  	s5 =	sadd.s32 s7, s5;
	[dreg:$0xa] =	wrdreg s0;
	s22 =	sadd.s32 $0x14600, s3  }
.Ltmp0:
0x14: {  	s3 =	sadd.s32 $0x1E600, s3;
	[dreg:$0x5] =	wrdreg s22;
	(pc) =	sbr.rel .LBB2_1-.Ltmp0, $4  }
0x15: {  	s8 =	simm.s32 $0x0;
	s25 =	sadd.s32 $0xB2A00, s5;
	[dreg:$0x6] =	wrdreg s3  }
0x16: {  	s0 =	simm.s32 $0x1;
	s5 =	sadd.s32 $0x8AA00, s5;
	[dreg:$0x8] =	wrdreg s25  }
0x17: {  	s7 =	simm.s32 $0x4;
	s24 =	simm.s32 $0xE;
	[dreg:$0x9] =	wrdreg s5  }
0x18: {  	s25 =	simm.s32 $0xCD00;
	s3 =	simm.s32 $0x12AC0;
	s22 =	simm.s32 $0xD  }
.LBB2_7:
0x19: {  	_ =	swait.ge [sflag:s24], $0x1F40  }
0x1a: {  	[sflag:s24] =	ssyncset.done $0x0  }
0x1b: {  	[sflag:s24] =	ssyncadd.s32 $0xFFFFE0C0  }
0x1c: {  	_ =	swait.ge [sflag:s26], $0x1F40  }
0x1d: {  	[sflag:s26] =	ssyncset.done $0x0  }
0x1e: {  	[sflag:s26] =	ssyncadd.s32 $0xFFFFE0C0  }
0x1f: {  	_ =	swait.ge [sflag:s29], $0x1F40  }
0x20: {  	[sflag:s29] =	ssyncset.done $0x0  }
0x21: {  	[sflag:s29] =	ssyncadd.s32 $0xFFFFE0C0  }
0x22: {  	[bflag:$0x0] =	sbarrier.arrive $0xFFFF  }
0x23: {  	s5 =	rddreg [dreg:$0x9]  }
0x24: {  	s15 =	rddreg [dreg:$0xb]  }
0x25: {  	s12 =	simm.s32 $0x11;
	s31 =	rddreg [dreg:$0xc]  }
0x26: {  	[hbm:s5], [sflag:s15] =	dma.local [spmem:s31], $0x1400  }
0x27: {  	_ =	swait.ge [sflag:s12], $0x1400  }
0x28: {  	s8 =	rddreg [dreg:$0xd]  }
0x29: {  	s14 =	rddreg [dreg:$0xa];
	s8 =	sadd.s32 $0x1, s8  }
0x2a: {  	p0 =	sne.s32 s8, s14  }
.Ltmp1:
0x2b: {  	_ = 	snop;
	(pc) =	sbr.rel @!p0 .LBB2_8-.Ltmp1, $3  }
0x2c: {  	_ =	sdelay $0x1  }
0x2d: {  	[sflag:s12] =	ssyncset.done $0x0  }
0x2e: {  	[sflag:s12] =	ssyncadd.s32 $0xFFFFEC00  }
.LBB2_1:
0x2f: {  	[dreg:$0xd] =	wrdreg s8  }
0x30: {  	s5 =	simm.s32 $0x0;
	s14 =	rddreg [dreg:$0x5]  }
0x31: {  	[tilespmem:s5], [sflag:$0x11] =	stream.linear.gather [hbm4b:s14+s5], $0x2800, $0x38;
	[tilespmem:$0x1EA00] =	vst v63  }
0x32: {  	_ =	swait.ge [sflag:s12], $0x2800  }
0x33: {  	[sflag:s12] =	ssyncset.done $0x0  }
0x34: {  	s14 =	simm.s32 $0x2800;
	s8 =	rddreg [dreg:$0x6];
	[sflag:s12] =	ssyncadd.s32 $0xFFFFD800  }
0x35: {  	[tilespmem:s14], [sflag:$0x11] =	stream.linear.gather [hbm4b:s8+s5], $0x2800, $0x38;
	[tilespmem:$0x1EA00] =	vst v63  }
0x36: {  	_ =	swait.ge [sflag:s12], $0x2800  }
0x37: {  	[sflag:s12] =	ssyncset.done $0x0  }
0x38: {  	s14 =	rddreg [dreg:$0x7];
	[sflag:s12] =	ssyncadd.s32 $0xFFFFD800  }
0x39: {  	[spmem:s31], [sflag:s15] =	dma.local [hbm:s14], $0x1400  }
0x3a: {  	_ =	swait.ge [sflag:s12], $0x1400  }
0x3b: {  	[sflag:s12] =	ssyncset.done $0x0  }
0x3c: {  	[sflag:s12] =	ssyncadd.s32 $0xFFFFEC00  }
0x3d: {  	[bflag:$0x0] =	sbarrier.arrive $0xFFFF  }
0x3e: {  	[tilespmem:s17], [sflag:$0x1] =	stream.indirect.gather [hbm4b:s1+s16], $0x40, s5, s16, $0xb8;
	[tilespmem:$0x1EA00] =	vst v63  }
0x3f: {  	s15 =	simm.s32 $0x80  }
0x40: {  	[tilespmem:s19], [sflag:$0x2] =	stream.indirect.gather [hbm4b:s1+s16], $0x40, s15, s16, $0xb8;
	[tilespmem:$0x1EA00] =	vst v63  }
0x41: {  	s31 =	simm.s32 $0x100  }
0x42: {  	[tilespmem:s21], [sflag:$0x3] =	stream.indirect.gather [hbm4b:s1+s16], $0x40, s31, s16, $0xb8;
	[tilespmem:$0x1EA00] =	vst v63  }
0x43: {  	s8 =	simm.s32 $0x180  }
0x44: {  	[tilespmem:s23], [sflag:$0x4] =	stream.indirect.gather [hbm4b:s1+s16], $0x40, s8, s16, $0xb8;
	[tilespmem:$0x1EA00] =	vst v63  }
0x45: {  	s12 =	simm.s32 $0x200  }
0x46: {  	[tilespmem:s25], [sflag:$0x5] =	stream.indirect.gather [hbm4b:s1+s16], $0x40, s12, s16, $0xb8;
	[tilespmem:$0x1EA00] =	vst v63  }
0x47: {  	s14 =	simm.s32 $0x280  }
0x48: {  	[tilespmem:s28], [sflag:$0x6] =	stream.indirect.gather [hbm4b:s1+s16], $0x40, s14, s16, $0xb8;
	[tilespmem:$0x1EA00] =	vst v63  }
0x49: {  	s15 =	simm.s32 $0x300  }
0x4a: {  	[tilespmem:s30], [sflag:$0x7] =	stream.indirect.gather [hbm4b:s1+s16], $0x40, s15, s16, $0xb8;
	[tilespmem:$0x1EA00] =	vst v63  }
0x4b: {  	s5 =	simm.s32 $0x0;
	s31 =	simm.s32 $0x380  }
0x4c: {  	[tilespmem:s3], [sflag:$0x8] =	stream.indirect.gather [hbm4b:s1+s16], $0x40, s31, s16, $0xb8;
	[tilespmem:$0x1EA00] =	vst v63  }
.LBB2_2:
0x4d: {  	_ =	swait.ge [sflag:s0], $0x1F40  }
0x4e: {  	s8 =	sshra.s32 s5, $0x2;
	[sflag:s0] =	ssyncset.done $0x0  }
0x4f: {  	s14 =	sadd.s32 $0x2800, s8;
	[sflag:s0] =	ssyncadd.s32 $0xFFFFE0C0  }
0x50: {  	[spmem:s4] =	stream.indirect.scatter.add.f32 [tilespmem:s17], [sflag:$0x9], $0x40, s14, s16, $0xb8;
	[tilespmem:$0x1EA00] =	vst v63  }
0x51: {  	_ =	swait.ge [sflag:s13], $0x1F40  }
0x52: {  	[sflag:s13] =	ssyncset.done $0x0  }
0x53: {  	s31 =	sadd.s32 $0x2880, s8;
	[sflag:s13] =	ssyncadd.s32 $0xFFFFE0C0  }
0x54: {  	[spmem:s4] =	stream.indirect.scatter.add.f32 [tilespmem:s19], [sflag:$0xA], $0x40, s31, s16, $0xb8;
	[tilespmem:$0x1EA00] =	vst v63  }
0x55: {  	_ =	swait.ge [sflag:s6], $0x1F40  }
0x56: {  	[sflag:s6] =	ssyncset.done $0x0  }
0x57: {  	s12 =	sadd.s32 $0x2900, s8;
	[sflag:s6] =	ssyncadd.s32 $0xFFFFE0C0  }
0x58: {  	[spmem:s4] =	stream.indirect.scatter.add.f32 [tilespmem:s21], [sflag:$0xB], $0x40, s12, s16, $0xb8;
	[tilespmem:$0x1EA00] =	vst v63  }
0x59: {  	_ =	swait.ge [sflag:s7], $0x1F40  }
0x5a: {  	[sflag:s7] =	ssyncset.done $0x0  }
0x5b: {  	s15 =	sadd.s32 $0x2980, s8;
	[sflag:s7] =	ssyncadd.s32 $0xFFFFE0C0  }
0x5c: {  	[spmem:s4] =	stream.indirect.scatter.add.f32 [tilespmem:s23], [sflag:$0xC], $0x40, s15, s16, $0xb8;
	[tilespmem:$0x1EA00] =	vst v63  }
0x5d: {  	p0 =	sne.s32 s5, $0x9000;
	_ =	swait.ge [sflag:s9], $0x1F40  }
0x5e: {  	s14 =	sshra.s32 @p0 s5, $0x2;
	s31 =	simm.s32 @p0 $0x7D;
	[sflag:s9] =	ssyncset.done $0x0  }
0x5f: {  	s12 =	simm.s32 @p0 $0x5000;
	s15 =	sadd.s32 @p0 $0x400, s14;
	[sflag:s9] =	ssyncadd.s32 $0xFFFFE0C0  }
0x60: {  	[tilespmem:s12], [sflag:$0x1] =	stream.indirect.gather @p0 [hbm4b:s1+s31], $0x40, s15, s31, $0xb8;
	[tilespmem:$0x1EA00] =	vst v63  }
0x61: {  	s12 =	simm.s32 @p0 $0xA  }
0x62: {  	_ =	swait.ge @p0 [sflag:s12], $0x1F40  }
0x63: {  	[sflag:s12] =	ssyncset.done @p0 $0x0  }
0x64: {  	s15 =	simm.s32 @p0 $0x6F40;
	[sflag:s12] =	ssyncadd.s32 @p0 $0xFFFFE0C0;
	s12 =	sadd.s32 @p0 $0x480, s14  }
0x65: {  	[tilespmem:s15], [sflag:$0x2] =	stream.indirect.gather @p0 [hbm4b:s1+s31], $0x40, s12, s31, $0xb8;
	[tilespmem:$0x1EA00] =	vst v63  }
0x66: {  	s12 =	simm.s32 @p0 $0xB  }
0x67: {  	_ =	swait.ge @p0 [sflag:s12], $0x1F40  }
0x68: {  	[sflag:s12] =	ssyncset.done @p0 $0x0  }
0x69: {  	s15 =	simm.s32 @p0 $0x8E80;
	[sflag:s12] =	ssyncadd.s32 @p0 $0xFFFFE0C0;
	s12 =	sadd.s32 @p0 $0x500, s14  }
0x6a: {  	[tilespmem:s15], [sflag:$0x3] =	stream.indirect.gather @p0 [hbm4b:s1+s31], $0x40, s12, s31, $0xb8;
	[tilespmem:$0x1EA00] =	vst v63  }
0x6b: {  	s12 =	simm.s32 @p0 $0xC  }
0x6c: {  	_ =	swait.ge @p0 [sflag:s12], $0x1F40  }
0x6d: {  	[sflag:s12] =	ssyncset.done @p0 $0x0  }
0x6e: {  	[sflag:s12] =	ssyncadd.s32 @p0 $0xFFFFE0C0;
	s12 =	sadd.s32 @p0 $0x580, s14;
	s14 =	simm.s32 @p0 $0xADC0  }
0x6f: {  	[tilespmem:s14], [sflag:$0x4] =	stream.indirect.gather @p0 [hbm4b:s1+s31], $0x40, s12, s31, $0xb8;
	[tilespmem:$0x1EA00] =	vst v63  }
0x70: {  	s12 =	simm.s32 @!p0 $0xA  }
0x71: {  	_ =	swait.ge @!p0 [sflag:s12], $0x1F40  }
0x72: {  	[sflag:s12] =	ssyncset.done @!p0 $0x0  }
0x73: {  	[sflag:s12] =	ssyncadd.s32 @!p0 $0xFFFFE0C0;
	s12 =	simm.s32 @!p0 $0xB  }
0x74: {  	_ =	swait.ge @!p0 [sflag:s12], $0x1F40  }
0x75: {  	[sflag:s12] =	ssyncset.done @!p0 $0x0  }
0x76: {  	[sflag:s12] =	ssyncadd.s32 @!p0 $0xFFFFE0C0;
	s12 =	simm.s32 @!p0 $0xC  }
0x77: {  	_ =	swait.ge @!p0 [sflag:s12], $0x1F40  }
0x78: {  	[sflag:s12] =	ssyncset.done @!p0 $0x0  }
0x79: {  	[sflag:s12] =	ssyncadd.s32 @!p0 $0xFFFFE0C0  }
0x7a: {  	_ =	swait.ge [sflag:s10], $0x1F40  }
0x7b: {  	[sflag:s10] =	ssyncset.done $0x0  }
0x7c: {  	s31 =	sadd.s32 $0x2A00, s8;
	[sflag:s10] =	ssyncadd.s32 $0xFFFFE0C0  }
0x7d: {  	[spmem:s4] =	stream.indirect.scatter.add.f32 [tilespmem:s25], [sflag:$0xD], $0x40, s31, s16, $0xb8;
	[tilespmem:$0x1EA00] =	vst v63  }
0x7e: {  	_ =	swait.ge [sflag:s11], $0x1F40  }
0x7f: {  	[sflag:s11] =	ssyncset.done $0x0  }
0x80: {  	s14 =	sadd.s32 $0x2A80, s8;
	[sflag:s11] =	ssyncadd.s32 $0xFFFFE0C0  }
0x81: {  	[spmem:s4] =	stream.indirect.scatter.add.f32 [tilespmem:s28], [sflag:$0xE], $0x40, s14, s16, $0xb8;
	[tilespmem:$0x1EA00] =	vst v63  }
0x82: {  	_ =	swait.ge [sflag:s18], $0x1F40  }
0x83: {  	[sflag:s18] =	ssyncset.done $0x0  }
0x84: {  	s15 =	sadd.s32 $0x2B00, s8;
	[sflag:s18] =	ssyncadd.s32 $0xFFFFE0C0  }
0x85: {  	[spmem:s4] =	stream.indirect.scatter.add.f32 [tilespmem:s30], [sflag:$0xF], $0x40, s15, s16, $0xb8;
	[tilespmem:$0x1EA00] =	vst v63  }
0x86: {  	_ =	swait.ge [sflag:s20], $0x1F40  }
0x87: {  	p0 =	seq.s32 s5, $0x9000;
	[sflag:s20] =	ssyncset.done $0x0  }
.Ltmp2:
0x88: {  	s31 =	sadd.s32 $0x2B80, s8;
	[sflag:s20] =	ssyncadd.s32 $0xFFFFE0C0;
	(pc) =	sbr.rel @p0 .LBB2_4-.Ltmp2, $4  }
0x89: {  	[spmem:s4] =	stream.indirect.scatter.add.f32 [tilespmem:s3], [sflag:$0x10], $0x40, s31, s16, $0xb8;
	[tilespmem:$0x1EA00] =	vst v63  }
0x8a: {  	_ =	swait.ge [sflag:s22], $0x1F40  }
0x8b: {  	[sflag:s22] =	ssyncset.done $0x0  }
0x8c: {  	[sflag:s22] =	ssyncadd.s32 $0xFFFFE0C0  }
0x8d: {  	s12 =	sadd.s32 $0x600, s8  }
0x8e: {  	[tilespmem:s25], [sflag:$0x5] =	stream.indirect.gather [hbm4b:s1+s16], $0x40, s12, s16, $0xb8;
	[tilespmem:$0x1EA00] =	vst v63  }
0x8f: {  	_ =	swait.ge [sflag:s24], $0x1F40  }
0x90: {  	[sflag:s24] =	ssyncset.done $0x0  }
0x91: {  	s14 =	sadd.s32 $0x680, s8;
	[sflag:s24] =	ssyncadd.s32 $0xFFFFE0C0  }
0x92: {  	[tilespmem:s28], [sflag:$0x6] =	stream.indirect.gather [hbm4b:s1+s16], $0x40, s14, s16, $0xb8;
	[tilespmem:$0x1EA00] =	vst v63  }
0x93: {  	_ =	swait.ge [sflag:s26], $0x1F40  }
0x94: {  	[sflag:s26] =	ssyncset.done $0x0  }
0x95: {  	s15 =	sadd.s32 $0x700, s8;
	[sflag:s26] =	ssyncadd.s32 $0xFFFFE0C0  }
0x96: {  	[tilespmem:s30], [sflag:$0x7] =	stream.indirect.gather [hbm4b:s1+s16], $0x40, s15, s16, $0xb8;
	[tilespmem:$0x1EA00] =	vst v63  }
.Ltmp3:
0x97: {  	_ = 	snop;
	(pc) =	sbr.rel .LBB2_2-.Ltmp3, $4  }
0x98: {  	_ =	swait.ge [sflag:s29], $0x1F40  }
0x99: {  	[sflag:s29] =	ssyncset.done $0x0  }
0x9a: {  	s31 =	sadd.s32 $0x780, s8;
	s5 =	sadd.s32 $0x1000, s5;
	[sflag:s29] =	ssyncadd.s32 $0xFFFFE0C0  }
0x9b: {  	[tilespmem:s3], [sflag:$0x8] =	stream.indirect.gather [hbm4b:s1+s16], $0x40, s31, s16, $0xb8;
	[tilespmem:$0x1EA00] =	vst v63  }
.LBB2_4:
0x9c: {  	_ =	swait.ge [sflag:s24], $0x1F40  }
0x9d: {  	[sflag:s24] =	ssyncset.done $0x0  }
0x9e: {  	[sflag:s24] =	ssyncadd.s32 $0xFFFFE0C0  }
0x9f: {  	_ =	swait.ge [sflag:s26], $0x1F40  }
0xa0: {  	[sflag:s26] =	ssyncset.done $0x0  }
0xa1: {  	[sflag:s26] =	ssyncadd.s32 $0xFFFFE0C0  }
0xa2: {  	_ =	swait.ge [sflag:s29], $0x1F40  }
0xa3: {  	[sflag:s29] =	ssyncset.done $0x0  }
0xa4: {  	[sflag:s29] =	ssyncadd.s32 $0xFFFFE0C0  }
0xa5: {  	[bflag:$0x0] =	sbarrier.arrive $0xFFFF  }
0xa6: {  	s5 =	rddreg [dreg:$0x8]  }
0xa7: {  	s12 =	rddreg [dreg:$0xb]  }
0xa8: {  	s8 =	simm.s32 $0x11;
	s14 =	rddreg [dreg:$0xc]  }
0xa9: {  	[hbm:s5], [sflag:s12] =	dma.local [spmem:s14], $0x1400  }
0xaa: {  	_ =	swait.ge [sflag:s8], $0x1400  }
0xab: {  	[sflag:s8] =	ssyncset.done $0x0  }
0xac: {  	s31 =	rddreg [dreg:$0x7];
	[sflag:s8] =	ssyncadd.s32 $0xFFFFEC00  }
0xad: {  	[spmem:s14], [sflag:s12] =	dma.local [hbm:s31], $0x1400  }
0xae: {  	_ =	swait.ge [sflag:s8], $0x1400  }
0xaf: {  	[sflag:s8] =	ssyncset.done $0x0  }
0xb0: {  	[sflag:s8] =	ssyncadd.s32 $0xFFFFEC00  }
0xb1: {  	s5 =	simm.s32 $0x0;
	[bflag:$0x0] =	sbarrier.arrive $0xFFFF  }
0xb2: {  	[tilespmem:s17], [sflag:$0x1] =	stream.indirect.gather [hbm4b:s2+s16], $0x40, s5, s16, $0xb8;
	[tilespmem:$0x1EA00] =	vst v63  }
0xb3: {  	s14 =	simm.s32 $0x80  }
0xb4: {  	[tilespmem:s19], [sflag:$0x2] =	stream.indirect.gather [hbm4b:s2+s16], $0x40, s14, s16, $0xb8;
	[tilespmem:$0x1EA00] =	vst v63  }
0xb5: {  	s15 =	simm.s32 $0x100  }
0xb6: {  	[tilespmem:s21], [sflag:$0x3] =	stream.indirect.gather [hbm4b:s2+s16], $0x40, s15, s16, $0xb8;
	[tilespmem:$0x1EA00] =	vst v63  }
0xb7: {  	s31 =	simm.s32 $0x180  }
0xb8: {  	[tilespmem:s23], [sflag:$0x4] =	stream.indirect.gather [hbm4b:s2+s16], $0x40, s31, s16, $0xb8;
	[tilespmem:$0x1EA00] =	vst v63  }
0xb9: {  	s12 =	simm.s32 $0x200  }
0xba: {  	[tilespmem:s25], [sflag:$0x5] =	stream.indirect.gather [hbm4b:s2+s16], $0x40, s12, s16, $0xb8;
	[tilespmem:$0x1EA00] =	vst v63  }
0xbb: {  	s14 =	simm.s32 $0x280  }
0xbc: {  	[tilespmem:s28], [sflag:$0x6] =	stream.indirect.gather [hbm4b:s2+s16], $0x40, s14, s16, $0xb8;
	[tilespmem:$0x1EA00] =	vst v63  }
0xbd: {  	s15 =	simm.s32 $0x300  }
0xbe: {  	[tilespmem:s30], [sflag:$0x7] =	stream.indirect.gather [hbm4b:s2+s16], $0x40, s15, s16, $0xb8;
	[tilespmem:$0x1EA00] =	vst v63  }
0xbf: {  	s31 =	simm.s32 $0x380  }
0xc0: {  	[tilespmem:s3], [sflag:$0x8] =	stream.indirect.gather [hbm4b:s2+s16], $0x40, s31, s16, $0xb8;
	[tilespmem:$0x1EA00] =	vst v63  }
.LBB2_5:
0xc1: {  	_ =	swait.ge [sflag:s0], $0x1F40  }
0xc2: {  	s8 =	sshra.s32 s5, $0x2;
	[sflag:s0] =	ssyncset.done $0x0  }
0xc3: {  	s12 =	sadd.s32 $0x2800, s8;
	[sflag:s0] =	ssyncadd.s32 $0xFFFFE0C0  }
0xc4: {  	[spmem:s4] =	stream.indirect.scatter.add.f32 [tilespmem:s17], [sflag:$0x9], $0x40, s12, s16, $0xb8;
	[tilespmem:$0x1EA00] =	vst v63  }
0xc5: {  	_ =	swait.ge [sflag:s13], $0x1F40  }
0xc6: {  	[sflag:s13] =	ssyncset.done $0x0  }
0xc7: {  	s31 =	sadd.s32 $0x2880, s8;
	[sflag:s13] =	ssyncadd.s32 $0xFFFFE0C0  }
0xc8: {  	[spmem:s4] =	stream.indirect.scatter.add.f32 [tilespmem:s19], [sflag:$0xA], $0x40, s31, s16, $0xb8;
	[tilespmem:$0x1EA00] =	vst v63  }
0xc9: {  	_ =	swait.ge [sflag:s6], $0x1F40  }
0xca: {  	[sflag:s6] =	ssyncset.done $0x0  }
0xcb: {  	s14 =	sadd.s32 $0x2900, s8;
	[sflag:s6] =	ssyncadd.s32 $0xFFFFE0C0  }
0xcc: {  	[spmem:s4] =	stream.indirect.scatter.add.f32 [tilespmem:s21], [sflag:$0xB], $0x40, s14, s16, $0xb8;
	[tilespmem:$0x1EA00] =	vst v63  }
0xcd: {  	_ =	swait.ge [sflag:s7], $0x1F40  }
0xce: {  	[sflag:s7] =	ssyncset.done $0x0  }
0xcf: {  	s15 =	sadd.s32 $0x2980, s8;
	[sflag:s7] =	ssyncadd.s32 $0xFFFFE0C0  }
0xd0: {  	[spmem:s4] =	stream.indirect.scatter.add.f32 [tilespmem:s23], [sflag:$0xC], $0x40, s15, s16, $0xb8;
	[tilespmem:$0x1EA00] =	vst v63  }
0xd1: {  	p0 =	sne.s32 s5, $0x9000;
	_ =	swait.ge [sflag:s9], $0x1F40  }
0xd2: {  	s12 =	sshra.s32 @p0 s5, $0x2;
	s31 =	simm.s32 @p0 $0x5000;
	[sflag:s9] =	ssyncset.done $0x0  }
0xd3: {  	s14 =	sadd.s32 @p0 $0x400, s12;
	s15 =	simm.s32 @p0 $0x7D;
	[sflag:s9] =	ssyncadd.s32 $0xFFFFE0C0  }
0xd4: {  	[tilespmem:s31], [sflag:$0x1] =	stream.indirect.gather @p0 [hbm4b:s2+s15], $0x40, s14, s15, $0xb8;
	[tilespmem:$0x1EA00] =	vst v63  }
0xd5: {  	s14 =	simm.s32 @p0 $0xA  }
0xd6: {  	_ =	swait.ge @p0 [sflag:s14], $0x1F40  }
0xd7: {  	[sflag:s14] =	ssyncset.done @p0 $0x0  }
0xd8: {  	s31 =	simm.s32 @p0 $0x6F40;
	[sflag:s14] =	ssyncadd.s32 @p0 $0xFFFFE0C0;
	s14 =	sadd.s32 @p0 $0x480, s12  }
0xd9: {  	[tilespmem:s31], [sflag:$0x2] =	stream.indirect.gather @p0 [hbm4b:s2+s15], $0x40, s14, s15, $0xb8;
	[tilespmem:$0x1EA00] =	vst v63  }
0xda: {  	s14 =	simm.s32 @p0 $0xB  }
0xdb: {  	_ =	swait.ge @p0 [sflag:s14], $0x1F40  }
0xdc: {  	[sflag:s14] =	ssyncset.done @p0 $0x0  }
0xdd: {  	s31 =	simm.s32 @p0 $0x8E80;
	[sflag:s14] =	ssyncadd.s32 @p0 $0xFFFFE0C0;
	s14 =	sadd.s32 @p0 $0x500, s12  }
0xde: {  	[tilespmem:s31], [sflag:$0x3] =	stream.indirect.gather @p0 [hbm4b:s2+s15], $0x40, s14, s15, $0xb8;
	[tilespmem:$0x1EA00] =	vst v63  }
0xdf: {  	s14 =	simm.s32 @p0 $0xC  }
0xe0: {  	_ =	swait.ge @p0 [sflag:s14], $0x1F40  }
0xe1: {  	[sflag:s14] =	ssyncset.done @p0 $0x0  }
0xe2: {  	s12 =	sadd.s32 @p0 $0x580, s12;
	[sflag:s14] =	ssyncadd.s32 @p0 $0xFFFFE0C0;
	s14 =	simm.s32 @p0 $0xADC0  }
0xe3: {  	[tilespmem:s14], [sflag:$0x4] =	stream.indirect.gather @p0 [hbm4b:s2+s15], $0x40, s12, s15, $0xb8;
	[tilespmem:$0x1EA00] =	vst v63  }
0xe4: {  	s12 =	simm.s32 @!p0 $0xA  }
0xe5: {  	_ =	swait.ge @!p0 [sflag:s12], $0x1F40  }
0xe6: {  	[sflag:s12] =	ssyncset.done @!p0 $0x0  }
0xe7: {  	[sflag:s12] =	ssyncadd.s32 @!p0 $0xFFFFE0C0;
	s12 =	simm.s32 @!p0 $0xB  }
0xe8: {  	_ =	swait.ge @!p0 [sflag:s12], $0x1F40  }
0xe9: {  	[sflag:s12] =	ssyncset.done @!p0 $0x0  }
0xea: {  	[sflag:s12] =	ssyncadd.s32 @!p0 $0xFFFFE0C0;
	s12 =	simm.s32 @!p0 $0xC  }
0xeb: {  	_ =	swait.ge @!p0 [sflag:s12], $0x1F40  }
0xec: {  	[sflag:s12] =	ssyncset.done @!p0 $0x0  }
0xed: {  	[sflag:s12] =	ssyncadd.s32 @!p0 $0xFFFFE0C0  }
0xee: {  	_ =	swait.ge [sflag:s10], $0x1F40  }
0xef: {  	[sflag:s10] =	ssyncset.done $0x0  }
0xf0: {  	s31 =	sadd.s32 $0x2A00, s8;
	[sflag:s10] =	ssyncadd.s32 $0xFFFFE0C0  }
0xf1: {  	[spmem:s4] =	stream.indirect.scatter.add.f32 [tilespmem:s25], [sflag:$0xD], $0x40, s31, s16, $0xb8;
	[tilespmem:$0x1EA00] =	vst v63  }
0xf2: {  	_ =	swait.ge [sflag:s11], $0x1F40  }
0xf3: {  	[sflag:s11] =	ssyncset.done $0x0  }
0xf4: {  	s14 =	sadd.s32 $0x2A80, s8;
	[sflag:s11] =	ssyncadd.s32 $0xFFFFE0C0  }
0xf5: {  	[spmem:s4] =	stream.indirect.scatter.add.f32 [tilespmem:s28], [sflag:$0xE], $0x40, s14, s16, $0xb8;
	[tilespmem:$0x1EA00] =	vst v63  }
0xf6: {  	_ =	swait.ge [sflag:s18], $0x1F40  }
0xf7: {  	[sflag:s18] =	ssyncset.done $0x0  }
0xf8: {  	s15 =	sadd.s32 $0x2B00, s8;
	[sflag:s18] =	ssyncadd.s32 $0xFFFFE0C0  }
0xf9: {  	[spmem:s4] =	stream.indirect.scatter.add.f32 [tilespmem:s30], [sflag:$0xF], $0x40, s15, s16, $0xb8;
	[tilespmem:$0x1EA00] =	vst v63  }
0xfa: {  	_ =	swait.ge [sflag:s20], $0x1F40  }
0xfb: {  	p0 =	seq.s32 s5, $0x9000;
	[sflag:s20] =	ssyncset.done $0x0  }
.Ltmp4:
0xfc: {  	s31 =	sadd.s32 $0x2B80, s8;
	[sflag:s20] =	ssyncadd.s32 $0xFFFFE0C0;
	(pc) =	sbr.rel @p0 .LBB2_7-.Ltmp4, $4  }
0xfd: {  	[spmem:s4] =	stream.indirect.scatter.add.f32 [tilespmem:s3], [sflag:$0x10], $0x40, s31, s16, $0xb8;
	[tilespmem:$0x1EA00] =	vst v63  }
0xfe: {  	_ =	swait.ge [sflag:s22], $0x1F40  }
0xff: {  	[sflag:s22] =	ssyncset.done $0x0  }
0x100: {  	[sflag:s22] =	ssyncadd.s32 $0xFFFFE0C0  }
0x101: {  	s12 =	sadd.s32 $0x600, s8  }
0x102: {  	[tilespmem:s25], [sflag:$0x5] =	stream.indirect.gather [hbm4b:s2+s16], $0x40, s12, s16, $0xb8;
	[tilespmem:$0x1EA00] =	vst v63  }
0x103: {  	_ =	swait.ge [sflag:s24], $0x1F40  }
0x104: {  	[sflag:s24] =	ssyncset.done $0x0  }
0x105: {  	s14 =	sadd.s32 $0x680, s8;
	[sflag:s24] =	ssyncadd.s32 $0xFFFFE0C0  }
0x106: {  	[tilespmem:s28], [sflag:$0x6] =	stream.indirect.gather [hbm4b:s2+s16], $0x40, s14, s16, $0xb8;
	[tilespmem:$0x1EA00] =	vst v63  }
0x107: {  	_ =	swait.ge [sflag:s26], $0x1F40  }
0x108: {  	[sflag:s26] =	ssyncset.done $0x0  }
0x109: {  	s15 =	sadd.s32 $0x700, s8;
	[sflag:s26] =	ssyncadd.s32 $0xFFFFE0C0  }
0x10a: {  	[tilespmem:s30], [sflag:$0x7] =	stream.indirect.gather [hbm4b:s2+s16], $0x40, s15, s16, $0xb8;
	[tilespmem:$0x1EA00] =	vst v63  }
.Ltmp5:
0x10b: {  	_ = 	snop;
	(pc) =	sbr.rel .LBB2_5-.Ltmp5, $4  }
0x10c: {  	_ =	swait.ge [sflag:s29], $0x1F40  }
0x10d: {  	[sflag:s29] =	ssyncset.done $0x0  }
0x10e: {  	s31 =	sadd.s32 $0x780, s8;
	s5 =	sadd.s32 $0x1000, s5;
	[sflag:s29] =	ssyncadd.s32 $0xFFFFE0C0  }
0x10f: {  	[tilespmem:s3], [sflag:$0x8] =	stream.indirect.gather [hbm4b:s2+s16], $0x40, s31, s16, $0xb8;
	[tilespmem:$0x1EA00] =	vst v63  }
.LBB2_8:
0x110: {  	_ =	sfence.sel $0x180000  }
0x111: {  	[bflag:$0x0] =	sbarrier.arrive $0xFFFF  }
0x112: {  	_ =	strace $0x9000004D  }
0x113: {  	s0 =	stileid.u32;
	[bflag:$0x2] =	sbarrier.arrive $0xFFFF  }
0x114: {  	p0 =	sne.s32 s0, $0x0;
	s0 =	rddreg [dreg:$0x4]  }
0x115: {  	s0 =	sadd.s32 @!p0 $0x100000, s0  }
0x116: {  	[sflag:s0] =	ssyncadd.tile.s32 @!p0 $0x1;
	_ =	shalt  }
.Lfunc_end2:
_tile_overlayer_lowered:
.L_overlay_start_2:
0x117: {  	(tag) =	ssettag $0x2  }
0x118: {  	s0 =	rddreg [dreg:$0x0];
	s2 =	stileid.u32  }
0x119: {  	s1 =	rddreg [dreg:$0x1];
	p0 =	sne.s32 s2, $0x0  }
0x11a: {  	s3 =	rddreg [dreg:$0x2];
	[bflag:$0x3] =	sbarrier.arrive $0xFFFF;
	s2 =	simm.s32 @!p0 $0x1C11  }
0x11b: {  	[timem:s3], [sflag:s2] =	dma.local @!p0 [hbm:s0], s1  }
0x11c: {  	s0 =	simm.s32 @!p0 $0x11  }
0x11d: {  	_ =	swait.ge @!p0 [sflag:s0], s1  }
0x11e: {  	s1 =	ssub.s32 @!p0 $0x0, s1;
	[sflag:s0] =	ssyncset.done @!p0 $0x0  }
0x11f: {  	[sflag:s0] =	ssyncadd.s32 @!p0 s1  }
0x120: {  	[bflag:$0x3] =	sbarrier.arrive $0xFFFF  }
0x121: {  	_ =	shalt  }

</sc_bundles>
